<compile_context>
chip_gen: v7x
topology: tpu7x:2x2x1
jax: 0.10.2.dev20260603
libtpu: 0.0.44.dev20260713+nightly
codegen_flags: <defaults>
</compile_context>

<pallas_src>
import functools

import jax
import jax.numpy as jnp
from jax import lax
from jax.experimental import pallas as pl
from jax.experimental.pallas import tpu as pltpu
from jax.experimental.pallas import tpu_sc as plsc

_B = 16384
_L = 50
_EMB = 64
_NW = 32
_SPW = _B // _NW
_SEG = 256
_NSEG = _SPW // _SEG
_NBUF = 4
_LANES = 16
_G = _EMB // _LANES
_UNROLL = 10

_mesh = plsc.VectorSubcoreMesh(core_axis_name="c", subcore_axis_name="s")


@functools.partial(
    pl.kernel,
    mesh=_mesh,
    out_type=jax.ShapeDtypeStruct((_B, 2 * _EMB), jnp.float32),
    scratch_types=[
        pltpu.VMEM((_SEG, _L), jnp.int32),
        pltpu.VMEM((_NBUF, _L, _EMB), jnp.float32),
        pltpu.VMEM((_SPW, 2 * _EMB), jnp.float32),
        pltpu.SemaphoreType.DMA,
        pltpu.SemaphoreType.DMA,
        pltpu.SemaphoreType.DMA,
        pltpu.SemaphoreType.DMA,
    ],
    compiler_params=pltpu.CompilerParams(
        use_tc_tiling_on_sc=False, needs_layout_passes=False),
)
def _pool_kernel(idx_p, idx_h, tab_p, tab_h, out,
                 idx_v, rows, pooled, sem0, sem1, sem2, sem3):
    sems = (sem0, sem1, sem2, sem3)
    wid = lax.axis_index("s") * 2 + lax.axis_index("c")
    base = wid * _SPW

    def accumulate(rows_ref, dst_row, col):
        def rbody(r0, carry):
            accs = carry
            for k in range(_UNROLL):
                r = r0 * _UNROLL + k
                accs = tuple(
                    accs[g] + rows_ref[r, pl.ds(g * _LANES, _LANES)]
                    for g in range(_G)
                )
            return accs
        z = jnp.zeros((_LANES,), jnp.float32)
        acc = lax.fori_loop(0, _L // _UNROLL, rbody, (z,) * _G)
        for g in range(_G):
            pooled[dst_row, pl.ds(col + g * _LANES, _LANES)] = acc[g]

    for half, (idx_hbm, tab) in enumerate(((idx_p, tab_p), (idx_h, tab_h))):
        col = half * _EMB

        def seg_body(seg, _):
            s0 = base + seg * _SEG
            pltpu.sync_copy(idx_hbm.at[pl.ds(s0, _SEG)], idx_v)
            for b in range(_NBUF):
                pltpu.async_copy(tab.at[idx_v.at[b]], rows.at[b], sems[b])

            def j_body(j, _):
                for b in range(_NBUF):
                    smp = _NBUF * j + b
                    pltpu.make_async_copy(
                        tab.at[idx_v.at[smp]], rows.at[b], sems[b]).wait()
                    accumulate(rows.at[b], seg * _SEG + smp, col)

                    @pl.when(smp + _NBUF < _SEG)
                    def _():
                        pltpu.async_copy(
                            tab.at[idx_v.at[smp + _NBUF]], rows.at[b], sems[b])
                return 0

            lax.fori_loop(0, _SEG // _NBUF, j_body, 0)
            return 0

        lax.fori_loop(0, _NSEG, seg_body, 0)

    pltpu.sync_copy(pooled, out.at[pl.ds(base, _SPW)])


def _linear_body(x_ref, w_ref, b_ref, o_ref):
    o_ref[...] = (
        jnp.dot(x_ref[...], w_ref[...], preferred_element_type=jnp.float32)
        + b_ref[...]
    )


def kernel(premise_indices, hypothesis_indices, table_prem, table_hypo, W, b):
    pi = premise_indices.astype(jnp.int32)
    hi = hypothesis_indices.astype(jnp.int32)

    pooled = _pool_kernel(pi, hi, table_prem, table_hypo)

    w_scaled = W * (1.0 / _L)
    b2 = b.reshape(1, 3)
    bm = 2048
    probs = pl.pallas_call(
        _linear_body,
        grid=(_B // bm,),
        in_specs=[
            pl.BlockSpec((bm, 2 * _EMB), lambda i: (i, 0)),
            pl.BlockSpec((2 * _EMB, 3), lambda i: (0, 0)),
            pl.BlockSpec((1, 3), lambda i: (0, 0)),
        ],
        out_specs=pl.BlockSpec((bm, 3), lambda i: (i, 0)),
        out_shape=jax.ShapeDtypeStruct((_B, 3), jnp.float32),
    )(pooled, w_scaled, b2)
    return probs

# --- scband reference (transcript-rebuilt; emitter-appended) ---
"""Pipeline reference for scband-baseline-embeddings-28278064677273 (READ-ONLY COPY).

The authoritative reference and input builder live on the scoring server;
editing this copy changes nothing except your own understanding.
"""

import jax, jax.numpy as jnp
import numpy as np

VOCAB = 1000000
EMB = 64
B = 16384
L = 50

def setup_inputs(seed: int = 0) -> dict:
    key = jax.random.key(seed)
    k1, k2, k3, k4, k5, k6 = jax.random.split(key, 6)
    premise_indices = jax.random.randint(k1, (B, L), 0, VOCAB, dtype=jnp.int64 if jax.config.jax_enable_x64 else jnp.int32)
    hypothesis_indices = jax.random.randint(k2, (B, L), 0, VOCAB, dtype=jnp.int64 if jax.config.jax_enable_x64 else jnp.int32)
    table_prem = jax.random.normal(k3, (VOCAB, EMB), dtype=jnp.float32)
    table_hypo = jax.random.normal(k4, (VOCAB, EMB), dtype=jnp.float32)
    W = jax.random.normal(k5, (EMB * 2, 3), dtype=jnp.float32) * 0.05
    b = jax.random.normal(k6, (3,), dtype=jnp.float32) * 0.05
    return {"premise_indices": premise_indices, "hypothesis_indices": hypothesis_indices,
            "table_prem": table_prem, "table_hypo": table_hypo, "W": W, "b": b}

def reference(premise_indices, hypothesis_indices, table_prem, table_hypo, W, b):
    enc_premise = jnp.take(table_prem, premise_indices, axis=0)      # [B, L, EMB]
    enc_hypothesis = jnp.take(table_hypo, hypothesis_indices, axis=0)  # [B, L, EMB]
    enc_premise = jnp.mean(enc_premise, axis=1)      # [B, EMB]
    enc_hypothesis = jnp.mean(enc_hypothesis, axis=1)  # [B, EMB]
    concatenated = jnp.concatenate([enc_premise, enc_hypothesis], axis=1)  # [B, 2*EMB]
    probs = concatenated @ W + b  # [B, 3]
    return probs

if __name__ == "__main__":
    import jax
    _d = setup_inputs()
    print(jax.jit(kernel)(*tuple(_d.values())))

</pallas_src>

<mosaic_0001>
#map = affine_map<(d0, d1) -> (0, 0)>
module attributes {stable_mosaic.version = 14 : i64} {
  func.func @_pool_kernel(%arg0: i32, %arg1: i32, %arg2: memref<16384x50xi32, #tpu.memory_space<hbm>>, %arg3: memref<16384x50xi32, #tpu.memory_space<hbm>>, %arg4: memref<1000000x64xf32, #tpu.memory_space<hbm>>, %arg5: memref<1000000x64xf32, #tpu.memory_space<hbm>>, %arg6: memref<16384x128xf32, #tpu.memory_space<hbm>>, %arg7: memref<256x50xi32, #tpu.memory_space<vmem>>, %arg8: memref<4x50x64xf32, #tpu.memory_space<vmem>>, %arg9: memref<512x128xf32, #tpu.memory_space<vmem>>, %arg10: memref<!tpu.dma_semaphore, #tpu.memory_space<semaphore_mem>>, %arg11: memref<!tpu.dma_semaphore, #tpu.memory_space<semaphore_mem>>, %arg12: memref<!tpu.dma_semaphore, #tpu.memory_space<semaphore_mem>>, %arg13: memref<!tpu.dma_semaphore, #tpu.memory_space<semaphore_mem>>) attributes {dimension_semantics = [#tpu.dimension_semantics<core_parallel>, #tpu.dimension_semantics<subcore_parallel>], iteration_bounds = array<i64: 2, 16>, scalar_prefetch = 0 : i64, scratch_operands = 7 : i64, tpu.core_type = #tpu.core_type<sc_vector_subcore>, window_params = [{transform_indices = #map}, {transform_indices = #map}, {transform_indices = #map}, {transform_indices = #map}, {transform_indices = #map}]} {
    %mul3A = arith.constant 2 : i32
    %mul3A_0 = arith.muli %arg1, %mul3A : i32
    %add3A = arith.addi %mul3A_0, %arg0 : i32
    %mul3A_1 = arith.constant 512 : i32
    %mul3A_2 = arith.muli %add3A, %mul3A_1 : i32
    %scan3A = arith.constant 0 : i32
    %scan3A_3 = arith.constant 0 : i32
    %scan3A_4 = arith.constant 2 : i32
    %scan3A_5 = arith.addi %scan3A_3, %scan3A_4 : i32
    %scan3A_6 = arith.constant 1 : i32
    %scan3A_7 = scf.for %scan3A_16 = %scan3A_3 to %scan3A_5 step %scan3A_6 iter_args(%scan3A_17 = %scan3A) -> (i32)  : i32 {
      %mul3A_18 = arith.constant 256 : i32
      %mul3A_19 = arith.muli %scan3A_16, %mul3A_18 : i32
      %add3A_20 = arith.addi %mul3A_2, %mul3A_19 : i32
      "tpu.region"() ({
        %run_scoped3A = tpu.sem_alloc : memref<!tpu.dma_semaphore, #tpu.memory_space<semaphore_mem>>
        %dma_start3A_76 = arith.constant 0 : i32
        %dma_start3A_77 = tpu.memref_slice %arg2[%add3A_20, %dma_start3A_76] : memref<16384x50xi32, #tpu.memory_space<hbm>> -> memref<256x50xi32, #tpu.memory_space<hbm>>
        %dma_start3A_78 = arith.constant 0 : i32
        %dma_start3A_79 = tpu.memref_slice %arg2[%add3A_20, %dma_start3A_78] : memref<16384x50xi32, #tpu.memory_space<hbm>> -> memref<256x50xi32, #tpu.memory_space<hbm>>
        tpu.enqueue_dma source(%dma_start3A_79 : memref<256x50xi32, #tpu.memory_space<hbm>>) target(%arg7 : memref<256x50xi32, #tpu.memory_space<vmem>>) target_semaphore(%run_scoped3A : memref<!tpu.dma_semaphore, #tpu.memory_space<semaphore_mem>>)
        %dma_wait3A = arith.constant 0 : i32
        %dma_wait3A_80 = tpu.memref_slice %arg2[%add3A_20, %dma_wait3A] : memref<16384x50xi32, #tpu.memory_space<hbm>> -> memref<256x50xi32, #tpu.memory_space<hbm>>
        %dma_wait3A_81 = arith.constant 0 : i32
        %dma_wait3A_82 = tpu.memref_slice %arg2[%add3A_20, %dma_wait3A_81] : memref<16384x50xi32, #tpu.memory_space<hbm>> -> memref<256x50xi32, #tpu.memory_space<hbm>>
        tpu.wait_dma2 semaphore(%run_scoped3A : memref<!tpu.dma_semaphore, #tpu.memory_space<semaphore_mem>>) src(%dma_wait3A_82 : memref<256x50xi32, #tpu.memory_space<hbm>>) dst(%arg7 : memref<256x50xi32, #tpu.memory_space<vmem>>)
        tpu.yield
      }) : () -> ()
      %dma_start3A = arith.constant 0 : i32
      %dma_start3A_21 = arith.constant 0 : i32
      %dma_start3A_22 = arith.constant 0 : i32
      %dma_start3A_23 = arith.constant 0 : i32
      %dma_start3A_24 = tpu.memref_slice %arg8[%dma_start3A_21, %dma_start3A_22, %dma_start3A_23] : memref<4x50x64xf32, #tpu.memory_space<vmem>> -> memref<1x50x64xf32, #tpu.memory_space<vmem>>
      %dma_start3A_25 = tpu.memref_squeeze %dma_start3A_24 : memref<1x50x64xf32, #tpu.memory_space<vmem>> -> memref<50x64xf32, #tpu.memory_space<vmem>>
      %dma_start3A_26 = arith.constant 0 : i32
      %dma_start3A_27 = tpu.memref_slice %arg7[%dma_start3A, %dma_start3A_26] : memref<256x50xi32, #tpu.memory_space<vmem>> -> memref<1x50xi32, #tpu.memory_space<vmem>>
      %dma_start3A_28 = tpu.memref_squeeze %dma_start3A_27 : memref<1x50xi32, #tpu.memory_space<vmem>> -> memref<50xi32, #tpu.memory_space<vmem>>
      %dma_start3A_29 = arith.constant 0 : i32
      %dma_start3A_30 = arith.constant 0 : i32
      %dma_start3A_31 = tpu.memref_slice %arg4[%dma_start3A_29, %dma_start3A_30] : memref<1000000x64xf32, #tpu.memory_space<hbm>> -> memref<1000000x64xf32, #tpu.memory_space<hbm>>
      tpu.enqueue_indirect_dma source(%dma_start3A_31 : memref<1000000x64xf32, #tpu.memory_space<hbm>>) target(%dma_start3A_25 : memref<50x64xf32, #tpu.memory_space<vmem>>) offsets(%dma_start3A_28 : memref<50xi32, #tpu.memory_space<vmem>>) semaphore(%arg10 : memref<!tpu.dma_semaphore, #tpu.memory_space<semaphore_mem>>)
      %dma_start3A_32 = arith.constant 1 : i32
      %dma_start3A_33 = arith.constant 1 : i32
      %dma_start3A_34 = arith.constant 0 : i32
      %dma_start3A_35 = arith.constant 0 : i32
      %dma_start3A_36 = tpu.memref_slice %arg8[%dma_start3A_33, %dma_start3A_34, %dma_start3A_35] : memref<4x50x64xf32, #tpu.memory_space<vmem>> -> memref<1x50x64xf32, #tpu.memory_space<vmem>>
      %dma_start3A_37 = tpu.memref_squeeze %dma_start3A_36 : memref<1x50x64xf32, #tpu.memory_space<vmem>> -> memref<50x64xf32, #tpu.memory_space<vmem>>
      %dma_start3A_38 = arith.constant 0 : i32
      %dma_start3A_39 = tpu.memref_slice %arg7[%dma_start3A_32, %dma_start3A_38] : memref<256x50xi32, #tpu.memory_space<vmem>> -> memref<1x50xi32, #tpu.memory_space<vmem>>
      %dma_start3A_40 = tpu.memref_squeeze %dma_start3A_39 : memref<1x50xi32, #tpu.memory_space<vmem>> -> memref<50xi32, #tpu.memory_space<vmem>>
      %dma_start3A_41 = arith.constant 0 : i32
      %dma_start3A_42 = arith.constant 0 : i32
      %dma_start3A_43 = tpu.memref_slice %arg4[%dma_start3A_41, %dma_start3A_42] : memref<1000000x64xf32, #tpu.memory_space<hbm>> -> memref<1000000x64xf32, #tpu.memory_space<hbm>>
      tpu.enqueue_indirect_dma source(%dma_start3A_43 : memref<1000000x64xf32, #tpu.memory_space<hbm>>) target(%dma_start3A_37 : memref<50x64xf32, #tpu.memory_space<vmem>>) offsets(%dma_start3A_40 : memref<50xi32, #tpu.memory_space<vmem>>) semaphore(%arg11 : memref<!tpu.dma_semaphore, #tpu.memory_space<semaphore_mem>>)
      %dma_start3A_44 = arith.constant 2 : i32
      %dma_start3A_45 = arith.constant 2 : i32
      %dma_start3A_46 = arith.constant 0 : i32
      %dma_start3A_47 = arith.constant 0 : i32
      %dma_start3A_48 = tpu.memref_slice %arg8[%dma_start3A_45, %dma_start3A_46, %dma_start3A_47] : memref<4x50x64xf32, #tpu.memory_space<vmem>> -> memref<1x50x64xf32, #tpu.memory_space<vmem>>
      %dma_start3A_49 = tpu.memref_squeeze %dma_start3A_48 : memref<1x50x64xf32, #tpu.memory_space<vmem>> -> memref<50x64xf32, #tpu.memory_space<vmem>>
      %dma_start3A_50 = arith.constant 0 : i32
      %dma_start3A_51 = tpu.memref_slice %arg7[%dma_start3A_44, %dma_start3A_50] : memref<256x50xi32, #tpu.memory_space<vmem>> -> memref<1x50xi32, #tpu.memory_space<vmem>>
      %dma_start3A_52 = tpu.memref_squeeze %dma_start3A_51 : memref<1x50xi32, #tpu.memory_space<vmem>> -> memref<50xi32, #tpu.memory_space<vmem>>
      %dma_start3A_53 = arith.constant 0 : i32
      %dma_start3A_54 = arith.constant 0 : i32
      %dma_start3A_55 = tpu.memref_slice %arg4[%dma_start3A_53, %dma_start3A_54] : memref<1000000x64xf32, #tpu.memory_space<hbm>> -> memref<1000000x64xf32, #tpu.memory_space<hbm>>
      tpu.enqueue_indirect_dma source(%dma_start3A_55 : memref<1000000x64xf32, #tpu.memory_space<hbm>>) target(%dma_start3A_49 : memref<50x64xf32, #tpu.memory_space<vmem>>) offsets(%dma_start3A_52 : memref<50xi32, #tpu.memory_space<vmem>>) semaphore(%arg12 : memref<!tpu.dma_semaphore, #tpu.memory_space<semaphore_mem>>)
      %dma_start3A_56 = arith.constant 3 : i32
      %dma_start3A_57 = arith.constant 3 : i32
      %dma_start3A_58 = arith.constant 0 : i32
      %dma_start3A_59 = arith.constant 0 : i32
      %dma_start3A_60 = tpu.memref_slice %arg8[%dma_start3A_57, %dma_start3A_58, %dma_start3A_59] : memref<4x50x64xf32, #tpu.memory_space<vmem>> -> memref<1x50x64xf32, #tpu.memory_space<vmem>>
      %dma_start3A_61 = tpu.memref_squeeze %dma_start3A_60 : memref<1x50x64xf32, #tpu.memory_space<vmem>> -> memref<50x64xf32, #tpu.memory_space<vmem>>
      %dma_start3A_62 = arith.constant 0 : i32
      %dma_start3A_63 = tpu.memref_slice %arg7[%dma_start3A_56, %dma_start3A_62] : memref<256x50xi32, #tpu.memory_space<vmem>> -> memref<1x50xi32, #tpu.memory_space<vmem>>
      %dma_start3A_64 = tpu.memref_squeeze %dma_start3A_63 : memref<1x50xi32, #tpu.memory_space<vmem>> -> memref<50xi32, #tpu.memory_space<vmem>>
      %dma_start3A_65 = arith.constant 0 : i32
      %dma_start3A_66 = arith.constant 0 : i32
      %dma_start3A_67 = tpu.memref_slice %arg4[%dma_start3A_65, %dma_start3A_66] : memref<1000000x64xf32, #tpu.memory_space<hbm>> -> memref<1000000x64xf32, #tpu.memory_space<hbm>>
      tpu.enqueue_indirect_dma source(%dma_start3A_67 : memref<1000000x64xf32, #tpu.memory_space<hbm>>) target(%dma_start3A_61 : memref<50x64xf32, #tpu.memory_space<vmem>>) offsets(%dma_start3A_64 : memref<50xi32, #tpu.memory_space<vmem>>) semaphore(%arg13 : memref<!tpu.dma_semaphore, #tpu.memory_space<semaphore_mem>>)
      %scan3A_68 = arith.constant 0 : i32
      %scan3A_69 = arith.constant 0 : i32
      %scan3A_70 = arith.constant 64 : i32
      %scan3A_71 = arith.addi %scan3A_69, %scan3A_70 : i32
      %scan3A_72 = arith.constant 1 : i32
      %scan3A_73 = scf.for %scan3A_76 = %scan3A_69 to %scan3A_71 step %scan3A_72 iter_args(%scan3A_77 = %scan3A_68) -> (i32)  : i32 {
        %mul3A_78 = arith.constant 4 : i32
        %mul3A_79 = arith.muli %mul3A_78, %scan3A_76 : i32
        %add3A_80 = arith.constant 0 : i32
        %add3A_81 = arith.addi %mul3A_79, %add3A_80 : i32
        %dma_wait3A = arith.constant 0 : i32
        %dma_wait3A_82 = arith.constant 0 : i32
        %dma_wait3A_83 = arith.constant 0 : i32
        %dma_wait3A_84 = tpu.memref_slice %arg8[%dma_wait3A, %dma_wait3A_82, %dma_wait3A_83] : memref<4x50x64xf32, #tpu.memory_space<vmem>> -> memref<1x50x64xf32, #tpu.memory_space<vmem>>
        %dma_wait3A_85 = tpu.memref_squeeze %dma_wait3A_84 : memref<1x50x64xf32, #tpu.memory_space<vmem>> -> memref<50x64xf32, #tpu.memory_space<vmem>>
        %dma_wait3A_86 = arith.constant 0 : i32
        %dma_wait3A_87 = tpu.memref_slice %arg7[%add3A_81, %dma_wait3A_86] : memref<256x50xi32, #tpu.memory_space<vmem>> -> memref<1x50xi32, #tpu.memory_space<vmem>>
        %dma_wait3A_88 = tpu.memref_squeeze %dma_wait3A_87 : memref<1x50xi32, #tpu.memory_space<vmem>> -> memref<50xi32, #tpu.memory_space<vmem>>
        %dma_wait3A_89 = arith.constant 0 : i32
        %dma_wait3A_90 = arith.constant 0 : i32
        %dma_wait3A_91 = tpu.memref_slice %arg4[%dma_wait3A_89, %dma_wait3A_90] : memref<1000000x64xf32, #tpu.memory_space<hbm>> -> memref<1000000x64xf32, #tpu.memory_space<hbm>>
        tpu.wait_indirect_dma semaphore(%arg10 : memref<!tpu.dma_semaphore, #tpu.memory_space<semaphore_mem>>) src(%dma_wait3A_91 : memref<1000000x64xf32, #tpu.memory_space<hbm>>) dst(%dma_wait3A_85 : memref<50x64xf32, #tpu.memory_space<vmem>>)
        %mul3A_92 = arith.constant 256 : i32
        %mul3A_93 = arith.muli %scan3A_16, %mul3A_92 : i32
        %add3A_94 = arith.addi %mul3A_93, %add3A_81 : i32
        %broadcast_in_dim3A = arith.constant 0.000000e+00 : f32
        %broadcast_in_dim3A_95 = vector.broadcast %broadcast_in_dim3A : f32 to vector<16xf32>
        %scan3A_96 = arith.constant 0 : i32
        %scan3A_97 = arith.constant 0 : i32
        %scan3A_98 = arith.constant 5 : i32
        %scan3A_99 = arith.addi %scan3A_97, %scan3A_98 : i32
        %scan3A_100 = arith.constant 1 : i32
        %scan3A_101:4 = scf.for %scan3A_257 = %scan3A_97 to %scan3A_99 step %scan3A_100 iter_args(%scan3A_258 = %broadcast_in_dim3A_95, %scan3A_259 = %broadcast_in_dim3A_95, %scan3A_260 = %broadcast_in_dim3A_95, %scan3A_261 = %broadcast_in_dim3A_95) -> (vector<16xf32>, vector<16xf32>, vector<16xf32>, vector<16xf32>)  : i32 {
          %mul3A_262 = arith.constant 10 : i32
          %mul3A_263 = arith.muli %scan3A_257, %mul3A_262 : i32
          %add3A_264 = arith.constant 0 : i32
          %add3A_265 = arith.addi %mul3A_263, %add3A_264 : i32
          %get3A = arith.constant 0 : i32
          %get3A_266 = arith.constant 0 : i32
          %get3A_267 = tpu.memref_slice %arg8[%scan3A_96, %get3A, %get3A_266] : memref<4x50x64xf32, #tpu.memory_space<vmem>> -> memref<1x50x64xf32, #tpu.memory_space<vmem>>
          %get3A_268 = tpu.memref_squeeze %get3A_267 : memref<1x50x64xf32, #tpu.memory_space<vmem>> -> memref<50x64xf32, #tpu.memory_space<vmem>>
          %get3A_269 = arith.index_cast %add3A_265 : i32 to index
          %get3A_270 = arith.constant 0 : index
          %get3A_271 = tpu.vector_load %get3A_268[%get3A_269, %get3A_270] {strides = array<i32>} : memref<50x64xf32, #tpu.memory_space<vmem>>, vector<16xf32>,
          %add3A_272 = arith.addf %scan3A_258, %get3A_271 : vector<16xf32>
          %get3A_273 = arith.constant 0 : i32
          %get3A_274 = arith.constant 0 : i32
          %get3A_275 = tpu.memref_slice %arg8[%scan3A_96, %get3A_273, %get3A_274] : memref<4x50x64xf32, #tpu.memory_space<vmem>> -> memref<1x50x64xf32, #tpu.memory_space<vmem>>
          %get3A_276 = tpu.memref_squeeze %get3A_275 : memref<1x50x64xf32, #tpu.memory_space<vmem>> -> memref<50x64xf32, #tpu.memory_space<vmem>>
          %get3A_277 = arith.index_cast %add3A_265 : i32 to index
          %get3A_278 = arith.constant 16 : index
          %get3A_279 = tpu.vector_load %get3A_276[%get3A_277, %get3A_278] {strides = array<i32>} : memref<50x64xf32, #tpu.memory_space<vmem>>, vector<16xf32>,
          %add3A_280 = arith.addf %scan3A_259, %get3A_279 : vector<16xf32>
          %get3A_281 = arith.constant 0 : i32
          %get3A_282 = arith.constant 0 : i32
          %get3A_283 = tpu.memref_slice %arg8[%scan3A_96, %get3A_281, %get3A_282] : memref<4x50x64xf32, #tpu.memory_space<vmem>> -> memref<1x50x64xf32, #tpu.memory_space<vmem>>
          %get3A_284 = tpu.memref_squeeze %get3A_283 : memref<1x50x64xf32, #tpu.memory_space<vmem>> -> memref<50x64xf32, #tpu.memory_space<vmem>>
          %get3A_285 = arith.index_cast %add3A_265 : i32 to index
          %get3A_286 = arith.constant 32 : index
          %get3A_287 = tpu.vector_load %get3A_284[%get3A_285, %get3A_286] {strides = array<i32>} : memref<50x64xf32, #tpu.memory_space<vmem>>, vector<16xf32>,
          %add3A_288 = arith.addf %scan3A_260, %get3A_287 : vector<16xf32>
          %get3A_289 = arith.constant 0 : i32
          %get3A_290 = arith.constant 0 : i32
          %get3A_291 = tpu.memref_slice %arg8[%scan3A_96, %get3A_289, %get3A_290] : memref<4x50x64xf32, #tpu.memory_space<vmem>> -> memref<1x50x64xf32, #tpu.memory_space<vmem>>
          %get3A_292 = tpu.memref_squeeze %get3A_291 : memref<1x50x64xf32, #tpu.memory_space<vmem>> -> memref<50x64xf32, #tpu.memory_space<vmem>>
          %get3A_293 = arith.index_cast %add3A_265 : i32 to index
          %get3A_294 = arith.constant 48 : index
          %get3A_295 = tpu.vector_load %get3A_292[%get3A_293, %get3A_294] {strides = array<i32>} : memref<50x64xf32, #tpu.memory_space<vmem>>, vector<16xf32>,
          %add3A_296 = arith.addf %scan3A_261, %get3A_295 : vector<16xf32>
          %mul3A_297 = arith.constant 10 : i32
          %mul3A_298 = arith.muli %scan3A_257, %mul3A_297 : i32
          %add3A_299 = arith.constant 1 : i32
          %add3A_300 = arith.addi %mul3A_298, %add3A_299 : i32
          %get3A_301 = arith.constant 0 : i32
          %get3A_302 = arith.constant 0 : i32
          %get3A_303 = tpu.memref_slice %arg8[%scan3A_96, %get3A_301, %get3A_302] : memref<4x50x64xf32, #tpu.memory_space<vmem>> -> memref<1x50x64xf32, #tpu.memory_space<vmem>>
          %get3A_304 = tpu.memref_squeeze %get3A_303 : memref<1x50x64xf32, #tpu.memory_space<vmem>> -> memref<50x64xf32, #tpu.memory_space<vmem>>
          %get3A_305 = arith.index_cast %add3A_300 : i32 to index
          %get3A_306 = arith.constant 0 : index
          %get3A_307 = tpu.vector_load %get3A_304[%get3A_305, %get3A_306] {strides = array<i32>} : memref<50x64xf32, #tpu.memory_space<vmem>>, vector<16xf32>,
          %add3A_308 = arith.addf %add3A_272, %get3A_307 : vector<16xf32>
          %get3A_309 = arith.constant 0 : i32
          %get3A_310 = arith.constant 0 : i32
          %get3A_311 = tpu.memref_slice %arg8[%scan3A_96, %get3A_309, %get3A_310] : memref<4x50x64xf32, #tpu.memory_space<vmem>> -> memref<1x50x64xf32, #tpu.memory_space<vmem>>
          %get3A_312 = tpu.memref_squeeze %get3A_311 : memref<1x50x64xf32, #tpu.memory_space<vmem>> -> memref<50x64xf32, #tpu.memory_space<vmem>>
          %get3A_313 = arith.index_cast %add3A_300 : i32 to index
          %get3A_314 = arith.constant 16 : index
          %get3A_315 = tpu.vector_load %get3A_312[%get3A_313, %get3A_314] {strides = array<i32>} : memref<50x64xf32, #tpu.memory_space<vmem>>, vector<16xf32>,
          %add3A_316 = arith.addf %add3A_280, %get3A_315 : vector<16xf32>
          %get3A_317 = arith.constant 0 : i32
          %get3A_318 = arith.constant 0 : i32
          %get3A_319 = tpu.memref_slice %arg8[%scan3A_96, %get3A_317, %get3A_318] : memref<4x50x64xf32, #tpu.memory_space<vmem>> -> memref<1x50x64xf32, #tpu.memory_space<vmem>>
          %get3A_320 = tpu.memref_squeeze %get3A_319 : memref<1x50x64xf32, #tpu.memory_space<vmem>> -> memref<50x64xf32, #tpu.memory_space<vmem>>
          %get3A_321 = arith.index_cast %add3A_300 : i32 to index
          %get3A_322 = arith.constant 32 : index
          %get3A_323 = tpu.vector_load %get3A_320[%get3A_321, %get3A_322] {strides = array<i32>} : memref<50x64xf32, #tpu.memory_space<vmem>>, vector<16xf32>,
          %add3A_324 = arith.addf %add3A_288, %get3A_323 : vector<16xf32>
          %get3A_325 = arith.constant 0 : i32
          %get3A_326 = arith.constant 0 : i32
          %get3A_327 = tpu.memref_slice %arg8[%scan3A_96, %get3A_325, %get3A_326] : memref<4x50x64xf32, #tpu.memory_space<vmem>> -> memref<1x50x64xf32, #tpu.memory_space<vmem>>
          %get3A_328 = tpu.memref_squeeze %get3A_327 : memref<1x50x64xf32, #tpu.memory_space<vmem>> -> memref<50x64xf32, #tpu.memory_space<vmem>>
          %get3A_329 = arith.index_cast %add3A_300 : i32 to index
          %get3A_330 = arith.constant 48 : index
          %get3A_331 = tpu.vector_load %get3A_328[%get3A_329, %get3A_330] {strides = array<i32>} : memref<50x64xf32, #tpu.memory_space<vmem>>, vector<16xf32>,
          %add3A_332 = arith.addf %add3A_296, %get3A_331 : vector<16xf32>
          %mul3A_333 = arith.constant 10 : i32
          %mul3A_334 = arith.muli %scan3A_257, %mul3A_333 : i32
          %add3A_335 = arith.constant 2 : i32
          %add3A_336 = arith.addi %mul3A_334, %add3A_335 : i32
          %get3A_337 = arith.constant 0 : i32
          %get3A_338 = arith.constant 0 : i32
          %get3A_339 = tpu.memref_slice %arg8[%scan3A_96, %get3A_337, %get3A_338] : memref<4x50x64xf32, #tpu.memory_space<vmem>> -> memref<1x50x64xf32, #tpu.memory_space<vmem>>
          %get3A_340 = tpu.memref_squeeze %get3A_339 : memref<1x50x64xf32, #tpu.memory_space<vmem>> -> memref<50x64xf32, #tpu.memory_space<vmem>>
          %get3A_341 = arith.index_cast %add3A_336 : i32 to index
          %get3A_342 = arith.constant 0 : index
          %get3A_343 = tpu.vector_load %get3A_340[%get3A_341, %get3A_342] {strides = array<i32>} : memref<50x64xf32, #tpu.memory_space<vmem>>, vector<16xf32>,
          %add3A_344 = arith.addf %add3A_308, %get3A_343 : vector<16xf32>
          %get3A_345 = arith.constant 0 : i32
          %get3A_346 = arith.constant 0 : i32
          %get3A_347 = tpu.memref_slice %arg8[%scan3A_96, %get3A_345, %get3A_346] : memref<4x50x64xf32, #tpu.memory_space<vmem>> -> memref<1x50x64xf32, #tpu.memory_space<vmem>>
          %get3A_348 = tpu.memref_squeeze %get3A_347 : memref<1x50x64xf32, #tpu.memory_space<vmem>> -> memref<50x64xf32, #tpu.memory_space<vmem>>
          %get3A_349 = arith.index_cast %add3A_336 : i32 to index
          %get3A_350 = arith.constant 16 : index
          %get3A_351 = tpu.vector_load %get3A_348[%get3A_349, %get3A_350] {strides = array<i32>} : memref<50x64xf32, #tpu.memory_space<vmem>>, vector<16xf32>,
          %add3A_352 = arith.addf %add3A_316, %get3A_351 : vector<16xf32>
          %get3A_353 = arith.constant 0 : i32
          %get3A_354 = arith.constant 0 : i32
          %get3A_355 = tpu.memref_slice %arg8[%scan3A_96, %get3A_353, %get3A_354] : memref<4x50x64xf32, #tpu.memory_space<vmem>> -> memref<1x50x64xf32, #tpu.memory_space<vmem>>
          %get3A_356 = tpu.memref_squeeze %get3A_355 : memref<1x50x64xf32, #tpu.memory_space<vmem>> -> memref<50x64xf32, #tpu.memory_space<vmem>>
          %get3A_357 = arith.index_cast %add3A_336 : i32 to index
          %get3A_358 = arith.constant 32 : index
          %get3A_359 = tpu.vector_load %get3A_356[%get3A_357, %get3A_358] {strides = array<i32>} : memref<50x64xf32, #tpu.memory_space<vmem>>, vector<16xf32>,
          %add3A_360 = arith.addf %add3A_324, %get3A_359 : vector<16xf32>
          %get3A_361 = arith.constant 0 : i32
          %get3A_362 = arith.constant 0 : i32
          %get3A_363 = tpu.memref_slice %arg8[%scan3A_96, %get3A_361, %get3A_362] : memref<4x50x64xf32, #tpu.memory_space<vmem>> -> memref<1x50x64xf32, #tpu.memory_space<vmem>>
          %get3A_364 = tpu.memref_squeeze %get3A_363 : memref<1x50x64xf32, #tpu.memory_space<vmem>> -> memref<50x64xf32, #tpu.memory_space<vmem>>
          %get3A_365 = arith.index_cast %add3A_336 : i32 to index
          %get3A_366 = arith.constant 48 : index
          %get3A_367 = tpu.vector_load %get3A_364[%get3A_365, %get3A_366] {strides = array<i32>} : memref<50x64xf32, #tpu.memory_space<vmem>>, vector<16xf32>,
          %add3A_368 = arith.addf %add3A_332, %get3A_367 : vector<16xf32>
          %mul3A_369 = arith.constant 10 : i32
          %mul3A_370 = arith.muli %scan3A_257, %mul3A_369 : i32
          %add3A_371 = arith.constant 3 : i32
          %add3A_372 = arith.addi %mul3A_370, %add3A_371 : i32
          %get3A_373 = arith.constant 0 : i32
          %get3A_374 = arith.constant 0 : i32
          %get3A_375 = tpu.memref_slice %arg8[%scan3A_96, %get3A_373, %get3A_374] : memref<4x50x64xf32, #tpu.memory_space<vmem>> -> memref<1x50x64xf32, #tpu.memory_space<vmem>>
          %get3A_376 = tpu.memref_squeeze %get3A_375 : memref<1x50x64xf32, #tpu.memory_space<vmem>> -> memref<50x64xf32, #tpu.memory_space<vmem>>
          %get3A_377 = arith.index_cast %add3A_372 : i32 to index
          %get3A_378 = arith.constant 0 : index
          %get3A_379 = tpu.vector_load %get3A_376[%get3A_377, %get3A_378] {strides = array<i32>} : memref<50x64xf32, #tpu.memory_space<vmem>>, vector<16xf32>,
          %add3A_380 = arith.addf %add3A_344, %get3A_379 : vector<16xf32>
          %get3A_381 = arith.constant 0 : i32
          %get3A_382 = arith.constant 0 : i32
          %get3A_383 = tpu.memref_slice %arg8[%scan3A_96, %get3A_381, %get3A_382] : memref<4x50x64xf32, #tpu.memory_space<vmem>> -> memref<1x50x64xf32, #tpu.memory_space<vmem>>
          %get3A_384 = tpu.memref_squeeze %get3A_383 : memref<1x50x64xf32, #tpu.memory_space<vmem>> -> memref<50x64xf32, #tpu.memory_space<vmem>>
          %get3A_385 = arith.index_cast %add3A_372 : i32 to index
          %get3A_386 = arith.constant 16 : index
          %get3A_387 = tpu.vector_load %get3A_384[%get3A_385, %get3A_386] {strides = array<i32>} : memref<50x64xf32, #tpu.memory_space<vmem>>, vector<16xf32>,
          %add3A_388 = arith.addf %add3A_352, %get3A_387 : vector<16xf32>
          %get3A_389 = arith.constant 0 : i32
          %get3A_390 = arith.constant 0 : i32
          %get3A_391 = tpu.memref_slice %arg8[%scan3A_96, %get3A_389, %get3A_390] : memref<4x50x64xf32, #tpu.memory_space<vmem>> -> memref<1x50x64xf32, #tpu.memory_space<vmem>>
          %get3A_392 = tpu.memref_squeeze %get3A_391 : memref<1x50x64xf32, #tpu.memory_space<vmem>> -> memref<50x64xf32, #tpu.memory_space<vmem>>
          %get3A_393 = arith.index_cast %add3A_372 : i32 to index
          %get3A_394 = arith.constant 32 : index
          %get3A_395 = tpu.vector_load %get3A_392[%get3A_393, %get3A_394] {strides = array<i32>} : memref<50x64xf32, #tpu.memory_space<vmem>>, vector<16xf32>,
          %add3A_396 = arith.addf %add3A_360, %get3A_395 : vector<16xf32>
          %get3A_397 = arith.constant 0 : i32
          %get3A_398 = arith.constant 0 : i32
          %get3A_399 = tpu.memref_slice %arg8[%scan3A_96, %get3A_397, %get3A_398] : memref<4x50x64xf32, #tpu.memory_space<vmem>> -> memref<1x50x64xf32, #tpu.memory_space<vmem>>
          %get3A_400 = tpu.memref_squeeze %get3A_399 : memref<1x50x64xf32, #tpu.memory_space<vmem>> -> memref<50x64xf32, #tpu.memory_space<vmem>>
          %get3A_401 = arith.index_cast %add3A_372 : i32 to index
          %get3A_402 = arith.constant 48 : index
          %get3A_403 = tpu.vector_load %get3A_400[%get3A_401, %get3A_402] {strides = array<i32>} : memref<50x64xf32, #tpu.memory_space<vmem>>, vector<16xf32>,
          %add3A_404 = arith.addf %add3A_368, %get3A_403 : vector<16xf32>
          %mul3A_405 = arith.constant 10 : i32
          %mul3A_406 = arith.muli %scan3A_257, %mul3A_405 : i32
          %add3A_407 = arith.constant 4 : i32
          %add3A_408 = arith.addi %mul3A_406, %add3A_407 : i32
          %get3A_409 = arith.constant 0 : i32
          %get3A_410 = arith.constant 0 : i32
          %get3A_411 = tpu.memref_slice %arg8[%scan3A_96, %get3A_409, %get3A_410] : memref<4x50x64xf32, #tpu.memory_space<vmem>> -> memref<1x50x64xf32, #tpu.memory_space<vmem>>
          %get3A_412 = tpu.memref_squeeze %get3A_411 : memref<1x50x64xf32, #tpu.memory_space<vmem>> -> memref<50x64xf32, #tpu.memory_space<vmem>>
          %get3A_413 = arith.index_cast %add3A_408 : i32 to index
          %get3A_414 = arith.constant 0 : index
          %get3A_415 = tpu.vector_load %get3A_412[%get3A_413, %get3A_414] {strides = array<i32>} : memref<50x64xf32, #tpu.memory_space<vmem>>, vector<16xf32>,
          %add3A_416 = arith.addf %add3A_380, %get3A_415 : vector<16xf32>
          %get3A_417 = arith.constant 0 : i32
          %get3A_418 = arith.constant 0 : i32
          %get3A_419 = tpu.memref_slice %arg8[%scan3A_96, %get3A_417, %get3A_418] : memref<4x50x64xf32, #tpu.memory_space<vmem>> -> memref<1x50x64xf32, #tpu.memory_space<vmem>>
          %get3A_420 = tpu.memref_squeeze %get3A_419 : memref<1x50x64xf32, #tpu.memory_space<vmem>> -> memref<50x64xf32, #tpu.memory_space<vmem>>
          %get3A_421 = arith.index_cast %add3A_408 : i32 to index
          %get3A_422 = arith.constant 16 : index
          %get3A_423 = tpu.vector_load %get3A_420[%get3A_421, %get3A_422] {strides = array<i32>} : memref<50x64xf32, #tpu.memory_space<vmem>>, vector<16xf32>,
          %add3A_424 = arith.addf %add3A_388, %get3A_423 : vector<16xf32>
          %get3A_425 = arith.constant 0 : i32
          %get3A_426 = arith.constant 0 : i32
          %get3A_427 = tpu.memref_slice %arg8[%scan3A_96, %get3A_425, %get3A_426] : memref<4x50x64xf32, #tpu.memory_space<vmem>> -> memref<1x50x64xf32, #tpu.memory_space<vmem>>
          %get3A_428 = tpu.memref_squeeze %get3A_427 : memref<1x50x64xf32, #tpu.memory_space<vmem>> -> memref<50x64xf32, #tpu.memory_space<vmem>>
          %get3A_429 = arith.index_cast %add3A_408 : i32 to index
          %get3A_430 = arith.constant 32 : index
          %get3A_431 = tpu.vector_load %get3A_428[%get3A_429, %get3A_430] {strides = array<i32>} : memref<50x64xf32, #tpu.memory_space<vmem>>, vector<16xf32>,
          %add3A_432 = arith.addf %add3A_396, %get3A_431 : vector<16xf32>
          %get3A_433 = arith.constant 0 : i32
          %get3A_434 = arith.constant 0 : i32
          %get3A_435 = tpu.memref_slice %arg8[%scan3A_96, %get3A_433, %get3A_434] : memref<4x50x64xf32, #tpu.memory_space<vmem>> -> memref<1x50x64xf32, #tpu.memory_space<vmem>>
          %get3A_436 = tpu.memref_squeeze %get3A_435 : memref<1x50x64xf32, #tpu.memory_space<vmem>> -> memref<50x64xf32, #tpu.memory_space<vmem>>
          %get3A_437 = arith.index_cast %add3A_408 : i32 to index
          %get3A_438 = arith.constant 48 : index
          %get3A_439 = tpu.vector_load %get3A_436[%get3A_437, %get3A_438] {strides = array<i32>} : memref<50x64xf32, #tpu.memory_space<vmem>>, vector<16xf32>,
          %add3A_440 = arith.addf %add3A_404, %get3A_439 : vector<16xf32>
          %mul3A_441 = arith.constant 10 : i32
          %mul3A_442 = arith.muli %scan3A_257, %mul3A_441 : i32
          %add3A_443 = arith.constant 5 : i32
          %add3A_444 = arith.addi %mul3A_442, %add3A_443 : i32
          %get3A_445 = arith.constant 0 : i32
          %get3A_446 = arith.constant 0 : i32
          %get3A_447 = tpu.memref_slice %arg8[%scan3A_96, %get3A_445, %get3A_446] : memref<4x50x64xf32, #tpu.memory_space<vmem>> -> memref<1x50x64xf32, #tpu.memory_space<vmem>>
          %get3A_448 = tpu.memref_squeeze %get3A_447 : memref<1x50x64xf32, #tpu.memory_space<vmem>> -> memref<50x64xf32, #tpu.memory_space<vmem>>
          %get3A_449 = arith.index_cast %add3A_444 : i32 to index
          %get3A_450 = arith.constant 0 : index
          %get3A_451 = tpu.vector_load %get3A_448[%get3A_449, %get3A_450] {strides = array<i32>} : memref<50x64xf32, #tpu.memory_space<vmem>>, vector<16xf32>,
          %add3A_452 = arith.addf %add3A_416, %get3A_451 : vector<16xf32>
          %get3A_453 = arith.constant 0 : i32
          %get3A_454 = arith.constant 0 : i32
          %get3A_455 = tpu.memref_slice %arg8[%scan3A_96, %get3A_453, %get3A_454] : memref<4x50x64xf32, #tpu.memory_space<vmem>> -> memref<1x50x64xf32, #tpu.memory_space<vmem>>
          %get3A_456 = tpu.memref_squeeze %get3A_455 : memref<1x50x64xf32, #tpu.memory_space<vmem>> -> memref<50x64xf32, #tpu.memory_space<vmem>>
          %get3A_457 = arith.index_cast %add3A_444 : i32 to index
          %get3A_458 = arith.constant 16 : index
          %get3A_459 = tpu.vector_load %get3A_456[%get3A_457, %get3A_458] {strides = array<i32>} : memref<50x64xf32, #tpu.memory_space<vmem>>, vector<16xf32>,
          %add3A_460 = arith.addf %add3A_424, %get3A_459 : vector<16xf32>
          %get3A_461 = arith.constant 0 : i32
          %get3A_462 = arith.constant 0 : i32
          %get3A_463 = tpu.memref_slice %arg8[%scan3A_96, %get3A_461, %get3A_462] : memref<4x50x64xf32, #tpu.memory_space<vmem>> -> memref<1x50x64xf32, #tpu.memory_space<vmem>>
          %get3A_464 = tpu.memref_squeeze %get3A_463 : memref<1x50x64xf32, #tpu.memory_space<vmem>> -> memref<50x64xf32, #tpu.memory_space<vmem>>
          %get3A_465 = arith.index_cast %add3A_444 : i32 to index
          %get3A_466 = arith.constant 32 : index
          %get3A_467 = tpu.vector_load %get3A_464[%get3A_465, %get3A_466] {strides = array<i32>} : memref<50x64xf32, #tpu.memory_space<vmem>>, vector<16xf32>,
          %add3A_468 = arith.addf %add3A_432, %get3A_467 : vector<16xf32>
          %get3A_469 = arith.constant 0 : i32
          %get3A_470 = arith.constant 0 : i32
          %get3A_471 = tpu.memref_slice %arg8[%scan3A_96, %get3A_469, %get3A_470] : memref<4x50x64xf32, #tpu.memory_space<vmem>> -> memref<1x50x64xf32, #tpu.memory_space<vmem>>
          %get3A_472 = tpu.memref_squeeze %get3A_471 : memref<1x50x64xf32, #tpu.memory_space<vmem>> -> memref<50x64xf32, #tpu.memory_space<vmem>>
          %get3A_473 = arith.index_cast %add3A_444 : i32 to index
          %get3A_474 = arith.constant 48 : index
          %get3A_475 = tpu.vector_load %get3A_472[%get3A_473, %get3A_474] {strides = array<i32>} : memref<50x64xf32, #tpu.memory_space<vmem>>, vector<16xf32>,
          %add3A_476 = arith.addf %add3A_440, %get3A_475 : vector<16xf32>
          %mul3A_477 = arith.constant 10 : i32
          %mul3A_478 = arith.muli %scan3A_257, %mul3A_477 : i32
          %add3A_479 = arith.constant 6 : i32
          %add3A_480 = arith.addi %mul3A_478, %add3A_479 : i32
          %get3A_481 = arith.constant 0 : i32
          %get3A_482 = arith.constant 0 : i32
          %get3A_483 = tpu.memref_slice %arg8[%scan3A_96, %get3A_481, %get3A_482] : memref<4x50x64xf32, #tpu.memory_space<vmem>> -> memref<1x50x64xf32, #tpu.memory_space<vmem>>
          %get3A_484 = tpu.memref_squeeze %get3A_483 : memref<1x50x64xf32, #tpu.memory_space<vmem>> -> memref<50x64xf32, #tpu.memory_space<vmem>>
          %get3A_485 = arith.index_cast %add3A_480 : i32 to index
          %get3A_486 = arith.constant 0 : index
          %get3A_487 = tpu.vector_load %get3A_484[%get3A_485, %get3A_486] {strides = array<i32>} : memref<50x64xf32, #tpu.memory_space<vmem>>, vector<16xf32>,
          %add3A_488 = arith.addf %add3A_452, %get3A_487 : vector<16xf32>
          %get3A_489 = arith.constant 0 : i32
          %get3A_490 = arith.constant 0 : i32
          %get3A_491 = tpu.memref_slice %arg8[%scan3A_96, %get3A_489, %get3A_490] : memref<4x50x64xf32, #tpu.memory_space<vmem>> -> memref<1x50x64xf32, #tpu.memory_space<vmem>>
          %get3A_492 = tpu.memref_squeeze %get3A_491 : memref<1x50x64xf32, #tpu.memory_space<vmem>> -> memref<50x64xf32, #tpu.memory_space<vmem>>
          %get3A_493 = arith.index_cast %add3A_480 : i32 to index
          %get3A_494 = arith.constant 16 : index
          %get3A_495 = tpu.vector_load %get3A_492[%get3A_493, %get3A_494] {strides = array<i32>} : memref<50x64xf32, #tpu.memory_space<vmem>>, vector<16xf32>,
          %add3A_496 = arith.addf %add3A_460, %get3A_495 : vector<16xf32>
          %get3A_497 = arith.constant 0 : i32
          %get3A_498 = arith.constant 0 : i32
          %get3A_499 = tpu.memref_slice %arg8[%scan3A_96, %get3A_497, %get3A_498] : memref<4x50x64xf32, #tpu.memory_space<vmem>> -> memref<1x50x64xf32, #tpu.memory_space<vmem>>
          %get3A_500 = tpu.memref_squeeze %get3A_499 : memref<1x50x64xf32, #tpu.memory_space<vmem>> -> memref<50x64xf32, #tpu.memory_space<vmem>>
          %get3A_501 = arith.index_cast %add3A_480 : i32 to index
          %get3A_502 = arith.constant 32 : index
          %get3A_503 = tpu.vector_load %get3A_500[%get3A_501, %get3A_502] {strides = array<i32>} : memref<50x64xf32, #tpu.memory_space<vmem>>, vector<16xf32>,
          %add3A_504 = arith.addf %add3A_468, %get3A_503 : vector<16xf32>
          %get3A_505 = arith.constant 0 : i32
          %get3A_506 = arith.constant 0 : i32
          %get3A_507 = tpu.memref_slice %arg8[%scan3A_96, %get3A_505, %get3A_506] : memref<4x50x64xf32, #tpu.memory_space<vmem>> -> memref<1x50x64xf32, #tpu.memory_space<vmem>>
          %get3A_508 = tpu.memref_squeeze %get3A_507 : memref<1x50x64xf32, #tpu.memory_space<vmem>> -> memref<50x64xf32, #tpu.memory_space<vmem>>
          %get3A_509 = arith.index_cast %add3A_480 : i32 to index
          %get3A_510 = arith.constant 48 : index
          %get3A_511 = tpu.vector_load %get3A_508[%get3A_509, %get3A_510] {strides = array<i32>} : memref<50x64xf32, #tpu.memory_space<vmem>>, vector<16xf32>,
          %add3A_512 = arith.addf %add3A_476, %get3A_511 : vector<16xf32>
          %mul3A_513 = arith.constant 10 : i32
          %mul3A_514 = arith.muli %scan3A_257, %mul3A_513 : i32
          %add3A_515 = arith.constant 7 : i32
          %add3A_516 = arith.addi %mul3A_514, %add3A_515 : i32
          %get3A_517 = arith.constant 0 : i32
          %get3A_518 = arith.constant 0 : i32
          %get3A_519 = tpu.memref_slice %arg8[%scan3A_96, %get3A_517, %get3A_518] : memref<4x50x64xf32, #tpu.memory_space<vmem>> -> memref<1x50x64xf32, #tpu.memory_space<vmem>>
          %get3A_520 = tpu.memref_squeeze %get3A_519 : memref<1x50x64xf32, #tpu.memory_space<vmem>> -> memref<50x64xf32, #tpu.memory_space<vmem>>
          %get3A_521 = arith.index_cast %add3A_516 : i32 to index
          %get3A_522 = arith.constant 0 : index
          %get3A_523 = tpu.vector_load %get3A_520[%get3A_521, %get3A_522] {strides = array<i32>} : memref<50x64xf32, #tpu.memory_space<vmem>>, vector<16xf32>,
          %add3A_524 = arith.addf %add3A_488, %get3A_523 : vector<16xf32>
          %get3A_525 = arith.constant 0 : i32
          %get3A_526 = arith.constant 0 : i32
          %get3A_527 = tpu.memref_slice %arg8[%scan3A_96, %get3A_525, %get3A_526] : memref<4x50x64xf32, #tpu.memory_space<vmem>> -> memref<1x50x64xf32, #tpu.memory_space<vmem>>
          %get3A_528 = tpu.memref_squeeze %get3A_527 : memref<1x50x64xf32, #tpu.memory_space<vmem>> -> memref<50x64xf32, #tpu.memory_space<vmem>>
          %get3A_529 = arith.index_cast %add3A_516 : i32 to index
          %get3A_530 = arith.constant 16 : index
          %get3A_531 = tpu.vector_load %get3A_528[%get3A_529, %get3A_530] {strides = array<i32>} : memref<50x64xf32, #tpu.memory_space<vmem>>, vector<16xf32>,
          %add3A_532 = arith.addf %add3A_496, %get3A_531 : vector<16xf32>
          %get3A_533 = arith.constant 0 : i32
          %get3A_534 = arith.constant 0 : i32
          %get3A_535 = tpu.memref_slice %arg8[%scan3A_96, %get3A_533, %get3A_534] : memref<4x50x64xf32, #tpu.memory_space<vmem>> -> memref<1x50x64xf32, #tpu.memory_space<vmem>>
          %get3A_536 = tpu.memref_squeeze %get3A_535 : memref<1x50x64xf32, #tpu.memory_space<vmem>> -> memref<50x64xf32, #tpu.memory_space<vmem>>
          %get3A_537 = arith.index_cast %add3A_516 : i32 to index
          %get3A_538 = arith.constant 32 : index
          %get3A_539 = tpu.vector_load %get3A_536[%get3A_537, %get3A_538] {strides = array<i32>} : memref<50x64xf32, #tpu.memory_space<vmem>>, vector<16xf32>,
          %add3A_540 = arith.addf %add3A_504, %get3A_539 : vector<16xf32>
          %get3A_541 = arith.constant 0 : i32
          %get3A_542 = arith.constant 0 : i32
          %get3A_543 = tpu.memref_slice %arg8[%scan3A_96, %get3A_541, %get3A_542] : memref<4x50x64xf32, #tpu.memory_space<vmem>> -> memref<1x50x64xf32, #tpu.memory_space<vmem>>
          %get3A_544 = tpu.memref_squeeze %get3A_543 : memref<1x50x64xf32, #tpu.memory_space<vmem>> -> memref<50x64xf32, #tpu.memory_space<vmem>>
          %get3A_545 = arith.index_cast %add3A_516 : i32 to index
          %get3A_546 = arith.constant 48 : index
          %get3A_547 = tpu.vector_load %get3A_544[%get3A_545, %get3A_546] {strides = array<i32>} : memref<50x64xf32, #tpu.memory_space<vmem>>, vector<16xf32>,
          %add3A_548 = arith.addf %add3A_512, %get3A_547 : vector<16xf32>
          %mul3A_549 = arith.constant 10 : i32
          %mul3A_550 = arith.muli %scan3A_257, %mul3A_549 : i32
          %add3A_551 = arith.constant 8 : i32
          %add3A_552 = arith.addi %mul3A_550, %add3A_551 : i32
          %get3A_553 = arith.constant 0 : i32
          %get3A_554 = arith.constant 0 : i32
          %get3A_555 = tpu.memref_slice %arg8[%scan3A_96, %get3A_553, %get3A_554] : memref<4x50x64xf32, #tpu.memory_space<vmem>> -> memref<1x50x64xf32, #tpu.memory_space<vmem>>
          %get3A_556 = tpu.memref_squeeze %get3A_555 : memref<1x50x64xf32, #tpu.memory_space<vmem>> -> memref<50x64xf32, #tpu.memory_space<vmem>>
          %get3A_557 = arith.index_cast %add3A_552 : i32 to index
          %get3A_558 = arith.constant 0 : index
          %get3A_559 = tpu.vector_load %get3A_556[%get3A_557, %get3A_558] {strides = array<i32>} : memref<50x64xf32, #tpu.memory_space<vmem>>, vector<16xf32>,
          %add3A_560 = arith.addf %add3A_524, %get3A_559 : vector<16xf32>
          %get3A_561 = arith.constant 0 : i32
          %get3A_562 = arith.constant 0 : i32
          %get3A_563 = tpu.memref_slice %arg8[%scan3A_96, %get3A_561, %get3A_562] : memref<4x50x64xf32, #tpu.memory_space<vmem>> -> memref<1x50x64xf32, #tpu.memory_space<vmem>>
          %get3A_564 = tpu.memref_squeeze %get3A_563 : memref<1x50x64xf32, #tpu.memory_space<vmem>> -> memref<50x64xf32, #tpu.memory_space<vmem>>
          %get3A_565 = arith.index_cast %add3A_552 : i32 to index
          %get3A_566 = arith.constant 16 : index
          %get3A_567 = tpu.vector_load %get3A_564[%get3A_565, %get3A_566] {strides = array<i32>} : memref<50x64xf32, #tpu.memory_space<vmem>>, vector<16xf32>,
          %add3A_568 = arith.addf %add3A_532, %get3A_567 : vector<16xf32>
          %get3A_569 = arith.constant 0 : i32
          %get3A_570 = arith.constant 0 : i32
          %get3A_571 = tpu.memref_slice %arg8[%scan3A_96, %get3A_569, %get3A_570] : memref<4x50x64xf32, #tpu.memory_space<vmem>> -> memref<1x50x64xf32, #tpu.memory_space<vmem>>
          %get3A_572 = tpu.memref_squeeze %get3A_571 : memref<1x50x64xf32, #tpu.memory_space<vmem>> -> memref<50x64xf32, #tpu.memory_space<vmem>>
          %get3A_573 = arith.index_cast %add3A_552 : i32 to index
          %get3A_574 = arith.constant 32 : index
          %get3A_575 = tpu.vector_load %get3A_572[%get3A_573, %get3A_574] {strides = array<i32>} : memref<50x64xf32, #tpu.memory_space<vmem>>, vector<16xf32>,
          %add3A_576 = arith.addf %add3A_540, %get3A_575 : vector<16xf32>
          %get3A_577 = arith.constant 0 : i32
          %get3A_578 = arith.constant 0 : i32
          %get3A_579 = tpu.memref_slice %arg8[%scan3A_96, %get3A_577, %get3A_578] : memref<4x50x64xf32, #tpu.memory_space<vmem>> -> memref<1x50x64xf32, #tpu.memory_space<vmem>>
          %get3A_580 = tpu.memref_squeeze %get3A_579 : memref<1x50x64xf32, #tpu.memory_space<vmem>> -> memref<50x64xf32, #tpu.memory_space<vmem>>
          %get3A_581 = arith.index_cast %add3A_552 : i32 to index
          %get3A_582 = arith.constant 48 : index
          %get3A_583 = tpu.vector_load %get3A_580[%get3A_581, %get3A_582] {strides = array<i32>} : memref<50x64xf32, #tpu.memory_space<vmem>>, vector<16xf32>,
          %add3A_584 = arith.addf %add3A_548, %get3A_583 : vector<16xf32>
          %mul3A_585 = arith.constant 10 : i32
          %mul3A_586 = arith.muli %scan3A_257, %mul3A_585 : i32
          %add3A_587 = arith.constant 9 : i32
          %add3A_588 = arith.addi %mul3A_586, %add3A_587 : i32
          %get3A_589 = arith.constant 0 : i32
          %get3A_590 = arith.constant 0 : i32
          %get3A_591 = tpu.memref_slice %arg8[%scan3A_96, %get3A_589, %get3A_590] : memref<4x50x64xf32, #tpu.memory_space<vmem>> -> memref<1x50x64xf32, #tpu.memory_space<vmem>>
          %get3A_592 = tpu.memref_squeeze %get3A_591 : memref<1x50x64xf32, #tpu.memory_space<vmem>> -> memref<50x64xf32, #tpu.memory_space<vmem>>
          %get3A_593 = arith.index_cast %add3A_588 : i32 to index
          %get3A_594 = arith.constant 0 : index
          %get3A_595 = tpu.vector_load %get3A_592[%get3A_593, %get3A_594] {strides = array<i32>} : memref<50x64xf32, #tpu.memory_space<vmem>>, vector<16xf32>,
          %add3A_596 = arith.addf %add3A_560, %get3A_595 : vector<16xf32>
          %get3A_597 = arith.constant 0 : i32
          %get3A_598 = arith.constant 0 : i32
          %get3A_599 = tpu.memref_slice %arg8[%scan3A_96, %get3A_597, %get3A_598] : memref<4x50x64xf32, #tpu.memory_space<vmem>> -> memref<1x50x64xf32, #tpu.memory_space<vmem>>
          %get3A_600 = tpu.memref_squeeze %get3A_599 : memref<1x50x64xf32, #tpu.memory_space<vmem>> -> memref<50x64xf32, #tpu.memory_space<vmem>>
          %get3A_601 = arith.index_cast %add3A_588 : i32 to index
          %get3A_602 = arith.constant 16 : index
          %get3A_603 = tpu.vector_load %get3A_600[%get3A_601, %get3A_602] {strides = array<i32>} : memref<50x64xf32, #tpu.memory_space<vmem>>, vector<16xf32>,
          %add3A_604 = arith.addf %add3A_568, %get3A_603 : vector<16xf32>
          %get3A_605 = arith.constant 0 : i32
          %get3A_606 = arith.constant 0 : i32
          %get3A_607 = tpu.memref_slice %arg8[%scan3A_96, %get3A_605, %get3A_606] : memref<4x50x64xf32, #tpu.memory_space<vmem>> -> memref<1x50x64xf32, #tpu.memory_space<vmem>>
          %get3A_608 = tpu.memref_squeeze %get3A_607 : memref<1x50x64xf32, #tpu.memory_space<vmem>> -> memref<50x64xf32, #tpu.memory_space<vmem>>
          %get3A_609 = arith.index_cast %add3A_588 : i32 to index
          %get3A_610 = arith.constant 32 : index
          %get3A_611 = tpu.vector_load %get3A_608[%get3A_609, %get3A_610] {strides = array<i32>} : memref<50x64xf32, #tpu.memory_space<vmem>>, vector<16xf32>,
          %add3A_612 = arith.addf %add3A_576, %get3A_611 : vector<16xf32>
          %get3A_613 = arith.constant 0 : i32
          %get3A_614 = arith.constant 0 : i32
          %get3A_615 = tpu.memref_slice %arg8[%scan3A_96, %get3A_613, %get3A_614] : memref<4x50x64xf32, #tpu.memory_space<vmem>> -> memref<1x50x64xf32, #tpu.memory_space<vmem>>
          %get3A_616 = tpu.memref_squeeze %get3A_615 : memref<1x50x64xf32, #tpu.memory_space<vmem>> -> memref<50x64xf32, #tpu.memory_space<vmem>>
          %get3A_617 = arith.index_cast %add3A_588 : i32 to index
          %get3A_618 = arith.constant 48 : index
          %get3A_619 = tpu.vector_load %get3A_616[%get3A_617, %get3A_618] {strides = array<i32>} : memref<50x64xf32, #tpu.memory_space<vmem>>, vector<16xf32>,
          %add3A_620 = arith.addf %add3A_584, %get3A_619 : vector<16xf32>
          scf.yield %add3A_596, %add3A_604, %add3A_612, %add3A_620 : vector<16xf32>, vector<16xf32>, vector<16xf32>, vector<16xf32>
        }
        %scan3A_102 = arith.constant 5 : i32
        %swap3A = arith.index_cast %add3A_94 : i32 to index
        %swap3A_103 = arith.constant 0 : index
        %swap3A_104 = tpu.vector_load %arg9[%swap3A, %swap3A_103] {strides = array<i32>} : memref<512x128xf32, #tpu.memory_space<vmem>>, vector<16xf32>,
        tpu.vector_store %arg9[%swap3A, %swap3A_103], %scan3A_101#0 {strides = array<i32>} : memref<512x128xf32, #tpu.memory_space<vmem>>, vector<16xf32>,
        %swap3A_105 = arith.index_cast %add3A_94 : i32 to index
        %swap3A_106 = arith.constant 16 : index
        %swap3A_107 = tpu.vector_load %arg9[%swap3A_105, %swap3A_106] {strides = array<i32>} : memref<512x128xf32, #tpu.memory_space<vmem>>, vector<16xf32>,
        tpu.vector_store %arg9[%swap3A_105, %swap3A_106], %scan3A_101#1 {strides = array<i32>} : memref<512x128xf32, #tpu.memory_space<vmem>>, vector<16xf32>,
        %swap3A_108 = arith.index_cast %add3A_94 : i32 to index
        %swap3A_109 = arith.constant 32 : index
        %swap3A_110 = tpu.vector_load %arg9[%swap3A_108, %swap3A_109] {strides = array<i32>} : memref<512x128xf32, #tpu.memory_space<vmem>>, vector<16xf32>,
        tpu.vector_store %arg9[%swap3A_108, %swap3A_109], %scan3A_101#2 {strides = array<i32>} : memref<512x128xf32, #tpu.memory_space<vmem>>, vector<16xf32>,
        %swap3A_111 = arith.index_cast %add3A_94 : i32 to index
        %swap3A_112 = arith.constant 48 : index
        %swap3A_113 = tpu.vector_load %arg9[%swap3A_111, %swap3A_112] {strides = array<i32>} : memref<512x128xf32, #tpu.memory_space<vmem>>, vector<16xf32>,
        tpu.vector_store %arg9[%swap3A_111, %swap3A_112], %scan3A_101#3 {strides = array<i32>} : memref<512x128xf32, #tpu.memory_space<vmem>>, vector<16xf32>,
        %add3A_114 = arith.constant 4 : i32
        %add3A_115 = arith.addi %add3A_81, %add3A_114 : i32
        %lt3A = arith.constant 256 : i32
        %lt3A_116 = arith.cmpi slt, %add3A_115, %lt3A : i32
        %convert_element_type3A = arith.extui %lt3A_116 : i1 to i32
        %cond3A = arith.constant 0 : i32
        %cond3A_117 = arith.cmpi ne, %convert_element_type3A, %cond3A : i32
        scf.if %cond3A_117 {
          %add3A_257 = arith.constant 4 : i32
          %add3A_258 = arith.addi %add3A_81, %add3A_257 : i32
          %dma_start3A_259 = arith.constant 0 : i32
          %dma_start3A_260 = arith.constant 0 : i32
          %dma_start3A_261 = arith.constant 0 : i32
          %dma_start3A_262 = tpu.memref_slice %arg8[%dma_start3A_259, %dma_start3A_260, %dma_start3A_261] : memref<4x50x64xf32, #tpu.memory_space<vmem>> -> memref<1x50x64xf32, #tpu.memory_space<vmem>>
          %dma_start3A_263 = tpu.memref_squeeze %dma_start3A_262 : memref<1x50x64xf32, #tpu.memory_space<vmem>> -> memref<50x64xf32, #tpu.memory_space<vmem>>
          %dma_start3A_264 = arith.constant 0 : i32
          %dma_start3A_265 = tpu.memref_slice %arg7[%add3A_258, %dma_start3A_264] : memref<256x50xi32, #tpu.memory_space<vmem>> -> memref<1x50xi32, #tpu.memory_space<vmem>>
          %dma_start3A_266 = tpu.memref_squeeze %dma_start3A_265 : memref<1x50xi32, #tpu.memory_space<vmem>> -> memref<50xi32, #tpu.memory_space<vmem>>
          %dma_start3A_267 = arith.constant 0 : i32
          %dma_start3A_268 = arith.constant 0 : i32
          %dma_start3A_269 = tpu.memref_slice %arg4[%dma_start3A_267, %dma_start3A_268] : memref<1000000x64xf32, #tpu.memory_space<hbm>> -> memref<1000000x64xf32, #tpu.memory_space<hbm>>
          tpu.enqueue_indirect_dma source(%dma_start3A_269 : memref<1000000x64xf32, #tpu.memory_space<hbm>>) target(%dma_start3A_263 : memref<50x64xf32, #tpu.memory_space<vmem>>) offsets(%dma_start3A_266 : memref<50xi32, #tpu.memory_space<vmem>>) semaphore(%arg10 : memref<!tpu.dma_semaphore, #tpu.memory_space<semaphore_mem>>)
        } else {
        }
        %mul3A_118 = arith.constant 4 : i32
        %mul3A_119 = arith.muli %mul3A_118, %scan3A_76 : i32
        %add3A_120 = arith.constant 1 : i32
        %add3A_121 = arith.addi %mul3A_119, %add3A_120 : i32
        %dma_wait3A_122 = arith.constant 1 : i32
        %dma_wait3A_123 = arith.constant 0 : i32
        %dma_wait3A_124 = arith.constant 0 : i32
        %dma_wait3A_125 = tpu.memref_slice %arg8[%dma_wait3A_122, %dma_wait3A_123, %dma_wait3A_124] : memref<4x50x64xf32, #tpu.memory_space<vmem>> -> memref<1x50x64xf32, #tpu.memory_space<vmem>>
        %dma_wait3A_126 = tpu.memref_squeeze %dma_wait3A_125 : memref<1x50x64xf32, #tpu.memory_space<vmem>> -> memref<50x64xf32, #tpu.memory_space<vmem>>
        %dma_wait3A_127 = arith.constant 0 : i32
        %dma_wait3A_128 = tpu.memref_slice %arg7[%add3A_121, %dma_wait3A_127] : memref<256x50xi32, #tpu.memory_space<vmem>> -> memref<1x50xi32, #tpu.memory_space<vmem>>
        %dma_wait3A_129 = tpu.memref_squeeze %dma_wait3A_128 : memref<1x50xi32, #tpu.memory_space<vmem>> -> memref<50xi32, #tpu.memory_space<vmem>>
        %dma_wait3A_130 = arith.constant 0 : i32
        %dma_wait3A_131 = arith.constant 0 : i32
        %dma_wait3A_132 = tpu.memref_slice %arg4[%dma_wait3A_130, %dma_wait3A_131] : memref<1000000x64xf32, #tpu.memory_space<hbm>> -> memref<1000000x64xf32, #tpu.memory_space<hbm>>
        tpu.wait_indirect_dma semaphore(%arg11 : memref<!tpu.dma_semaphore, #tpu.memory_space<semaphore_mem>>) src(%dma_wait3A_132 : memref<1000000x64xf32, #tpu.memory_space<hbm>>) dst(%dma_wait3A_126 : memref<50x64xf32, #tpu.memory_space<vmem>>)
        %mul3A_133 = arith.constant 256 : i32
        %mul3A_134 = arith.muli %scan3A_16, %mul3A_133 : i32
        %add3A_135 = arith.addi %mul3A_134, %add3A_121 : i32
        %broadcast_in_dim3A_136 = arith.constant 0.000000e+00 : f32
        %broadcast_in_dim3A_137 = vector.broadcast %broadcast_in_dim3A_136 : f32 to vector<16xf32>
        %scan3A_138 = arith.constant 1 : i32
        %scan3A_139 = arith.constant 0 : i32
        %scan3A_140 = arith.constant 5 : i32
        %scan3A_141 = arith.addi %scan3A_139, %scan3A_140 : i32
        %scan3A_142 = arith.constant 1 : i32
        %scan3A_143:4 = scf.for %scan3A_257 = %scan3A_139 to %scan3A_141 step %scan3A_142 iter_args(%scan3A_258 = %broadcast_in_dim3A_137, %scan3A_259 = %broadcast_in_dim3A_137, %scan3A_260 = %broadcast_in_dim3A_137, %scan3A_261 = %broadcast_in_dim3A_137) -> (vector<16xf32>, vector<16xf32>, vector<16xf32>, vector<16xf32>)  : i32 {
          %mul3A_262 = arith.constant 10 : i32
          %mul3A_263 = arith.muli %scan3A_257, %mul3A_262 : i32
          %add3A_264 = arith.constant 0 : i32
          %add3A_265 = arith.addi %mul3A_263, %add3A_264 : i32
          %get3A = arith.constant 0 : i32
          %get3A_266 = arith.constant 0 : i32
          %get3A_267 = tpu.memref_slice %arg8[%scan3A_138, %get3A, %get3A_266] : memref<4x50x64xf32, #tpu.memory_space<vmem>> -> memref<1x50x64xf32, #tpu.memory_space<vmem>>
          %get3A_268 = tpu.memref_squeeze %get3A_267 : memref<1x50x64xf32, #tpu.memory_space<vmem>> -> memref<50x64xf32, #tpu.memory_space<vmem>>
          %get3A_269 = arith.index_cast %add3A_265 : i32 to index
          %get3A_270 = arith.constant 0 : index
          %get3A_271 = tpu.vector_load %get3A_268[%get3A_269, %get3A_270] {strides = array<i32>} : memref<50x64xf32, #tpu.memory_space<vmem>>, vector<16xf32>,
          %add3A_272 = arith.addf %scan3A_258, %get3A_271 : vector<16xf32>
          %get3A_273 = arith.constant 0 : i32
          %get3A_274 = arith.constant 0 : i32
          %get3A_275 = tpu.memref_slice %arg8[%scan3A_138, %get3A_273, %get3A_274] : memref<4x50x64xf32, #tpu.memory_space<vmem>> -> memref<1x50x64xf32, #tpu.memory_space<vmem>>
          %get3A_276 = tpu.memref_squeeze %get3A_275 : memref<1x50x64xf32, #tpu.memory_space<vmem>> -> memref<50x64xf32, #tpu.memory_space<vmem>>
          %get3A_277 = arith.index_cast %add3A_265 : i32 to index
          %get3A_278 = arith.constant 16 : index
          %get3A_279 = tpu.vector_load %get3A_276[%get3A_277, %get3A_278] {strides = array<i32>} : memref<50x64xf32, #tpu.memory_space<vmem>>, vector<16xf32>,
          %add3A_280 = arith.addf %scan3A_259, %get3A_279 : vector<16xf32>
          %get3A_281 = arith.constant 0 : i32
          %get3A_282 = arith.constant 0 : i32
          %get3A_283 = tpu.memref_slice %arg8[%scan3A_138, %get3A_281, %get3A_282] : memref<4x50x64xf32, #tpu.memory_space<vmem>> -> memref<1x50x64xf32, #tpu.memory_space<vmem>>
          %get3A_284 = tpu.memref_squeeze %get3A_283 : memref<1x50x64xf32, #tpu.memory_space<vmem>> -> memref<50x64xf32, #tpu.memory_space<vmem>>
          %get3A_285 = arith.index_cast %add3A_265 : i32 to index
          %get3A_286 = arith.constant 32 : index
          %get3A_287 = tpu.vector_load %get3A_284[%get3A_285, %get3A_286] {strides = array<i32>} : memref<50x64xf32, #tpu.memory_space<vmem>>, vector<16xf32>,
          %add3A_288 = arith.addf %scan3A_260, %get3A_287 : vector<16xf32>
          %get3A_289 = arith.constant 0 : i32
          %get3A_290 = arith.constant 0 : i32
          %get3A_291 = tpu.memref_slice %arg8[%scan3A_138, %get3A_289, %get3A_290] : memref<4x50x64xf32, #tpu.memory_space<vmem>> -> memref<1x50x64xf32, #tpu.memory_space<vmem>>
          %get3A_292 = tpu.memref_squeeze %get3A_291 : memref<1x50x64xf32, #tpu.memory_space<vmem>> -> memref<50x64xf32, #tpu.memory_space<vmem>>
          %get3A_293 = arith.index_cast %add3A_265 : i32 to index
          %get3A_294 = arith.constant 48 : index
          %get3A_295 = tpu.vector_load %get3A_292[%get3A_293, %get3A_294] {strides = array<i32>} : memref<50x64xf32, #tpu.memory_space<vmem>>, vector<16xf32>,
          %add3A_296 = arith.addf %scan3A_261, %get3A_295 : vector<16xf32>
          %mul3A_297 = arith.constant 10 : i32
          %mul3A_298 = arith.muli %scan3A_257, %mul3A_297 : i32
          %add3A_299 = arith.constant 1 : i32
          %add3A_300 = arith.addi %mul3A_298, %add3A_299 : i32
          %get3A_301 = arith.constant 0 : i32
          %get3A_302 = arith.constant 0 : i32
          %get3A_303 = tpu.memref_slice %arg8[%scan3A_138, %get3A_301, %get3A_302] : memref<4x50x64xf32, #tpu.memory_space<vmem>> -> memref<1x50x64xf32, #tpu.memory_space<vmem>>
          %get3A_304 = tpu.memref_squeeze %get3A_303 : memref<1x50x64xf32, #tpu.memory_space<vmem>> -> memref<50x64xf32, #tpu.memory_space<vmem>>
          %get3A_305 = arith.index_cast %add3A_300 : i32 to index
          %get3A_306 = arith.constant 0 : index
          %get3A_307 = tpu.vector_load %get3A_304[%get3A_305, %get3A_306] {strides = array<i32>} : memref<50x64xf32, #tpu.memory_space<vmem>>, vector<16xf32>,
          %add3A_308 = arith.addf %add3A_272, %get3A_307 : vector<16xf32>
          %get3A_309 = arith.constant 0 : i32
          %get3A_310 = arith.constant 0 : i32
          %get3A_311 = tpu.memref_slice %arg8[%scan3A_138, %get3A_309, %get3A_310] : memref<4x50x64xf32, #tpu.memory_space<vmem>> -> memref<1x50x64xf32, #tpu.memory_space<vmem>>
          %get3A_312 = tpu.memref_squeeze %get3A_311 : memref<1x50x64xf32, #tpu.memory_space<vmem>> -> memref<50x64xf32, #tpu.memory_space<vmem>>
          %get3A_313 = arith.index_cast %add3A_300 : i32 to index
          %get3A_314 = arith.constant 16 : index
          %get3A_315 = tpu.vector_load %get3A_312[%get3A_313, %get3A_314] {strides = array<i32>} : memref<50x64xf32, #tpu.memory_space<vmem>>, vector<16xf32>,
          %add3A_316 = arith.addf %add3A_280, %get3A_315 : vector<16xf32>
          %get3A_317 = arith.constant 0 : i32
          %get3A_318 = arith.constant 0 : i32
          %get3A_319 = tpu.memref_slice %arg8[%scan3A_138, %get3A_317, %get3A_318] : memref<4x50x64xf32, #tpu.memory_space<vmem>> -> memref<1x50x64xf32, #tpu.memory_space<vmem>>
          %get3A_320 = tpu.memref_squeeze %get3A_319 : memref<1x50x64xf32, #tpu.memory_space<vmem>> -> memref<50x64xf32, #tpu.memory_space<vmem>>
          %get3A_321 = arith.index_cast %add3A_300 : i32 to index
          %get3A_322 = arith.constant 32 : index
          %get3A_323 = tpu.vector_load %get3A_320[%get3A_321, %get3A_322] {strides = array<i32>} : memref<50x64xf32, #tpu.memory_space<vmem>>, vector<16xf32>,
          %add3A_324 = arith.addf %add3A_288, %get3A_323 : vector<16xf32>
          %get3A_325 = arith.constant 0 : i32
          %get3A_326 = arith.constant 0 : i32
          %get3A_327 = tpu.memref_slice %arg8[%scan3A_138, %get3A_325, %get3A_326] : memref<4x50x64xf32, #tpu.memory_space<vmem>> -> memref<1x50x64xf32, #tpu.memory_space<vmem>>
          %get3A_328 = tpu.memref_squeeze %get3A_327 : memref<1x50x64xf32, #tpu.memory_space<vmem>> -> memref<50x64xf32, #tpu.memory_space<vmem>>
          %get3A_329 = arith.index_cast %add3A_300 : i32 to index
          %get3A_330 = arith.constant 48 : index
          %get3A_331 = tpu.vector_load %get3A_328[%get3A_329, %get3A_330] {strides = array<i32>} : memref<50x64xf32, #tpu.memory_space<vmem>>, vector<16xf32>,
          %add3A_332 = arith.addf %add3A_296, %get3A_331 : vector<16xf32>
          %mul3A_333 = arith.constant 10 : i32
          %mul3A_334 = arith.muli %scan3A_257, %mul3A_333 : i32
          %add3A_335 = arith.constant 2 : i32
          %add3A_336 = arith.addi %mul3A_334, %add3A_335 : i32
          %get3A_337 = arith.constant 0 : i32
          %get3A_338 = arith.constant 0 : i32
          %get3A_339 = tpu.memref_slice %arg8[%scan3A_138, %get3A_337, %get3A_338] : memref<4x50x64xf32, #tpu.memory_space<vmem>> -> memref<1x50x64xf32, #tpu.memory_space<vmem>>
          %get3A_340 = tpu.memref_squeeze %get3A_339 : memref<1x50x64xf32, #tpu.memory_space<vmem>> -> memref<50x64xf32, #tpu.memory_space<vmem>>
          %get3A_341 = arith.index_cast %add3A_336 : i32 to index
          %get3A_342 = arith.constant 0 : index
          %get3A_343 = tpu.vector_load %get3A_340[%get3A_341, %get3A_342] {strides = array<i32>} : memref<50x64xf32, #tpu.memory_space<vmem>>, vector<16xf32>,
          %add3A_344 = arith.addf %add3A_308, %get3A_343 : vector<16xf32>
          %get3A_345 = arith.constant 0 : i32
          %get3A_346 = arith.constant 0 : i32
          %get3A_347 = tpu.memref_slice %arg8[%scan3A_138, %get3A_345, %get3A_346] : memref<4x50x64xf32, #tpu.memory_space<vmem>> -> memref<1x50x64xf32, #tpu.memory_space<vmem>>
          %get3A_348 = tpu.memref_squeeze %get3A_347 : memref<1x50x64xf32, #tpu.memory_space<vmem>> -> memref<50x64xf32, #tpu.memory_space<vmem>>
          %get3A_349 = arith.index_cast %add3A_336 : i32 to index
          %get3A_350 = arith.constant 16 : index
          %get3A_351 = tpu.vector_load %get3A_348[%get3A_349, %get3A_350] {strides = array<i32>} : memref<50x64xf32, #tpu.memory_space<vmem>>, vector<16xf32>,
          %add3A_352 = arith.addf %add3A_316, %get3A_351 : vector<16xf32>
          %get3A_353 = arith.constant 0 : i32
          %get3A_354 = arith.constant 0 : i32
          %get3A_355 = tpu.memref_slice %arg8[%scan3A_138, %get3A_353, %get3A_354] : memref<4x50x64xf32, #tpu.memory_space<vmem>> -> memref<1x50x64xf32, #tpu.memory_space<vmem>>
          %get3A_356 = tpu.memref_squeeze %get3A_355 : memref<1x50x64xf32, #tpu.memory_space<vmem>> -> memref<50x64xf32, #tpu.memory_space<vmem>>
          %get3A_357 = arith.index_cast %add3A_336 : i32 to index
          %get3A_358 = arith.constant 32 : index
          %get3A_359 = tpu.vector_load %get3A_356[%get3A_357, %get3A_358] {strides = array<i32>} : memref<50x64xf32, #tpu.memory_space<vmem>>, vector<16xf32>,
          %add3A_360 = arith.addf %add3A_324, %get3A_359 : vector<16xf32>
          %get3A_361 = arith.constant 0 : i32
          %get3A_362 = arith.constant 0 : i32
          %get3A_363 = tpu.memref_slice %arg8[%scan3A_138, %get3A_361, %get3A_362] : memref<4x50x64xf32, #tpu.memory_space<vmem>> -> memref<1x50x64xf32, #tpu.memory_space<vmem>>
          %get3A_364 = tpu.memref_squeeze %get3A_363 : memref<1x50x64xf32, #tpu.memory_space<vmem>> -> memref<50x64xf32, #tpu.memory_space<vmem>>
          %get3A_365 = arith.index_cast %add3A_336 : i32 to index
          %get3A_366 = arith.constant 48 : index
          %get3A_367 = tpu.vector_load %get3A_364[%get3A_365, %get3A_366] {strides = array<i32>} : memref<50x64xf32, #tpu.memory_space<vmem>>, vector<16xf32>,
          %add3A_368 = arith.addf %add3A_332, %get3A_367 : vector<16xf32>
          %mul3A_369 = arith.constant 10 : i32
          %mul3A_370 = arith.muli %scan3A_257, %mul3A_369 : i32
          %add3A_371 = arith.constant 3 : i32
          %add3A_372 = arith.addi %mul3A_370, %add3A_371 : i32
          %get3A_373 = arith.constant 0 : i32
          %get3A_374 = arith.constant 0 : i32
          %get3A_375 = tpu.memref_slice %arg8[%scan3A_138, %get3A_373, %get3A_374] : memref<4x50x64xf32, #tpu.memory_space<vmem>> -> memref<1x50x64xf32, #tpu.memory_space<vmem>>
          %get3A_376 = tpu.memref_squeeze %get3A_375 : memref<1x50x64xf32, #tpu.memory_space<vmem>> -> memref<50x64xf32, #tpu.memory_space<vmem>>
          %get3A_377 = arith.index_cast %add3A_372 : i32 to index
          %get3A_378 = arith.constant 0 : index
          %get3A_379 = tpu.vector_load %get3A_376[%get3A_377, %get3A_378] {strides = array<i32>} : memref<50x64xf32, #tpu.memory_space<vmem>>, vector<16xf32>,
          %add3A_380 = arith.addf %add3A_344, %get3A_379 : vector<16xf32>
          %get3A_381 = arith.constant 0 : i32
          %get3A_382 = arith.constant 0 : i32
          %get3A_383 = tpu.memref_slice %arg8[%scan3A_138, %get3A_381, %get3A_382] : memref<4x50x64xf32, #tpu.memory_space<vmem>> -> memref<1x50x64xf32, #tpu.memory_space<vmem>>
          %get3A_384 = tpu.memref_squeeze %get3A_383 : memref<1x50x64xf32, #tpu.memory_space<vmem>> -> memref<50x64xf32, #tpu.memory_space<vmem>>
          %get3A_385 = arith.index_cast %add3A_372 : i32 to index
          %get3A_386 = arith.constant 16 : index
          %get3A_387 = tpu.vector_load %get3A_384[%get3A_385, %get3A_386] {strides = array<i32>} : memref<50x64xf32, #tpu.memory_space<vmem>>, vector<16xf32>,
          %add3A_388 = arith.addf %add3A_352, %get3A_387 : vector<16xf32>
          %get3A_389 = arith.constant 0 : i32
          %get3A_390 = arith.constant 0 : i32
          %get3A_391 = tpu.memref_slice %arg8[%scan3A_138, %get3A_389, %get3A_390] : memref<4x50x64xf32, #tpu.memory_space<vmem>> -> memref<1x50x64xf32, #tpu.memory_space<vmem>>
          %get3A_392 = tpu.memref_squeeze %get3A_391 : memref<1x50x64xf32, #tpu.memory_space<vmem>> -> memref<50x64xf32, #tpu.memory_space<vmem>>
          %get3A_393 = arith.index_cast %add3A_372 : i32 to index
          %get3A_394 = arith.constant 32 : index
          %get3A_395 = tpu.vector_load %get3A_392[%get3A_393, %get3A_394] {strides = array<i32>} : memref<50x64xf32, #tpu.memory_space<vmem>>, vector<16xf32>,
          %add3A_396 = arith.addf %add3A_360, %get3A_395 : vector<16xf32>
          %get3A_397 = arith.constant 0 : i32
          %get3A_398 = arith.constant 0 : i32
          %get3A_399 = tpu.memref_slice %arg8[%scan3A_138, %get3A_397, %get3A_398] : memref<4x50x64xf32, #tpu.memory_space<vmem>> -> memref<1x50x64xf32, #tpu.memory_space<vmem>>
          %get3A_400 = tpu.memref_squeeze %get3A_399 : memref<1x50x64xf32, #tpu.memory_space<vmem>> -> memref<50x64xf32, #tpu.memory_space<vmem>>
          %get3A_401 = arith.index_cast %add3A_372 : i32 to index
          %get3A_402 = arith.constant 48 : index
          %get3A_403 = tpu.vector_load %get3A_400[%get3A_401, %get3A_402] {strides = array<i32>} : memref<50x64xf32, #tpu.memory_space<vmem>>, vector<16xf32>,
          %add3A_404 = arith.addf %add3A_368, %get3A_403 : vector<16xf32>
          %mul3A_405 = arith.constant 10 : i32
          %mul3A_406 = arith.muli %scan3A_257, %mul3A_405 : i32
          %add3A_407 = arith.constant 4 : i32
          %add3A_408 = arith.addi %mul3A_406, %add3A_407 : i32
          %get3A_409 = arith.constant 0 : i32
          %get3A_410 = arith.constant 0 : i32
          %get3A_411 = tpu.memref_slice %arg8[%scan3A_138, %get3A_409, %get3A_410] : memref<4x50x64xf32, #tpu.memory_space<vmem>> -> memref<1x50x64xf32, #tpu.memory_space<vmem>>
          %get3A_412 = tpu.memref_squeeze %get3A_411 : memref<1x50x64xf32, #tpu.memory_space<vmem>> -> memref<50x64xf32, #tpu.memory_space<vmem>>
          %get3A_413 = arith.index_cast %add3A_408 : i32 to index
          %get3A_414 = arith.constant 0 : index
          %get3A_415 = tpu.vector_load %get3A_412[%get3A_413, %get3A_414] {strides = array<i32>} : memref<50x64xf32, #tpu.memory_space<vmem>>, vector<16xf32>,
          %add3A_416 = arith.addf %add3A_380, %get3A_415 : vector<16xf32>
          %get3A_417 = arith.constant 0 : i32
          %get3A_418 = arith.constant 0 : i32
          %get3A_419 = tpu.memref_slice %arg8[%scan3A_138, %get3A_417, %get3A_418] : memref<4x50x64xf32, #tpu.memory_space<vmem>> -> memref<1x50x64xf32, #tpu.memory_space<vmem>>
          %get3A_420 = tpu.memref_squeeze %get3A_419 : memref<1x50x64xf32, #tpu.memory_space<vmem>> -> memref<50x64xf32, #tpu.memory_space<vmem>>
          %get3A_421 = arith.index_cast %add3A_408 : i32 to index
          %get3A_422 = arith.constant 16 : index
          %get3A_423 = tpu.vector_load %get3A_420[%get3A_421, %get3A_422] {strides = array<i32>} : memref<50x64xf32, #tpu.memory_space<vmem>>, vector<16xf32>,
          %add3A_424 = arith.addf %add3A_388, %get3A_423 : vector<16xf32>
          %get3A_425 = arith.constant 0 : i32
          %get3A_426 = arith.constant 0 : i32
          %get3A_427 = tpu.memref_slice %arg8[%scan3A_138, %get3A_425, %get3A_426] : memref<4x50x64xf32, #tpu.memory_space<vmem>> -> memref<1x50x64xf32, #tpu.memory_space<vmem>>
          %get3A_428 = tpu.memref_squeeze %get3A_427 : memref<1x50x64xf32, #tpu.memory_space<vmem>> -> memref<50x64xf32, #tpu.memory_space<vmem>>
          %get3A_429 = arith.index_cast %add3A_408 : i32 to index
          %get3A_430 = arith.constant 32 : index
          %get3A_431 = tpu.vector_load %get3A_428[%get3A_429, %get3A_430] {strides = array<i32>} : memref<50x64xf32, #tpu.memory_space<vmem>>, vector<16xf32>,
          %add3A_432 = arith.addf %add3A_396, %get3A_431 : vector<16xf32>
          %get3A_433 = arith.constant 0 : i32
          %get3A_434 = arith.constant 0 : i32
          %get3A_435 = tpu.memref_slice %arg8[%scan3A_138, %get3A_433, %get3A_434] : memref<4x50x64xf32, #tpu.memory_space<vmem>> -> memref<1x50x64xf32, #tpu.memory_space<vmem>>
          %get3A_436 = tpu.memref_squeeze %get3A_435 : memref<1x50x64xf32, #tpu.memory_space<vmem>> -> memref<50x64xf32, #tpu.memory_space<vmem>>
          %get3A_437 = arith.index_cast %add3A_408 : i32 to index
          %get3A_438 = arith.constant 48 : index
          %get3A_439 = tpu.vector_load %get3A_436[%get3A_437, %get3A_438] {strides = array<i32>} : memref<50x64xf32, #tpu.memory_space<vmem>>, vector<16xf32>,
          %add3A_440 = arith.addf %add3A_404, %get3A_439 : vector<16xf32>
          %mul3A_441 = arith.constant 10 : i32
          %mul3A_442 = arith.muli %scan3A_257, %mul3A_441 : i32
          %add3A_443 = arith.constant 5 : i32
          %add3A_444 = arith.addi %mul3A_442, %add3A_443 : i32
          %get3A_445 = arith.constant 0 : i32
          %get3A_446 = arith.constant 0 : i32
          %get3A_447 = tpu.memref_slice %arg8[%scan3A_138, %get3A_445, %get3A_446] : memref<4x50x64xf32, #tpu.memory_space<vmem>> -> memref<1x50x64xf32, #tpu.memory_space<vmem>>
          %get3A_448 = tpu.memref_squeeze %get3A_447 : memref<1x50x64xf32, #tpu.memory_space<vmem>> -> memref<50x64xf32, #tpu.memory_space<vmem>>
          %get3A_449 = arith.index_cast %add3A_444 : i32 to index
          %get3A_450 = arith.constant 0 : index
          %get3A_451 = tpu.vector_load %get3A_448[%get3A_449, %get3A_450] {strides = array<i32>} : memref<50x64xf32, #tpu.memory_space<vmem>>, vector<16xf32>,
          %add3A_452 = arith.addf %add3A_416, %get3A_451 : vector<16xf32>
          %get3A_453 = arith.constant 0 : i32
          %get3A_454 = arith.constant 0 : i32
          %get3A_455 = tpu.memref_slice %arg8[%scan3A_138, %get3A_453, %get3A_454] : memref<4x50x64xf32, #tpu.memory_space<vmem>> -> memref<1x50x64xf32, #tpu.memory_space<vmem>>
          %get3A_456 = tpu.memref_squeeze %get3A_455 : memref<1x50x64xf32, #tpu.memory_space<vmem>> -> memref<50x64xf32, #tpu.memory_space<vmem>>
          %get3A_457 = arith.index_cast %add3A_444 : i32 to index
          %get3A_458 = arith.constant 16 : index
          %get3A_459 = tpu.vector_load %get3A_456[%get3A_457, %get3A_458] {strides = array<i32>} : memref<50x64xf32, #tpu.memory_space<vmem>>, vector<16xf32>,
          %add3A_460 = arith.addf %add3A_424, %get3A_459 : vector<16xf32>
          %get3A_461 = arith.constant 0 : i32
          %get3A_462 = arith.constant 0 : i32
          %get3A_463 = tpu.memref_slice %arg8[%scan3A_138, %get3A_461, %get3A_462] : memref<4x50x64xf32, #tpu.memory_space<vmem>> -> memref<1x50x64xf32, #tpu.memory_space<vmem>>
          %get3A_464 = tpu.memref_squeeze %get3A_463 : memref<1x50x64xf32, #tpu.memory_space<vmem>> -> memref<50x64xf32, #tpu.memory_space<vmem>>
          %get3A_465 = arith.index_cast %add3A_444 : i32 to index
          %get3A_466 = arith.constant 32 : index
          %get3A_467 = tpu.vector_load %get3A_464[%get3A_465, %get3A_466] {strides = array<i32>} : memref<50x64xf32, #tpu.memory_space<vmem>>, vector<16xf32>,
          %add3A_468 = arith.addf %add3A_432, %get3A_467 : vector<16xf32>
          %get3A_469 = arith.constant 0 : i32
          %get3A_470 = arith.constant 0 : i32
          %get3A_471 = tpu.memref_slice %arg8[%scan3A_138, %get3A_469, %get3A_470] : memref<4x50x64xf32, #tpu.memory_space<vmem>> -> memref<1x50x64xf32, #tpu.memory_space<vmem>>
          %get3A_472 = tpu.memref_squeeze %get3A_471 : memref<1x50x64xf32, #tpu.memory_space<vmem>> -> memref<50x64xf32, #tpu.memory_space<vmem>>
          %get3A_473 = arith.index_cast %add3A_444 : i32 to index
          %get3A_474 = arith.constant 48 : index
          %get3A_475 = tpu.vector_load %get3A_472[%get3A_473, %get3A_474] {strides = array<i32>} : memref<50x64xf32, #tpu.memory_space<vmem>>, vector<16xf32>,
          %add3A_476 = arith.addf %add3A_440, %get3A_475 : vector<16xf32>
          %mul3A_477 = arith.constant 10 : i32
          %mul3A_478 = arith.muli %scan3A_257, %mul3A_477 : i32
          %add3A_479 = arith.constant 6 : i32
          %add3A_480 = arith.addi %mul3A_478, %add3A_479 : i32
          %get3A_481 = arith.constant 0 : i32
          %get3A_482 = arith.constant 0 : i32
          %get3A_483 = tpu.memref_slice %arg8[%scan3A_138, %get3A_481, %get3A_482] : memref<4x50x64xf32, #tpu.memory_space<vmem>> -> memref<1x50x64xf32, #tpu.memory_space<vmem>>
          %get3A_484 = tpu.memref_squeeze %get3A_483 : memref<1x50x64xf32, #tpu.memory_space<vmem>> -> memref<50x64xf32, #tpu.memory_space<vmem>>
          %get3A_485 = arith.index_cast %add3A_480 : i32 to index
          %get3A_486 = arith.constant 0 : index
          %get3A_487 = tpu.vector_load %get3A_484[%get3A_485, %get3A_486] {strides = array<i32>} : memref<50x64xf32, #tpu.memory_space<vmem>>, vector<16xf32>,
          %add3A_488 = arith.addf %add3A_452, %get3A_487 : vector<16xf32>
          %get3A_489 = arith.constant 0 : i32
          %get3A_490 = arith.constant 0 : i32
          %get3A_491 = tpu.memref_slice %arg8[%scan3A_138, %get3A_489, %get3A_490] : memref<4x50x64xf32, #tpu.memory_space<vmem>> -> memref<1x50x64xf32, #tpu.memory_space<vmem>>
          %get3A_492 = tpu.memref_squeeze %get3A_491 : memref<1x50x64xf32, #tpu.memory_space<vmem>> -> memref<50x64xf32, #tpu.memory_space<vmem>>
          %get3A_493 = arith.index_cast %add3A_480 : i32 to index
          %get3A_494 = arith.constant 16 : index
          %get3A_495 = tpu.vector_load %get3A_492[%get3A_493, %get3A_494] {strides = array<i32>} : memref<50x64xf32, #tpu.memory_space<vmem>>, vector<16xf32>,
          %add3A_496 = arith.addf %add3A_460, %get3A_495 : vector<16xf32>
          %get3A_497 = arith.constant 0 : i32
          %get3A_498 = arith.constant 0 : i32
          %get3A_499 = tpu.memref_slice %arg8[%scan3A_138, %get3A_497, %get3A_498] : memref<4x50x64xf32, #tpu.memory_space<vmem>> -> memref<1x50x64xf32, #tpu.memory_space<vmem>>
          %get3A_500 = tpu.memref_squeeze %get3A_499 : memref<1x50x64xf32, #tpu.memory_space<vmem>> -> memref<50x64xf32, #tpu.memory_space<vmem>>
          %get3A_501 = arith.index_cast %add3A_480 : i32 to index
          %get3A_502 = arith.constant 32 : index
          %get3A_503 = tpu.vector_load %get3A_500[%get3A_501, %get3A_502] {strides = array<i32>} : memref<50x64xf32, #tpu.memory_space<vmem>>, vector<16xf32>,
          %add3A_504 = arith.addf %add3A_468, %get3A_503 : vector<16xf32>
          %get3A_505 = arith.constant 0 : i32
          %get3A_506 = arith.constant 0 : i32
          %get3A_507 = tpu.memref_slice %arg8[%scan3A_138, %get3A_505, %get3A_506] : memref<4x50x64xf32, #tpu.memory_space<vmem>> -> memref<1x50x64xf32, #tpu.memory_space<vmem>>
          %get3A_508 = tpu.memref_squeeze %get3A_507 : memref<1x50x64xf32, #tpu.memory_space<vmem>> -> memref<50x64xf32, #tpu.memory_space<vmem>>
          %get3A_509 = arith.index_cast %add3A_480 : i32 to index
          %get3A_510 = arith.constant 48 : index
          %get3A_511 = tpu.vector_load %get3A_508[%get3A_509, %get3A_510] {strides = array<i32>} : memref<50x64xf32, #tpu.memory_space<vmem>>, vector<16xf32>,
          %add3A_512 = arith.addf %add3A_476, %get3A_511 : vector<16xf32>
          %mul3A_513 = arith.constant 10 : i32
          %mul3A_514 = arith.muli %scan3A_257, %mul3A_513 : i32
          %add3A_515 = arith.constant 7 : i32
          %add3A_516 = arith.addi %mul3A_514, %add3A_515 : i32
          %get3A_517 = arith.constant 0 : i32
          %get3A_518 = arith.constant 0 : i32
          %get3A_519 = tpu.memref_slice %arg8[%scan3A_138, %get3A_517, %get3A_518] : memref<4x50x64xf32, #tpu.memory_space<vmem>> -> memref<1x50x64xf32, #tpu.memory_space<vmem>>
          %get3A_520 = tpu.memref_squeeze %get3A_519 : memref<1x50x64xf32, #tpu.memory_space<vmem>> -> memref<50x64xf32, #tpu.memory_space<vmem>>
          %get3A_521 = arith.index_cast %add3A_516 : i32 to index
          %get3A_522 = arith.constant 0 : index
          %get3A_523 = tpu.vector_load %get3A_520[%get3A_521, %get3A_522] {strides = array<i32>} : memref<50x64xf32, #tpu.memory_space<vmem>>, vector<16xf32>,
          %add3A_524 = arith.addf %add3A_488, %get3A_523 : vector<16xf32>
          %get3A_525 = arith.constant 0 : i32
          %get3A_526 = arith.constant 0 : i32
          %get3A_527 = tpu.memref_slice %arg8[%scan3A_138, %get3A_525, %get3A_526] : memref<4x50x64xf32, #tpu.memory_space<vmem>> -> memref<1x50x64xf32, #tpu.memory_space<vmem>>
          %get3A_528 = tpu.memref_squeeze %get3A_527 : memref<1x50x64xf32, #tpu.memory_space<vmem>> -> memref<50x64xf32, #tpu.memory_space<vmem>>
          %get3A_529 = arith.index_cast %add3A_516 : i32 to index
          %get3A_530 = arith.constant 16 : index
          %get3A_531 = tpu.vector_load %get3A_528[%get3A_529, %get3A_530] {strides = array<i32>} : memref<50x64xf32, #tpu.memory_space<vmem>>, vector<16xf32>,
          %add3A_532 = arith.addf %add3A_496, %get3A_531 : vector<16xf32>
          %get3A_533 = arith.constant 0 : i32
          %get3A_534 = arith.constant 0 : i32
          %get3A_535 = tpu.memref_slice %arg8[%scan3A_138, %get3A_533, %get3A_534] : memref<4x50x64xf32, #tpu.memory_space<vmem>> -> memref<1x50x64xf32, #tpu.memory_space<vmem>>
          %get3A_536 = tpu.memref_squeeze %get3A_535 : memref<1x50x64xf32, #tpu.memory_space<vmem>> -> memref<50x64xf32, #tpu.memory_space<vmem>>
          %get3A_537 = arith.index_cast %add3A_516 : i32 to index
          %get3A_538 = arith.constant 32 : index
          %get3A_539 = tpu.vector_load %get3A_536[%get3A_537, %get3A_538] {strides = array<i32>} : memref<50x64xf32, #tpu.memory_space<vmem>>, vector<16xf32>,
          %add3A_540 = arith.addf %add3A_504, %get3A_539 : vector<16xf32>
          %get3A_541 = arith.constant 0 : i32
          %get3A_542 = arith.constant 0 : i32
          %get3A_543 = tpu.memref_slice %arg8[%scan3A_138, %get3A_541, %get3A_542] : memref<4x50x64xf32, #tpu.memory_space<vmem>> -> memref<1x50x64xf32, #tpu.memory_space<vmem>>
          %get3A_544 = tpu.memref_squeeze %get3A_543 : memref<1x50x64xf32, #tpu.memory_space<vmem>> -> memref<50x64xf32, #tpu.memory_space<vmem>>
          %get3A_545 = arith.index_cast %add3A_516 : i32 to index
          %get3A_546 = arith.constant 48 : index
          %get3A_547 = tpu.vector_load %get3A_544[%get3A_545, %get3A_546] {strides = array<i32>} : memref<50x64xf32, #tpu.memory_space<vmem>>, vector<16xf32>,
          %add3A_548 = arith.addf %add3A_512, %get3A_547 : vector<16xf32>
          %mul3A_549 = arith.constant 10 : i32
          %mul3A_550 = arith.muli %scan3A_257, %mul3A_549 : i32
          %add3A_551 = arith.constant 8 : i32
          %add3A_552 = arith.addi %mul3A_550, %add3A_551 : i32
          %get3A_553 = arith.constant 0 : i32
          %get3A_554 = arith.constant 0 : i32
          %get3A_555 = tpu.memref_slice %arg8[%scan3A_138, %get3A_553, %get3A_554] : memref<4x50x64xf32, #tpu.memory_space<vmem>> -> memref<1x50x64xf32, #tpu.memory_space<vmem>>
          %get3A_556 = tpu.memref_squeeze %get3A_555 : memref<1x50x64xf32, #tpu.memory_space<vmem>> -> memref<50x64xf32, #tpu.memory_space<vmem>>
          %get3A_557 = arith.index_cast %add3A_552 : i32 to index
          %get3A_558 = arith.constant 0 : index
          %get3A_559 = tpu.vector_load %get3A_556[%get3A_557, %get3A_558] {strides = array<i32>} : memref<50x64xf32, #tpu.memory_space<vmem>>, vector<16xf32>,
          %add3A_560 = arith.addf %add3A_524, %get3A_559 : vector<16xf32>
          %get3A_561 = arith.constant 0 : i32
          %get3A_562 = arith.constant 0 : i32
          %get3A_563 = tpu.memref_slice %arg8[%scan3A_138, %get3A_561, %get3A_562] : memref<4x50x64xf32, #tpu.memory_space<vmem>> -> memref<1x50x64xf32, #tpu.memory_space<vmem>>
          %get3A_564 = tpu.memref_squeeze %get3A_563 : memref<1x50x64xf32, #tpu.memory_space<vmem>> -> memref<50x64xf32, #tpu.memory_space<vmem>>
          %get3A_565 = arith.index_cast %add3A_552 : i32 to index
          %get3A_566 = arith.constant 16 : index
          %get3A_567 = tpu.vector_load %get3A_564[%get3A_565, %get3A_566] {strides = array<i32>} : memref<50x64xf32, #tpu.memory_space<vmem>>, vector<16xf32>,
          %add3A_568 = arith.addf %add3A_532, %get3A_567 : vector<16xf32>
          %get3A_569 = arith.constant 0 : i32
          %get3A_570 = arith.constant 0 : i32
          %get3A_571 = tpu.memref_slice %arg8[%scan3A_138, %get3A_569, %get3A_570] : memref<4x50x64xf32, #tpu.memory_space<vmem>> -> memref<1x50x64xf32, #tpu.memory_space<vmem>>
          %get3A_572 = tpu.memref_squeeze %get3A_571 : memref<1x50x64xf32, #tpu.memory_space<vmem>> -> memref<50x64xf32, #tpu.memory_space<vmem>>
          %get3A_573 = arith.index_cast %add3A_552 : i32 to index
          %get3A_574 = arith.constant 32 : index
          %get3A_575 = tpu.vector_load %get3A_572[%get3A_573, %get3A_574] {strides = array<i32>} : memref<50x64xf32, #tpu.memory_space<vmem>>, vector<16xf32>,
          %add3A_576 = arith.addf %add3A_540, %get3A_575 : vector<16xf32>
          %get3A_577 = arith.constant 0 : i32
          %get3A_578 = arith.constant 0 : i32
          %get3A_579 = tpu.memref_slice %arg8[%scan3A_138, %get3A_577, %get3A_578] : memref<4x50x64xf32, #tpu.memory_space<vmem>> -> memref<1x50x64xf32, #tpu.memory_space<vmem>>
          %get3A_580 = tpu.memref_squeeze %get3A_579 : memref<1x50x64xf32, #tpu.memory_space<vmem>> -> memref<50x64xf32, #tpu.memory_space<vmem>>
          %get3A_581 = arith.index_cast %add3A_552 : i32 to index
          %get3A_582 = arith.constant 48 : index
          %get3A_583 = tpu.vector_load %get3A_580[%get3A_581, %get3A_582] {strides = array<i32>} : memref<50x64xf32, #tpu.memory_space<vmem>>, vector<16xf32>,
          %add3A_584 = arith.addf %add3A_548, %get3A_583 : vector<16xf32>
          %mul3A_585 = arith.constant 10 : i32
          %mul3A_586 = arith.muli %scan3A_257, %mul3A_585 : i32
          %add3A_587 = arith.constant 9 : i32
          %add3A_588 = arith.addi %mul3A_586, %add3A_587 : i32
          %get3A_589 = arith.constant 0 : i32
          %get3A_590 = arith.constant 0 : i32
          %get3A_591 = tpu.memref_slice %arg8[%scan3A_138, %get3A_589, %get3A_590] : memref<4x50x64xf32, #tpu.memory_space<vmem>> -> memref<1x50x64xf32, #tpu.memory_space<vmem>>
          %get3A_592 = tpu.memref_squeeze %get3A_591 : memref<1x50x64xf32, #tpu.memory_space<vmem>> -> memref<50x64xf32, #tpu.memory_space<vmem>>
          %get3A_593 = arith.index_cast %add3A_588 : i32 to index
          %get3A_594 = arith.constant 0 : index
          %get3A_595 = tpu.vector_load %get3A_592[%get3A_593, %get3A_594] {strides = array<i32>} : memref<50x64xf32, #tpu.memory_space<vmem>>, vector<16xf32>,
          %add3A_596 = arith.addf %add3A_560, %get3A_595 : vector<16xf32>
          %get3A_597 = arith.constant 0 : i32
          %get3A_598 = arith.constant 0 : i32
          %get3A_599 = tpu.memref_slice %arg8[%scan3A_138, %get3A_597, %get3A_598] : memref<4x50x64xf32, #tpu.memory_space<vmem>> -> memref<1x50x64xf32, #tpu.memory_space<vmem>>
          %get3A_600 = tpu.memref_squeeze %get3A_599 : memref<1x50x64xf32, #tpu.memory_space<vmem>> -> memref<50x64xf32, #tpu.memory_space<vmem>>
          %get3A_601 = arith.index_cast %add3A_588 : i32 to index
          %get3A_602 = arith.constant 16 : index
          %get3A_603 = tpu.vector_load %get3A_600[%get3A_601, %get3A_602] {strides = array<i32>} : memref<50x64xf32, #tpu.memory_space<vmem>>, vector<16xf32>,
          %add3A_604 = arith.addf %add3A_568, %get3A_603 : vector<16xf32>
          %get3A_605 = arith.constant 0 : i32
          %get3A_606 = arith.constant 0 : i32
          %get3A_607 = tpu.memref_slice %arg8[%scan3A_138, %get3A_605, %get3A_606] : memref<4x50x64xf32, #tpu.memory_space<vmem>> -> memref<1x50x64xf32, #tpu.memory_space<vmem>>
          %get3A_608 = tpu.memref_squeeze %get3A_607 : memref<1x50x64xf32, #tpu.memory_space<vmem>> -> memref<50x64xf32, #tpu.memory_space<vmem>>
          %get3A_609 = arith.index_cast %add3A_588 : i32 to index
          %get3A_610 = arith.constant 32 : index
          %get3A_611 = tpu.vector_load %get3A_608[%get3A_609, %get3A_610] {strides = array<i32>} : memref<50x64xf32, #tpu.memory_space<vmem>>, vector<16xf32>,
          %add3A_612 = arith.addf %add3A_576, %get3A_611 : vector<16xf32>
          %get3A_613 = arith.constant 0 : i32
          %get3A_614 = arith.constant 0 : i32
          %get3A_615 = tpu.memref_slice %arg8[%scan3A_138, %get3A_613, %get3A_614] : memref<4x50x64xf32, #tpu.memory_space<vmem>> -> memref<1x50x64xf32, #tpu.memory_space<vmem>>
          %get3A_616 = tpu.memref_squeeze %get3A_615 : memref<1x50x64xf32, #tpu.memory_space<vmem>> -> memref<50x64xf32, #tpu.memory_space<vmem>>
          %get3A_617 = arith.index_cast %add3A_588 : i32 to index
          %get3A_618 = arith.constant 48 : index
          %get3A_619 = tpu.vector_load %get3A_616[%get3A_617, %get3A_618] {strides = array<i32>} : memref<50x64xf32, #tpu.memory_space<vmem>>, vector<16xf32>,
          %add3A_620 = arith.addf %add3A_584, %get3A_619 : vector<16xf32>
          scf.yield %add3A_596, %add3A_604, %add3A_612, %add3A_620 : vector<16xf32>, vector<16xf32>, vector<16xf32>, vector<16xf32>
        }
        %scan3A_144 = arith.constant 5 : i32
        %swap3A_145 = arith.index_cast %add3A_135 : i32 to index
        %swap3A_146 = arith.constant 0 : index
        %swap3A_147 = tpu.vector_load %arg9[%swap3A_145, %swap3A_146] {strides = array<i32>} : memref<512x128xf32, #tpu.memory_space<vmem>>, vector<16xf32>,
        tpu.vector_store %arg9[%swap3A_145, %swap3A_146], %scan3A_143#0 {strides = array<i32>} : memref<512x128xf32, #tpu.memory_space<vmem>>, vector<16xf32>,
        %swap3A_148 = arith.index_cast %add3A_135 : i32 to index
        %swap3A_149 = arith.constant 16 : index
        %swap3A_150 = tpu.vector_load %arg9[%swap3A_148, %swap3A_149] {strides = array<i32>} : memref<512x128xf32, #tpu.memory_space<vmem>>, vector<16xf32>,
        tpu.vector_store %arg9[%swap3A_148, %swap3A_149], %scan3A_143#1 {strides = array<i32>} : memref<512x128xf32, #tpu.memory_space<vmem>>, vector<16xf32>,
        %swap3A_151 = arith.index_cast %add3A_135 : i32 to index
        %swap3A_152 = arith.constant 32 : index
        %swap3A_153 = tpu.vector_load %arg9[%swap3A_151, %swap3A_152] {strides = array<i32>} : memref<512x128xf32, #tpu.memory_space<vmem>>, vector<16xf32>,
        tpu.vector_store %arg9[%swap3A_151, %swap3A_152], %scan3A_143#2 {strides = array<i32>} : memref<512x128xf32, #tpu.memory_space<vmem>>, vector<16xf32>,
        %swap3A_154 = arith.index_cast %add3A_135 : i32 to index
        %swap3A_155 = arith.constant 48 : index
        %swap3A_156 = tpu.vector_load %arg9[%swap3A_154, %swap3A_155] {strides = array<i32>} : memref<512x128xf32, #tpu.memory_space<vmem>>, vector<16xf32>,
        tpu.vector_store %arg9[%swap3A_154, %swap3A_155], %scan3A_143#3 {strides = array<i32>} : memref<512x128xf32, #tpu.memory_space<vmem>>, vector<16xf32>,
        %add3A_157 = arith.constant 4 : i32
        %add3A_158 = arith.addi %add3A_121, %add3A_157 : i32
        %lt3A_159 = arith.constant 256 : i32
        %lt3A_160 = arith.cmpi slt, %add3A_158, %lt3A_159 : i32
        %convert_element_type3A_161 = arith.extui %lt3A_160 : i1 to i32
        %cond3A_162 = arith.constant 0 : i32
        %cond3A_163 = arith.cmpi ne, %convert_element_type3A_161, %cond3A_162 : i32
        scf.if %cond3A_163 {
          %add3A_257 = arith.constant 4 : i32
          %add3A_258 = arith.addi %add3A_121, %add3A_257 : i32
          %dma_start3A_259 = arith.constant 1 : i32
          %dma_start3A_260 = arith.constant 0 : i32
          %dma_start3A_261 = arith.constant 0 : i32
          %dma_start3A_262 = tpu.memref_slice %arg8[%dma_start3A_259, %dma_start3A_260, %dma_start3A_261] : memref<4x50x64xf32, #tpu.memory_space<vmem>> -> memref<1x50x64xf32, #tpu.memory_space<vmem>>
          %dma_start3A_263 = tpu.memref_squeeze %dma_start3A_262 : memref<1x50x64xf32, #tpu.memory_space<vmem>> -> memref<50x64xf32, #tpu.memory_space<vmem>>
          %dma_start3A_264 = arith.constant 0 : i32
          %dma_start3A_265 = tpu.memref_slice %arg7[%add3A_258, %dma_start3A_264] : memref<256x50xi32, #tpu.memory_space<vmem>> -> memref<1x50xi32, #tpu.memory_space<vmem>>
          %dma_start3A_266 = tpu.memref_squeeze %dma_start3A_265 : memref<1x50xi32, #tpu.memory_space<vmem>> -> memref<50xi32, #tpu.memory_space<vmem>>
          %dma_start3A_267 = arith.constant 0 : i32
          %dma_start3A_268 = arith.constant 0 : i32
          %dma_start3A_269 = tpu.memref_slice %arg4[%dma_start3A_267, %dma_start3A_268] : memref<1000000x64xf32, #tpu.memory_space<hbm>> -> memref<1000000x64xf32, #tpu.memory_space<hbm>>
          tpu.enqueue_indirect_dma source(%dma_start3A_269 : memref<1000000x64xf32, #tpu.memory_space<hbm>>) target(%dma_start3A_263 : memref<50x64xf32, #tpu.memory_space<vmem>>) offsets(%dma_start3A_266 : memref<50xi32, #tpu.memory_space<vmem>>) semaphore(%arg11 : memref<!tpu.dma_semaphore, #tpu.memory_space<semaphore_mem>>)
        } else {
        }
        %mul3A_164 = arith.constant 4 : i32
        %mul3A_165 = arith.muli %mul3A_164, %scan3A_76 : i32
        %add3A_166 = arith.constant 2 : i32
        %add3A_167 = arith.addi %mul3A_165, %add3A_166 : i32
        %dma_wait3A_168 = arith.constant 2 : i32
        %dma_wait3A_169 = arith.constant 0 : i32
        %dma_wait3A_170 = arith.constant 0 : i32
        %dma_wait3A_171 = tpu.memref_slice %arg8[%dma_wait3A_168, %dma_wait3A_169, %dma_wait3A_170] : memref<4x50x64xf32, #tpu.memory_space<vmem>> -> memref<1x50x64xf32, #tpu.memory_space<vmem>>
        %dma_wait3A_172 = tpu.memref_squeeze %dma_wait3A_171 : memref<1x50x64xf32, #tpu.memory_space<vmem>> -> memref<50x64xf32, #tpu.memory_space<vmem>>
        %dma_wait3A_173 = arith.constant 0 : i32
        %dma_wait3A_174 = tpu.memref_slice %arg7[%add3A_167, %dma_wait3A_173] : memref<256x50xi32, #tpu.memory_space<vmem>> -> memref<1x50xi32, #tpu.memory_space<vmem>>
        %dma_wait3A_175 = tpu.memref_squeeze %dma_wait3A_174 : memref<1x50xi32, #tpu.memory_space<vmem>> -> memref<50xi32, #tpu.memory_space<vmem>>
        %dma_wait3A_176 = arith.constant 0 : i32
        %dma_wait3A_177 = arith.constant 0 : i32
        %dma_wait3A_178 = tpu.memref_slice %arg4[%dma_wait3A_176, %dma_wait3A_177] : memref<1000000x64xf32, #tpu.memory_space<hbm>> -> memref<1000000x64xf32, #tpu.memory_space<hbm>>
        tpu.wait_indirect_dma semaphore(%arg12 : memref<!tpu.dma_semaphore, #tpu.memory_space<semaphore_mem>>) src(%dma_wait3A_178 : memref<1000000x64xf32, #tpu.memory_space<hbm>>) dst(%dma_wait3A_172 : memref<50x64xf32, #tpu.memory_space<vmem>>)
        %mul3A_179 = arith.constant 256 : i32
        %mul3A_180 = arith.muli %scan3A_16, %mul3A_179 : i32
        %add3A_181 = arith.addi %mul3A_180, %add3A_167 : i32
        %broadcast_in_dim3A_182 = arith.constant 0.000000e+00 : f32
        %broadcast_in_dim3A_183 = vector.broadcast %broadcast_in_dim3A_182 : f32 to vector<16xf32>
        %scan3A_184 = arith.constant 2 : i32
        %scan3A_185 = arith.constant 0 : i32
        %scan3A_186 = arith.constant 5 : i32
        %scan3A_187 = arith.addi %scan3A_185, %scan3A_186 : i32
        %scan3A_188 = arith.constant 1 : i32
        %scan3A_189:4 = scf.for %scan3A_257 = %scan3A_185 to %scan3A_187 step %scan3A_188 iter_args(%scan3A_258 = %broadcast_in_dim3A_183, %scan3A_259 = %broadcast_in_dim3A_183, %scan3A_260 = %broadcast_in_dim3A_183, %scan3A_261 = %broadcast_in_dim3A_183) -> (vector<16xf32>, vector<16xf32>, vector<16xf32>, vector<16xf32>)  : i32 {
          %mul3A_262 = arith.constant 10 : i32
          %mul3A_263 = arith.muli %scan3A_257, %mul3A_262 : i32
          %add3A_264 = arith.constant 0 : i32
          %add3A_265 = arith.addi %mul3A_263, %add3A_264 : i32
          %get3A = arith.constant 0 : i32
          %get3A_266 = arith.constant 0 : i32
          %get3A_267 = tpu.memref_slice %arg8[%scan3A_184, %get3A, %get3A_266] : memref<4x50x64xf32, #tpu.memory_space<vmem>> -> memref<1x50x64xf32, #tpu.memory_space<vmem>>
          %get3A_268 = tpu.memref_squeeze %get3A_267 : memref<1x50x64xf32, #tpu.memory_space<vmem>> -> memref<50x64xf32, #tpu.memory_space<vmem>>
          %get3A_269 = arith.index_cast %add3A_265 : i32 to index
          %get3A_270 = arith.constant 0 : index
          %get3A_271 = tpu.vector_load %get3A_268[%get3A_269, %get3A_270] {strides = array<i32>} : memref<50x64xf32, #tpu.memory_space<vmem>>, vector<16xf32>,
          %add3A_272 = arith.addf %scan3A_258, %get3A_271 : vector<16xf32>
          %get3A_273 = arith.constant 0 : i32
          %get3A_274 = arith.constant 0 : i32
          %get3A_275 = tpu.memref_slice %arg8[%scan3A_184, %get3A_273, %get3A_274] : memref<4x50x64xf32, #tpu.memory_space<vmem>> -> memref<1x50x64xf32, #tpu.memory_space<vmem>>
          %get3A_276 = tpu.memref_squeeze %get3A_275 : memref<1x50x64xf32, #tpu.memory_space<vmem>> -> memref<50x64xf32, #tpu.memory_space<vmem>>
          %get3A_277 = arith.index_cast %add3A_265 : i32 to index
          %get3A_278 = arith.constant 16 : index
          %get3A_279 = tpu.vector_load %get3A_276[%get3A_277, %get3A_278] {strides = array<i32>} : memref<50x64xf32, #tpu.memory_space<vmem>>, vector<16xf32>,
          %add3A_280 = arith.addf %scan3A_259, %get3A_279 : vector<16xf32>
          %get3A_281 = arith.constant 0 : i32
          %get3A_282 = arith.constant 0 : i32
          %get3A_283 = tpu.memref_slice %arg8[%scan3A_184, %get3A_281, %get3A_282] : memref<4x50x64xf32, #tpu.memory_space<vmem>> -> memref<1x50x64xf32, #tpu.memory_space<vmem>>
          %get3A_284 = tpu.memref_squeeze %get3A_283 : memref<1x50x64xf32, #tpu.memory_space<vmem>> -> memref<50x64xf32, #tpu.memory_space<vmem>>
          %get3A_285 = arith.index_cast %add3A_265 : i32 to index
          %get3A_286 = arith.constant 32 : index
          %get3A_287 = tpu.vector_load %get3A_284[%get3A_285, %get3A_286] {strides = array<i32>} : memref<50x64xf32, #tpu.memory_space<vmem>>, vector<16xf32>,
          %add3A_288 = arith.addf %scan3A_260, %get3A_287 : vector<16xf32>
          %get3A_289 = arith.constant 0 : i32
          %get3A_290 = arith.constant 0 : i32
          %get3A_291 = tpu.memref_slice %arg8[%scan3A_184, %get3A_289, %get3A_290] : memref<4x50x64xf32, #tpu.memory_space<vmem>> -> memref<1x50x64xf32, #tpu.memory_space<vmem>>
          %get3A_292 = tpu.memref_squeeze %get3A_291 : memref<1x50x64xf32, #tpu.memory_space<vmem>> -> memref<50x64xf32, #tpu.memory_space<vmem>>
          %get3A_293 = arith.index_cast %add3A_265 : i32 to index
          %get3A_294 = arith.constant 48 : index
          %get3A_295 = tpu.vector_load %get3A_292[%get3A_293, %get3A_294] {strides = array<i32>} : memref<50x64xf32, #tpu.memory_space<vmem>>, vector<16xf32>,
          %add3A_296 = arith.addf %scan3A_261, %get3A_295 : vector<16xf32>
          %mul3A_297 = arith.constant 10 : i32
          %mul3A_298 = arith.muli %scan3A_257, %mul3A_297 : i32
          %add3A_299 = arith.constant 1 : i32
          %add3A_300 = arith.addi %mul3A_298, %add3A_299 : i32
          %get3A_301 = arith.constant 0 : i32
          %get3A_302 = arith.constant 0 : i32
          %get3A_303 = tpu.memref_slice %arg8[%scan3A_184, %get3A_301, %get3A_302] : memref<4x50x64xf32, #tpu.memory_space<vmem>> -> memref<1x50x64xf32, #tpu.memory_space<vmem>>
          %get3A_304 = tpu.memref_squeeze %get3A_303 : memref<1x50x64xf32, #tpu.memory_space<vmem>> -> memref<50x64xf32, #tpu.memory_space<vmem>>
          %get3A_305 = arith.index_cast %add3A_300 : i32 to index
          %get3A_306 = arith.constant 0 : index
          %get3A_307 = tpu.vector_load %get3A_304[%get3A_305, %get3A_306] {strides = array<i32>} : memref<50x64xf32, #tpu.memory_space<vmem>>, vector<16xf32>,
          %add3A_308 = arith.addf %add3A_272, %get3A_307 : vector<16xf32>
          %get3A_309 = arith.constant 0 : i32
          %get3A_310 = arith.constant 0 : i32
          %get3A_311 = tpu.memref_slice %arg8[%scan3A_184, %get3A_309, %get3A_310] : memref<4x50x64xf32, #tpu.memory_space<vmem>> -> memref<1x50x64xf32, #tpu.memory_space<vmem>>
          %get3A_312 = tpu.memref_squeeze %get3A_311 : memref<1x50x64xf32, #tpu.memory_space<vmem>> -> memref<50x64xf32, #tpu.memory_space<vmem>>
          %get3A_313 = arith.index_cast %add3A_300 : i32 to index
          %get3A_314 = arith.constant 16 : index
          %get3A_315 = tpu.vector_load %get3A_312[%get3A_313, %get3A_314] {strides = array<i32>} : memref<50x64xf32, #tpu.memory_space<vmem>>, vector<16xf32>,
          %add3A_316 = arith.addf %add3A_280, %get3A_315 : vector<16xf32>
          %get3A_317 = arith.constant 0 : i32
          %get3A_318 = arith.constant 0 : i32
          %get3A_319 = tpu.memref_slice %arg8[%scan3A_184, %get3A_317, %get3A_318] : memref<4x50x64xf32, #tpu.memory_space<vmem>> -> memref<1x50x64xf32, #tpu.memory_space<vmem>>
          %get3A_320 = tpu.memref_squeeze %get3A_319 : memref<1x50x64xf32, #tpu.memory_space<vmem>> -> memref<50x64xf32, #tpu.memory_space<vmem>>
          %get3A_321 = arith.index_cast %add3A_300 : i32 to index
          %get3A_322 = arith.constant 32 : index
          %get3A_323 = tpu.vector_load %get3A_320[%get3A_321, %get3A_322] {strides = array<i32>} : memref<50x64xf32, #tpu.memory_space<vmem>>, vector<16xf32>,
          %add3A_324 = arith.addf %add3A_288, %get3A_323 : vector<16xf32>
          %get3A_325 = arith.constant 0 : i32
          %get3A_326 = arith.constant 0 : i32
          %get3A_327 = tpu.memref_slice %arg8[%scan3A_184, %get3A_325, %get3A_326] : memref<4x50x64xf32, #tpu.memory_space<vmem>> -> memref<1x50x64xf32, #tpu.memory_space<vmem>>
          %get3A_328 = tpu.memref_squeeze %get3A_327 : memref<1x50x64xf32, #tpu.memory_space<vmem>> -> memref<50x64xf32, #tpu.memory_space<vmem>>
          %get3A_329 = arith.index_cast %add3A_300 : i32 to index
          %get3A_330 = arith.constant 48 : index
          %get3A_331 = tpu.vector_load %get3A_328[%get3A_329, %get3A_330] {strides = array<i32>} : memref<50x64xf32, #tpu.memory_space<vmem>>, vector<16xf32>,
          %add3A_332 = arith.addf %add3A_296, %get3A_331 : vector<16xf32>
          %mul3A_333 = arith.constant 10 : i32
          %mul3A_334 = arith.muli %scan3A_257, %mul3A_333 : i32
          %add3A_335 = arith.constant 2 : i32
          %add3A_336 = arith.addi %mul3A_334, %add3A_335 : i32
          %get3A_337 = arith.constant 0 : i32
          %get3A_338 = arith.constant 0 : i32
          %get3A_339 = tpu.memref_slice %arg8[%scan3A_184, %get3A_337, %get3A_338] : memref<4x50x64xf32, #tpu.memory_space<vmem>> -> memref<1x50x64xf32, #tpu.memory_space<vmem>>
          %get3A_340 = tpu.memref_squeeze %get3A_339 : memref<1x50x64xf32, #tpu.memory_space<vmem>> -> memref<50x64xf32, #tpu.memory_space<vmem>>
          %get3A_341 = arith.index_cast %add3A_336 : i32 to index
          %get3A_342 = arith.constant 0 : index
          %get3A_343 = tpu.vector_load %get3A_340[%get3A_341, %get3A_342] {strides = array<i32>} : memref<50x64xf32, #tpu.memory_space<vmem>>, vector<16xf32>,
          %add3A_344 = arith.addf %add3A_308, %get3A_343 : vector<16xf32>
          %get3A_345 = arith.constant 0 : i32
          %get3A_346 = arith.constant 0 : i32
          %get3A_347 = tpu.memref_slice %arg8[%scan3A_184, %get3A_345, %get3A_346] : memref<4x50x64xf32, #tpu.memory_space<vmem>> -> memref<1x50x64xf32, #tpu.memory_space<vmem>>
          %get3A_348 = tpu.memref_squeeze %get3A_347 : memref<1x50x64xf32, #tpu.memory_space<vmem>> -> memref<50x64xf32, #tpu.memory_space<vmem>>
          %get3A_349 = arith.index_cast %add3A_336 : i32 to index
          %get3A_350 = arith.constant 16 : index
          %get3A_351 = tpu.vector_load %get3A_348[%get3A_349, %get3A_350] {strides = array<i32>} : memref<50x64xf32, #tpu.memory_space<vmem>>, vector<16xf32>,
          %add3A_352 = arith.addf %add3A_316, %get3A_351 : vector<16xf32>
          %get3A_353 = arith.constant 0 : i32
          %get3A_354 = arith.constant 0 : i32
          %get3A_355 = tpu.memref_slice %arg8[%scan3A_184, %get3A_353, %get3A_354] : memref<4x50x64xf32, #tpu.memory_space<vmem>> -> memref<1x50x64xf32, #tpu.memory_space<vmem>>
          %get3A_356 = tpu.memref_squeeze %get3A_355 : memref<1x50x64xf32, #tpu.memory_space<vmem>> -> memref<50x64xf32, #tpu.memory_space<vmem>>
          %get3A_357 = arith.index_cast %add3A_336 : i32 to index
          %get3A_358 = arith.constant 32 : index
          %get3A_359 = tpu.vector_load %get3A_356[%get3A_357, %get3A_358] {strides = array<i32>} : memref<50x64xf32, #tpu.memory_space<vmem>>, vector<16xf32>,
          %add3A_360 = arith.addf %add3A_324, %get3A_359 : vector<16xf32>
          %get3A_361 = arith.constant 0 : i32
          %get3A_362 = arith.constant 0 : i32
          %get3A_363 = tpu.memref_slice %arg8[%scan3A_184, %get3A_361, %get3A_362] : memref<4x50x64xf32, #tpu.memory_space<vmem>> -> memref<1x50x64xf32, #tpu.memory_space<vmem>>
          %get3A_364 = tpu.memref_squeeze %get3A_363 : memref<1x50x64xf32, #tpu.memory_space<vmem>> -> memref<50x64xf32, #tpu.memory_space<vmem>>
          %get3A_365 = arith.index_cast %add3A_336 : i32 to index
          %get3A_366 = arith.constant 48 : index
          %get3A_367 = tpu.vector_load %get3A_364[%get3A_365, %get3A_366] {strides = array<i32>} : memref<50x64xf32, #tpu.memory_space<vmem>>, vector<16xf32>,
          %add3A_368 = arith.addf %add3A_332, %get3A_367 : vector<16xf32>
          %mul3A_369 = arith.constant 10 : i32
          %mul3A_370 = arith.muli %scan3A_257, %mul3A_369 : i32
          %add3A_371 = arith.constant 3 : i32
          %add3A_372 = arith.addi %mul3A_370, %add3A_371 : i32
          %get3A_373 = arith.constant 0 : i32
          %get3A_374 = arith.constant 0 : i32
          %get3A_375 = tpu.memref_slice %arg8[%scan3A_184, %get3A_373, %get3A_374] : memref<4x50x64xf32, #tpu.memory_space<vmem>> -> memref<1x50x64xf32, #tpu.memory_space<vmem>>
          %get3A_376 = tpu.memref_squeeze %get3A_375 : memref<1x50x64xf32, #tpu.memory_space<vmem>> -> memref<50x64xf32, #tpu.memory_space<vmem>>
          %get3A_377 = arith.index_cast %add3A_372 : i32 to index
          %get3A_378 = arith.constant 0 : index
          %get3A_379 = tpu.vector_load %get3A_376[%get3A_377, %get3A_378] {strides = array<i32>} : memref<50x64xf32, #tpu.memory_space<vmem>>, vector<16xf32>,
          %add3A_380 = arith.addf %add3A_344, %get3A_379 : vector<16xf32>
          %get3A_381 = arith.constant 0 : i32
          %get3A_382 = arith.constant 0 : i32
          %get3A_383 = tpu.memref_slice %arg8[%scan3A_184, %get3A_381, %get3A_382] : memref<4x50x64xf32, #tpu.memory_space<vmem>> -> memref<1x50x64xf32, #tpu.memory_space<vmem>>
          %get3A_384 = tpu.memref_squeeze %get3A_383 : memref<1x50x64xf32, #tpu.memory_space<vmem>> -> memref<50x64xf32, #tpu.memory_space<vmem>>
          %get3A_385 = arith.index_cast %add3A_372 : i32 to index
          %get3A_386 = arith.constant 16 : index
          %get3A_387 = tpu.vector_load %get3A_384[%get3A_385, %get3A_386] {strides = array<i32>} : memref<50x64xf32, #tpu.memory_space<vmem>>, vector<16xf32>,
          %add3A_388 = arith.addf %add3A_352, %get3A_387 : vector<16xf32>
          %get3A_389 = arith.constant 0 : i32
          %get3A_390 = arith.constant 0 : i32
          %get3A_391 = tpu.memref_slice %arg8[%scan3A_184, %get3A_389, %get3A_390] : memref<4x50x64xf32, #tpu.memory_space<vmem>> -> memref<1x50x64xf32, #tpu.memory_space<vmem>>
          %get3A_392 = tpu.memref_squeeze %get3A_391 : memref<1x50x64xf32, #tpu.memory_space<vmem>> -> memref<50x64xf32, #tpu.memory_space<vmem>>
          %get3A_393 = arith.index_cast %add3A_372 : i32 to index
          %get3A_394 = arith.constant 32 : index
          %get3A_395 = tpu.vector_load %get3A_392[%get3A_393, %get3A_394] {strides = array<i32>} : memref<50x64xf32, #tpu.memory_space<vmem>>, vector<16xf32>,
          %add3A_396 = arith.addf %add3A_360, %get3A_395 : vector<16xf32>
          %get3A_397 = arith.constant 0 : i32
          %get3A_398 = arith.constant 0 : i32
          %get3A_399 = tpu.memref_slice %arg8[%scan3A_184, %get3A_397, %get3A_398] : memref<4x50x64xf32, #tpu.memory_space<vmem>> -> memref<1x50x64xf32, #tpu.memory_space<vmem>>
          %get3A_400 = tpu.memref_squeeze %get3A_399 : memref<1x50x64xf32, #tpu.memory_space<vmem>> -> memref<50x64xf32, #tpu.memory_space<vmem>>
          %get3A_401 = arith.index_cast %add3A_372 : i32 to index
          %get3A_402 = arith.constant 48 : index
          %get3A_403 = tpu.vector_load %get3A_400[%get3A_401, %get3A_402] {strides = array<i32>} : memref<50x64xf32, #tpu.memory_space<vmem>>, vector<16xf32>,
          %add3A_404 = arith.addf %add3A_368, %get3A_403 : vector<16xf32>
          %mul3A_405 = arith.constant 10 : i32
          %mul3A_406 = arith.muli %scan3A_257, %mul3A_405 : i32
          %add3A_407 = arith.constant 4 : i32
          %add3A_408 = arith.addi %mul3A_406, %add3A_407 : i32
          %get3A_409 = arith.constant 0 : i32
          %get3A_410 = arith.constant 0 : i32
          %get3A_411 = tpu.memref_slice %arg8[%scan3A_184, %get3A_409, %get3A_410] : memref<4x50x64xf32, #tpu.memory_space<vmem>> -> memref<1x50x64xf32, #tpu.memory_space<vmem>>
          %get3A_412 = tpu.memref_squeeze %get3A_411 : memref<1x50x64xf32, #tpu.memory_space<vmem>> -> memref<50x64xf32, #tpu.memory_space<vmem>>
          %get3A_413 = arith.index_cast %add3A_408 : i32 to index
          %get3A_414 = arith.constant 0 : index
          %get3A_415 = tpu.vector_load %get3A_412[%get3A_413, %get3A_414] {strides = array<i32>} : memref<50x64xf32, #tpu.memory_space<vmem>>, vector<16xf32>,
          %add3A_416 = arith.addf %add3A_380, %get3A_415 : vector<16xf32>
          %get3A_417 = arith.constant 0 : i32
          %get3A_418 = arith.constant 0 : i32
          %get3A_419 = tpu.memref_slice %arg8[%scan3A_184, %get3A_417, %get3A_418] : memref<4x50x64xf32, #tpu.memory_space<vmem>> -> memref<1x50x64xf32, #tpu.memory_space<vmem>>
          %get3A_420 = tpu.memref_squeeze %get3A_419 : memref<1x50x64xf32, #tpu.memory_space<vmem>> -> memref<50x64xf32, #tpu.memory_space<vmem>>
          %get3A_421 = arith.index_cast %add3A_408 : i32 to index
          %get3A_422 = arith.constant 16 : index
          %get3A_423 = tpu.vector_load %get3A_420[%get3A_421, %get3A_422] {strides = array<i32>} : memref<50x64xf32, #tpu.memory_space<vmem>>, vector<16xf32>,
          %add3A_424 = arith.addf %add3A_388, %get3A_423 : vector<16xf32>
          %get3A_425 = arith.constant 0 : i32
          %get3A_426 = arith.constant 0 : i32
          %get3A_427 = tpu.memref_slice %arg8[%scan3A_184, %get3A_425, %get3A_426] : memref<4x50x64xf32, #tpu.memory_space<vmem>> -> memref<1x50x64xf32, #tpu.memory_space<vmem>>
          %get3A_428 = tpu.memref_squeeze %get3A_427 : memref<1x50x64xf32, #tpu.memory_space<vmem>> -> memref<50x64xf32, #tpu.memory_space<vmem>>
          %get3A_429 = arith.index_cast %add3A_408 : i32 to index
          %get3A_430 = arith.constant 32 : index
          %get3A_431 = tpu.vector_load %get3A_428[%get3A_429, %get3A_430] {strides = array<i32>} : memref<50x64xf32, #tpu.memory_space<vmem>>, vector<16xf32>,
          %add3A_432 = arith.addf %add3A_396, %get3A_431 : vector<16xf32>
          %get3A_433 = arith.constant 0 : i32
          %get3A_434 = arith.constant 0 : i32
          %get3A_435 = tpu.memref_slice %arg8[%scan3A_184, %get3A_433, %get3A_434] : memref<4x50x64xf32, #tpu.memory_space<vmem>> -> memref<1x50x64xf32, #tpu.memory_space<vmem>>
          %get3A_436 = tpu.memref_squeeze %get3A_435 : memref<1x50x64xf32, #tpu.memory_space<vmem>> -> memref<50x64xf32, #tpu.memory_space<vmem>>
          %get3A_437 = arith.index_cast %add3A_408 : i32 to index
          %get3A_438 = arith.constant 48 : index
          %get3A_439 = tpu.vector_load %get3A_436[%get3A_437, %get3A_438] {strides = array<i32>} : memref<50x64xf32, #tpu.memory_space<vmem>>, vector<16xf32>,
          %add3A_440 = arith.addf %add3A_404, %get3A_439 : vector<16xf32>
          %mul3A_441 = arith.constant 10 : i32
          %mul3A_442 = arith.muli %scan3A_257, %mul3A_441 : i32
          %add3A_443 = arith.constant 5 : i32
          %add3A_444 = arith.addi %mul3A_442, %add3A_443 : i32
          %get3A_445 = arith.constant 0 : i32
          %get3A_446 = arith.constant 0 : i32
          %get3A_447 = tpu.memref_slice %arg8[%scan3A_184, %get3A_445, %get3A_446] : memref<4x50x64xf32, #tpu.memory_space<vmem>> -> memref<1x50x64xf32, #tpu.memory_space<vmem>>
          %get3A_448 = tpu.memref_squeeze %get3A_447 : memref<1x50x64xf32, #tpu.memory_space<vmem>> -> memref<50x64xf32, #tpu.memory_space<vmem>>
          %get3A_449 = arith.index_cast %add3A_444 : i32 to index
          %get3A_450 = arith.constant 0 : index
          %get3A_451 = tpu.vector_load %get3A_448[%get3A_449, %get3A_450] {strides = array<i32>} : memref<50x64xf32, #tpu.memory_space<vmem>>, vector<16xf32>,
          %add3A_452 = arith.addf %add3A_416, %get3A_451 : vector<16xf32>
          %get3A_453 = arith.constant 0 : i32
          %get3A_454 = arith.constant 0 : i32
          %get3A_455 = tpu.memref_slice %arg8[%scan3A_184, %get3A_453, %get3A_454] : memref<4x50x64xf32, #tpu.memory_space<vmem>> -> memref<1x50x64xf32, #tpu.memory_space<vmem>>
          %get3A_456 = tpu.memref_squeeze %get3A_455 : memref<1x50x64xf32, #tpu.memory_space<vmem>> -> memref<50x64xf32, #tpu.memory_space<vmem>>
          %get3A_457 = arith.index_cast %add3A_444 : i32 to index
          %get3A_458 = arith.constant 16 : index
          %get3A_459 = tpu.vector_load %get3A_456[%get3A_457, %get3A_458] {strides = array<i32>} : memref<50x64xf32, #tpu.memory_space<vmem>>, vector<16xf32>,
          %add3A_460 = arith.addf %add3A_424, %get3A_459 : vector<16xf32>
          %get3A_461 = arith.constant 0 : i32
          %get3A_462 = arith.constant 0 : i32
          %get3A_463 = tpu.memref_slice %arg8[%scan3A_184, %get3A_461, %get3A_462] : memref<4x50x64xf32, #tpu.memory_space<vmem>> -> memref<1x50x64xf32, #tpu.memory_space<vmem>>
          %get3A_464 = tpu.memref_squeeze %get3A_463 : memref<1x50x64xf32, #tpu.memory_space<vmem>> -> memref<50x64xf32, #tpu.memory_space<vmem>>
          %get3A_465 = arith.index_cast %add3A_444 : i32 to index
          %get3A_466 = arith.constant 32 : index
          %get3A_467 = tpu.vector_load %get3A_464[%get3A_465, %get3A_466] {strides = array<i32>} : memref<50x64xf32, #tpu.memory_space<vmem>>, vector<16xf32>,
          %add3A_468 = arith.addf %add3A_432, %get3A_467 : vector<16xf32>
          %get3A_469 = arith.constant 0 : i32
          %get3A_470 = arith.constant 0 : i32
          %get3A_471 = tpu.memref_slice %arg8[%scan3A_184, %get3A_469, %get3A_470] : memref<4x50x64xf32, #tpu.memory_space<vmem>> -> memref<1x50x64xf32, #tpu.memory_space<vmem>>
          %get3A_472 = tpu.memref_squeeze %get3A_471 : memref<1x50x64xf32, #tpu.memory_space<vmem>> -> memref<50x64xf32, #tpu.memory_space<vmem>>
          %get3A_473 = arith.index_cast %add3A_444 : i32 to index
          %get3A_474 = arith.constant 48 : index
          %get3A_475 = tpu.vector_load %get3A_472[%get3A_473, %get3A_474] {strides = array<i32>} : memref<50x64xf32, #tpu.memory_space<vmem>>, vector<16xf32>,
          %add3A_476 = arith.addf %add3A_440, %get3A_475 : vector<16xf32>
          %mul3A_477 = arith.constant 10 : i32
          %mul3A_478 = arith.muli %scan3A_257, %mul3A_477 : i32
          %add3A_479 = arith.constant 6 : i32
          %add3A_480 = arith.addi %mul3A_478, %add3A_479 : i32
          %get3A_481 = arith.constant 0 : i32
          %get3A_482 = arith.constant 0 : i32
          %get3A_483 = tpu.memref_slice %arg8[%scan3A_184, %get3A_481, %get3A_482] : memref<4x50x64xf32, #tpu.memory_space<vmem>> -> memref<1x50x64xf32, #tpu.memory_space<vmem>>
          %get3A_484 = tpu.memref_squeeze %get3A_483 : memref<1x50x64xf32, #tpu.memory_space<vmem>> -> memref<50x64xf32, #tpu.memory_space<vmem>>
          %get3A_485 = arith.index_cast %add3A_480 : i32 to index
          %get3A_486 = arith.constant 0 : index
          %get3A_487 = tpu.vector_load %get3A_484[%get3A_485, %get3A_486] {strides = array<i32>} : memref<50x64xf32, #tpu.memory_space<vmem>>, vector<16xf32>,
          %add3A_488 = arith.addf %add3A_452, %get3A_487 : vector<16xf32>
          %get3A_489 = arith.constant 0 : i32
          %get3A_490 = arith.constant 0 : i32
          %get3A_491 = tpu.memref_slice %arg8[%scan3A_184, %get3A_489, %get3A_490] : memref<4x50x64xf32, #tpu.memory_space<vmem>> -> memref<1x50x64xf32, #tpu.memory_space<vmem>>
          %get3A_492 = tpu.memref_squeeze %get3A_491 : memref<1x50x64xf32, #tpu.memory_space<vmem>> -> memref<50x64xf32, #tpu.memory_space<vmem>>
          %get3A_493 = arith.index_cast %add3A_480 : i32 to index
          %get3A_494 = arith.constant 16 : index
          %get3A_495 = tpu.vector_load %get3A_492[%get3A_493, %get3A_494] {strides = array<i32>} : memref<50x64xf32, #tpu.memory_space<vmem>>, vector<16xf32>,
          %add3A_496 = arith.addf %add3A_460, %get3A_495 : vector<16xf32>
          %get3A_497 = arith.constant 0 : i32
          %get3A_498 = arith.constant 0 : i32
          %get3A_499 = tpu.memref_slice %arg8[%scan3A_184, %get3A_497, %get3A_498] : memref<4x50x64xf32, #tpu.memory_space<vmem>> -> memref<1x50x64xf32, #tpu.memory_space<vmem>>
          %get3A_500 = tpu.memref_squeeze %get3A_499 : memref<1x50x64xf32, #tpu.memory_space<vmem>> -> memref<50x64xf32, #tpu.memory_space<vmem>>
          %get3A_501 = arith.index_cast %add3A_480 : i32 to index
          %get3A_502 = arith.constant 32 : index
          %get3A_503 = tpu.vector_load %get3A_500[%get3A_501, %get3A_502] {strides = array<i32>} : memref<50x64xf32, #tpu.memory_space<vmem>>, vector<16xf32>,
          %add3A_504 = arith.addf %add3A_468, %get3A_503 : vector<16xf32>
          %get3A_505 = arith.constant 0 : i32
          %get3A_506 = arith.constant 0 : i32
          %get3A_507 = tpu.memref_slice %arg8[%scan3A_184, %get3A_505, %get3A_506] : memref<4x50x64xf32, #tpu.memory_space<vmem>> -> memref<1x50x64xf32, #tpu.memory_space<vmem>>
          %get3A_508 = tpu.memref_squeeze %get3A_507 : memref<1x50x64xf32, #tpu.memory_space<vmem>> -> memref<50x64xf32, #tpu.memory_space<vmem>>
          %get3A_509 = arith.index_cast %add3A_480 : i32 to index
          %get3A_510 = arith.constant 48 : index
          %get3A_511 = tpu.vector_load %get3A_508[%get3A_509, %get3A_510] {strides = array<i32>} : memref<50x64xf32, #tpu.memory_space<vmem>>, vector<16xf32>,
          %add3A_512 = arith.addf %add3A_476, %get3A_511 : vector<16xf32>
          %mul3A_513 = arith.constant 10 : i32
          %mul3A_514 = arith.muli %scan3A_257, %mul3A_513 : i32
          %add3A_515 = arith.constant 7 : i32
          %add3A_516 = arith.addi %mul3A_514, %add3A_515 : i32
          %get3A_517 = arith.constant 0 : i32
          %get3A_518 = arith.constant 0 : i32
          %get3A_519 = tpu.memref_slice %arg8[%scan3A_184, %get3A_517, %get3A_518] : memref<4x50x64xf32, #tpu.memory_space<vmem>> -> memref<1x50x64xf32, #tpu.memory_space<vmem>>
          %get3A_520 = tpu.memref_squeeze %get3A_519 : memref<1x50x64xf32, #tpu.memory_space<vmem>> -> memref<50x64xf32, #tpu.memory_space<vmem>>
          %get3A_521 = arith.index_cast %add3A_516 : i32 to index
          %get3A_522 = arith.constant 0 : index
          %get3A_523 = tpu.vector_load %get3A_520[%get3A_521, %get3A_522] {strides = array<i32>} : memref<50x64xf32, #tpu.memory_space<vmem>>, vector<16xf32>,
          %add3A_524 = arith.addf %add3A_488, %get3A_523 : vector<16xf32>
          %get3A_525 = arith.constant 0 : i32
          %get3A_526 = arith.constant 0 : i32
          %get3A_527 = tpu.memref_slice %arg8[%scan3A_184, %get3A_525, %get3A_526] : memref<4x50x64xf32, #tpu.memory_space<vmem>> -> memref<1x50x64xf32, #tpu.memory_space<vmem>>
          %get3A_528 = tpu.memref_squeeze %get3A_527 : memref<1x50x64xf32, #tpu.memory_space<vmem>> -> memref<50x64xf32, #tpu.memory_space<vmem>>
          %get3A_529 = arith.index_cast %add3A_516 : i32 to index
          %get3A_530 = arith.constant 16 : index
          %get3A_531 = tpu.vector_load %get3A_528[%get3A_529, %get3A_530] {strides = array<i32>} : memref<50x64xf32, #tpu.memory_space<vmem>>, vector<16xf32>,
          %add3A_532 = arith.addf %add3A_496, %get3A_531 : vector<16xf32>
          %get3A_533 = arith.constant 0 : i32
          %get3A_534 = arith.constant 0 : i32
          %get3A_535 = tpu.memref_slice %arg8[%scan3A_184, %get3A_533, %get3A_534] : memref<4x50x64xf32, #tpu.memory_space<vmem>> -> memref<1x50x64xf32, #tpu.memory_space<vmem>>
          %get3A_536 = tpu.memref_squeeze %get3A_535 : memref<1x50x64xf32, #tpu.memory_space<vmem>> -> memref<50x64xf32, #tpu.memory_space<vmem>>
          %get3A_537 = arith.index_cast %add3A_516 : i32 to index
          %get3A_538 = arith.constant 32 : index
          %get3A_539 = tpu.vector_load %get3A_536[%get3A_537, %get3A_538] {strides = array<i32>} : memref<50x64xf32, #tpu.memory_space<vmem>>, vector<16xf32>,
          %add3A_540 = arith.addf %add3A_504, %get3A_539 : vector<16xf32>
          %get3A_541 = arith.constant 0 : i32
          %get3A_542 = arith.constant 0 : i32
          %get3A_543 = tpu.memref_slice %arg8[%scan3A_184, %get3A_541, %get3A_542] : memref<4x50x64xf32, #tpu.memory_space<vmem>> -> memref<1x50x64xf32, #tpu.memory_space<vmem>>
          %get3A_544 = tpu.memref_squeeze %get3A_543 : memref<1x50x64xf32, #tpu.memory_space<vmem>> -> memref<50x64xf32, #tpu.memory_space<vmem>>
          %get3A_545 = arith.index_cast %add3A_516 : i32 to index
          %get3A_546 = arith.constant 48 : index
          %get3A_547 = tpu.vector_load %get3A_544[%get3A_545, %get3A_546] {strides = array<i32>} : memref<50x64xf32, #tpu.memory_space<vmem>>, vector<16xf32>,
          %add3A_548 = arith.addf %add3A_512, %get3A_547 : vector<16xf32>
          %mul3A_549 = arith.constant 10 : i32
          %mul3A_550 = arith.muli %scan3A_257, %mul3A_549 : i32
          %add3A_551 = arith.constant 8 : i32
          %add3A_552 = arith.addi %mul3A_550, %add3A_551 : i32
          %get3A_553 = arith.constant 0 : i32
          %get3A_554 = arith.constant 0 : i32
          %get3A_555 = tpu.memref_slice %arg8[%scan3A_184, %get3A_553, %get3A_554] : memref<4x50x64xf32, #tpu.memory_space<vmem>> -> memref<1x50x64xf32, #tpu.memory_space<vmem>>
          %get3A_556 = tpu.memref_squeeze %get3A_555 : memref<1x50x64xf32, #tpu.memory_space<vmem>> -> memref<50x64xf32, #tpu.memory_space<vmem>>
          %get3A_557 = arith.index_cast %add3A_552 : i32 to index
          %get3A_558 = arith.constant 0 : index
          %get3A_559 = tpu.vector_load %get3A_556[%get3A_557, %get3A_558] {strides = array<i32>} : memref<50x64xf32, #tpu.memory_space<vmem>>, vector<16xf32>,
          %add3A_560 = arith.addf %add3A_524, %get3A_559 : vector<16xf32>
          %get3A_561 = arith.constant 0 : i32
          %get3A_562 = arith.constant 0 : i32
          %get3A_563 = tpu.memref_slice %arg8[%scan3A_184, %get3A_561, %get3A_562] : memref<4x50x64xf32, #tpu.memory_space<vmem>> -> memref<1x50x64xf32, #tpu.memory_space<vmem>>
          %get3A_564 = tpu.memref_squeeze %get3A_563 : memref<1x50x64xf32, #tpu.memory_space<vmem>> -> memref<50x64xf32, #tpu.memory_space<vmem>>
          %get3A_565 = arith.index_cast %add3A_552 : i32 to index
          %get3A_566 = arith.constant 16 : index
          %get3A_567 = tpu.vector_load %get3A_564[%get3A_565, %get3A_566] {strides = array<i32>} : memref<50x64xf32, #tpu.memory_space<vmem>>, vector<16xf32>,
          %add3A_568 = arith.addf %add3A_532, %get3A_567 : vector<16xf32>
          %get3A_569 = arith.constant 0 : i32
          %get3A_570 = arith.constant 0 : i32
          %get3A_571 = tpu.memref_slice %arg8[%scan3A_184, %get3A_569, %get3A_570] : memref<4x50x64xf32, #tpu.memory_space<vmem>> -> memref<1x50x64xf32, #tpu.memory_space<vmem>>
          %get3A_572 = tpu.memref_squeeze %get3A_571 : memref<1x50x64xf32, #tpu.memory_space<vmem>> -> memref<50x64xf32, #tpu.memory_space<vmem>>
          %get3A_573 = arith.index_cast %add3A_552 : i32 to index
          %get3A_574 = arith.constant 32 : index
          %get3A_575 = tpu.vector_load %get3A_572[%get3A_573, %get3A_574] {strides = array<i32>} : memref<50x64xf32, #tpu.memory_space<vmem>>, vector<16xf32>,
          %add3A_576 = arith.addf %add3A_540, %get3A_575 : vector<16xf32>
          %get3A_577 = arith.constant 0 : i32
          %get3A_578 = arith.constant 0 : i32
          %get3A_579 = tpu.memref_slice %arg8[%scan3A_184, %get3A_577, %get3A_578] : memref<4x50x64xf32, #tpu.memory_space<vmem>> -> memref<1x50x64xf32, #tpu.memory_space<vmem>>
          %get3A_580 = tpu.memref_squeeze %get3A_579 : memref<1x50x64xf32, #tpu.memory_space<vmem>> -> memref<50x64xf32, #tpu.memory_space<vmem>>
          %get3A_581 = arith.index_cast %add3A_552 : i32 to index
          %get3A_582 = arith.constant 48 : index
          %get3A_583 = tpu.vector_load %get3A_580[%get3A_581, %get3A_582] {strides = array<i32>} : memref<50x64xf32, #tpu.memory_space<vmem>>, vector<16xf32>,
          %add3A_584 = arith.addf %add3A_548, %get3A_583 : vector<16xf32>
          %mul3A_585 = arith.constant 10 : i32
          %mul3A_586 = arith.muli %scan3A_257, %mul3A_585 : i32
          %add3A_587 = arith.constant 9 : i32
          %add3A_588 = arith.addi %mul3A_586, %add3A_587 : i32
          %get3A_589 = arith.constant 0 : i32
          %get3A_590 = arith.constant 0 : i32
          %get3A_591 = tpu.memref_slice %arg8[%scan3A_184, %get3A_589, %get3A_590] : memref<4x50x64xf32, #tpu.memory_space<vmem>> -> memref<1x50x64xf32, #tpu.memory_space<vmem>>
          %get3A_592 = tpu.memref_squeeze %get3A_591 : memref<1x50x64xf32, #tpu.memory_space<vmem>> -> memref<50x64xf32, #tpu.memory_space<vmem>>
          %get3A_593 = arith.index_cast %add3A_588 : i32 to index
          %get3A_594 = arith.constant 0 : index
          %get3A_595 = tpu.vector_load %get3A_592[%get3A_593, %get3A_594] {strides = array<i32>} : memref<50x64xf32, #tpu.memory_space<vmem>>, vector<16xf32>,
          %add3A_596 = arith.addf %add3A_560, %get3A_595 : vector<16xf32>
          %get3A_597 = arith.constant 0 : i32
          %get3A_598 = arith.constant 0 : i32
          %get3A_599 = tpu.memref_slice %arg8[%scan3A_184, %get3A_597, %get3A_598] : memref<4x50x64xf32, #tpu.memory_space<vmem>> -> memref<1x50x64xf32, #tpu.memory_space<vmem>>
          %get3A_600 = tpu.memref_squeeze %get3A_599 : memref<1x50x64xf32, #tpu.memory_space<vmem>> -> memref<50x64xf32, #tpu.memory_space<vmem>>
          %get3A_601 = arith.index_cast %add3A_588 : i32 to index
          %get3A_602 = arith.constant 16 : index
          %get3A_603 = tpu.vector_load %get3A_600[%get3A_601, %get3A_602] {strides = array<i32>} : memref<50x64xf32, #tpu.memory_space<vmem>>, vector<16xf32>,
          %add3A_604 = arith.addf %add3A_568, %get3A_603 : vector<16xf32>
          %get3A_605 = arith.constant 0 : i32
          %get3A_606 = arith.constant 0 : i32
          %get3A_607 = tpu.memref_slice %arg8[%scan3A_184, %get3A_605, %get3A_606] : memref<4x50x64xf32, #tpu.memory_space<vmem>> -> memref<1x50x64xf32, #tpu.memory_space<vmem>>
          %get3A_608 = tpu.memref_squeeze %get3A_607 : memref<1x50x64xf32, #tpu.memory_space<vmem>> -> memref<50x64xf32, #tpu.memory_space<vmem>>
          %get3A_609 = arith.index_cast %add3A_588 : i32 to index
          %get3A_610 = arith.constant 32 : index
          %get3A_611 = tpu.vector_load %get3A_608[%get3A_609, %get3A_610] {strides = array<i32>} : memref<50x64xf32, #tpu.memory_space<vmem>>, vector<16xf32>,
          %add3A_612 = arith.addf %add3A_576, %get3A_611 : vector<16xf32>
          %get3A_613 = arith.constant 0 : i32
          %get3A_614 = arith.constant 0 : i32
          %get3A_615 = tpu.memref_slice %arg8[%scan3A_184, %get3A_613, %get3A_614] : memref<4x50x64xf32, #tpu.memory_space<vmem>> -> memref<1x50x64xf32, #tpu.memory_space<vmem>>
          %get3A_616 = tpu.memref_squeeze %get3A_615 : memref<1x50x64xf32, #tpu.memory_space<vmem>> -> memref<50x64xf32, #tpu.memory_space<vmem>>
          %get3A_617 = arith.index_cast %add3A_588 : i32 to index
          %get3A_618 = arith.constant 48 : index
          %get3A_619 = tpu.vector_load %get3A_616[%get3A_617, %get3A_618] {strides = array<i32>} : memref<50x64xf32, #tpu.memory_space<vmem>>, vector<16xf32>,
          %add3A_620 = arith.addf %add3A_584, %get3A_619 : vector<16xf32>
          scf.yield %add3A_596, %add3A_604, %add3A_612, %add3A_620 : vector<16xf32>, vector<16xf32>, vector<16xf32>, vector<16xf32>
        }
        %scan3A_190 = arith.constant 5 : i32
        %swap3A_191 = arith.index_cast %add3A_181 : i32 to index
        %swap3A_192 = arith.constant 0 : index
        %swap3A_193 = tpu.vector_load %arg9[%swap3A_191, %swap3A_192] {strides = array<i32>} : memref<512x128xf32, #tpu.memory_space<vmem>>, vector<16xf32>,
        tpu.vector_store %arg9[%swap3A_191, %swap3A_192], %scan3A_189#0 {strides = array<i32>} : memref<512x128xf32, #tpu.memory_space<vmem>>, vector<16xf32>,
        %swap3A_194 = arith.index_cast %add3A_181 : i32 to index
        %swap3A_195 = arith.constant 16 : index
        %swap3A_196 = tpu.vector_load %arg9[%swap3A_194, %swap3A_195] {strides = array<i32>} : memref<512x128xf32, #tpu.memory_space<vmem>>, vector<16xf32>,
        tpu.vector_store %arg9[%swap3A_194, %swap3A_195], %scan3A_189#1 {strides = array<i32>} : memref<512x128xf32, #tpu.memory_space<vmem>>, vector<16xf32>,
        %swap3A_197 = arith.index_cast %add3A_181 : i32 to index
        %swap3A_198 = arith.constant 32 : index
        %swap3A_199 = tpu.vector_load %arg9[%swap3A_197, %swap3A_198] {strides = array<i32>} : memref<512x128xf32, #tpu.memory_space<vmem>>, vector<16xf32>,
        tpu.vector_store %arg9[%swap3A_197, %swap3A_198], %scan3A_189#2 {strides = array<i32>} : memref<512x128xf32, #tpu.memory_space<vmem>>, vector<16xf32>,
        %swap3A_200 = arith.index_cast %add3A_181 : i32 to index
        %swap3A_201 = arith.constant 48 : index
        %swap3A_202 = tpu.vector_load %arg9[%swap3A_200, %swap3A_201] {strides = array<i32>} : memref<512x128xf32, #tpu.memory_space<vmem>>, vector<16xf32>,
        tpu.vector_store %arg9[%swap3A_200, %swap3A_201], %scan3A_189#3 {strides = array<i32>} : memref<512x128xf32, #tpu.memory_space<vmem>>, vector<16xf32>,
        %add3A_203 = arith.constant 4 : i32
        %add3A_204 = arith.addi %add3A_167, %add3A_203 : i32
        %lt3A_205 = arith.constant 256 : i32
        %lt3A_206 = arith.cmpi slt, %add3A_204, %lt3A_205 : i32
        %convert_element_type3A_207 = arith.extui %lt3A_206 : i1 to i32
        %cond3A_208 = arith.constant 0 : i32
        %cond3A_209 = arith.cmpi ne, %convert_element_type3A_207, %cond3A_208 : i32
        scf.if %cond3A_209 {
          %add3A_257 = arith.constant 4 : i32
          %add3A_258 = arith.addi %add3A_167, %add3A_257 : i32
          %dma_start3A_259 = arith.constant 2 : i32
          %dma_start3A_260 = arith.constant 0 : i32
          %dma_start3A_261 = arith.constant 0 : i32
          %dma_start3A_262 = tpu.memref_slice %arg8[%dma_start3A_259, %dma_start3A_260, %dma_start3A_261] : memref<4x50x64xf32, #tpu.memory_space<vmem>> -> memref<1x50x64xf32, #tpu.memory_space<vmem>>
          %dma_start3A_263 = tpu.memref_squeeze %dma_start3A_262 : memref<1x50x64xf32, #tpu.memory_space<vmem>> -> memref<50x64xf32, #tpu.memory_space<vmem>>
          %dma_start3A_264 = arith.constant 0 : i32
          %dma_start3A_265 = tpu.memref_slice %arg7[%add3A_258, %dma_start3A_264] : memref<256x50xi32, #tpu.memory_space<vmem>> -> memref<1x50xi32, #tpu.memory_space<vmem>>
          %dma_start3A_266 = tpu.memref_squeeze %dma_start3A_265 : memref<1x50xi32, #tpu.memory_space<vmem>> -> memref<50xi32, #tpu.memory_space<vmem>>
          %dma_start3A_267 = arith.constant 0 : i32
          %dma_start3A_268 = arith.constant 0 : i32
          %dma_start3A_269 = tpu.memref_slice %arg4[%dma_start3A_267, %dma_start3A_268] : memref<1000000x64xf32, #tpu.memory_space<hbm>> -> memref<1000000x64xf32, #tpu.memory_space<hbm>>
          tpu.enqueue_indirect_dma source(%dma_start3A_269 : memref<1000000x64xf32, #tpu.memory_space<hbm>>) target(%dma_start3A_263 : memref<50x64xf32, #tpu.memory_space<vmem>>) offsets(%dma_start3A_266 : memref<50xi32, #tpu.memory_space<vmem>>) semaphore(%arg12 : memref<!tpu.dma_semaphore, #tpu.memory_space<semaphore_mem>>)
        } else {
        }
        %mul3A_210 = arith.constant 4 : i32
        %mul3A_211 = arith.muli %mul3A_210, %scan3A_76 : i32
        %add3A_212 = arith.constant 3 : i32
        %add3A_213 = arith.addi %mul3A_211, %add3A_212 : i32
        %dma_wait3A_214 = arith.constant 3 : i32
        %dma_wait3A_215 = arith.constant 0 : i32
        %dma_wait3A_216 = arith.constant 0 : i32
        %dma_wait3A_217 = tpu.memref_slice %arg8[%dma_wait3A_214, %dma_wait3A_215, %dma_wait3A_216] : memref<4x50x64xf32, #tpu.memory_space<vmem>> -> memref<1x50x64xf32, #tpu.memory_space<vmem>>
        %dma_wait3A_218 = tpu.memref_squeeze %dma_wait3A_217 : memref<1x50x64xf32, #tpu.memory_space<vmem>> -> memref<50x64xf32, #tpu.memory_space<vmem>>
        %dma_wait3A_219 = arith.constant 0 : i32
        %dma_wait3A_220 = tpu.memref_slice %arg7[%add3A_213, %dma_wait3A_219] : memref<256x50xi32, #tpu.memory_space<vmem>> -> memref<1x50xi32, #tpu.memory_space<vmem>>
        %dma_wait3A_221 = tpu.memref_squeeze %dma_wait3A_220 : memref<1x50xi32, #tpu.memory_space<vmem>> -> memref<50xi32, #tpu.memory_space<vmem>>
        %dma_wait3A_222 = arith.constant 0 : i32
        %dma_wait3A_223 = arith.constant 0 : i32
        %dma_wait3A_224 = tpu.memref_slice %arg4[%dma_wait3A_222, %dma_wait3A_223] : memref<1000000x64xf32, #tpu.memory_space<hbm>> -> memref<1000000x64xf32, #tpu.memory_space<hbm>>
        tpu.wait_indirect_dma semaphore(%arg13 : memref<!tpu.dma_semaphore, #tpu.memory_space<semaphore_mem>>) src(%dma_wait3A_224 : memref<1000000x64xf32, #tpu.memory_space<hbm>>) dst(%dma_wait3A_218 : memref<50x64xf32, #tpu.memory_space<vmem>>)
        %mul3A_225 = arith.constant 256 : i32
        %mul3A_226 = arith.muli %scan3A_16, %mul3A_225 : i32
        %add3A_227 = arith.addi %mul3A_226, %add3A_213 : i32
        %broadcast_in_dim3A_228 = arith.constant 0.000000e+00 : f32
        %broadcast_in_dim3A_229 = vector.broadcast %broadcast_in_dim3A_228 : f32 to vector<16xf32>
        %scan3A_230 = arith.constant 3 : i32
        %scan3A_231 = arith.constant 0 : i32
        %scan3A_232 = arith.constant 5 : i32
        %scan3A_233 = arith.addi %scan3A_231, %scan3A_232 : i32
        %scan3A_234 = arith.constant 1 : i32
        %scan3A_235:4 = scf.for %scan3A_257 = %scan3A_231 to %scan3A_233 step %scan3A_234 iter_args(%scan3A_258 = %broadcast_in_dim3A_229, %scan3A_259 = %broadcast_in_dim3A_229, %scan3A_260 = %broadcast_in_dim3A_229, %scan3A_261 = %broadcast_in_dim3A_229) -> (vector<16xf32>, vector<16xf32>, vector<16xf32>, vector<16xf32>)  : i32 {
          %mul3A_262 = arith.constant 10 : i32
          %mul3A_263 = arith.muli %scan3A_257, %mul3A_262 : i32
          %add3A_264 = arith.constant 0 : i32
          %add3A_265 = arith.addi %mul3A_263, %add3A_264 : i32
          %get3A = arith.constant 0 : i32
          %get3A_266 = arith.constant 0 : i32
          %get3A_267 = tpu.memref_slice %arg8[%scan3A_230, %get3A, %get3A_266] : memref<4x50x64xf32, #tpu.memory_space<vmem>> -> memref<1x50x64xf32, #tpu.memory_space<vmem>>
          %get3A_268 = tpu.memref_squeeze %get3A_267 : memref<1x50x64xf32, #tpu.memory_space<vmem>> -> memref<50x64xf32, #tpu.memory_space<vmem>>
          %get3A_269 = arith.index_cast %add3A_265 : i32 to index
          %get3A_270 = arith.constant 0 : index
          %get3A_271 = tpu.vector_load %get3A_268[%get3A_269, %get3A_270] {strides = array<i32>} : memref<50x64xf32, #tpu.memory_space<vmem>>, vector<16xf32>,
          %add3A_272 = arith.addf %scan3A_258, %get3A_271 : vector<16xf32>
          %get3A_273 = arith.constant 0 : i32
          %get3A_274 = arith.constant 0 : i32
          %get3A_275 = tpu.memref_slice %arg8[%scan3A_230, %get3A_273, %get3A_274] : memref<4x50x64xf32, #tpu.memory_space<vmem>> -> memref<1x50x64xf32, #tpu.memory_space<vmem>>
          %get3A_276 = tpu.memref_squeeze %get3A_275 : memref<1x50x64xf32, #tpu.memory_space<vmem>> -> memref<50x64xf32, #tpu.memory_space<vmem>>
          %get3A_277 = arith.index_cast %add3A_265 : i32 to index
          %get3A_278 = arith.constant 16 : index
          %get3A_279 = tpu.vector_load %get3A_276[%get3A_277, %get3A_278] {strides = array<i32>} : memref<50x64xf32, #tpu.memory_space<vmem>>, vector<16xf32>,
          %add3A_280 = arith.addf %scan3A_259, %get3A_279 : vector<16xf32>
          %get3A_281 = arith.constant 0 : i32
          %get3A_282 = arith.constant 0 : i32
          %get3A_283 = tpu.memref_slice %arg8[%scan3A_230, %get3A_281, %get3A_282] : memref<4x50x64xf32, #tpu.memory_space<vmem>> -> memref<1x50x64xf32, #tpu.memory_space<vmem>>
          %get3A_284 = tpu.memref_squeeze %get3A_283 : memref<1x50x64xf32, #tpu.memory_space<vmem>> -> memref<50x64xf32, #tpu.memory_space<vmem>>
          %get3A_285 = arith.index_cast %add3A_265 : i32 to index
          %get3A_286 = arith.constant 32 : index
          %get3A_287 = tpu.vector_load %get3A_284[%get3A_285, %get3A_286] {strides = array<i32>} : memref<50x64xf32, #tpu.memory_space<vmem>>, vector<16xf32>,
          %add3A_288 = arith.addf %scan3A_260, %get3A_287 : vector<16xf32>
          %get3A_289 = arith.constant 0 : i32
          %get3A_290 = arith.constant 0 : i32
          %get3A_291 = tpu.memref_slice %arg8[%scan3A_230, %get3A_289, %get3A_290] : memref<4x50x64xf32, #tpu.memory_space<vmem>> -> memref<1x50x64xf32, #tpu.memory_space<vmem>>
          %get3A_292 = tpu.memref_squeeze %get3A_291 : memref<1x50x64xf32, #tpu.memory_space<vmem>> -> memref<50x64xf32, #tpu.memory_space<vmem>>
          %get3A_293 = arith.index_cast %add3A_265 : i32 to index
          %get3A_294 = arith.constant 48 : index
          %get3A_295 = tpu.vector_load %get3A_292[%get3A_293, %get3A_294] {strides = array<i32>} : memref<50x64xf32, #tpu.memory_space<vmem>>, vector<16xf32>,
          %add3A_296 = arith.addf %scan3A_261, %get3A_295 : vector<16xf32>
          %mul3A_297 = arith.constant 10 : i32
          %mul3A_298 = arith.muli %scan3A_257, %mul3A_297 : i32
          %add3A_299 = arith.constant 1 : i32
          %add3A_300 = arith.addi %mul3A_298, %add3A_299 : i32
          %get3A_301 = arith.constant 0 : i32
          %get3A_302 = arith.constant 0 : i32
          %get3A_303 = tpu.memref_slice %arg8[%scan3A_230, %get3A_301, %get3A_302] : memref<4x50x64xf32, #tpu.memory_space<vmem>> -> memref<1x50x64xf32, #tpu.memory_space<vmem>>
          %get3A_304 = tpu.memref_squeeze %get3A_303 : memref<1x50x64xf32, #tpu.memory_space<vmem>> -> memref<50x64xf32, #tpu.memory_space<vmem>>
          %get3A_305 = arith.index_cast %add3A_300 : i32 to index
          %get3A_306 = arith.constant 0 : index
          %get3A_307 = tpu.vector_load %get3A_304[%get3A_305, %get3A_306] {strides = array<i32>} : memref<50x64xf32, #tpu.memory_space<vmem>>, vector<16xf32>,
          %add3A_308 = arith.addf %add3A_272, %get3A_307 : vector<16xf32>
          %get3A_309 = arith.constant 0 : i32
          %get3A_310 = arith.constant 0 : i32
          %get3A_311 = tpu.memref_slice %arg8[%scan3A_230, %get3A_309, %get3A_310] : memref<4x50x64xf32, #tpu.memory_space<vmem>> -> memref<1x50x64xf32, #tpu.memory_space<vmem>>
          %get3A_312 = tpu.memref_squeeze %get3A_311 : memref<1x50x64xf32, #tpu.memory_space<vmem>> -> memref<50x64xf32, #tpu.memory_space<vmem>>
          %get3A_313 = arith.index_cast %add3A_300 : i32 to index
          %get3A_314 = arith.constant 16 : index
          %get3A_315 = tpu.vector_load %get3A_312[%get3A_313, %get3A_314] {strides = array<i32>} : memref<50x64xf32, #tpu.memory_space<vmem>>, vector<16xf32>,
          %add3A_316 = arith.addf %add3A_280, %get3A_315 : vector<16xf32>
          %get3A_317 = arith.constant 0 : i32
          %get3A_318 = arith.constant 0 : i32
          %get3A_319 = tpu.memref_slice %arg8[%scan3A_230, %get3A_317, %get3A_318] : memref<4x50x64xf32, #tpu.memory_space<vmem>> -> memref<1x50x64xf32, #tpu.memory_space<vmem>>
          %get3A_320 = tpu.memref_squeeze %get3A_319 : memref<1x50x64xf32, #tpu.memory_space<vmem>> -> memref<50x64xf32, #tpu.memory_space<vmem>>
          %get3A_321 = arith.index_cast %add3A_300 : i32 to index
          %get3A_322 = arith.constant 32 : index
          %get3A_323 = tpu.vector_load %get3A_320[%get3A_321, %get3A_322] {strides = array<i32>} : memref<50x64xf32, #tpu.memory_space<vmem>>, vector<16xf32>,
          %add3A_324 = arith.addf %add3A_288, %get3A_323 : vector<16xf32>
          %get3A_325 = arith.constant 0 : i32
          %get3A_326 = arith.constant 0 : i32
          %get3A_327 = tpu.memref_slice %arg8[%scan3A_230, %get3A_325, %get3A_326] : memref<4x50x64xf32, #tpu.memory_space<vmem>> -> memref<1x50x64xf32, #tpu.memory_space<vmem>>
          %get3A_328 = tpu.memref_squeeze %get3A_327 : memref<1x50x64xf32, #tpu.memory_space<vmem>> -> memref<50x64xf32, #tpu.memory_space<vmem>>
          %get3A_329 = arith.index_cast %add3A_300 : i32 to index
          %get3A_330 = arith.constant 48 : index
          %get3A_331 = tpu.vector_load %get3A_328[%get3A_329, %get3A_330] {strides = array<i32>} : memref<50x64xf32, #tpu.memory_space<vmem>>, vector<16xf32>,
          %add3A_332 = arith.addf %add3A_296, %get3A_331 : vector<16xf32>
          %mul3A_333 = arith.constant 10 : i32
          %mul3A_334 = arith.muli %scan3A_257, %mul3A_333 : i32
          %add3A_335 = arith.constant 2 : i32
          %add3A_336 = arith.addi %mul3A_334, %add3A_335 : i32
          %get3A_337 = arith.constant 0 : i32
          %get3A_338 = arith.constant 0 : i32
          %get3A_339 = tpu.memref_slice %arg8[%scan3A_230, %get3A_337, %get3A_338] : memref<4x50x64xf32, #tpu.memory_space<vmem>> -> memref<1x50x64xf32, #tpu.memory_space<vmem>>
          %get3A_340 = tpu.memref_squeeze %get3A_339 : memref<1x50x64xf32, #tpu.memory_space<vmem>> -> memref<50x64xf32, #tpu.memory_space<vmem>>
          %get3A_341 = arith.index_cast %add3A_336 : i32 to index
          %get3A_342 = arith.constant 0 : index
          %get3A_343 = tpu.vector_load %get3A_340[%get3A_341, %get3A_342] {strides = array<i32>} : memref<50x64xf32, #tpu.memory_space<vmem>>, vector<16xf32>,
          %add3A_344 = arith.addf %add3A_308, %get3A_343 : vector<16xf32>
          %get3A_345 = arith.constant 0 : i32
          %get3A_346 = arith.constant 0 : i32
          %get3A_347 = tpu.memref_slice %arg8[%scan3A_230, %get3A_345, %get3A_346] : memref<4x50x64xf32, #tpu.memory_space<vmem>> -> memref<1x50x64xf32, #tpu.memory_space<vmem>>
          %get3A_348 = tpu.memref_squeeze %get3A_347 : memref<1x50x64xf32, #tpu.memory_space<vmem>> -> memref<50x64xf32, #tpu.memory_space<vmem>>
          %get3A_349 = arith.index_cast %add3A_336 : i32 to index
          %get3A_350 = arith.constant 16 : index
          %get3A_351 = tpu.vector_load %get3A_348[%get3A_349, %get3A_350] {strides = array<i32>} : memref<50x64xf32, #tpu.memory_space<vmem>>, vector<16xf32>,
          %add3A_352 = arith.addf %add3A_316, %get3A_351 : vector<16xf32>
          %get3A_353 = arith.constant 0 : i32
          %get3A_354 = arith.constant 0 : i32
          %get3A_355 = tpu.memref_slice %arg8[%scan3A_230, %get3A_353, %get3A_354] : memref<4x50x64xf32, #tpu.memory_space<vmem>> -> memref<1x50x64xf32, #tpu.memory_space<vmem>>
          %get3A_356 = tpu.memref_squeeze %get3A_355 : memref<1x50x64xf32, #tpu.memory_space<vmem>> -> memref<50x64xf32, #tpu.memory_space<vmem>>
          %get3A_357 = arith.index_cast %add3A_336 : i32 to index
          %get3A_358 = arith.constant 32 : index
          %get3A_359 = tpu.vector_load %get3A_356[%get3A_357, %get3A_358] {strides = array<i32>} : memref<50x64xf32, #tpu.memory_space<vmem>>, vector<16xf32>,
          %add3A_360 = arith.addf %add3A_324, %get3A_359 : vector<16xf32>
          %get3A_361 = arith.constant 0 : i32
          %get3A_362 = arith.constant 0 : i32
          %get3A_363 = tpu.memref_slice %arg8[%scan3A_230, %get3A_361, %get3A_362] : memref<4x50x64xf32, #tpu.memory_space<vmem>> -> memref<1x50x64xf32, #tpu.memory_space<vmem>>
          %get3A_364 = tpu.memref_squeeze %get3A_363 : memref<1x50x64xf32, #tpu.memory_space<vmem>> -> memref<50x64xf32, #tpu.memory_space<vmem>>
          %get3A_365 = arith.index_cast %add3A_336 : i32 to index
          %get3A_366 = arith.constant 48 : index
          %get3A_367 = tpu.vector_load %get3A_364[%get3A_365, %get3A_366] {strides = array<i32>} : memref<50x64xf32, #tpu.memory_space<vmem>>, vector<16xf32>,
          %add3A_368 = arith.addf %add3A_332, %get3A_367 : vector<16xf32>
          %mul3A_369 = arith.constant 10 : i32
          %mul3A_370 = arith.muli %scan3A_257, %mul3A_369 : i32
          %add3A_371 = arith.constant 3 : i32
          %add3A_372 = arith.addi %mul3A_370, %add3A_371 : i32
          %get3A_373 = arith.constant 0 : i32
          %get3A_374 = arith.constant 0 : i32
          %get3A_375 = tpu.memref_slice %arg8[%scan3A_230, %get3A_373, %get3A_374] : memref<4x50x64xf32, #tpu.memory_space<vmem>> -> memref<1x50x64xf32, #tpu.memory_space<vmem>>
          %get3A_376 = tpu.memref_squeeze %get3A_375 : memref<1x50x64xf32, #tpu.memory_space<vmem>> -> memref<50x64xf32, #tpu.memory_space<vmem>>
          %get3A_377 = arith.index_cast %add3A_372 : i32 to index
          %get3A_378 = arith.constant 0 : index
          %get3A_379 = tpu.vector_load %get3A_376[%get3A_377, %get3A_378] {strides = array<i32>} : memref<50x64xf32, #tpu.memory_space<vmem>>, vector<16xf32>,
          %add3A_380 = arith.addf %add3A_344, %get3A_379 : vector<16xf32>
          %get3A_381 = arith.constant 0 : i32
          %get3A_382 = arith.constant 0 : i32
          %get3A_383 = tpu.memref_slice %arg8[%scan3A_230, %get3A_381, %get3A_382] : memref<4x50x64xf32, #tpu.memory_space<vmem>> -> memref<1x50x64xf32, #tpu.memory_space<vmem>>
          %get3A_384 = tpu.memref_squeeze %get3A_383 : memref<1x50x64xf32, #tpu.memory_space<vmem>> -> memref<50x64xf32, #tpu.memory_space<vmem>>
          %get3A_385 = arith.index_cast %add3A_372 : i32 to index
          %get3A_386 = arith.constant 16 : index
          %get3A_387 = tpu.vector_load %get3A_384[%get3A_385, %get3A_386] {strides = array<i32>} : memref<50x64xf32, #tpu.memory_space<vmem>>, vector<16xf32>,
          %add3A_388 = arith.addf %add3A_352, %get3A_387 : vector<16xf32>
          %get3A_389 = arith.constant 0 : i32
          %get3A_390 = arith.constant 0 : i32
          %get3A_391 = tpu.memref_slice %arg8[%scan3A_230, %get3A_389, %get3A_390] : memref<4x50x64xf32, #tpu.memory_space<vmem>> -> memref<1x50x64xf32, #tpu.memory_space<vmem>>
          %get3A_392 = tpu.memref_squeeze %get3A_391 : memref<1x50x64xf32, #tpu.memory_space<vmem>> -> memref<50x64xf32, #tpu.memory_space<vmem>>
          %get3A_393 = arith.index_cast %add3A_372 : i32 to index
          %get3A_394 = arith.constant 32 : index
          %get3A_395 = tpu.vector_load %get3A_392[%get3A_393, %get3A_394] {strides = array<i32>} : memref<50x64xf32, #tpu.memory_space<vmem>>, vector<16xf32>,
          %add3A_396 = arith.addf %add3A_360, %get3A_395 : vector<16xf32>
          %get3A_397 = arith.constant 0 : i32
          %get3A_398 = arith.constant 0 : i32
          %get3A_399 = tpu.memref_slice %arg8[%scan3A_230, %get3A_397, %get3A_398] : memref<4x50x64xf32, #tpu.memory_space<vmem>> -> memref<1x50x64xf32, #tpu.memory_space<vmem>>
          %get3A_400 = tpu.memref_squeeze %get3A_399 : memref<1x50x64xf32, #tpu.memory_space<vmem>> -> memref<50x64xf32, #tpu.memory_space<vmem>>
          %get3A_401 = arith.index_cast %add3A_372 : i32 to index
          %get3A_402 = arith.constant 48 : index
          %get3A_403 = tpu.vector_load %get3A_400[%get3A_401, %get3A_402] {strides = array<i32>} : memref<50x64xf32, #tpu.memory_space<vmem>>, vector<16xf32>,
          %add3A_404 = arith.addf %add3A_368, %get3A_403 : vector<16xf32>
          %mul3A_405 = arith.constant 10 : i32
          %mul3A_406 = arith.muli %scan3A_257, %mul3A_405 : i32
          %add3A_407 = arith.constant 4 : i32
          %add3A_408 = arith.addi %mul3A_406, %add3A_407 : i32
          %get3A_409 = arith.constant 0 : i32
          %get3A_410 = arith.constant 0 : i32
          %get3A_411 = tpu.memref_slice %arg8[%scan3A_230, %get3A_409, %get3A_410] : memref<4x50x64xf32, #tpu.memory_space<vmem>> -> memref<1x50x64xf32, #tpu.memory_space<vmem>>
          %get3A_412 = tpu.memref_squeeze %get3A_411 : memref<1x50x64xf32, #tpu.memory_space<vmem>> -> memref<50x64xf32, #tpu.memory_space<vmem>>
          %get3A_413 = arith.index_cast %add3A_408 : i32 to index
          %get3A_414 = arith.constant 0 : index
          %get3A_415 = tpu.vector_load %get3A_412[%get3A_413, %get3A_414] {strides = array<i32>} : memref<50x64xf32, #tpu.memory_space<vmem>>, vector<16xf32>,
          %add3A_416 = arith.addf %add3A_380, %get3A_415 : vector<16xf32>
          %get3A_417 = arith.constant 0 : i32
          %get3A_418 = arith.constant 0 : i32
          %get3A_419 = tpu.memref_slice %arg8[%scan3A_230, %get3A_417, %get3A_418] : memref<4x50x64xf32, #tpu.memory_space<vmem>> -> memref<1x50x64xf32, #tpu.memory_space<vmem>>
          %get3A_420 = tpu.memref_squeeze %get3A_419 : memref<1x50x64xf32, #tpu.memory_space<vmem>> -> memref<50x64xf32, #tpu.memory_space<vmem>>
          %get3A_421 = arith.index_cast %add3A_408 : i32 to index
          %get3A_422 = arith.constant 16 : index
          %get3A_423 = tpu.vector_load %get3A_420[%get3A_421, %get3A_422] {strides = array<i32>} : memref<50x64xf32, #tpu.memory_space<vmem>>, vector<16xf32>,
          %add3A_424 = arith.addf %add3A_388, %get3A_423 : vector<16xf32>
          %get3A_425 = arith.constant 0 : i32
          %get3A_426 = arith.constant 0 : i32
          %get3A_427 = tpu.memref_slice %arg8[%scan3A_230, %get3A_425, %get3A_426] : memref<4x50x64xf32, #tpu.memory_space<vmem>> -> memref<1x50x64xf32, #tpu.memory_space<vmem>>
          %get3A_428 = tpu.memref_squeeze %get3A_427 : memref<1x50x64xf32, #tpu.memory_space<vmem>> -> memref<50x64xf32, #tpu.memory_space<vmem>>
          %get3A_429 = arith.index_cast %add3A_408 : i32 to index
          %get3A_430 = arith.constant 32 : index
          %get3A_431 = tpu.vector_load %get3A_428[%get3A_429, %get3A_430] {strides = array<i32>} : memref<50x64xf32, #tpu.memory_space<vmem>>, vector<16xf32>,
          %add3A_432 = arith.addf %add3A_396, %get3A_431 : vector<16xf32>
          %get3A_433 = arith.constant 0 : i32
          %get3A_434 = arith.constant 0 : i32
          %get3A_435 = tpu.memref_slice %arg8[%scan3A_230, %get3A_433, %get3A_434] : memref<4x50x64xf32, #tpu.memory_space<vmem>> -> memref<1x50x64xf32, #tpu.memory_space<vmem>>
          %get3A_436 = tpu.memref_squeeze %get3A_435 : memref<1x50x64xf32, #tpu.memory_space<vmem>> -> memref<50x64xf32, #tpu.memory_space<vmem>>
          %get3A_437 = arith.index_cast %add3A_408 : i32 to index
          %get3A_438 = arith.constant 48 : index
          %get3A_439 = tpu.vector_load %get3A_436[%get3A_437, %get3A_438] {strides = array<i32>} : memref<50x64xf32, #tpu.memory_space<vmem>>, vector<16xf32>,
          %add3A_440 = arith.addf %add3A_404, %get3A_439 : vector<16xf32>
          %mul3A_441 = arith.constant 10 : i32
          %mul3A_442 = arith.muli %scan3A_257, %mul3A_441 : i32
          %add3A_443 = arith.constant 5 : i32
          %add3A_444 = arith.addi %mul3A_442, %add3A_443 : i32
          %get3A_445 = arith.constant 0 : i32
          %get3A_446 = arith.constant 0 : i32
          %get3A_447 = tpu.memref_slice %arg8[%scan3A_230, %get3A_445, %get3A_446] : memref<4x50x64xf32, #tpu.memory_space<vmem>> -> memref<1x50x64xf32, #tpu.memory_space<vmem>>
          %get3A_448 = tpu.memref_squeeze %get3A_447 : memref<1x50x64xf32, #tpu.memory_space<vmem>> -> memref<50x64xf32, #tpu.memory_space<vmem>>
          %get3A_449 = arith.index_cast %add3A_444 : i32 to index
          %get3A_450 = arith.constant 0 : index
          %get3A_451 = tpu.vector_load %get3A_448[%get3A_449, %get3A_450] {strides = array<i32>} : memref<50x64xf32, #tpu.memory_space<vmem>>, vector<16xf32>,
          %add3A_452 = arith.addf %add3A_416, %get3A_451 : vector<16xf32>
          %get3A_453 = arith.constant 0 : i32
          %get3A_454 = arith.constant 0 : i32
          %get3A_455 = tpu.memref_slice %arg8[%scan3A_230, %get3A_453, %get3A_454] : memref<4x50x64xf32, #tpu.memory_space<vmem>> -> memref<1x50x64xf32, #tpu.memory_space<vmem>>
          %get3A_456 = tpu.memref_squeeze %get3A_455 : memref<1x50x64xf32, #tpu.memory_space<vmem>> -> memref<50x64xf32, #tpu.memory_space<vmem>>
          %get3A_457 = arith.index_cast %add3A_444 : i32 to index
          %get3A_458 = arith.constant 16 : index
          %get3A_459 = tpu.vector_load %get3A_456[%get3A_457, %get3A_458] {strides = array<i32>} : memref<50x64xf32, #tpu.memory_space<vmem>>, vector<16xf32>,
          %add3A_460 = arith.addf %add3A_424, %get3A_459 : vector<16xf32>
          %get3A_461 = arith.constant 0 : i32
          %get3A_462 = arith.constant 0 : i32
          %get3A_463 = tpu.memref_slice %arg8[%scan3A_230, %get3A_461, %get3A_462] : memref<4x50x64xf32, #tpu.memory_space<vmem>> -> memref<1x50x64xf32, #tpu.memory_space<vmem>>
          %get3A_464 = tpu.memref_squeeze %get3A_463 : memref<1x50x64xf32, #tpu.memory_space<vmem>> -> memref<50x64xf32, #tpu.memory_space<vmem>>
          %get3A_465 = arith.index_cast %add3A_444 : i32 to index
          %get3A_466 = arith.constant 32 : index
          %get3A_467 = tpu.vector_load %get3A_464[%get3A_465, %get3A_466] {strides = array<i32>} : memref<50x64xf32, #tpu.memory_space<vmem>>, vector<16xf32>,
          %add3A_468 = arith.addf %add3A_432, %get3A_467 : vector<16xf32>
          %get3A_469 = arith.constant 0 : i32
          %get3A_470 = arith.constant 0 : i32
          %get3A_471 = tpu.memref_slice %arg8[%scan3A_230, %get3A_469, %get3A_470] : memref<4x50x64xf32, #tpu.memory_space<vmem>> -> memref<1x50x64xf32, #tpu.memory_space<vmem>>
          %get3A_472 = tpu.memref_squeeze %get3A_471 : memref<1x50x64xf32, #tpu.memory_space<vmem>> -> memref<50x64xf32, #tpu.memory_space<vmem>>
          %get3A_473 = arith.index_cast %add3A_444 : i32 to index
          %get3A_474 = arith.constant 48 : index
          %get3A_475 = tpu.vector_load %get3A_472[%get3A_473, %get3A_474] {strides = array<i32>} : memref<50x64xf32, #tpu.memory_space<vmem>>, vector<16xf32>,
          %add3A_476 = arith.addf %add3A_440, %get3A_475 : vector<16xf32>
          %mul3A_477 = arith.constant 10 : i32
          %mul3A_478 = arith.muli %scan3A_257, %mul3A_477 : i32
          %add3A_479 = arith.constant 6 : i32
          %add3A_480 = arith.addi %mul3A_478, %add3A_479 : i32
          %get3A_481 = arith.constant 0 : i32
          %get3A_482 = arith.constant 0 : i32
          %get3A_483 = tpu.memref_slice %arg8[%scan3A_230, %get3A_481, %get3A_482] : memref<4x50x64xf32, #tpu.memory_space<vmem>> -> memref<1x50x64xf32, #tpu.memory_space<vmem>>
          %get3A_484 = tpu.memref_squeeze %get3A_483 : memref<1x50x64xf32, #tpu.memory_space<vmem>> -> memref<50x64xf32, #tpu.memory_space<vmem>>
          %get3A_485 = arith.index_cast %add3A_480 : i32 to index
          %get3A_486 = arith.constant 0 : index
          %get3A_487 = tpu.vector_load %get3A_484[%get3A_485, %get3A_486] {strides = array<i32>} : memref<50x64xf32, #tpu.memory_space<vmem>>, vector<16xf32>,
          %add3A_488 = arith.addf %add3A_452, %get3A_487 : vector<16xf32>
          %get3A_489 = arith.constant 0 : i32
          %get3A_490 = arith.constant 0 : i32
          %get3A_491 = tpu.memref_slice %arg8[%scan3A_230, %get3A_489, %get3A_490] : memref<4x50x64xf32, #tpu.memory_space<vmem>> -> memref<1x50x64xf32, #tpu.memory_space<vmem>>
          %get3A_492 = tpu.memref_squeeze %get3A_491 : memref<1x50x64xf32, #tpu.memory_space<vmem>> -> memref<50x64xf32, #tpu.memory_space<vmem>>
          %get3A_493 = arith.index_cast %add3A_480 : i32 to index
          %get3A_494 = arith.constant 16 : index
          %get3A_495 = tpu.vector_load %get3A_492[%get3A_493, %get3A_494] {strides = array<i32>} : memref<50x64xf32, #tpu.memory_space<vmem>>, vector<16xf32>,
          %add3A_496 = arith.addf %add3A_460, %get3A_495 : vector<16xf32>
          %get3A_497 = arith.constant 0 : i32
          %get3A_498 = arith.constant 0 : i32
          %get3A_499 = tpu.memref_slice %arg8[%scan3A_230, %get3A_497, %get3A_498] : memref<4x50x64xf32, #tpu.memory_space<vmem>> -> memref<1x50x64xf32, #tpu.memory_space<vmem>>
          %get3A_500 = tpu.memref_squeeze %get3A_499 : memref<1x50x64xf32, #tpu.memory_space<vmem>> -> memref<50x64xf32, #tpu.memory_space<vmem>>
          %get3A_501 = arith.index_cast %add3A_480 : i32 to index
          %get3A_502 = arith.constant 32 : index
          %get3A_503 = tpu.vector_load %get3A_500[%get3A_501, %get3A_502] {strides = array<i32>} : memref<50x64xf32, #tpu.memory_space<vmem>>, vector<16xf32>,
          %add3A_504 = arith.addf %add3A_468, %get3A_503 : vector<16xf32>
          %get3A_505 = arith.constant 0 : i32
          %get3A_506 = arith.constant 0 : i32
          %get3A_507 = tpu.memref_slice %arg8[%scan3A_230, %get3A_505, %get3A_506] : memref<4x50x64xf32, #tpu.memory_space<vmem>> -> memref<1x50x64xf32, #tpu.memory_space<vmem>>
          %get3A_508 = tpu.memref_squeeze %get3A_507 : memref<1x50x64xf32, #tpu.memory_space<vmem>> -> memref<50x64xf32, #tpu.memory_space<vmem>>
          %get3A_509 = arith.index_cast %add3A_480 : i32 to index
          %get3A_510 = arith.constant 48 : index
          %get3A_511 = tpu.vector_load %get3A_508[%get3A_509, %get3A_510] {strides = array<i32>} : memref<50x64xf32, #tpu.memory_space<vmem>>, vector<16xf32>,
          %add3A_512 = arith.addf %add3A_476, %get3A_511 : vector<16xf32>
          %mul3A_513 = arith.constant 10 : i32
          %mul3A_514 = arith.muli %scan3A_257, %mul3A_513 : i32
          %add3A_515 = arith.constant 7 : i32
          %add3A_516 = arith.addi %mul3A_514, %add3A_515 : i32
          %get3A_517 = arith.constant 0 : i32
          %get3A_518 = arith.constant 0 : i32
          %get3A_519 = tpu.memref_slice %arg8[%scan3A_230, %get3A_517, %get3A_518] : memref<4x50x64xf32, #tpu.memory_space<vmem>> -> memref<1x50x64xf32, #tpu.memory_space<vmem>>
          %get3A_520 = tpu.memref_squeeze %get3A_519 : memref<1x50x64xf32, #tpu.memory_space<vmem>> -> memref<50x64xf32, #tpu.memory_space<vmem>>
          %get3A_521 = arith.index_cast %add3A_516 : i32 to index
          %get3A_522 = arith.constant 0 : index
          %get3A_523 = tpu.vector_load %get3A_520[%get3A_521, %get3A_522] {strides = array<i32>} : memref<50x64xf32, #tpu.memory_space<vmem>>, vector<16xf32>,
          %add3A_524 = arith.addf %add3A_488, %get3A_523 : vector<16xf32>
          %get3A_525 = arith.constant 0 : i32
          %get3A_526 = arith.constant 0 : i32
          %get3A_527 = tpu.memref_slice %arg8[%scan3A_230, %get3A_525, %get3A_526] : memref<4x50x64xf32, #tpu.memory_space<vmem>> -> memref<1x50x64xf32, #tpu.memory_space<vmem>>
          %get3A_528 = tpu.memref_squeeze %get3A_527 : memref<1x50x64xf32, #tpu.memory_space<vmem>> -> memref<50x64xf32, #tpu.memory_space<vmem>>
          %get3A_529 = arith.index_cast %add3A_516 : i32 to index
          %get3A_530 = arith.constant 16 : index
          %get3A_531 = tpu.vector_load %get3A_528[%get3A_529, %get3A_530] {strides = array<i32>} : memref<50x64xf32, #tpu.memory_space<vmem>>, vector<16xf32>,
          %add3A_532 = arith.addf %add3A_496, %get3A_531 : vector<16xf32>
          %get3A_533 = arith.constant 0 : i32
          %get3A_534 = arith.constant 0 : i32
          %get3A_535 = tpu.memref_slice %arg8[%scan3A_230, %get3A_533, %get3A_534] : memref<4x50x64xf32, #tpu.memory_space<vmem>> -> memref<1x50x64xf32, #tpu.memory_space<vmem>>
          %get3A_536 = tpu.memref_squeeze %get3A_535 : memref<1x50x64xf32, #tpu.memory_space<vmem>> -> memref<50x64xf32, #tpu.memory_space<vmem>>
          %get3A_537 = arith.index_cast %add3A_516 : i32 to index
          %get3A_538 = arith.constant 32 : index
          %get3A_539 = tpu.vector_load %get3A_536[%get3A_537, %get3A_538] {strides = array<i32>} : memref<50x64xf32, #tpu.memory_space<vmem>>, vector<16xf32>,
          %add3A_540 = arith.addf %add3A_504, %get3A_539 : vector<16xf32>
          %get3A_541 = arith.constant 0 : i32
          %get3A_542 = arith.constant 0 : i32
          %get3A_543 = tpu.memref_slice %arg8[%scan3A_230, %get3A_541, %get3A_542] : memref<4x50x64xf32, #tpu.memory_space<vmem>> -> memref<1x50x64xf32, #tpu.memory_space<vmem>>
          %get3A_544 = tpu.memref_squeeze %get3A_543 : memref<1x50x64xf32, #tpu.memory_space<vmem>> -> memref<50x64xf32, #tpu.memory_space<vmem>>
          %get3A_545 = arith.index_cast %add3A_516 : i32 to index
          %get3A_546 = arith.constant 48 : index
          %get3A_547 = tpu.vector_load %get3A_544[%get3A_545, %get3A_546] {strides = array<i32>} : memref<50x64xf32, #tpu.memory_space<vmem>>, vector<16xf32>,
          %add3A_548 = arith.addf %add3A_512, %get3A_547 : vector<16xf32>
          %mul3A_549 = arith.constant 10 : i32
          %mul3A_550 = arith.muli %scan3A_257, %mul3A_549 : i32
          %add3A_551 = arith.constant 8 : i32
          %add3A_552 = arith.addi %mul3A_550, %add3A_551 : i32
          %get3A_553 = arith.constant 0 : i32
          %get3A_554 = arith.constant 0 : i32
          %get3A_555 = tpu.memref_slice %arg8[%scan3A_230, %get3A_553, %get3A_554] : memref<4x50x64xf32, #tpu.memory_space<vmem>> -> memref<1x50x64xf32, #tpu.memory_space<vmem>>
          %get3A_556 = tpu.memref_squeeze %get3A_555 : memref<1x50x64xf32, #tpu.memory_space<vmem>> -> memref<50x64xf32, #tpu.memory_space<vmem>>
          %get3A_557 = arith.index_cast %add3A_552 : i32 to index
          %get3A_558 = arith.constant 0 : index
          %get3A_559 = tpu.vector_load %get3A_556[%get3A_557, %get3A_558] {strides = array<i32>} : memref<50x64xf32, #tpu.memory_space<vmem>>, vector<16xf32>,
          %add3A_560 = arith.addf %add3A_524, %get3A_559 : vector<16xf32>
          %get3A_561 = arith.constant 0 : i32
          %get3A_562 = arith.constant 0 : i32
          %get3A_563 = tpu.memref_slice %arg8[%scan3A_230, %get3A_561, %get3A_562] : memref<4x50x64xf32, #tpu.memory_space<vmem>> -> memref<1x50x64xf32, #tpu.memory_space<vmem>>
          %get3A_564 = tpu.memref_squeeze %get3A_563 : memref<1x50x64xf32, #tpu.memory_space<vmem>> -> memref<50x64xf32, #tpu.memory_space<vmem>>
          %get3A_565 = arith.index_cast %add3A_552 : i32 to index
          %get3A_566 = arith.constant 16 : index
          %get3A_567 = tpu.vector_load %get3A_564[%get3A_565, %get3A_566] {strides = array<i32>} : memref<50x64xf32, #tpu.memory_space<vmem>>, vector<16xf32>,
          %add3A_568 = arith.addf %add3A_532, %get3A_567 : vector<16xf32>
          %get3A_569 = arith.constant 0 : i32
          %get3A_570 = arith.constant 0 : i32
          %get3A_571 = tpu.memref_slice %arg8[%scan3A_230, %get3A_569, %get3A_570] : memref<4x50x64xf32, #tpu.memory_space<vmem>> -> memref<1x50x64xf32, #tpu.memory_space<vmem>>
          %get3A_572 = tpu.memref_squeeze %get3A_571 : memref<1x50x64xf32, #tpu.memory_space<vmem>> -> memref<50x64xf32, #tpu.memory_space<vmem>>
          %get3A_573 = arith.index_cast %add3A_552 : i32 to index
          %get3A_574 = arith.constant 32 : index
          %get3A_575 = tpu.vector_load %get3A_572[%get3A_573, %get3A_574] {strides = array<i32>} : memref<50x64xf32, #tpu.memory_space<vmem>>, vector<16xf32>,
          %add3A_576 = arith.addf %add3A_540, %get3A_575 : vector<16xf32>
          %get3A_577 = arith.constant 0 : i32
          %get3A_578 = arith.constant 0 : i32
          %get3A_579 = tpu.memref_slice %arg8[%scan3A_230, %get3A_577, %get3A_578] : memref<4x50x64xf32, #tpu.memory_space<vmem>> -> memref<1x50x64xf32, #tpu.memory_space<vmem>>
          %get3A_580 = tpu.memref_squeeze %get3A_579 : memref<1x50x64xf32, #tpu.memory_space<vmem>> -> memref<50x64xf32, #tpu.memory_space<vmem>>
          %get3A_581 = arith.index_cast %add3A_552 : i32 to index
          %get3A_582 = arith.constant 48 : index
          %get3A_583 = tpu.vector_load %get3A_580[%get3A_581, %get3A_582] {strides = array<i32>} : memref<50x64xf32, #tpu.memory_space<vmem>>, vector<16xf32>,
          %add3A_584 = arith.addf %add3A_548, %get3A_583 : vector<16xf32>
          %mul3A_585 = arith.constant 10 : i32
          %mul3A_586 = arith.muli %scan3A_257, %mul3A_585 : i32
          %add3A_587 = arith.constant 9 : i32
          %add3A_588 = arith.addi %mul3A_586, %add3A_587 : i32
          %get3A_589 = arith.constant 0 : i32
          %get3A_590 = arith.constant 0 : i32
          %get3A_591 = tpu.memref_slice %arg8[%scan3A_230, %get3A_589, %get3A_590] : memref<4x50x64xf32, #tpu.memory_space<vmem>> -> memref<1x50x64xf32, #tpu.memory_space<vmem>>
          %get3A_592 = tpu.memref_squeeze %get3A_591 : memref<1x50x64xf32, #tpu.memory_space<vmem>> -> memref<50x64xf32, #tpu.memory_space<vmem>>
          %get3A_593 = arith.index_cast %add3A_588 : i32 to index
          %get3A_594 = arith.constant 0 : index
          %get3A_595 = tpu.vector_load %get3A_592[%get3A_593, %get3A_594] {strides = array<i32>} : memref<50x64xf32, #tpu.memory_space<vmem>>, vector<16xf32>,
          %add3A_596 = arith.addf %add3A_560, %get3A_595 : vector<16xf32>
          %get3A_597 = arith.constant 0 : i32
          %get3A_598 = arith.constant 0 : i32
          %get3A_599 = tpu.memref_slice %arg8[%scan3A_230, %get3A_597, %get3A_598] : memref<4x50x64xf32, #tpu.memory_space<vmem>> -> memref<1x50x64xf32, #tpu.memory_space<vmem>>
          %get3A_600 = tpu.memref_squeeze %get3A_599 : memref<1x50x64xf32, #tpu.memory_space<vmem>> -> memref<50x64xf32, #tpu.memory_space<vmem>>
          %get3A_601 = arith.index_cast %add3A_588 : i32 to index
          %get3A_602 = arith.constant 16 : index
          %get3A_603 = tpu.vector_load %get3A_600[%get3A_601, %get3A_602] {strides = array<i32>} : memref<50x64xf32, #tpu.memory_space<vmem>>, vector<16xf32>,
          %add3A_604 = arith.addf %add3A_568, %get3A_603 : vector<16xf32>
          %get3A_605 = arith.constant 0 : i32
          %get3A_606 = arith.constant 0 : i32
          %get3A_607 = tpu.memref_slice %arg8[%scan3A_230, %get3A_605, %get3A_606] : memref<4x50x64xf32, #tpu.memory_space<vmem>> -> memref<1x50x64xf32, #tpu.memory_space<vmem>>
          %get3A_608 = tpu.memref_squeeze %get3A_607 : memref<1x50x64xf32, #tpu.memory_space<vmem>> -> memref<50x64xf32, #tpu.memory_space<vmem>>
          %get3A_609 = arith.index_cast %add3A_588 : i32 to index
          %get3A_610 = arith.constant 32 : index
          %get3A_611 = tpu.vector_load %get3A_608[%get3A_609, %get3A_610] {strides = array<i32>} : memref<50x64xf32, #tpu.memory_space<vmem>>, vector<16xf32>,
          %add3A_612 = arith.addf %add3A_576, %get3A_611 : vector<16xf32>
          %get3A_613 = arith.constant 0 : i32
          %get3A_614 = arith.constant 0 : i32
          %get3A_615 = tpu.memref_slice %arg8[%scan3A_230, %get3A_613, %get3A_614] : memref<4x50x64xf32, #tpu.memory_space<vmem>> -> memref<1x50x64xf32, #tpu.memory_space<vmem>>
          %get3A_616 = tpu.memref_squeeze %get3A_615 : memref<1x50x64xf32, #tpu.memory_space<vmem>> -> memref<50x64xf32, #tpu.memory_space<vmem>>
          %get3A_617 = arith.index_cast %add3A_588 : i32 to index
          %get3A_618 = arith.constant 48 : index
          %get3A_619 = tpu.vector_load %get3A_616[%get3A_617, %get3A_618] {strides = array<i32>} : memref<50x64xf32, #tpu.memory_space<vmem>>, vector<16xf32>,
          %add3A_620 = arith.addf %add3A_584, %get3A_619 : vector<16xf32>
          scf.yield %add3A_596, %add3A_604, %add3A_612, %add3A_620 : vector<16xf32>, vector<16xf32>, vector<16xf32>, vector<16xf32>
        }
        %scan3A_236 = arith.constant 5 : i32
        %swap3A_237 = arith.index_cast %add3A_227 : i32 to index
        %swap3A_238 = arith.constant 0 : index
        %swap3A_239 = tpu.vector_load %arg9[%swap3A_237, %swap3A_238] {strides = array<i32>} : memref<512x128xf32, #tpu.memory_space<vmem>>, vector<16xf32>,
        tpu.vector_store %arg9[%swap3A_237, %swap3A_238], %scan3A_235#0 {strides = array<i32>} : memref<512x128xf32, #tpu.memory_space<vmem>>, vector<16xf32>,
        %swap3A_240 = arith.index_cast %add3A_227 : i32 to index
        %swap3A_241 = arith.constant 16 : index
        %swap3A_242 = tpu.vector_load %arg9[%swap3A_240, %swap3A_241] {strides = array<i32>} : memref<512x128xf32, #tpu.memory_space<vmem>>, vector<16xf32>,
        tpu.vector_store %arg9[%swap3A_240, %swap3A_241], %scan3A_235#1 {strides = array<i32>} : memref<512x128xf32, #tpu.memory_space<vmem>>, vector<16xf32>,
        %swap3A_243 = arith.index_cast %add3A_227 : i32 to index
        %swap3A_244 = arith.constant 32 : index
        %swap3A_245 = tpu.vector_load %arg9[%swap3A_243, %swap3A_244] {strides = array<i32>} : memref<512x128xf32, #tpu.memory_space<vmem>>, vector<16xf32>,
        tpu.vector_store %arg9[%swap3A_243, %swap3A_244], %scan3A_235#2 {strides = array<i32>} : memref<512x128xf32, #tpu.memory_space<vmem>>, vector<16xf32>,
        %swap3A_246 = arith.index_cast %add3A_227 : i32 to index
        %swap3A_247 = arith.constant 48 : index
        %swap3A_248 = tpu.vector_load %arg9[%swap3A_246, %swap3A_247] {strides = array<i32>} : memref<512x128xf32, #tpu.memory_space<vmem>>, vector<16xf32>,
        tpu.vector_store %arg9[%swap3A_246, %swap3A_247], %scan3A_235#3 {strides = array<i32>} : memref<512x128xf32, #tpu.memory_space<vmem>>, vector<16xf32>,
        %add3A_249 = arith.constant 4 : i32
        %add3A_250 = arith.addi %add3A_213, %add3A_249 : i32
        %lt3A_251 = arith.constant 256 : i32
        %lt3A_252 = arith.cmpi slt, %add3A_250, %lt3A_251 : i32
        %convert_element_type3A_253 = arith.extui %lt3A_252 : i1 to i32
        %cond3A_254 = arith.constant 0 : i32
        %cond3A_255 = arith.cmpi ne, %convert_element_type3A_253, %cond3A_254 : i32
        scf.if %cond3A_255 {
          %add3A_257 = arith.constant 4 : i32
          %add3A_258 = arith.addi %add3A_213, %add3A_257 : i32
          %dma_start3A_259 = arith.constant 3 : i32
          %dma_start3A_260 = arith.constant 0 : i32
          %dma_start3A_261 = arith.constant 0 : i32
          %dma_start3A_262 = tpu.memref_slice %arg8[%dma_start3A_259, %dma_start3A_260, %dma_start3A_261] : memref<4x50x64xf32, #tpu.memory_space<vmem>> -> memref<1x50x64xf32, #tpu.memory_space<vmem>>
          %dma_start3A_263 = tpu.memref_squeeze %dma_start3A_262 : memref<1x50x64xf32, #tpu.memory_space<vmem>> -> memref<50x64xf32, #tpu.memory_space<vmem>>
          %dma_start3A_264 = arith.constant 0 : i32
          %dma_start3A_265 = tpu.memref_slice %arg7[%add3A_258, %dma_start3A_264] : memref<256x50xi32, #tpu.memory_space<vmem>> -> memref<1x50xi32, #tpu.memory_space<vmem>>
          %dma_start3A_266 = tpu.memref_squeeze %dma_start3A_265 : memref<1x50xi32, #tpu.memory_space<vmem>> -> memref<50xi32, #tpu.memory_space<vmem>>
          %dma_start3A_267 = arith.constant 0 : i32
          %dma_start3A_268 = arith.constant 0 : i32
          %dma_start3A_269 = tpu.memref_slice %arg4[%dma_start3A_267, %dma_start3A_268] : memref<1000000x64xf32, #tpu.memory_space<hbm>> -> memref<1000000x64xf32, #tpu.memory_space<hbm>>
          tpu.enqueue_indirect_dma source(%dma_start3A_269 : memref<1000000x64xf32, #tpu.memory_space<hbm>>) target(%dma_start3A_263 : memref<50x64xf32, #tpu.memory_space<vmem>>) offsets(%dma_start3A_266 : memref<50xi32, #tpu.memory_space<vmem>>) semaphore(%arg13 : memref<!tpu.dma_semaphore, #tpu.memory_space<semaphore_mem>>)
        } else {
        }
        %scan3A_256 = arith.constant 0 : i32
        scf.yield %scan3A_256 : i32
      }
      %scan3A_74 = arith.constant 64 : i32
      %scan3A_75 = arith.constant 0 : i32
      scf.yield %scan3A_75 : i32
    }
    %scan3A_8 = arith.constant 2 : i32
    %scan3A_9 = arith.constant 0 : i32
    %scan3A_10 = arith.constant 0 : i32
    %scan3A_11 = arith.constant 2 : i32
    %scan3A_12 = arith.addi %scan3A_10, %scan3A_11 : i32
    %scan3A_13 = arith.constant 1 : i32
    %scan3A_14 = scf.for %scan3A_16 = %scan3A_10 to %scan3A_12 step %scan3A_13 iter_args(%scan3A_17 = %scan3A_9) -> (i32)  : i32 {
      %mul3A_18 = arith.constant 256 : i32
      %mul3A_19 = arith.muli %scan3A_16, %mul3A_18 : i32
      %add3A_20 = arith.addi %mul3A_2, %mul3A_19 : i32
      "tpu.region"() ({
        %run_scoped3A = tpu.sem_alloc : memref<!tpu.dma_semaphore, #tpu.memory_space<semaphore_mem>>
        %dma_start3A_76 = arith.constant 0 : i32
        %dma_start3A_77 = tpu.memref_slice %arg3[%add3A_20, %dma_start3A_76] : memref<16384x50xi32, #tpu.memory_space<hbm>> -> memref<256x50xi32, #tpu.memory_space<hbm>>
        %dma_start3A_78 = arith.constant 0 : i32
        %dma_start3A_79 = tpu.memref_slice %arg3[%add3A_20, %dma_start3A_78] : memref<16384x50xi32, #tpu.memory_space<hbm>> -> memref<256x50xi32, #tpu.memory_space<hbm>>
        tpu.enqueue_dma source(%dma_start3A_79 : memref<256x50xi32, #tpu.memory_space<hbm>>) target(%arg7 : memref<256x50xi32, #tpu.memory_space<vmem>>) target_semaphore(%run_scoped3A : memref<!tpu.dma_semaphore, #tpu.memory_space<semaphore_mem>>)
        %dma_wait3A = arith.constant 0 : i32
        %dma_wait3A_80 = tpu.memref_slice %arg3[%add3A_20, %dma_wait3A] : memref<16384x50xi32, #tpu.memory_space<hbm>> -> memref<256x50xi32, #tpu.memory_space<hbm>>
        %dma_wait3A_81 = arith.constant 0 : i32
        %dma_wait3A_82 = tpu.memref_slice %arg3[%add3A_20, %dma_wait3A_81] : memref<16384x50xi32, #tpu.memory_space<hbm>> -> memref<256x50xi32, #tpu.memory_space<hbm>>
        tpu.wait_dma2 semaphore(%run_scoped3A : memref<!tpu.dma_semaphore, #tpu.memory_space<semaphore_mem>>) src(%dma_wait3A_82 : memref<256x50xi32, #tpu.memory_space<hbm>>) dst(%arg7 : memref<256x50xi32, #tpu.memory_space<vmem>>)
        tpu.yield
      }) : () -> ()
      %dma_start3A = arith.constant 0 : i32
      %dma_start3A_21 = arith.constant 0 : i32
      %dma_start3A_22 = arith.constant 0 : i32
      %dma_start3A_23 = arith.constant 0 : i32
      %dma_start3A_24 = tpu.memref_slice %arg8[%dma_start3A_21, %dma_start3A_22, %dma_start3A_23] : memref<4x50x64xf32, #tpu.memory_space<vmem>> -> memref<1x50x64xf32, #tpu.memory_space<vmem>>
      %dma_start3A_25 = tpu.memref_squeeze %dma_start3A_24 : memref<1x50x64xf32, #tpu.memory_space<vmem>> -> memref<50x64xf32, #tpu.memory_space<vmem>>
      %dma_start3A_26 = arith.constant 0 : i32
      %dma_start3A_27 = tpu.memref_slice %arg7[%dma_start3A, %dma_start3A_26] : memref<256x50xi32, #tpu.memory_space<vmem>> -> memref<1x50xi32, #tpu.memory_space<vmem>>
      %dma_start3A_28 = tpu.memref_squeeze %dma_start3A_27 : memref<1x50xi32, #tpu.memory_space<vmem>> -> memref<50xi32, #tpu.memory_space<vmem>>
      %dma_start3A_29 = arith.constant 0 : i32
      %dma_start3A_30 = arith.constant 0 : i32
      %dma_start3A_31 = tpu.memref_slice %arg5[%dma_start3A_29, %dma_start3A_30] : memref<1000000x64xf32, #tpu.memory_space<hbm>> -> memref<1000000x64xf32, #tpu.memory_space<hbm>>
      tpu.enqueue_indirect_dma source(%dma_start3A_31 : memref<1000000x64xf32, #tpu.memory_space<hbm>>) target(%dma_start3A_25 : memref<50x64xf32, #tpu.memory_space<vmem>>) offsets(%dma_start3A_28 : memref<50xi32, #tpu.memory_space<vmem>>) semaphore(%arg10 : memref<!tpu.dma_semaphore, #tpu.memory_space<semaphore_mem>>)
      %dma_start3A_32 = arith.constant 1 : i32
      %dma_start3A_33 = arith.constant 1 : i32
      %dma_start3A_34 = arith.constant 0 : i32
      %dma_start3A_35 = arith.constant 0 : i32
      %dma_start3A_36 = tpu.memref_slice %arg8[%dma_start3A_33, %dma_start3A_34, %dma_start3A_35] : memref<4x50x64xf32, #tpu.memory_space<vmem>> -> memref<1x50x64xf32, #tpu.memory_space<vmem>>
      %dma_start3A_37 = tpu.memref_squeeze %dma_start3A_36 : memref<1x50x64xf32, #tpu.memory_space<vmem>> -> memref<50x64xf32, #tpu.memory_space<vmem>>
      %dma_start3A_38 = arith.constant 0 : i32
      %dma_start3A_39 = tpu.memref_slice %arg7[%dma_start3A_32, %dma_start3A_38] : memref<256x50xi32, #tpu.memory_space<vmem>> -> memref<1x50xi32, #tpu.memory_space<vmem>>
      %dma_start3A_40 = tpu.memref_squeeze %dma_start3A_39 : memref<1x50xi32, #tpu.memory_space<vmem>> -> memref<50xi32, #tpu.memory_space<vmem>>
      %dma_start3A_41 = arith.constant 0 : i32
      %dma_start3A_42 = arith.constant 0 : i32
      %dma_start3A_43 = tpu.memref_slice %arg5[%dma_start3A_41, %dma_start3A_42] : memref<1000000x64xf32, #tpu.memory_space<hbm>> -> memref<1000000x64xf32, #tpu.memory_space<hbm>>
      tpu.enqueue_indirect_dma source(%dma_start3A_43 : memref<1000000x64xf32, #tpu.memory_space<hbm>>) target(%dma_start3A_37 : memref<50x64xf32, #tpu.memory_space<vmem>>) offsets(%dma_start3A_40 : memref<50xi32, #tpu.memory_space<vmem>>) semaphore(%arg11 : memref<!tpu.dma_semaphore, #tpu.memory_space<semaphore_mem>>)
      %dma_start3A_44 = arith.constant 2 : i32
      %dma_start3A_45 = arith.constant 2 : i32
      %dma_start3A_46 = arith.constant 0 : i32
      %dma_start3A_47 = arith.constant 0 : i32
      %dma_start3A_48 = tpu.memref_slice %arg8[%dma_start3A_45, %dma_start3A_46, %dma_start3A_47] : memref<4x50x64xf32, #tpu.memory_space<vmem>> -> memref<1x50x64xf32, #tpu.memory_space<vmem>>
      %dma_start3A_49 = tpu.memref_squeeze %dma_start3A_48 : memref<1x50x64xf32, #tpu.memory_space<vmem>> -> memref<50x64xf32, #tpu.memory_space<vmem>>
      %dma_start3A_50 = arith.constant 0 : i32
      %dma_start3A_51 = tpu.memref_slice %arg7[%dma_start3A_44, %dma_start3A_50] : memref<256x50xi32, #tpu.memory_space<vmem>> -> memref<1x50xi32, #tpu.memory_space<vmem>>
      %dma_start3A_52 = tpu.memref_squeeze %dma_start3A_51 : memref<1x50xi32, #tpu.memory_space<vmem>> -> memref<50xi32, #tpu.memory_space<vmem>>
      %dma_start3A_53 = arith.constant 0 : i32
      %dma_start3A_54 = arith.constant 0 : i32
      %dma_start3A_55 = tpu.memref_slice %arg5[%dma_start3A_53, %dma_start3A_54] : memref<1000000x64xf32, #tpu.memory_space<hbm>> -> memref<1000000x64xf32, #tpu.memory_space<hbm>>
      tpu.enqueue_indirect_dma source(%dma_start3A_55 : memref<1000000x64xf32, #tpu.memory_space<hbm>>) target(%dma_start3A_49 : memref<50x64xf32, #tpu.memory_space<vmem>>) offsets(%dma_start3A_52 : memref<50xi32, #tpu.memory_space<vmem>>) semaphore(%arg12 : memref<!tpu.dma_semaphore, #tpu.memory_space<semaphore_mem>>)
      %dma_start3A_56 = arith.constant 3 : i32
      %dma_start3A_57 = arith.constant 3 : i32
      %dma_start3A_58 = arith.constant 0 : i32
      %dma_start3A_59 = arith.constant 0 : i32
      %dma_start3A_60 = tpu.memref_slice %arg8[%dma_start3A_57, %dma_start3A_58, %dma_start3A_59] : memref<4x50x64xf32, #tpu.memory_space<vmem>> -> memref<1x50x64xf32, #tpu.memory_space<vmem>>
      %dma_start3A_61 = tpu.memref_squeeze %dma_start3A_60 : memref<1x50x64xf32, #tpu.memory_space<vmem>> -> memref<50x64xf32, #tpu.memory_space<vmem>>
      %dma_start3A_62 = arith.constant 0 : i32
      %dma_start3A_63 = tpu.memref_slice %arg7[%dma_start3A_56, %dma_start3A_62] : memref<256x50xi32, #tpu.memory_space<vmem>> -> memref<1x50xi32, #tpu.memory_space<vmem>>
      %dma_start3A_64 = tpu.memref_squeeze %dma_start3A_63 : memref<1x50xi32, #tpu.memory_space<vmem>> -> memref<50xi32, #tpu.memory_space<vmem>>
      %dma_start3A_65 = arith.constant 0 : i32
      %dma_start3A_66 = arith.constant 0 : i32
      %dma_start3A_67 = tpu.memref_slice %arg5[%dma_start3A_65, %dma_start3A_66] : memref<1000000x64xf32, #tpu.memory_space<hbm>> -> memref<1000000x64xf32, #tpu.memory_space<hbm>>
      tpu.enqueue_indirect_dma source(%dma_start3A_67 : memref<1000000x64xf32, #tpu.memory_space<hbm>>) target(%dma_start3A_61 : memref<50x64xf32, #tpu.memory_space<vmem>>) offsets(%dma_start3A_64 : memref<50xi32, #tpu.memory_space<vmem>>) semaphore(%arg13 : memref<!tpu.dma_semaphore, #tpu.memory_space<semaphore_mem>>)
      %scan3A_68 = arith.constant 0 : i32
      %scan3A_69 = arith.constant 0 : i32
      %scan3A_70 = arith.constant 64 : i32
      %scan3A_71 = arith.addi %scan3A_69, %scan3A_70 : i32
      %scan3A_72 = arith.constant 1 : i32
      %scan3A_73 = scf.for %scan3A_76 = %scan3A_69 to %scan3A_71 step %scan3A_72 iter_args(%scan3A_77 = %scan3A_68) -> (i32)  : i32 {
        %mul3A_78 = arith.constant 4 : i32
        %mul3A_79 = arith.muli %mul3A_78, %scan3A_76 : i32
        %add3A_80 = arith.constant 0 : i32
        %add3A_81 = arith.addi %mul3A_79, %add3A_80 : i32
        %dma_wait3A = arith.constant 0 : i32
        %dma_wait3A_82 = arith.constant 0 : i32
        %dma_wait3A_83 = arith.constant 0 : i32
        %dma_wait3A_84 = tpu.memref_slice %arg8[%dma_wait3A, %dma_wait3A_82, %dma_wait3A_83] : memref<4x50x64xf32, #tpu.memory_space<vmem>> -> memref<1x50x64xf32, #tpu.memory_space<vmem>>
        %dma_wait3A_85 = tpu.memref_squeeze %dma_wait3A_84 : memref<1x50x64xf32, #tpu.memory_space<vmem>> -> memref<50x64xf32, #tpu.memory_space<vmem>>
        %dma_wait3A_86 = arith.constant 0 : i32
        %dma_wait3A_87 = tpu.memref_slice %arg7[%add3A_81, %dma_wait3A_86] : memref<256x50xi32, #tpu.memory_space<vmem>> -> memref<1x50xi32, #tpu.memory_space<vmem>>
        %dma_wait3A_88 = tpu.memref_squeeze %dma_wait3A_87 : memref<1x50xi32, #tpu.memory_space<vmem>> -> memref<50xi32, #tpu.memory_space<vmem>>
        %dma_wait3A_89 = arith.constant 0 : i32
        %dma_wait3A_90 = arith.constant 0 : i32
        %dma_wait3A_91 = tpu.memref_slice %arg5[%dma_wait3A_89, %dma_wait3A_90] : memref<1000000x64xf32, #tpu.memory_space<hbm>> -> memref<1000000x64xf32, #tpu.memory_space<hbm>>
        tpu.wait_indirect_dma semaphore(%arg10 : memref<!tpu.dma_semaphore, #tpu.memory_space<semaphore_mem>>) src(%dma_wait3A_91 : memref<1000000x64xf32, #tpu.memory_space<hbm>>) dst(%dma_wait3A_85 : memref<50x64xf32, #tpu.memory_space<vmem>>)
        %mul3A_92 = arith.constant 256 : i32
        %mul3A_93 = arith.muli %scan3A_16, %mul3A_92 : i32
        %add3A_94 = arith.addi %mul3A_93, %add3A_81 : i32
        %broadcast_in_dim3A = arith.constant 0.000000e+00 : f32
        %broadcast_in_dim3A_95 = vector.broadcast %broadcast_in_dim3A : f32 to vector<16xf32>
        %scan3A_96 = arith.constant 0 : i32
        %scan3A_97 = arith.constant 0 : i32
        %scan3A_98 = arith.constant 5 : i32
        %scan3A_99 = arith.addi %scan3A_97, %scan3A_98 : i32
        %scan3A_100 = arith.constant 1 : i32
        %scan3A_101:4 = scf.for %scan3A_257 = %scan3A_97 to %scan3A_99 step %scan3A_100 iter_args(%scan3A_258 = %broadcast_in_dim3A_95, %scan3A_259 = %broadcast_in_dim3A_95, %scan3A_260 = %broadcast_in_dim3A_95, %scan3A_261 = %broadcast_in_dim3A_95) -> (vector<16xf32>, vector<16xf32>, vector<16xf32>, vector<16xf32>)  : i32 {
          %mul3A_262 = arith.constant 10 : i32
          %mul3A_263 = arith.muli %scan3A_257, %mul3A_262 : i32
          %add3A_264 = arith.constant 0 : i32
          %add3A_265 = arith.addi %mul3A_263, %add3A_264 : i32
          %get3A = arith.constant 0 : i32
          %get3A_266 = arith.constant 0 : i32
          %get3A_267 = tpu.memref_slice %arg8[%scan3A_96, %get3A, %get3A_266] : memref<4x50x64xf32, #tpu.memory_space<vmem>> -> memref<1x50x64xf32, #tpu.memory_space<vmem>>
          %get3A_268 = tpu.memref_squeeze %get3A_267 : memref<1x50x64xf32, #tpu.memory_space<vmem>> -> memref<50x64xf32, #tpu.memory_space<vmem>>
          %get3A_269 = arith.index_cast %add3A_265 : i32 to index
          %get3A_270 = arith.constant 0 : index
          %get3A_271 = tpu.vector_load %get3A_268[%get3A_269, %get3A_270] {strides = array<i32>} : memref<50x64xf32, #tpu.memory_space<vmem>>, vector<16xf32>,
          %add3A_272 = arith.addf %scan3A_258, %get3A_271 : vector<16xf32>
          %get3A_273 = arith.constant 0 : i32
          %get3A_274 = arith.constant 0 : i32
          %get3A_275 = tpu.memref_slice %arg8[%scan3A_96, %get3A_273, %get3A_274] : memref<4x50x64xf32, #tpu.memory_space<vmem>> -> memref<1x50x64xf32, #tpu.memory_space<vmem>>
          %get3A_276 = tpu.memref_squeeze %get3A_275 : memref<1x50x64xf32, #tpu.memory_space<vmem>> -> memref<50x64xf32, #tpu.memory_space<vmem>>
          %get3A_277 = arith.index_cast %add3A_265 : i32 to index
          %get3A_278 = arith.constant 16 : index
          %get3A_279 = tpu.vector_load %get3A_276[%get3A_277, %get3A_278] {strides = array<i32>} : memref<50x64xf32, #tpu.memory_space<vmem>>, vector<16xf32>,
          %add3A_280 = arith.addf %scan3A_259, %get3A_279 : vector<16xf32>
          %get3A_281 = arith.constant 0 : i32
          %get3A_282 = arith.constant 0 : i32
          %get3A_283 = tpu.memref_slice %arg8[%scan3A_96, %get3A_281, %get3A_282] : memref<4x50x64xf32, #tpu.memory_space<vmem>> -> memref<1x50x64xf32, #tpu.memory_space<vmem>>
          %get3A_284 = tpu.memref_squeeze %get3A_283 : memref<1x50x64xf32, #tpu.memory_space<vmem>> -> memref<50x64xf32, #tpu.memory_space<vmem>>
          %get3A_285 = arith.index_cast %add3A_265 : i32 to index
          %get3A_286 = arith.constant 32 : index
          %get3A_287 = tpu.vector_load %get3A_284[%get3A_285, %get3A_286] {strides = array<i32>} : memref<50x64xf32, #tpu.memory_space<vmem>>, vector<16xf32>,
          %add3A_288 = arith.addf %scan3A_260, %get3A_287 : vector<16xf32>
          %get3A_289 = arith.constant 0 : i32
          %get3A_290 = arith.constant 0 : i32
          %get3A_291 = tpu.memref_slice %arg8[%scan3A_96, %get3A_289, %get3A_290] : memref<4x50x64xf32, #tpu.memory_space<vmem>> -> memref<1x50x64xf32, #tpu.memory_space<vmem>>
          %get3A_292 = tpu.memref_squeeze %get3A_291 : memref<1x50x64xf32, #tpu.memory_space<vmem>> -> memref<50x64xf32, #tpu.memory_space<vmem>>
          %get3A_293 = arith.index_cast %add3A_265 : i32 to index
          %get3A_294 = arith.constant 48 : index
          %get3A_295 = tpu.vector_load %get3A_292[%get3A_293, %get3A_294] {strides = array<i32>} : memref<50x64xf32, #tpu.memory_space<vmem>>, vector<16xf32>,
          %add3A_296 = arith.addf %scan3A_261, %get3A_295 : vector<16xf32>
          %mul3A_297 = arith.constant 10 : i32
          %mul3A_298 = arith.muli %scan3A_257, %mul3A_297 : i32
          %add3A_299 = arith.constant 1 : i32
          %add3A_300 = arith.addi %mul3A_298, %add3A_299 : i32
          %get3A_301 = arith.constant 0 : i32
          %get3A_302 = arith.constant 0 : i32
          %get3A_303 = tpu.memref_slice %arg8[%scan3A_96, %get3A_301, %get3A_302] : memref<4x50x64xf32, #tpu.memory_space<vmem>> -> memref<1x50x64xf32, #tpu.memory_space<vmem>>
          %get3A_304 = tpu.memref_squeeze %get3A_303 : memref<1x50x64xf32, #tpu.memory_space<vmem>> -> memref<50x64xf32, #tpu.memory_space<vmem>>
          %get3A_305 = arith.index_cast %add3A_300 : i32 to index
          %get3A_306 = arith.constant 0 : index
          %get3A_307 = tpu.vector_load %get3A_304[%get3A_305, %get3A_306] {strides = array<i32>} : memref<50x64xf32, #tpu.memory_space<vmem>>, vector<16xf32>,
          %add3A_308 = arith.addf %add3A_272, %get3A_307 : vector<16xf32>
          %get3A_309 = arith.constant 0 : i32
          %get3A_310 = arith.constant 0 : i32
          %get3A_311 = tpu.memref_slice %arg8[%scan3A_96, %get3A_309, %get3A_310] : memref<4x50x64xf32, #tpu.memory_space<vmem>> -> memref<1x50x64xf32, #tpu.memory_space<vmem>>
          %get3A_312 = tpu.memref_squeeze %get3A_311 : memref<1x50x64xf32, #tpu.memory_space<vmem>> -> memref<50x64xf32, #tpu.memory_space<vmem>>
          %get3A_313 = arith.index_cast %add3A_300 : i32 to index
          %get3A_314 = arith.constant 16 : index
          %get3A_315 = tpu.vector_load %get3A_312[%get3A_313, %get3A_314] {strides = array<i32>} : memref<50x64xf32, #tpu.memory_space<vmem>>, vector<16xf32>,
          %add3A_316 = arith.addf %add3A_280, %get3A_315 : vector<16xf32>
          %get3A_317 = arith.constant 0 : i32
          %get3A_318 = arith.constant 0 : i32
          %get3A_319 = tpu.memref_slice %arg8[%scan3A_96, %get3A_317, %get3A_318] : memref<4x50x64xf32, #tpu.memory_space<vmem>> -> memref<1x50x64xf32, #tpu.memory_space<vmem>>
          %get3A_320 = tpu.memref_squeeze %get3A_319 : memref<1x50x64xf32, #tpu.memory_space<vmem>> -> memref<50x64xf32, #tpu.memory_space<vmem>>
          %get3A_321 = arith.index_cast %add3A_300 : i32 to index
          %get3A_322 = arith.constant 32 : index
          %get3A_323 = tpu.vector_load %get3A_320[%get3A_321, %get3A_322] {strides = array<i32>} : memref<50x64xf32, #tpu.memory_space<vmem>>, vector<16xf32>,
          %add3A_324 = arith.addf %add3A_288, %get3A_323 : vector<16xf32>
          %get3A_325 = arith.constant 0 : i32
          %get3A_326 = arith.constant 0 : i32
          %get3A_327 = tpu.memref_slice %arg8[%scan3A_96, %get3A_325, %get3A_326] : memref<4x50x64xf32, #tpu.memory_space<vmem>> -> memref<1x50x64xf32, #tpu.memory_space<vmem>>
          %get3A_328 = tpu.memref_squeeze %get3A_327 : memref<1x50x64xf32, #tpu.memory_space<vmem>> -> memref<50x64xf32, #tpu.memory_space<vmem>>
          %get3A_329 = arith.index_cast %add3A_300 : i32 to index
          %get3A_330 = arith.constant 48 : index
          %get3A_331 = tpu.vector_load %get3A_328[%get3A_329, %get3A_330] {strides = array<i32>} : memref<50x64xf32, #tpu.memory_space<vmem>>, vector<16xf32>,
          %add3A_332 = arith.addf %add3A_296, %get3A_331 : vector<16xf32>
          %mul3A_333 = arith.constant 10 : i32
          %mul3A_334 = arith.muli %scan3A_257, %mul3A_333 : i32
          %add3A_335 = arith.constant 2 : i32
          %add3A_336 = arith.addi %mul3A_334, %add3A_335 : i32
          %get3A_337 = arith.constant 0 : i32
          %get3A_338 = arith.constant 0 : i32
          %get3A_339 = tpu.memref_slice %arg8[%scan3A_96, %get3A_337, %get3A_338] : memref<4x50x64xf32, #tpu.memory_space<vmem>> -> memref<1x50x64xf32, #tpu.memory_space<vmem>>
          %get3A_340 = tpu.memref_squeeze %get3A_339 : memref<1x50x64xf32, #tpu.memory_space<vmem>> -> memref<50x64xf32, #tpu.memory_space<vmem>>
          %get3A_341 = arith.index_cast %add3A_336 : i32 to index
          %get3A_342 = arith.constant 0 : index
          %get3A_343 = tpu.vector_load %get3A_340[%get3A_341, %get3A_342] {strides = array<i32>} : memref<50x64xf32, #tpu.memory_space<vmem>>, vector<16xf32>,
          %add3A_344 = arith.addf %add3A_308, %get3A_343 : vector<16xf32>
          %get3A_345 = arith.constant 0 : i32
          %get3A_346 = arith.constant 0 : i32
          %get3A_347 = tpu.memref_slice %arg8[%scan3A_96, %get3A_345, %get3A_346] : memref<4x50x64xf32, #tpu.memory_space<vmem>> -> memref<1x50x64xf32, #tpu.memory_space<vmem>>
          %get3A_348 = tpu.memref_squeeze %get3A_347 : memref<1x50x64xf32, #tpu.memory_space<vmem>> -> memref<50x64xf32, #tpu.memory_space<vmem>>
          %get3A_349 = arith.index_cast %add3A_336 : i32 to index
          %get3A_350 = arith.constant 16 : index
          %get3A_351 = tpu.vector_load %get3A_348[%get3A_349, %get3A_350] {strides = array<i32>} : memref<50x64xf32, #tpu.memory_space<vmem>>, vector<16xf32>,
          %add3A_352 = arith.addf %add3A_316, %get3A_351 : vector<16xf32>
          %get3A_353 = arith.constant 0 : i32
          %get3A_354 = arith.constant 0 : i32
          %get3A_355 = tpu.memref_slice %arg8[%scan3A_96, %get3A_353, %get3A_354] : memref<4x50x64xf32, #tpu.memory_space<vmem>> -> memref<1x50x64xf32, #tpu.memory_space<vmem>>
          %get3A_356 = tpu.memref_squeeze %get3A_355 : memref<1x50x64xf32, #tpu.memory_space<vmem>> -> memref<50x64xf32, #tpu.memory_space<vmem>>
          %get3A_357 = arith.index_cast %add3A_336 : i32 to index
          %get3A_358 = arith.constant 32 : index
          %get3A_359 = tpu.vector_load %get3A_356[%get3A_357, %get3A_358] {strides = array<i32>} : memref<50x64xf32, #tpu.memory_space<vmem>>, vector<16xf32>,
          %add3A_360 = arith.addf %add3A_324, %get3A_359 : vector<16xf32>
          %get3A_361 = arith.constant 0 : i32
          %get3A_362 = arith.constant 0 : i32
          %get3A_363 = tpu.memref_slice %arg8[%scan3A_96, %get3A_361, %get3A_362] : memref<4x50x64xf32, #tpu.memory_space<vmem>> -> memref<1x50x64xf32, #tpu.memory_space<vmem>>
          %get3A_364 = tpu.memref_squeeze %get3A_363 : memref<1x50x64xf32, #tpu.memory_space<vmem>> -> memref<50x64xf32, #tpu.memory_space<vmem>>
          %get3A_365 = arith.index_cast %add3A_336 : i32 to index
          %get3A_366 = arith.constant 48 : index
          %get3A_367 = tpu.vector_load %get3A_364[%get3A_365, %get3A_366] {strides = array<i32>} : memref<50x64xf32, #tpu.memory_space<vmem>>, vector<16xf32>,
          %add3A_368 = arith.addf %add3A_332, %get3A_367 : vector<16xf32>
          %mul3A_369 = arith.constant 10 : i32
          %mul3A_370 = arith.muli %scan3A_257, %mul3A_369 : i32
          %add3A_371 = arith.constant 3 : i32
          %add3A_372 = arith.addi %mul3A_370, %add3A_371 : i32
          %get3A_373 = arith.constant 0 : i32
          %get3A_374 = arith.constant 0 : i32
          %get3A_375 = tpu.memref_slice %arg8[%scan3A_96, %get3A_373, %get3A_374] : memref<4x50x64xf32, #tpu.memory_space<vmem>> -> memref<1x50x64xf32, #tpu.memory_space<vmem>>
          %get3A_376 = tpu.memref_squeeze %get3A_375 : memref<1x50x64xf32, #tpu.memory_space<vmem>> -> memref<50x64xf32, #tpu.memory_space<vmem>>
          %get3A_377 = arith.index_cast %add3A_372 : i32 to index
          %get3A_378 = arith.constant 0 : index
          %get3A_379 = tpu.vector_load %get3A_376[%get3A_377, %get3A_378] {strides = array<i32>} : memref<50x64xf32, #tpu.memory_space<vmem>>, vector<16xf32>,
          %add3A_380 = arith.addf %add3A_344, %get3A_379 : vector<16xf32>
          %get3A_381 = arith.constant 0 : i32
          %get3A_382 = arith.constant 0 : i32
          %get3A_383 = tpu.memref_slice %arg8[%scan3A_96, %get3A_381, %get3A_382] : memref<4x50x64xf32, #tpu.memory_space<vmem>> -> memref<1x50x64xf32, #tpu.memory_space<vmem>>
          %get3A_384 = tpu.memref_squeeze %get3A_383 : memref<1x50x64xf32, #tpu.memory_space<vmem>> -> memref<50x64xf32, #tpu.memory_space<vmem>>
          %get3A_385 = arith.index_cast %add3A_372 : i32 to index
          %get3A_386 = arith.constant 16 : index
          %get3A_387 = tpu.vector_load %get3A_384[%get3A_385, %get3A_386] {strides = array<i32>} : memref<50x64xf32, #tpu.memory_space<vmem>>, vector<16xf32>,
          %add3A_388 = arith.addf %add3A_352, %get3A_387 : vector<16xf32>
          %get3A_389 = arith.constant 0 : i32
          %get3A_390 = arith.constant 0 : i32
          %get3A_391 = tpu.memref_slice %arg8[%scan3A_96, %get3A_389, %get3A_390] : memref<4x50x64xf32, #tpu.memory_space<vmem>> -> memref<1x50x64xf32, #tpu.memory_space<vmem>>
          %get3A_392 = tpu.memref_squeeze %get3A_391 : memref<1x50x64xf32, #tpu.memory_space<vmem>> -> memref<50x64xf32, #tpu.memory_space<vmem>>
          %get3A_393 = arith.index_cast %add3A_372 : i32 to index
          %get3A_394 = arith.constant 32 : index
          %get3A_395 = tpu.vector_load %get3A_392[%get3A_393, %get3A_394] {strides = array<i32>} : memref<50x64xf32, #tpu.memory_space<vmem>>, vector<16xf32>,
          %add3A_396 = arith.addf %add3A_360, %get3A_395 : vector<16xf32>
          %get3A_397 = arith.constant 0 : i32
          %get3A_398 = arith.constant 0 : i32
          %get3A_399 = tpu.memref_slice %arg8[%scan3A_96, %get3A_397, %get3A_398] : memref<4x50x64xf32, #tpu.memory_space<vmem>> -> memref<1x50x64xf32, #tpu.memory_space<vmem>>
          %get3A_400 = tpu.memref_squeeze %get3A_399 : memref<1x50x64xf32, #tpu.memory_space<vmem>> -> memref<50x64xf32, #tpu.memory_space<vmem>>
          %get3A_401 = arith.index_cast %add3A_372 : i32 to index
          %get3A_402 = arith.constant 48 : index
          %get3A_403 = tpu.vector_load %get3A_400[%get3A_401, %get3A_402] {strides = array<i32>} : memref<50x64xf32, #tpu.memory_space<vmem>>, vector<16xf32>,
          %add3A_404 = arith.addf %add3A_368, %get3A_403 : vector<16xf32>
          %mul3A_405 = arith.constant 10 : i32
          %mul3A_406 = arith.muli %scan3A_257, %mul3A_405 : i32
          %add3A_407 = arith.constant 4 : i32
          %add3A_408 = arith.addi %mul3A_406, %add3A_407 : i32
          %get3A_409 = arith.constant 0 : i32
          %get3A_410 = arith.constant 0 : i32
          %get3A_411 = tpu.memref_slice %arg8[%scan3A_96, %get3A_409, %get3A_410] : memref<4x50x64xf32, #tpu.memory_space<vmem>> -> memref<1x50x64xf32, #tpu.memory_space<vmem>>
          %get3A_412 = tpu.memref_squeeze %get3A_411 : memref<1x50x64xf32, #tpu.memory_space<vmem>> -> memref<50x64xf32, #tpu.memory_space<vmem>>
          %get3A_413 = arith.index_cast %add3A_408 : i32 to index
          %get3A_414 = arith.constant 0 : index
          %get3A_415 = tpu.vector_load %get3A_412[%get3A_413, %get3A_414] {strides = array<i32>} : memref<50x64xf32, #tpu.memory_space<vmem>>, vector<16xf32>,
          %add3A_416 = arith.addf %add3A_380, %get3A_415 : vector<16xf32>
          %get3A_417 = arith.constant 0 : i32
          %get3A_418 = arith.constant 0 : i32
          %get3A_419 = tpu.memref_slice %arg8[%scan3A_96, %get3A_417, %get3A_418] : memref<4x50x64xf32, #tpu.memory_space<vmem>> -> memref<1x50x64xf32, #tpu.memory_space<vmem>>
          %get3A_420 = tpu.memref_squeeze %get3A_419 : memref<1x50x64xf32, #tpu.memory_space<vmem>> -> memref<50x64xf32, #tpu.memory_space<vmem>>
          %get3A_421 = arith.index_cast %add3A_408 : i32 to index
          %get3A_422 = arith.constant 16 : index
          %get3A_423 = tpu.vector_load %get3A_420[%get3A_421, %get3A_422] {strides = array<i32>} : memref<50x64xf32, #tpu.memory_space<vmem>>, vector<16xf32>,
          %add3A_424 = arith.addf %add3A_388, %get3A_423 : vector<16xf32>
          %get3A_425 = arith.constant 0 : i32
          %get3A_426 = arith.constant 0 : i32
          %get3A_427 = tpu.memref_slice %arg8[%scan3A_96, %get3A_425, %get3A_426] : memref<4x50x64xf32, #tpu.memory_space<vmem>> -> memref<1x50x64xf32, #tpu.memory_space<vmem>>
          %get3A_428 = tpu.memref_squeeze %get3A_427 : memref<1x50x64xf32, #tpu.memory_space<vmem>> -> memref<50x64xf32, #tpu.memory_space<vmem>>
          %get3A_429 = arith.index_cast %add3A_408 : i32 to index
          %get3A_430 = arith.constant 32 : index
          %get3A_431 = tpu.vector_load %get3A_428[%get3A_429, %get3A_430] {strides = array<i32>} : memref<50x64xf32, #tpu.memory_space<vmem>>, vector<16xf32>,
          %add3A_432 = arith.addf %add3A_396, %get3A_431 : vector<16xf32>
          %get3A_433 = arith.constant 0 : i32
          %get3A_434 = arith.constant 0 : i32
          %get3A_435 = tpu.memref_slice %arg8[%scan3A_96, %get3A_433, %get3A_434] : memref<4x50x64xf32, #tpu.memory_space<vmem>> -> memref<1x50x64xf32, #tpu.memory_space<vmem>>
          %get3A_436 = tpu.memref_squeeze %get3A_435 : memref<1x50x64xf32, #tpu.memory_space<vmem>> -> memref<50x64xf32, #tpu.memory_space<vmem>>
          %get3A_437 = arith.index_cast %add3A_408 : i32 to index
          %get3A_438 = arith.constant 48 : index
          %get3A_439 = tpu.vector_load %get3A_436[%get3A_437, %get3A_438] {strides = array<i32>} : memref<50x64xf32, #tpu.memory_space<vmem>>, vector<16xf32>,
          %add3A_440 = arith.addf %add3A_404, %get3A_439 : vector<16xf32>
          %mul3A_441 = arith.constant 10 : i32
          %mul3A_442 = arith.muli %scan3A_257, %mul3A_441 : i32
          %add3A_443 = arith.constant 5 : i32
          %add3A_444 = arith.addi %mul3A_442, %add3A_443 : i32
          %get3A_445 = arith.constant 0 : i32
          %get3A_446 = arith.constant 0 : i32
          %get3A_447 = tpu.memref_slice %arg8[%scan3A_96, %get3A_445, %get3A_446] : memref<4x50x64xf32, #tpu.memory_space<vmem>> -> memref<1x50x64xf32, #tpu.memory_space<vmem>>
          %get3A_448 = tpu.memref_squeeze %get3A_447 : memref<1x50x64xf32, #tpu.memory_space<vmem>> -> memref<50x64xf32, #tpu.memory_space<vmem>>
          %get3A_449 = arith.index_cast %add3A_444 : i32 to index
          %get3A_450 = arith.constant 0 : index
          %get3A_451 = tpu.vector_load %get3A_448[%get3A_449, %get3A_450] {strides = array<i32>} : memref<50x64xf32, #tpu.memory_space<vmem>>, vector<16xf32>,
          %add3A_452 = arith.addf %add3A_416, %get3A_451 : vector<16xf32>
          %get3A_453 = arith.constant 0 : i32
          %get3A_454 = arith.constant 0 : i32
          %get3A_455 = tpu.memref_slice %arg8[%scan3A_96, %get3A_453, %get3A_454] : memref<4x50x64xf32, #tpu.memory_space<vmem>> -> memref<1x50x64xf32, #tpu.memory_space<vmem>>
          %get3A_456 = tpu.memref_squeeze %get3A_455 : memref<1x50x64xf32, #tpu.memory_space<vmem>> -> memref<50x64xf32, #tpu.memory_space<vmem>>
          %get3A_457 = arith.index_cast %add3A_444 : i32 to index
          %get3A_458 = arith.constant 16 : index
          %get3A_459 = tpu.vector_load %get3A_456[%get3A_457, %get3A_458] {strides = array<i32>} : memref<50x64xf32, #tpu.memory_space<vmem>>, vector<16xf32>,
          %add3A_460 = arith.addf %add3A_424, %get3A_459 : vector<16xf32>
          %get3A_461 = arith.constant 0 : i32
          %get3A_462 = arith.constant 0 : i32
          %get3A_463 = tpu.memref_slice %arg8[%scan3A_96, %get3A_461, %get3A_462] : memref<4x50x64xf32, #tpu.memory_space<vmem>> -> memref<1x50x64xf32, #tpu.memory_space<vmem>>
          %get3A_464 = tpu.memref_squeeze %get3A_463 : memref<1x50x64xf32, #tpu.memory_space<vmem>> -> memref<50x64xf32, #tpu.memory_space<vmem>>
          %get3A_465 = arith.index_cast %add3A_444 : i32 to index
          %get3A_466 = arith.constant 32 : index
          %get3A_467 = tpu.vector_load %get3A_464[%get3A_465, %get3A_466] {strides = array<i32>} : memref<50x64xf32, #tpu.memory_space<vmem>>, vector<16xf32>,
          %add3A_468 = arith.addf %add3A_432, %get3A_467 : vector<16xf32>
          %get3A_469 = arith.constant 0 : i32
          %get3A_470 = arith.constant 0 : i32
          %get3A_471 = tpu.memref_slice %arg8[%scan3A_96, %get3A_469, %get3A_470] : memref<4x50x64xf32, #tpu.memory_space<vmem>> -> memref<1x50x64xf32, #tpu.memory_space<vmem>>
          %get3A_472 = tpu.memref_squeeze %get3A_471 : memref<1x50x64xf32, #tpu.memory_space<vmem>> -> memref<50x64xf32, #tpu.memory_space<vmem>>
          %get3A_473 = arith.index_cast %add3A_444 : i32 to index
          %get3A_474 = arith.constant 48 : index
          %get3A_475 = tpu.vector_load %get3A_472[%get3A_473, %get3A_474] {strides = array<i32>} : memref<50x64xf32, #tpu.memory_space<vmem>>, vector<16xf32>,
          %add3A_476 = arith.addf %add3A_440, %get3A_475 : vector<16xf32>
          %mul3A_477 = arith.constant 10 : i32
          %mul3A_478 = arith.muli %scan3A_257, %mul3A_477 : i32
          %add3A_479 = arith.constant 6 : i32
          %add3A_480 = arith.addi %mul3A_478, %add3A_479 : i32
          %get3A_481 = arith.constant 0 : i32
          %get3A_482 = arith.constant 0 : i32
          %get3A_483 = tpu.memref_slice %arg8[%scan3A_96, %get3A_481, %get3A_482] : memref<4x50x64xf32, #tpu.memory_space<vmem>> -> memref<1x50x64xf32, #tpu.memory_space<vmem>>
          %get3A_484 = tpu.memref_squeeze %get3A_483 : memref<1x50x64xf32, #tpu.memory_space<vmem>> -> memref<50x64xf32, #tpu.memory_space<vmem>>
          %get3A_485 = arith.index_cast %add3A_480 : i32 to index
          %get3A_486 = arith.constant 0 : index
          %get3A_487 = tpu.vector_load %get3A_484[%get3A_485, %get3A_486] {strides = array<i32>} : memref<50x64xf32, #tpu.memory_space<vmem>>, vector<16xf32>,
          %add3A_488 = arith.addf %add3A_452, %get3A_487 : vector<16xf32>
          %get3A_489 = arith.constant 0 : i32
          %get3A_490 = arith.constant 0 : i32
          %get3A_491 = tpu.memref_slice %arg8[%scan3A_96, %get3A_489, %get3A_490] : memref<4x50x64xf32, #tpu.memory_space<vmem>> -> memref<1x50x64xf32, #tpu.memory_space<vmem>>
          %get3A_492 = tpu.memref_squeeze %get3A_491 : memref<1x50x64xf32, #tpu.memory_space<vmem>> -> memref<50x64xf32, #tpu.memory_space<vmem>>
          %get3A_493 = arith.index_cast %add3A_480 : i32 to index
          %get3A_494 = arith.constant 16 : index
          %get3A_495 = tpu.vector_load %get3A_492[%get3A_493, %get3A_494] {strides = array<i32>} : memref<50x64xf32, #tpu.memory_space<vmem>>, vector<16xf32>,
          %add3A_496 = arith.addf %add3A_460, %get3A_495 : vector<16xf32>
          %get3A_497 = arith.constant 0 : i32
          %get3A_498 = arith.constant 0 : i32
          %get3A_499 = tpu.memref_slice %arg8[%scan3A_96, %get3A_497, %get3A_498] : memref<4x50x64xf32, #tpu.memory_space<vmem>> -> memref<1x50x64xf32, #tpu.memory_space<vmem>>
          %get3A_500 = tpu.memref_squeeze %get3A_499 : memref<1x50x64xf32, #tpu.memory_space<vmem>> -> memref<50x64xf32, #tpu.memory_space<vmem>>
          %get3A_501 = arith.index_cast %add3A_480 : i32 to index
          %get3A_502 = arith.constant 32 : index
          %get3A_503 = tpu.vector_load %get3A_500[%get3A_501, %get3A_502] {strides = array<i32>} : memref<50x64xf32, #tpu.memory_space<vmem>>, vector<16xf32>,
          %add3A_504 = arith.addf %add3A_468, %get3A_503 : vector<16xf32>
          %get3A_505 = arith.constant 0 : i32
          %get3A_506 = arith.constant 0 : i32
          %get3A_507 = tpu.memref_slice %arg8[%scan3A_96, %get3A_505, %get3A_506] : memref<4x50x64xf32, #tpu.memory_space<vmem>> -> memref<1x50x64xf32, #tpu.memory_space<vmem>>
          %get3A_508 = tpu.memref_squeeze %get3A_507 : memref<1x50x64xf32, #tpu.memory_space<vmem>> -> memref<50x64xf32, #tpu.memory_space<vmem>>
          %get3A_509 = arith.index_cast %add3A_480 : i32 to index
          %get3A_510 = arith.constant 48 : index
          %get3A_511 = tpu.vector_load %get3A_508[%get3A_509, %get3A_510] {strides = array<i32>} : memref<50x64xf32, #tpu.memory_space<vmem>>, vector<16xf32>,
          %add3A_512 = arith.addf %add3A_476, %get3A_511 : vector<16xf32>
          %mul3A_513 = arith.constant 10 : i32
          %mul3A_514 = arith.muli %scan3A_257, %mul3A_513 : i32
          %add3A_515 = arith.constant 7 : i32
          %add3A_516 = arith.addi %mul3A_514, %add3A_515 : i32
          %get3A_517 = arith.constant 0 : i32
          %get3A_518 = arith.constant 0 : i32
          %get3A_519 = tpu.memref_slice %arg8[%scan3A_96, %get3A_517, %get3A_518] : memref<4x50x64xf32, #tpu.memory_space<vmem>> -> memref<1x50x64xf32, #tpu.memory_space<vmem>>
          %get3A_520 = tpu.memref_squeeze %get3A_519 : memref<1x50x64xf32, #tpu.memory_space<vmem>> -> memref<50x64xf32, #tpu.memory_space<vmem>>
          %get3A_521 = arith.index_cast %add3A_516 : i32 to index
          %get3A_522 = arith.constant 0 : index
          %get3A_523 = tpu.vector_load %get3A_520[%get3A_521, %get3A_522] {strides = array<i32>} : memref<50x64xf32, #tpu.memory_space<vmem>>, vector<16xf32>,
          %add3A_524 = arith.addf %add3A_488, %get3A_523 : vector<16xf32>
          %get3A_525 = arith.constant 0 : i32
          %get3A_526 = arith.constant 0 : i32
          %get3A_527 = tpu.memref_slice %arg8[%scan3A_96, %get3A_525, %get3A_526] : memref<4x50x64xf32, #tpu.memory_space<vmem>> -> memref<1x50x64xf32, #tpu.memory_space<vmem>>
          %get3A_528 = tpu.memref_squeeze %get3A_527 : memref<1x50x64xf32, #tpu.memory_space<vmem>> -> memref<50x64xf32, #tpu.memory_space<vmem>>
          %get3A_529 = arith.index_cast %add3A_516 : i32 to index
          %get3A_530 = arith.constant 16 : index
          %get3A_531 = tpu.vector_load %get3A_528[%get3A_529, %get3A_530] {strides = array<i32>} : memref<50x64xf32, #tpu.memory_space<vmem>>, vector<16xf32>,
          %add3A_532 = arith.addf %add3A_496, %get3A_531 : vector<16xf32>
          %get3A_533 = arith.constant 0 : i32
          %get3A_534 = arith.constant 0 : i32
          %get3A_535 = tpu.memref_slice %arg8[%scan3A_96, %get3A_533, %get3A_534] : memref<4x50x64xf32, #tpu.memory_space<vmem>> -> memref<1x50x64xf32, #tpu.memory_space<vmem>>
          %get3A_536 = tpu.memref_squeeze %get3A_535 : memref<1x50x64xf32, #tpu.memory_space<vmem>> -> memref<50x64xf32, #tpu.memory_space<vmem>>
          %get3A_537 = arith.index_cast %add3A_516 : i32 to index
          %get3A_538 = arith.constant 32 : index
          %get3A_539 = tpu.vector_load %get3A_536[%get3A_537, %get3A_538] {strides = array<i32>} : memref<50x64xf32, #tpu.memory_space<vmem>>, vector<16xf32>,
          %add3A_540 = arith.addf %add3A_504, %get3A_539 : vector<16xf32>
          %get3A_541 = arith.constant 0 : i32
          %get3A_542 = arith.constant 0 : i32
          %get3A_543 = tpu.memref_slice %arg8[%scan3A_96, %get3A_541, %get3A_542] : memref<4x50x64xf32, #tpu.memory_space<vmem>> -> memref<1x50x64xf32, #tpu.memory_space<vmem>>
          %get3A_544 = tpu.memref_squeeze %get3A_543 : memref<1x50x64xf32, #tpu.memory_space<vmem>> -> memref<50x64xf32, #tpu.memory_space<vmem>>
          %get3A_545 = arith.index_cast %add3A_516 : i32 to index
          %get3A_546 = arith.constant 48 : index
          %get3A_547 = tpu.vector_load %get3A_544[%get3A_545, %get3A_546] {strides = array<i32>} : memref<50x64xf32, #tpu.memory_space<vmem>>, vector<16xf32>,
          %add3A_548 = arith.addf %add3A_512, %get3A_547 : vector<16xf32>
          %mul3A_549 = arith.constant 10 : i32
          %mul3A_550 = arith.muli %scan3A_257, %mul3A_549 : i32
          %add3A_551 = arith.constant 8 : i32
          %add3A_552 = arith.addi %mul3A_550, %add3A_551 : i32
          %get3A_553 = arith.constant 0 : i32
          %get3A_554 = arith.constant 0 : i32
          %get3A_555 = tpu.memref_slice %arg8[%scan3A_96, %get3A_553, %get3A_554] : memref<4x50x64xf32, #tpu.memory_space<vmem>> -> memref<1x50x64xf32, #tpu.memory_space<vmem>>
          %get3A_556 = tpu.memref_squeeze %get3A_555 : memref<1x50x64xf32, #tpu.memory_space<vmem>> -> memref<50x64xf32, #tpu.memory_space<vmem>>
          %get3A_557 = arith.index_cast %add3A_552 : i32 to index
          %get3A_558 = arith.constant 0 : index
          %get3A_559 = tpu.vector_load %get3A_556[%get3A_557, %get3A_558] {strides = array<i32>} : memref<50x64xf32, #tpu.memory_space<vmem>>, vector<16xf32>,
          %add3A_560 = arith.addf %add3A_524, %get3A_559 : vector<16xf32>
          %get3A_561 = arith.constant 0 : i32
          %get3A_562 = arith.constant 0 : i32
          %get3A_563 = tpu.memref_slice %arg8[%scan3A_96, %get3A_561, %get3A_562] : memref<4x50x64xf32, #tpu.memory_space<vmem>> -> memref<1x50x64xf32, #tpu.memory_space<vmem>>
          %get3A_564 = tpu.memref_squeeze %get3A_563 : memref<1x50x64xf32, #tpu.memory_space<vmem>> -> memref<50x64xf32, #tpu.memory_space<vmem>>
          %get3A_565 = arith.index_cast %add3A_552 : i32 to index
          %get3A_566 = arith.constant 16 : index
          %get3A_567 = tpu.vector_load %get3A_564[%get3A_565, %get3A_566] {strides = array<i32>} : memref<50x64xf32, #tpu.memory_space<vmem>>, vector<16xf32>,
          %add3A_568 = arith.addf %add3A_532, %get3A_567 : vector<16xf32>
          %get3A_569 = arith.constant 0 : i32
          %get3A_570 = arith.constant 0 : i32
          %get3A_571 = tpu.memref_slice %arg8[%scan3A_96, %get3A_569, %get3A_570] : memref<4x50x64xf32, #tpu.memory_space<vmem>> -> memref<1x50x64xf32, #tpu.memory_space<vmem>>
          %get3A_572 = tpu.memref_squeeze %get3A_571 : memref<1x50x64xf32, #tpu.memory_space<vmem>> -> memref<50x64xf32, #tpu.memory_space<vmem>>
          %get3A_573 = arith.index_cast %add3A_552 : i32 to index
          %get3A_574 = arith.constant 32 : index
          %get3A_575 = tpu.vector_load %get3A_572[%get3A_573, %get3A_574] {strides = array<i32>} : memref<50x64xf32, #tpu.memory_space<vmem>>, vector<16xf32>,
          %add3A_576 = arith.addf %add3A_540, %get3A_575 : vector<16xf32>
          %get3A_577 = arith.constant 0 : i32
          %get3A_578 = arith.constant 0 : i32
          %get3A_579 = tpu.memref_slice %arg8[%scan3A_96, %get3A_577, %get3A_578] : memref<4x50x64xf32, #tpu.memory_space<vmem>> -> memref<1x50x64xf32, #tpu.memory_space<vmem>>
          %get3A_580 = tpu.memref_squeeze %get3A_579 : memref<1x50x64xf32, #tpu.memory_space<vmem>> -> memref<50x64xf32, #tpu.memory_space<vmem>>
          %get3A_581 = arith.index_cast %add3A_552 : i32 to index
          %get3A_582 = arith.constant 48 : index
          %get3A_583 = tpu.vector_load %get3A_580[%get3A_581, %get3A_582] {strides = array<i32>} : memref<50x64xf32, #tpu.memory_space<vmem>>, vector<16xf32>,
          %add3A_584 = arith.addf %add3A_548, %get3A_583 : vector<16xf32>
          %mul3A_585 = arith.constant 10 : i32
          %mul3A_586 = arith.muli %scan3A_257, %mul3A_585 : i32
          %add3A_587 = arith.constant 9 : i32
          %add3A_588 = arith.addi %mul3A_586, %add3A_587 : i32
          %get3A_589 = arith.constant 0 : i32
          %get3A_590 = arith.constant 0 : i32
          %get3A_591 = tpu.memref_slice %arg8[%scan3A_96, %get3A_589, %get3A_590] : memref<4x50x64xf32, #tpu.memory_space<vmem>> -> memref<1x50x64xf32, #tpu.memory_space<vmem>>
          %get3A_592 = tpu.memref_squeeze %get3A_591 : memref<1x50x64xf32, #tpu.memory_space<vmem>> -> memref<50x64xf32, #tpu.memory_space<vmem>>
          %get3A_593 = arith.index_cast %add3A_588 : i32 to index
          %get3A_594 = arith.constant 0 : index
          %get3A_595 = tpu.vector_load %get3A_592[%get3A_593, %get3A_594] {strides = array<i32>} : memref<50x64xf32, #tpu.memory_space<vmem>>, vector<16xf32>,
          %add3A_596 = arith.addf %add3A_560, %get3A_595 : vector<16xf32>
          %get3A_597 = arith.constant 0 : i32
          %get3A_598 = arith.constant 0 : i32
          %get3A_599 = tpu.memref_slice %arg8[%scan3A_96, %get3A_597, %get3A_598] : memref<4x50x64xf32, #tpu.memory_space<vmem>> -> memref<1x50x64xf32, #tpu.memory_space<vmem>>
          %get3A_600 = tpu.memref_squeeze %get3A_599 : memref<1x50x64xf32, #tpu.memory_space<vmem>> -> memref<50x64xf32, #tpu.memory_space<vmem>>
          %get3A_601 = arith.index_cast %add3A_588 : i32 to index
          %get3A_602 = arith.constant 16 : index
          %get3A_603 = tpu.vector_load %get3A_600[%get3A_601, %get3A_602] {strides = array<i32>} : memref<50x64xf32, #tpu.memory_space<vmem>>, vector<16xf32>,
          %add3A_604 = arith.addf %add3A_568, %get3A_603 : vector<16xf32>
          %get3A_605 = arith.constant 0 : i32
          %get3A_606 = arith.constant 0 : i32
          %get3A_607 = tpu.memref_slice %arg8[%scan3A_96, %get3A_605, %get3A_606] : memref<4x50x64xf32, #tpu.memory_space<vmem>> -> memref<1x50x64xf32, #tpu.memory_space<vmem>>
          %get3A_608 = tpu.memref_squeeze %get3A_607 : memref<1x50x64xf32, #tpu.memory_space<vmem>> -> memref<50x64xf32, #tpu.memory_space<vmem>>
          %get3A_609 = arith.index_cast %add3A_588 : i32 to index
          %get3A_610 = arith.constant 32 : index
          %get3A_611 = tpu.vector_load %get3A_608[%get3A_609, %get3A_610] {strides = array<i32>} : memref<50x64xf32, #tpu.memory_space<vmem>>, vector<16xf32>,
          %add3A_612 = arith.addf %add3A_576, %get3A_611 : vector<16xf32>
          %get3A_613 = arith.constant 0 : i32
          %get3A_614 = arith.constant 0 : i32
          %get3A_615 = tpu.memref_slice %arg8[%scan3A_96, %get3A_613, %get3A_614] : memref<4x50x64xf32, #tpu.memory_space<vmem>> -> memref<1x50x64xf32, #tpu.memory_space<vmem>>
          %get3A_616 = tpu.memref_squeeze %get3A_615 : memref<1x50x64xf32, #tpu.memory_space<vmem>> -> memref<50x64xf32, #tpu.memory_space<vmem>>
          %get3A_617 = arith.index_cast %add3A_588 : i32 to index
          %get3A_618 = arith.constant 48 : index
          %get3A_619 = tpu.vector_load %get3A_616[%get3A_617, %get3A_618] {strides = array<i32>} : memref<50x64xf32, #tpu.memory_space<vmem>>, vector<16xf32>,
          %add3A_620 = arith.addf %add3A_584, %get3A_619 : vector<16xf32>
          scf.yield %add3A_596, %add3A_604, %add3A_612, %add3A_620 : vector<16xf32>, vector<16xf32>, vector<16xf32>, vector<16xf32>
        }
        %scan3A_102 = arith.constant 5 : i32
        %swap3A = arith.index_cast %add3A_94 : i32 to index
        %swap3A_103 = arith.constant 64 : index
        %swap3A_104 = tpu.vector_load %arg9[%swap3A, %swap3A_103] {strides = array<i32>} : memref<512x128xf32, #tpu.memory_space<vmem>>, vector<16xf32>,
        tpu.vector_store %arg9[%swap3A, %swap3A_103], %scan3A_101#0 {strides = array<i32>} : memref<512x128xf32, #tpu.memory_space<vmem>>, vector<16xf32>,
        %swap3A_105 = arith.index_cast %add3A_94 : i32 to index
        %swap3A_106 = arith.constant 80 : index
        %swap3A_107 = tpu.vector_load %arg9[%swap3A_105, %swap3A_106] {strides = array<i32>} : memref<512x128xf32, #tpu.memory_space<vmem>>, vector<16xf32>,
        tpu.vector_store %arg9[%swap3A_105, %swap3A_106], %scan3A_101#1 {strides = array<i32>} : memref<512x128xf32, #tpu.memory_space<vmem>>, vector<16xf32>,
        %swap3A_108 = arith.index_cast %add3A_94 : i32 to index
        %swap3A_109 = arith.constant 96 : index
        %swap3A_110 = tpu.vector_load %arg9[%swap3A_108, %swap3A_109] {strides = array<i32>} : memref<512x128xf32, #tpu.memory_space<vmem>>, vector<16xf32>,
        tpu.vector_store %arg9[%swap3A_108, %swap3A_109], %scan3A_101#2 {strides = array<i32>} : memref<512x128xf32, #tpu.memory_space<vmem>>, vector<16xf32>,
        %swap3A_111 = arith.index_cast %add3A_94 : i32 to index
        %swap3A_112 = arith.constant 112 : index
        %swap3A_113 = tpu.vector_load %arg9[%swap3A_111, %swap3A_112] {strides = array<i32>} : memref<512x128xf32, #tpu.memory_space<vmem>>, vector<16xf32>,
        tpu.vector_store %arg9[%swap3A_111, %swap3A_112], %scan3A_101#3 {strides = array<i32>} : memref<512x128xf32, #tpu.memory_space<vmem>>, vector<16xf32>,
        %add3A_114 = arith.constant 4 : i32
        %add3A_115 = arith.addi %add3A_81, %add3A_114 : i32
        %lt3A = arith.constant 256 : i32
        %lt3A_116 = arith.cmpi slt, %add3A_115, %lt3A : i32
        %convert_element_type3A = arith.extui %lt3A_116 : i1 to i32
        %cond3A = arith.constant 0 : i32
        %cond3A_117 = arith.cmpi ne, %convert_element_type3A, %cond3A : i32
        scf.if %cond3A_117 {
          %add3A_257 = arith.constant 4 : i32
          %add3A_258 = arith.addi %add3A_81, %add3A_257 : i32
          %dma_start3A_259 = arith.constant 0 : i32
          %dma_start3A_260 = arith.constant 0 : i32
          %dma_start3A_261 = arith.constant 0 : i32
          %dma_start3A_262 = tpu.memref_slice %arg8[%dma_start3A_259, %dma_start3A_260, %dma_start3A_261] : memref<4x50x64xf32, #tpu.memory_space<vmem>> -> memref<1x50x64xf32, #tpu.memory_space<vmem>>
          %dma_start3A_263 = tpu.memref_squeeze %dma_start3A_262 : memref<1x50x64xf32, #tpu.memory_space<vmem>> -> memref<50x64xf32, #tpu.memory_space<vmem>>
          %dma_start3A_264 = arith.constant 0 : i32
          %dma_start3A_265 = tpu.memref_slice %arg7[%add3A_258, %dma_start3A_264] : memref<256x50xi32, #tpu.memory_space<vmem>> -> memref<1x50xi32, #tpu.memory_space<vmem>>
          %dma_start3A_266 = tpu.memref_squeeze %dma_start3A_265 : memref<1x50xi32, #tpu.memory_space<vmem>> -> memref<50xi32, #tpu.memory_space<vmem>>
          %dma_start3A_267 = arith.constant 0 : i32
          %dma_start3A_268 = arith.constant 0 : i32
          %dma_start3A_269 = tpu.memref_slice %arg5[%dma_start3A_267, %dma_start3A_268] : memref<1000000x64xf32, #tpu.memory_space<hbm>> -> memref<1000000x64xf32, #tpu.memory_space<hbm>>
          tpu.enqueue_indirect_dma source(%dma_start3A_269 : memref<1000000x64xf32, #tpu.memory_space<hbm>>) target(%dma_start3A_263 : memref<50x64xf32, #tpu.memory_space<vmem>>) offsets(%dma_start3A_266 : memref<50xi32, #tpu.memory_space<vmem>>) semaphore(%arg10 : memref<!tpu.dma_semaphore, #tpu.memory_space<semaphore_mem>>)
        } else {
        }
        %mul3A_118 = arith.constant 4 : i32
        %mul3A_119 = arith.muli %mul3A_118, %scan3A_76 : i32
        %add3A_120 = arith.constant 1 : i32
        %add3A_121 = arith.addi %mul3A_119, %add3A_120 : i32
        %dma_wait3A_122 = arith.constant 1 : i32
        %dma_wait3A_123 = arith.constant 0 : i32
        %dma_wait3A_124 = arith.constant 0 : i32
        %dma_wait3A_125 = tpu.memref_slice %arg8[%dma_wait3A_122, %dma_wait3A_123, %dma_wait3A_124] : memref<4x50x64xf32, #tpu.memory_space<vmem>> -> memref<1x50x64xf32, #tpu.memory_space<vmem>>
        %dma_wait3A_126 = tpu.memref_squeeze %dma_wait3A_125 : memref<1x50x64xf32, #tpu.memory_space<vmem>> -> memref<50x64xf32, #tpu.memory_space<vmem>>
        %dma_wait3A_127 = arith.constant 0 : i32
        %dma_wait3A_128 = tpu.memref_slice %arg7[%add3A_121, %dma_wait3A_127] : memref<256x50xi32, #tpu.memory_space<vmem>> -> memref<1x50xi32, #tpu.memory_space<vmem>>
        %dma_wait3A_129 = tpu.memref_squeeze %dma_wait3A_128 : memref<1x50xi32, #tpu.memory_space<vmem>> -> memref<50xi32, #tpu.memory_space<vmem>>
        %dma_wait3A_130 = arith.constant 0 : i32
        %dma_wait3A_131 = arith.constant 0 : i32
        %dma_wait3A_132 = tpu.memref_slice %arg5[%dma_wait3A_130, %dma_wait3A_131] : memref<1000000x64xf32, #tpu.memory_space<hbm>> -> memref<1000000x64xf32, #tpu.memory_space<hbm>>
        tpu.wait_indirect_dma semaphore(%arg11 : memref<!tpu.dma_semaphore, #tpu.memory_space<semaphore_mem>>) src(%dma_wait3A_132 : memref<1000000x64xf32, #tpu.memory_space<hbm>>) dst(%dma_wait3A_126 : memref<50x64xf32, #tpu.memory_space<vmem>>)
        %mul3A_133 = arith.constant 256 : i32
        %mul3A_134 = arith.muli %scan3A_16, %mul3A_133 : i32
        %add3A_135 = arith.addi %mul3A_134, %add3A_121 : i32
        %broadcast_in_dim3A_136 = arith.constant 0.000000e+00 : f32
        %broadcast_in_dim3A_137 = vector.broadcast %broadcast_in_dim3A_136 : f32 to vector<16xf32>
        %scan3A_138 = arith.constant 1 : i32
        %scan3A_139 = arith.constant 0 : i32
        %scan3A_140 = arith.constant 5 : i32
        %scan3A_141 = arith.addi %scan3A_139, %scan3A_140 : i32
        %scan3A_142 = arith.constant 1 : i32
        %scan3A_143:4 = scf.for %scan3A_257 = %scan3A_139 to %scan3A_141 step %scan3A_142 iter_args(%scan3A_258 = %broadcast_in_dim3A_137, %scan3A_259 = %broadcast_in_dim3A_137, %scan3A_260 = %broadcast_in_dim3A_137, %scan3A_261 = %broadcast_in_dim3A_137) -> (vector<16xf32>, vector<16xf32>, vector<16xf32>, vector<16xf32>)  : i32 {
          %mul3A_262 = arith.constant 10 : i32
          %mul3A_263 = arith.muli %scan3A_257, %mul3A_262 : i32
          %add3A_264 = arith.constant 0 : i32
          %add3A_265 = arith.addi %mul3A_263, %add3A_264 : i32
          %get3A = arith.constant 0 : i32
          %get3A_266 = arith.constant 0 : i32
          %get3A_267 = tpu.memref_slice %arg8[%scan3A_138, %get3A, %get3A_266] : memref<4x50x64xf32, #tpu.memory_space<vmem>> -> memref<1x50x64xf32, #tpu.memory_space<vmem>>
          %get3A_268 = tpu.memref_squeeze %get3A_267 : memref<1x50x64xf32, #tpu.memory_space<vmem>> -> memref<50x64xf32, #tpu.memory_space<vmem>>
          %get3A_269 = arith.index_cast %add3A_265 : i32 to index
          %get3A_270 = arith.constant 0 : index
          %get3A_271 = tpu.vector_load %get3A_268[%get3A_269, %get3A_270] {strides = array<i32>} : memref<50x64xf32, #tpu.memory_space<vmem>>, vector<16xf32>,
          %add3A_272 = arith.addf %scan3A_258, %get3A_271 : vector<16xf32>
          %get3A_273 = arith.constant 0 : i32
          %get3A_274 = arith.constant 0 : i32
          %get3A_275 = tpu.memref_slice %arg8[%scan3A_138, %get3A_273, %get3A_274] : memref<4x50x64xf32, #tpu.memory_space<vmem>> -> memref<1x50x64xf32, #tpu.memory_space<vmem>>
          %get3A_276 = tpu.memref_squeeze %get3A_275 : memref<1x50x64xf32, #tpu.memory_space<vmem>> -> memref<50x64xf32, #tpu.memory_space<vmem>>
          %get3A_277 = arith.index_cast %add3A_265 : i32 to index
          %get3A_278 = arith.constant 16 : index
          %get3A_279 = tpu.vector_load %get3A_276[%get3A_277, %get3A_278] {strides = array<i32>} : memref<50x64xf32, #tpu.memory_space<vmem>>, vector<16xf32>,
          %add3A_280 = arith.addf %scan3A_259, %get3A_279 : vector<16xf32>
          %get3A_281 = arith.constant 0 : i32
          %get3A_282 = arith.constant 0 : i32
          %get3A_283 = tpu.memref_slice %arg8[%scan3A_138, %get3A_281, %get3A_282] : memref<4x50x64xf32, #tpu.memory_space<vmem>> -> memref<1x50x64xf32, #tpu.memory_space<vmem>>
          %get3A_284 = tpu.memref_squeeze %get3A_283 : memref<1x50x64xf32, #tpu.memory_space<vmem>> -> memref<50x64xf32, #tpu.memory_space<vmem>>
          %get3A_285 = arith.index_cast %add3A_265 : i32 to index
          %get3A_286 = arith.constant 32 : index
          %get3A_287 = tpu.vector_load %get3A_284[%get3A_285, %get3A_286] {strides = array<i32>} : memref<50x64xf32, #tpu.memory_space<vmem>>, vector<16xf32>,
          %add3A_288 = arith.addf %scan3A_260, %get3A_287 : vector<16xf32>
          %get3A_289 = arith.constant 0 : i32
          %get3A_290 = arith.constant 0 : i32
          %get3A_291 = tpu.memref_slice %arg8[%scan3A_138, %get3A_289, %get3A_290] : memref<4x50x64xf32, #tpu.memory_space<vmem>> -> memref<1x50x64xf32, #tpu.memory_space<vmem>>
          %get3A_292 = tpu.memref_squeeze %get3A_291 : memref<1x50x64xf32, #tpu.memory_space<vmem>> -> memref<50x64xf32, #tpu.memory_space<vmem>>
          %get3A_293 = arith.index_cast %add3A_265 : i32 to index
          %get3A_294 = arith.constant 48 : index
          %get3A_295 = tpu.vector_load %get3A_292[%get3A_293, %get3A_294] {strides = array<i32>} : memref<50x64xf32, #tpu.memory_space<vmem>>, vector<16xf32>,
          %add3A_296 = arith.addf %scan3A_261, %get3A_295 : vector<16xf32>
          %mul3A_297 = arith.constant 10 : i32
          %mul3A_298 = arith.muli %scan3A_257, %mul3A_297 : i32
          %add3A_299 = arith.constant 1 : i32
          %add3A_300 = arith.addi %mul3A_298, %add3A_299 : i32
          %get3A_301 = arith.constant 0 : i32
          %get3A_302 = arith.constant 0 : i32
          %get3A_303 = tpu.memref_slice %arg8[%scan3A_138, %get3A_301, %get3A_302] : memref<4x50x64xf32, #tpu.memory_space<vmem>> -> memref<1x50x64xf32, #tpu.memory_space<vmem>>
          %get3A_304 = tpu.memref_squeeze %get3A_303 : memref<1x50x64xf32, #tpu.memory_space<vmem>> -> memref<50x64xf32, #tpu.memory_space<vmem>>
          %get3A_305 = arith.index_cast %add3A_300 : i32 to index
          %get3A_306 = arith.constant 0 : index
          %get3A_307 = tpu.vector_load %get3A_304[%get3A_305, %get3A_306] {strides = array<i32>} : memref<50x64xf32, #tpu.memory_space<vmem>>, vector<16xf32>,
          %add3A_308 = arith.addf %add3A_272, %get3A_307 : vector<16xf32>
          %get3A_309 = arith.constant 0 : i32
          %get3A_310 = arith.constant 0 : i32
          %get3A_311 = tpu.memref_slice %arg8[%scan3A_138, %get3A_309, %get3A_310] : memref<4x50x64xf32, #tpu.memory_space<vmem>> -> memref<1x50x64xf32, #tpu.memory_space<vmem>>
          %get3A_312 = tpu.memref_squeeze %get3A_311 : memref<1x50x64xf32, #tpu.memory_space<vmem>> -> memref<50x64xf32, #tpu.memory_space<vmem>>
          %get3A_313 = arith.index_cast %add3A_300 : i32 to index
          %get3A_314 = arith.constant 16 : index
          %get3A_315 = tpu.vector_load %get3A_312[%get3A_313, %get3A_314] {strides = array<i32>} : memref<50x64xf32, #tpu.memory_space<vmem>>, vector<16xf32>,
          %add3A_316 = arith.addf %add3A_280, %get3A_315 : vector<16xf32>
          %get3A_317 = arith.constant 0 : i32
          %get3A_318 = arith.constant 0 : i32
          %get3A_319 = tpu.memref_slice %arg8[%scan3A_138, %get3A_317, %get3A_318] : memref<4x50x64xf32, #tpu.memory_space<vmem>> -> memref<1x50x64xf32, #tpu.memory_space<vmem>>
          %get3A_320 = tpu.memref_squeeze %get3A_319 : memref<1x50x64xf32, #tpu.memory_space<vmem>> -> memref<50x64xf32, #tpu.memory_space<vmem>>
          %get3A_321 = arith.index_cast %add3A_300 : i32 to index
          %get3A_322 = arith.constant 32 : index
          %get3A_323 = tpu.vector_load %get3A_320[%get3A_321, %get3A_322] {strides = array<i32>} : memref<50x64xf32, #tpu.memory_space<vmem>>, vector<16xf32>,
          %add3A_324 = arith.addf %add3A_288, %get3A_323 : vector<16xf32>
          %get3A_325 = arith.constant 0 : i32
          %get3A_326 = arith.constant 0 : i32
          %get3A_327 = tpu.memref_slice %arg8[%scan3A_138, %get3A_325, %get3A_326] : memref<4x50x64xf32, #tpu.memory_space<vmem>> -> memref<1x50x64xf32, #tpu.memory_space<vmem>>
          %get3A_328 = tpu.memref_squeeze %get3A_327 : memref<1x50x64xf32, #tpu.memory_space<vmem>> -> memref<50x64xf32, #tpu.memory_space<vmem>>
          %get3A_329 = arith.index_cast %add3A_300 : i32 to index
          %get3A_330 = arith.constant 48 : index
          %get3A_331 = tpu.vector_load %get3A_328[%get3A_329, %get3A_330] {strides = array<i32>} : memref<50x64xf32, #tpu.memory_space<vmem>>, vector<16xf32>,
          %add3A_332 = arith.addf %add3A_296, %get3A_331 : vector<16xf32>
          %mul3A_333 = arith.constant 10 : i32
          %mul3A_334 = arith.muli %scan3A_257, %mul3A_333 : i32
          %add3A_335 = arith.constant 2 : i32
          %add3A_336 = arith.addi %mul3A_334, %add3A_335 : i32
          %get3A_337 = arith.constant 0 : i32
          %get3A_338 = arith.constant 0 : i32
          %get3A_339 = tpu.memref_slice %arg8[%scan3A_138, %get3A_337, %get3A_338] : memref<4x50x64xf32, #tpu.memory_space<vmem>> -> memref<1x50x64xf32, #tpu.memory_space<vmem>>
          %get3A_340 = tpu.memref_squeeze %get3A_339 : memref<1x50x64xf32, #tpu.memory_space<vmem>> -> memref<50x64xf32, #tpu.memory_space<vmem>>
          %get3A_341 = arith.index_cast %add3A_336 : i32 to index
          %get3A_342 = arith.constant 0 : index
          %get3A_343 = tpu.vector_load %get3A_340[%get3A_341, %get3A_342] {strides = array<i32>} : memref<50x64xf32, #tpu.memory_space<vmem>>, vector<16xf32>,
          %add3A_344 = arith.addf %add3A_308, %get3A_343 : vector<16xf32>
          %get3A_345 = arith.constant 0 : i32
          %get3A_346 = arith.constant 0 : i32
          %get3A_347 = tpu.memref_slice %arg8[%scan3A_138, %get3A_345, %get3A_346] : memref<4x50x64xf32, #tpu.memory_space<vmem>> -> memref<1x50x64xf32, #tpu.memory_space<vmem>>
          %get3A_348 = tpu.memref_squeeze %get3A_347 : memref<1x50x64xf32, #tpu.memory_space<vmem>> -> memref<50x64xf32, #tpu.memory_space<vmem>>
          %get3A_349 = arith.index_cast %add3A_336 : i32 to index
          %get3A_350 = arith.constant 16 : index
          %get3A_351 = tpu.vector_load %get3A_348[%get3A_349, %get3A_350] {strides = array<i32>} : memref<50x64xf32, #tpu.memory_space<vmem>>, vector<16xf32>,
          %add3A_352 = arith.addf %add3A_316, %get3A_351 : vector<16xf32>
          %get3A_353 = arith.constant 0 : i32
          %get3A_354 = arith.constant 0 : i32
          %get3A_355 = tpu.memref_slice %arg8[%scan3A_138, %get3A_353, %get3A_354] : memref<4x50x64xf32, #tpu.memory_space<vmem>> -> memref<1x50x64xf32, #tpu.memory_space<vmem>>
          %get3A_356 = tpu.memref_squeeze %get3A_355 : memref<1x50x64xf32, #tpu.memory_space<vmem>> -> memref<50x64xf32, #tpu.memory_space<vmem>>
          %get3A_357 = arith.index_cast %add3A_336 : i32 to index
          %get3A_358 = arith.constant 32 : index
          %get3A_359 = tpu.vector_load %get3A_356[%get3A_357, %get3A_358] {strides = array<i32>} : memref<50x64xf32, #tpu.memory_space<vmem>>, vector<16xf32>,
          %add3A_360 = arith.addf %add3A_324, %get3A_359 : vector<16xf32>
          %get3A_361 = arith.constant 0 : i32
          %get3A_362 = arith.constant 0 : i32
          %get3A_363 = tpu.memref_slice %arg8[%scan3A_138, %get3A_361, %get3A_362] : memref<4x50x64xf32, #tpu.memory_space<vmem>> -> memref<1x50x64xf32, #tpu.memory_space<vmem>>
          %get3A_364 = tpu.memref_squeeze %get3A_363 : memref<1x50x64xf32, #tpu.memory_space<vmem>> -> memref<50x64xf32, #tpu.memory_space<vmem>>
          %get3A_365 = arith.index_cast %add3A_336 : i32 to index
          %get3A_366 = arith.constant 48 : index
          %get3A_367 = tpu.vector_load %get3A_364[%get3A_365, %get3A_366] {strides = array<i32>} : memref<50x64xf32, #tpu.memory_space<vmem>>, vector<16xf32>,
          %add3A_368 = arith.addf %add3A_332, %get3A_367 : vector<16xf32>
          %mul3A_369 = arith.constant 10 : i32
          %mul3A_370 = arith.muli %scan3A_257, %mul3A_369 : i32
          %add3A_371 = arith.constant 3 : i32
          %add3A_372 = arith.addi %mul3A_370, %add3A_371 : i32
          %get3A_373 = arith.constant 0 : i32
          %get3A_374 = arith.constant 0 : i32
          %get3A_375 = tpu.memref_slice %arg8[%scan3A_138, %get3A_373, %get3A_374] : memref<4x50x64xf32, #tpu.memory_space<vmem>> -> memref<1x50x64xf32, #tpu.memory_space<vmem>>
          %get3A_376 = tpu.memref_squeeze %get3A_375 : memref<1x50x64xf32, #tpu.memory_space<vmem>> -> memref<50x64xf32, #tpu.memory_space<vmem>>
          %get3A_377 = arith.index_cast %add3A_372 : i32 to index
          %get3A_378 = arith.constant 0 : index
          %get3A_379 = tpu.vector_load %get3A_376[%get3A_377, %get3A_378] {strides = array<i32>} : memref<50x64xf32, #tpu.memory_space<vmem>>, vector<16xf32>,
          %add3A_380 = arith.addf %add3A_344, %get3A_379 : vector<16xf32>
          %get3A_381 = arith.constant 0 : i32
          %get3A_382 = arith.constant 0 : i32
          %get3A_383 = tpu.memref_slice %arg8[%scan3A_138, %get3A_381, %get3A_382] : memref<4x50x64xf32, #tpu.memory_space<vmem>> -> memref<1x50x64xf32, #tpu.memory_space<vmem>>
          %get3A_384 = tpu.memref_squeeze %get3A_383 : memref<1x50x64xf32, #tpu.memory_space<vmem>> -> memref<50x64xf32, #tpu.memory_space<vmem>>
          %get3A_385 = arith.index_cast %add3A_372 : i32 to index
          %get3A_386 = arith.constant 16 : index
          %get3A_387 = tpu.vector_load %get3A_384[%get3A_385, %get3A_386] {strides = array<i32>} : memref<50x64xf32, #tpu.memory_space<vmem>>, vector<16xf32>,
          %add3A_388 = arith.addf %add3A_352, %get3A_387 : vector<16xf32>
          %get3A_389 = arith.constant 0 : i32
          %get3A_390 = arith.constant 0 : i32
          %get3A_391 = tpu.memref_slice %arg8[%scan3A_138, %get3A_389, %get3A_390] : memref<4x50x64xf32, #tpu.memory_space<vmem>> -> memref<1x50x64xf32, #tpu.memory_space<vmem>>
          %get3A_392 = tpu.memref_squeeze %get3A_391 : memref<1x50x64xf32, #tpu.memory_space<vmem>> -> memref<50x64xf32, #tpu.memory_space<vmem>>
          %get3A_393 = arith.index_cast %add3A_372 : i32 to index
          %get3A_394 = arith.constant 32 : index
          %get3A_395 = tpu.vector_load %get3A_392[%get3A_393, %get3A_394] {strides = array<i32>} : memref<50x64xf32, #tpu.memory_space<vmem>>, vector<16xf32>,
          %add3A_396 = arith.addf %add3A_360, %get3A_395 : vector<16xf32>
          %get3A_397 = arith.constant 0 : i32
          %get3A_398 = arith.constant 0 : i32
          %get3A_399 = tpu.memref_slice %arg8[%scan3A_138, %get3A_397, %get3A_398] : memref<4x50x64xf32, #tpu.memory_space<vmem>> -> memref<1x50x64xf32, #tpu.memory_space<vmem>>
          %get3A_400 = tpu.memref_squeeze %get3A_399 : memref<1x50x64xf32, #tpu.memory_space<vmem>> -> memref<50x64xf32, #tpu.memory_space<vmem>>
          %get3A_401 = arith.index_cast %add3A_372 : i32 to index
          %get3A_402 = arith.constant 48 : index
          %get3A_403 = tpu.vector_load %get3A_400[%get3A_401, %get3A_402] {strides = array<i32>} : memref<50x64xf32, #tpu.memory_space<vmem>>, vector<16xf32>,
          %add3A_404 = arith.addf %add3A_368, %get3A_403 : vector<16xf32>
          %mul3A_405 = arith.constant 10 : i32
          %mul3A_406 = arith.muli %scan3A_257, %mul3A_405 : i32
          %add3A_407 = arith.constant 4 : i32
          %add3A_408 = arith.addi %mul3A_406, %add3A_407 : i32
          %get3A_409 = arith.constant 0 : i32
          %get3A_410 = arith.constant 0 : i32
          %get3A_411 = tpu.memref_slice %arg8[%scan3A_138, %get3A_409, %get3A_410] : memref<4x50x64xf32, #tpu.memory_space<vmem>> -> memref<1x50x64xf32, #tpu.memory_space<vmem>>
          %get3A_412 = tpu.memref_squeeze %get3A_411 : memref<1x50x64xf32, #tpu.memory_space<vmem>> -> memref<50x64xf32, #tpu.memory_space<vmem>>
          %get3A_413 = arith.index_cast %add3A_408 : i32 to index
          %get3A_414 = arith.constant 0 : index
          %get3A_415 = tpu.vector_load %get3A_412[%get3A_413, %get3A_414] {strides = array<i32>} : memref<50x64xf32, #tpu.memory_space<vmem>>, vector<16xf32>,
          %add3A_416 = arith.addf %add3A_380, %get3A_415 : vector<16xf32>
          %get3A_417 = arith.constant 0 : i32
          %get3A_418 = arith.constant 0 : i32
          %get3A_419 = tpu.memref_slice %arg8[%scan3A_138, %get3A_417, %get3A_418] : memref<4x50x64xf32, #tpu.memory_space<vmem>> -> memref<1x50x64xf32, #tpu.memory_space<vmem>>
          %get3A_420 = tpu.memref_squeeze %get3A_419 : memref<1x50x64xf32, #tpu.memory_space<vmem>> -> memref<50x64xf32, #tpu.memory_space<vmem>>
          %get3A_421 = arith.index_cast %add3A_408 : i32 to index
          %get3A_422 = arith.constant 16 : index
          %get3A_423 = tpu.vector_load %get3A_420[%get3A_421, %get3A_422] {strides = array<i32>} : memref<50x64xf32, #tpu.memory_space<vmem>>, vector<16xf32>,
          %add3A_424 = arith.addf %add3A_388, %get3A_423 : vector<16xf32>
          %get3A_425 = arith.constant 0 : i32
          %get3A_426 = arith.constant 0 : i32
          %get3A_427 = tpu.memref_slice %arg8[%scan3A_138, %get3A_425, %get3A_426] : memref<4x50x64xf32, #tpu.memory_space<vmem>> -> memref<1x50x64xf32, #tpu.memory_space<vmem>>
          %get3A_428 = tpu.memref_squeeze %get3A_427 : memref<1x50x64xf32, #tpu.memory_space<vmem>> -> memref<50x64xf32, #tpu.memory_space<vmem>>
          %get3A_429 = arith.index_cast %add3A_408 : i32 to index
          %get3A_430 = arith.constant 32 : index
          %get3A_431 = tpu.vector_load %get3A_428[%get3A_429, %get3A_430] {strides = array<i32>} : memref<50x64xf32, #tpu.memory_space<vmem>>, vector<16xf32>,
          %add3A_432 = arith.addf %add3A_396, %get3A_431 : vector<16xf32>
          %get3A_433 = arith.constant 0 : i32
          %get3A_434 = arith.constant 0 : i32
          %get3A_435 = tpu.memref_slice %arg8[%scan3A_138, %get3A_433, %get3A_434] : memref<4x50x64xf32, #tpu.memory_space<vmem>> -> memref<1x50x64xf32, #tpu.memory_space<vmem>>
          %get3A_436 = tpu.memref_squeeze %get3A_435 : memref<1x50x64xf32, #tpu.memory_space<vmem>> -> memref<50x64xf32, #tpu.memory_space<vmem>>
          %get3A_437 = arith.index_cast %add3A_408 : i32 to index
          %get3A_438 = arith.constant 48 : index
          %get3A_439 = tpu.vector_load %get3A_436[%get3A_437, %get3A_438] {strides = array<i32>} : memref<50x64xf32, #tpu.memory_space<vmem>>, vector<16xf32>,
          %add3A_440 = arith.addf %add3A_404, %get3A_439 : vector<16xf32>
          %mul3A_441 = arith.constant 10 : i32
          %mul3A_442 = arith.muli %scan3A_257, %mul3A_441 : i32
          %add3A_443 = arith.constant 5 : i32
          %add3A_444 = arith.addi %mul3A_442, %add3A_443 : i32
          %get3A_445 = arith.constant 0 : i32
          %get3A_446 = arith.constant 0 : i32
          %get3A_447 = tpu.memref_slice %arg8[%scan3A_138, %get3A_445, %get3A_446] : memref<4x50x64xf32, #tpu.memory_space<vmem>> -> memref<1x50x64xf32, #tpu.memory_space<vmem>>
          %get3A_448 = tpu.memref_squeeze %get3A_447 : memref<1x50x64xf32, #tpu.memory_space<vmem>> -> memref<50x64xf32, #tpu.memory_space<vmem>>
          %get3A_449 = arith.index_cast %add3A_444 : i32 to index
          %get3A_450 = arith.constant 0 : index
          %get3A_451 = tpu.vector_load %get3A_448[%get3A_449, %get3A_450] {strides = array<i32>} : memref<50x64xf32, #tpu.memory_space<vmem>>, vector<16xf32>,
          %add3A_452 = arith.addf %add3A_416, %get3A_451 : vector<16xf32>
          %get3A_453 = arith.constant 0 : i32
          %get3A_454 = arith.constant 0 : i32
          %get3A_455 = tpu.memref_slice %arg8[%scan3A_138, %get3A_453, %get3A_454] : memref<4x50x64xf32, #tpu.memory_space<vmem>> -> memref<1x50x64xf32, #tpu.memory_space<vmem>>
          %get3A_456 = tpu.memref_squeeze %get3A_455 : memref<1x50x64xf32, #tpu.memory_space<vmem>> -> memref<50x64xf32, #tpu.memory_space<vmem>>
          %get3A_457 = arith.index_cast %add3A_444 : i32 to index
          %get3A_458 = arith.constant 16 : index
          %get3A_459 = tpu.vector_load %get3A_456[%get3A_457, %get3A_458] {strides = array<i32>} : memref<50x64xf32, #tpu.memory_space<vmem>>, vector<16xf32>,
          %add3A_460 = arith.addf %add3A_424, %get3A_459 : vector<16xf32>
          %get3A_461 = arith.constant 0 : i32
          %get3A_462 = arith.constant 0 : i32
          %get3A_463 = tpu.memref_slice %arg8[%scan3A_138, %get3A_461, %get3A_462] : memref<4x50x64xf32, #tpu.memory_space<vmem>> -> memref<1x50x64xf32, #tpu.memory_space<vmem>>
          %get3A_464 = tpu.memref_squeeze %get3A_463 : memref<1x50x64xf32, #tpu.memory_space<vmem>> -> memref<50x64xf32, #tpu.memory_space<vmem>>
          %get3A_465 = arith.index_cast %add3A_444 : i32 to index
          %get3A_466 = arith.constant 32 : index
          %get3A_467 = tpu.vector_load %get3A_464[%get3A_465, %get3A_466] {strides = array<i32>} : memref<50x64xf32, #tpu.memory_space<vmem>>, vector<16xf32>,
          %add3A_468 = arith.addf %add3A_432, %get3A_467 : vector<16xf32>
          %get3A_469 = arith.constant 0 : i32
          %get3A_470 = arith.constant 0 : i32
          %get3A_471 = tpu.memref_slice %arg8[%scan3A_138, %get3A_469, %get3A_470] : memref<4x50x64xf32, #tpu.memory_space<vmem>> -> memref<1x50x64xf32, #tpu.memory_space<vmem>>
          %get3A_472 = tpu.memref_squeeze %get3A_471 : memref<1x50x64xf32, #tpu.memory_space<vmem>> -> memref<50x64xf32, #tpu.memory_space<vmem>>
          %get3A_473 = arith.index_cast %add3A_444 : i32 to index
          %get3A_474 = arith.constant 48 : index
          %get3A_475 = tpu.vector_load %get3A_472[%get3A_473, %get3A_474] {strides = array<i32>} : memref<50x64xf32, #tpu.memory_space<vmem>>, vector<16xf32>,
          %add3A_476 = arith.addf %add3A_440, %get3A_475 : vector<16xf32>
          %mul3A_477 = arith.constant 10 : i32
          %mul3A_478 = arith.muli %scan3A_257, %mul3A_477 : i32
          %add3A_479 = arith.constant 6 : i32
          %add3A_480 = arith.addi %mul3A_478, %add3A_479 : i32
          %get3A_481 = arith.constant 0 : i32
          %get3A_482 = arith.constant 0 : i32
          %get3A_483 = tpu.memref_slice %arg8[%scan3A_138, %get3A_481, %get3A_482] : memref<4x50x64xf32, #tpu.memory_space<vmem>> -> memref<1x50x64xf32, #tpu.memory_space<vmem>>
          %get3A_484 = tpu.memref_squeeze %get3A_483 : memref<1x50x64xf32, #tpu.memory_space<vmem>> -> memref<50x64xf32, #tpu.memory_space<vmem>>
          %get3A_485 = arith.index_cast %add3A_480 : i32 to index
          %get3A_486 = arith.constant 0 : index
          %get3A_487 = tpu.vector_load %get3A_484[%get3A_485, %get3A_486] {strides = array<i32>} : memref<50x64xf32, #tpu.memory_space<vmem>>, vector<16xf32>,
          %add3A_488 = arith.addf %add3A_452, %get3A_487 : vector<16xf32>
          %get3A_489 = arith.constant 0 : i32
          %get3A_490 = arith.constant 0 : i32
          %get3A_491 = tpu.memref_slice %arg8[%scan3A_138, %get3A_489, %get3A_490] : memref<4x50x64xf32, #tpu.memory_space<vmem>> -> memref<1x50x64xf32, #tpu.memory_space<vmem>>
          %get3A_492 = tpu.memref_squeeze %get3A_491 : memref<1x50x64xf32, #tpu.memory_space<vmem>> -> memref<50x64xf32, #tpu.memory_space<vmem>>
          %get3A_493 = arith.index_cast %add3A_480 : i32 to index
          %get3A_494 = arith.constant 16 : index
          %get3A_495 = tpu.vector_load %get3A_492[%get3A_493, %get3A_494] {strides = array<i32>} : memref<50x64xf32, #tpu.memory_space<vmem>>, vector<16xf32>,
          %add3A_496 = arith.addf %add3A_460, %get3A_495 : vector<16xf32>
          %get3A_497 = arith.constant 0 : i32
          %get3A_498 = arith.constant 0 : i32
          %get3A_499 = tpu.memref_slice %arg8[%scan3A_138, %get3A_497, %get3A_498] : memref<4x50x64xf32, #tpu.memory_space<vmem>> -> memref<1x50x64xf32, #tpu.memory_space<vmem>>
          %get3A_500 = tpu.memref_squeeze %get3A_499 : memref<1x50x64xf32, #tpu.memory_space<vmem>> -> memref<50x64xf32, #tpu.memory_space<vmem>>
          %get3A_501 = arith.index_cast %add3A_480 : i32 to index
          %get3A_502 = arith.constant 32 : index
          %get3A_503 = tpu.vector_load %get3A_500[%get3A_501, %get3A_502] {strides = array<i32>} : memref<50x64xf32, #tpu.memory_space<vmem>>, vector<16xf32>,
          %add3A_504 = arith.addf %add3A_468, %get3A_503 : vector<16xf32>
          %get3A_505 = arith.constant 0 : i32
          %get3A_506 = arith.constant 0 : i32
          %get3A_507 = tpu.memref_slice %arg8[%scan3A_138, %get3A_505, %get3A_506] : memref<4x50x64xf32, #tpu.memory_space<vmem>> -> memref<1x50x64xf32, #tpu.memory_space<vmem>>
          %get3A_508 = tpu.memref_squeeze %get3A_507 : memref<1x50x64xf32, #tpu.memory_space<vmem>> -> memref<50x64xf32, #tpu.memory_space<vmem>>
          %get3A_509 = arith.index_cast %add3A_480 : i32 to index
          %get3A_510 = arith.constant 48 : index
          %get3A_511 = tpu.vector_load %get3A_508[%get3A_509, %get3A_510] {strides = array<i32>} : memref<50x64xf32, #tpu.memory_space<vmem>>, vector<16xf32>,
          %add3A_512 = arith.addf %add3A_476, %get3A_511 : vector<16xf32>
          %mul3A_513 = arith.constant 10 : i32
          %mul3A_514 = arith.muli %scan3A_257, %mul3A_513 : i32
          %add3A_515 = arith.constant 7 : i32
          %add3A_516 = arith.addi %mul3A_514, %add3A_515 : i32
          %get3A_517 = arith.constant 0 : i32
          %get3A_518 = arith.constant 0 : i32
          %get3A_519 = tpu.memref_slice %arg8[%scan3A_138, %get3A_517, %get3A_518] : memref<4x50x64xf32, #tpu.memory_space<vmem>> -> memref<1x50x64xf32, #tpu.memory_space<vmem>>
          %get3A_520 = tpu.memref_squeeze %get3A_519 : memref<1x50x64xf32, #tpu.memory_space<vmem>> -> memref<50x64xf32, #tpu.memory_space<vmem>>
          %get3A_521 = arith.index_cast %add3A_516 : i32 to index
          %get3A_522 = arith.constant 0 : index
          %get3A_523 = tpu.vector_load %get3A_520[%get3A_521, %get3A_522] {strides = array<i32>} : memref<50x64xf32, #tpu.memory_space<vmem>>, vector<16xf32>,
          %add3A_524 = arith.addf %add3A_488, %get3A_523 : vector<16xf32>
          %get3A_525 = arith.constant 0 : i32
          %get3A_526 = arith.constant 0 : i32
          %get3A_527 = tpu.memref_slice %arg8[%scan3A_138, %get3A_525, %get3A_526] : memref<4x50x64xf32, #tpu.memory_space<vmem>> -> memref<1x50x64xf32, #tpu.memory_space<vmem>>
          %get3A_528 = tpu.memref_squeeze %get3A_527 : memref<1x50x64xf32, #tpu.memory_space<vmem>> -> memref<50x64xf32, #tpu.memory_space<vmem>>
          %get3A_529 = arith.index_cast %add3A_516 : i32 to index
          %get3A_530 = arith.constant 16 : index
          %get3A_531 = tpu.vector_load %get3A_528[%get3A_529, %get3A_530] {strides = array<i32>} : memref<50x64xf32, #tpu.memory_space<vmem>>, vector<16xf32>,
          %add3A_532 = arith.addf %add3A_496, %get3A_531 : vector<16xf32>
          %get3A_533 = arith.constant 0 : i32
          %get3A_534 = arith.constant 0 : i32
          %get3A_535 = tpu.memref_slice %arg8[%scan3A_138, %get3A_533, %get3A_534] : memref<4x50x64xf32, #tpu.memory_space<vmem>> -> memref<1x50x64xf32, #tpu.memory_space<vmem>>
          %get3A_536 = tpu.memref_squeeze %get3A_535 : memref<1x50x64xf32, #tpu.memory_space<vmem>> -> memref<50x64xf32, #tpu.memory_space<vmem>>
          %get3A_537 = arith.index_cast %add3A_516 : i32 to index
          %get3A_538 = arith.constant 32 : index
          %get3A_539 = tpu.vector_load %get3A_536[%get3A_537, %get3A_538] {strides = array<i32>} : memref<50x64xf32, #tpu.memory_space<vmem>>, vector<16xf32>,
          %add3A_540 = arith.addf %add3A_504, %get3A_539 : vector<16xf32>
          %get3A_541 = arith.constant 0 : i32
          %get3A_542 = arith.constant 0 : i32
          %get3A_543 = tpu.memref_slice %arg8[%scan3A_138, %get3A_541, %get3A_542] : memref<4x50x64xf32, #tpu.memory_space<vmem>> -> memref<1x50x64xf32, #tpu.memory_space<vmem>>
          %get3A_544 = tpu.memref_squeeze %get3A_543 : memref<1x50x64xf32, #tpu.memory_space<vmem>> -> memref<50x64xf32, #tpu.memory_space<vmem>>
          %get3A_545 = arith.index_cast %add3A_516 : i32 to index
          %get3A_546 = arith.constant 48 : index
          %get3A_547 = tpu.vector_load %get3A_544[%get3A_545, %get3A_546] {strides = array<i32>} : memref<50x64xf32, #tpu.memory_space<vmem>>, vector<16xf32>,
          %add3A_548 = arith.addf %add3A_512, %get3A_547 : vector<16xf32>
          %mul3A_549 = arith.constant 10 : i32
          %mul3A_550 = arith.muli %scan3A_257, %mul3A_549 : i32
          %add3A_551 = arith.constant 8 : i32
          %add3A_552 = arith.addi %mul3A_550, %add3A_551 : i32
          %get3A_553 = arith.constant 0 : i32
          %get3A_554 = arith.constant 0 : i32
          %get3A_555 = tpu.memref_slice %arg8[%scan3A_138, %get3A_553, %get3A_554] : memref<4x50x64xf32, #tpu.memory_space<vmem>> -> memref<1x50x64xf32, #tpu.memory_space<vmem>>
          %get3A_556 = tpu.memref_squeeze %get3A_555 : memref<1x50x64xf32, #tpu.memory_space<vmem>> -> memref<50x64xf32, #tpu.memory_space<vmem>>
          %get3A_557 = arith.index_cast %add3A_552 : i32 to index
          %get3A_558 = arith.constant 0 : index
          %get3A_559 = tpu.vector_load %get3A_556[%get3A_557, %get3A_558] {strides = array<i32>} : memref<50x64xf32, #tpu.memory_space<vmem>>, vector<16xf32>,
          %add3A_560 = arith.addf %add3A_524, %get3A_559 : vector<16xf32>
          %get3A_561 = arith.constant 0 : i32
          %get3A_562 = arith.constant 0 : i32
          %get3A_563 = tpu.memref_slice %arg8[%scan3A_138, %get3A_561, %get3A_562] : memref<4x50x64xf32, #tpu.memory_space<vmem>> -> memref<1x50x64xf32, #tpu.memory_space<vmem>>
          %get3A_564 = tpu.memref_squeeze %get3A_563 : memref<1x50x64xf32, #tpu.memory_space<vmem>> -> memref<50x64xf32, #tpu.memory_space<vmem>>
          %get3A_565 = arith.index_cast %add3A_552 : i32 to index
          %get3A_566 = arith.constant 16 : index
          %get3A_567 = tpu.vector_load %get3A_564[%get3A_565, %get3A_566] {strides = array<i32>} : memref<50x64xf32, #tpu.memory_space<vmem>>, vector<16xf32>,
          %add3A_568 = arith.addf %add3A_532, %get3A_567 : vector<16xf32>
          %get3A_569 = arith.constant 0 : i32
          %get3A_570 = arith.constant 0 : i32
          %get3A_571 = tpu.memref_slice %arg8[%scan3A_138, %get3A_569, %get3A_570] : memref<4x50x64xf32, #tpu.memory_space<vmem>> -> memref<1x50x64xf32, #tpu.memory_space<vmem>>
          %get3A_572 = tpu.memref_squeeze %get3A_571 : memref<1x50x64xf32, #tpu.memory_space<vmem>> -> memref<50x64xf32, #tpu.memory_space<vmem>>
          %get3A_573 = arith.index_cast %add3A_552 : i32 to index
          %get3A_574 = arith.constant 32 : index
          %get3A_575 = tpu.vector_load %get3A_572[%get3A_573, %get3A_574] {strides = array<i32>} : memref<50x64xf32, #tpu.memory_space<vmem>>, vector<16xf32>,
          %add3A_576 = arith.addf %add3A_540, %get3A_575 : vector<16xf32>
          %get3A_577 = arith.constant 0 : i32
          %get3A_578 = arith.constant 0 : i32
          %get3A_579 = tpu.memref_slice %arg8[%scan3A_138, %get3A_577, %get3A_578] : memref<4x50x64xf32, #tpu.memory_space<vmem>> -> memref<1x50x64xf32, #tpu.memory_space<vmem>>
          %get3A_580 = tpu.memref_squeeze %get3A_579 : memref<1x50x64xf32, #tpu.memory_space<vmem>> -> memref<50x64xf32, #tpu.memory_space<vmem>>
          %get3A_581 = arith.index_cast %add3A_552 : i32 to index
          %get3A_582 = arith.constant 48 : index
          %get3A_583 = tpu.vector_load %get3A_580[%get3A_581, %get3A_582] {strides = array<i32>} : memref<50x64xf32, #tpu.memory_space<vmem>>, vector<16xf32>,
          %add3A_584 = arith.addf %add3A_548, %get3A_583 : vector<16xf32>
          %mul3A_585 = arith.constant 10 : i32
          %mul3A_586 = arith.muli %scan3A_257, %mul3A_585 : i32
          %add3A_587 = arith.constant 9 : i32
          %add3A_588 = arith.addi %mul3A_586, %add3A_587 : i32
          %get3A_589 = arith.constant 0 : i32
          %get3A_590 = arith.constant 0 : i32
          %get3A_591 = tpu.memref_slice %arg8[%scan3A_138, %get3A_589, %get3A_590] : memref<4x50x64xf32, #tpu.memory_space<vmem>> -> memref<1x50x64xf32, #tpu.memory_space<vmem>>
          %get3A_592 = tpu.memref_squeeze %get3A_591 : memref<1x50x64xf32, #tpu.memory_space<vmem>> -> memref<50x64xf32, #tpu.memory_space<vmem>>
          %get3A_593 = arith.index_cast %add3A_588 : i32 to index
          %get3A_594 = arith.constant 0 : index
          %get3A_595 = tpu.vector_load %get3A_592[%get3A_593, %get3A_594] {strides = array<i32>} : memref<50x64xf32, #tpu.memory_space<vmem>>, vector<16xf32>,
          %add3A_596 = arith.addf %add3A_560, %get3A_595 : vector<16xf32>
          %get3A_597 = arith.constant 0 : i32
          %get3A_598 = arith.constant 0 : i32
          %get3A_599 = tpu.memref_slice %arg8[%scan3A_138, %get3A_597, %get3A_598] : memref<4x50x64xf32, #tpu.memory_space<vmem>> -> memref<1x50x64xf32, #tpu.memory_space<vmem>>
          %get3A_600 = tpu.memref_squeeze %get3A_599 : memref<1x50x64xf32, #tpu.memory_space<vmem>> -> memref<50x64xf32, #tpu.memory_space<vmem>>
          %get3A_601 = arith.index_cast %add3A_588 : i32 to index
          %get3A_602 = arith.constant 16 : index
          %get3A_603 = tpu.vector_load %get3A_600[%get3A_601, %get3A_602] {strides = array<i32>} : memref<50x64xf32, #tpu.memory_space<vmem>>, vector<16xf32>,
          %add3A_604 = arith.addf %add3A_568, %get3A_603 : vector<16xf32>
          %get3A_605 = arith.constant 0 : i32
          %get3A_606 = arith.constant 0 : i32
          %get3A_607 = tpu.memref_slice %arg8[%scan3A_138, %get3A_605, %get3A_606] : memref<4x50x64xf32, #tpu.memory_space<vmem>> -> memref<1x50x64xf32, #tpu.memory_space<vmem>>
          %get3A_608 = tpu.memref_squeeze %get3A_607 : memref<1x50x64xf32, #tpu.memory_space<vmem>> -> memref<50x64xf32, #tpu.memory_space<vmem>>
          %get3A_609 = arith.index_cast %add3A_588 : i32 to index
          %get3A_610 = arith.constant 32 : index
          %get3A_611 = tpu.vector_load %get3A_608[%get3A_609, %get3A_610] {strides = array<i32>} : memref<50x64xf32, #tpu.memory_space<vmem>>, vector<16xf32>,
          %add3A_612 = arith.addf %add3A_576, %get3A_611 : vector<16xf32>
          %get3A_613 = arith.constant 0 : i32
          %get3A_614 = arith.constant 0 : i32
          %get3A_615 = tpu.memref_slice %arg8[%scan3A_138, %get3A_613, %get3A_614] : memref<4x50x64xf32, #tpu.memory_space<vmem>> -> memref<1x50x64xf32, #tpu.memory_space<vmem>>
          %get3A_616 = tpu.memref_squeeze %get3A_615 : memref<1x50x64xf32, #tpu.memory_space<vmem>> -> memref<50x64xf32, #tpu.memory_space<vmem>>
          %get3A_617 = arith.index_cast %add3A_588 : i32 to index
          %get3A_618 = arith.constant 48 : index
          %get3A_619 = tpu.vector_load %get3A_616[%get3A_617, %get3A_618] {strides = array<i32>} : memref<50x64xf32, #tpu.memory_space<vmem>>, vector<16xf32>,
          %add3A_620 = arith.addf %add3A_584, %get3A_619 : vector<16xf32>
          scf.yield %add3A_596, %add3A_604, %add3A_612, %add3A_620 : vector<16xf32>, vector<16xf32>, vector<16xf32>, vector<16xf32>
        }
        %scan3A_144 = arith.constant 5 : i32
        %swap3A_145 = arith.index_cast %add3A_135 : i32 to index
        %swap3A_146 = arith.constant 64 : index
        %swap3A_147 = tpu.vector_load %arg9[%swap3A_145, %swap3A_146] {strides = array<i32>} : memref<512x128xf32, #tpu.memory_space<vmem>>, vector<16xf32>,
        tpu.vector_store %arg9[%swap3A_145, %swap3A_146], %scan3A_143#0 {strides = array<i32>} : memref<512x128xf32, #tpu.memory_space<vmem>>, vector<16xf32>,
        %swap3A_148 = arith.index_cast %add3A_135 : i32 to index
        %swap3A_149 = arith.constant 80 : index
        %swap3A_150 = tpu.vector_load %arg9[%swap3A_148, %swap3A_149] {strides = array<i32>} : memref<512x128xf32, #tpu.memory_space<vmem>>, vector<16xf32>,
        tpu.vector_store %arg9[%swap3A_148, %swap3A_149], %scan3A_143#1 {strides = array<i32>} : memref<512x128xf32, #tpu.memory_space<vmem>>, vector<16xf32>,
        %swap3A_151 = arith.index_cast %add3A_135 : i32 to index
        %swap3A_152 = arith.constant 96 : index
        %swap3A_153 = tpu.vector_load %arg9[%swap3A_151, %swap3A_152] {strides = array<i32>} : memref<512x128xf32, #tpu.memory_space<vmem>>, vector<16xf32>,
        tpu.vector_store %arg9[%swap3A_151, %swap3A_152], %scan3A_143#2 {strides = array<i32>} : memref<512x128xf32, #tpu.memory_space<vmem>>, vector<16xf32>,
        %swap3A_154 = arith.index_cast %add3A_135 : i32 to index
        %swap3A_155 = arith.constant 112 : index
        %swap3A_156 = tpu.vector_load %arg9[%swap3A_154, %swap3A_155] {strides = array<i32>} : memref<512x128xf32, #tpu.memory_space<vmem>>, vector<16xf32>,
        tpu.vector_store %arg9[%swap3A_154, %swap3A_155], %scan3A_143#3 {strides = array<i32>} : memref<512x128xf32, #tpu.memory_space<vmem>>, vector<16xf32>,
        %add3A_157 = arith.constant 4 : i32
        %add3A_158 = arith.addi %add3A_121, %add3A_157 : i32
        %lt3A_159 = arith.constant 256 : i32
        %lt3A_160 = arith.cmpi slt, %add3A_158, %lt3A_159 : i32
        %convert_element_type3A_161 = arith.extui %lt3A_160 : i1 to i32
        %cond3A_162 = arith.constant 0 : i32
        %cond3A_163 = arith.cmpi ne, %convert_element_type3A_161, %cond3A_162 : i32
        scf.if %cond3A_163 {
          %add3A_257 = arith.constant 4 : i32
          %add3A_258 = arith.addi %add3A_121, %add3A_257 : i32
          %dma_start3A_259 = arith.constant 1 : i32
          %dma_start3A_260 = arith.constant 0 : i32
          %dma_start3A_261 = arith.constant 0 : i32
          %dma_start3A_262 = tpu.memref_slice %arg8[%dma_start3A_259, %dma_start3A_260, %dma_start3A_261] : memref<4x50x64xf32, #tpu.memory_space<vmem>> -> memref<1x50x64xf32, #tpu.memory_space<vmem>>
          %dma_start3A_263 = tpu.memref_squeeze %dma_start3A_262 : memref<1x50x64xf32, #tpu.memory_space<vmem>> -> memref<50x64xf32, #tpu.memory_space<vmem>>
          %dma_start3A_264 = arith.constant 0 : i32
          %dma_start3A_265 = tpu.memref_slice %arg7[%add3A_258, %dma_start3A_264] : memref<256x50xi32, #tpu.memory_space<vmem>> -> memref<1x50xi32, #tpu.memory_space<vmem>>
          %dma_start3A_266 = tpu.memref_squeeze %dma_start3A_265 : memref<1x50xi32, #tpu.memory_space<vmem>> -> memref<50xi32, #tpu.memory_space<vmem>>
          %dma_start3A_267 = arith.constant 0 : i32
          %dma_start3A_268 = arith.constant 0 : i32
          %dma_start3A_269 = tpu.memref_slice %arg5[%dma_start3A_267, %dma_start3A_268] : memref<1000000x64xf32, #tpu.memory_space<hbm>> -> memref<1000000x64xf32, #tpu.memory_space<hbm>>
          tpu.enqueue_indirect_dma source(%dma_start3A_269 : memref<1000000x64xf32, #tpu.memory_space<hbm>>) target(%dma_start3A_263 : memref<50x64xf32, #tpu.memory_space<vmem>>) offsets(%dma_start3A_266 : memref<50xi32, #tpu.memory_space<vmem>>) semaphore(%arg11 : memref<!tpu.dma_semaphore, #tpu.memory_space<semaphore_mem>>)
        } else {
        }
        %mul3A_164 = arith.constant 4 : i32
        %mul3A_165 = arith.muli %mul3A_164, %scan3A_76 : i32
        %add3A_166 = arith.constant 2 : i32
        %add3A_167 = arith.addi %mul3A_165, %add3A_166 : i32
        %dma_wait3A_168 = arith.constant 2 : i32
        %dma_wait3A_169 = arith.constant 0 : i32
        %dma_wait3A_170 = arith.constant 0 : i32
        %dma_wait3A_171 = tpu.memref_slice %arg8[%dma_wait3A_168, %dma_wait3A_169, %dma_wait3A_170] : memref<4x50x64xf32, #tpu.memory_space<vmem>> -> memref<1x50x64xf32, #tpu.memory_space<vmem>>
        %dma_wait3A_172 = tpu.memref_squeeze %dma_wait3A_171 : memref<1x50x64xf32, #tpu.memory_space<vmem>> -> memref<50x64xf32, #tpu.memory_space<vmem>>
        %dma_wait3A_173 = arith.constant 0 : i32
        %dma_wait3A_174 = tpu.memref_slice %arg7[%add3A_167, %dma_wait3A_173] : memref<256x50xi32, #tpu.memory_space<vmem>> -> memref<1x50xi32, #tpu.memory_space<vmem>>
        %dma_wait3A_175 = tpu.memref_squeeze %dma_wait3A_174 : memref<1x50xi32, #tpu.memory_space<vmem>> -> memref<50xi32, #tpu.memory_space<vmem>>
        %dma_wait3A_176 = arith.constant 0 : i32
        %dma_wait3A_177 = arith.constant 0 : i32
        %dma_wait3A_178 = tpu.memref_slice %arg5[%dma_wait3A_176, %dma_wait3A_177] : memref<1000000x64xf32, #tpu.memory_space<hbm>> -> memref<1000000x64xf32, #tpu.memory_space<hbm>>
        tpu.wait_indirect_dma semaphore(%arg12 : memref<!tpu.dma_semaphore, #tpu.memory_space<semaphore_mem>>) src(%dma_wait3A_178 : memref<1000000x64xf32, #tpu.memory_space<hbm>>) dst(%dma_wait3A_172 : memref<50x64xf32, #tpu.memory_space<vmem>>)
        %mul3A_179 = arith.constant 256 : i32
        %mul3A_180 = arith.muli %scan3A_16, %mul3A_179 : i32
        %add3A_181 = arith.addi %mul3A_180, %add3A_167 : i32
        %broadcast_in_dim3A_182 = arith.constant 0.000000e+00 : f32
        %broadcast_in_dim3A_183 = vector.broadcast %broadcast_in_dim3A_182 : f32 to vector<16xf32>
        %scan3A_184 = arith.constant 2 : i32
        %scan3A_185 = arith.constant 0 : i32
        %scan3A_186 = arith.constant 5 : i32
        %scan3A_187 = arith.addi %scan3A_185, %scan3A_186 : i32
        %scan3A_188 = arith.constant 1 : i32
        %scan3A_189:4 = scf.for %scan3A_257 = %scan3A_185 to %scan3A_187 step %scan3A_188 iter_args(%scan3A_258 = %broadcast_in_dim3A_183, %scan3A_259 = %broadcast_in_dim3A_183, %scan3A_260 = %broadcast_in_dim3A_183, %scan3A_261 = %broadcast_in_dim3A_183) -> (vector<16xf32>, vector<16xf32>, vector<16xf32>, vector<16xf32>)  : i32 {
          %mul3A_262 = arith.constant 10 : i32
          %mul3A_263 = arith.muli %scan3A_257, %mul3A_262 : i32
          %add3A_264 = arith.constant 0 : i32
          %add3A_265 = arith.addi %mul3A_263, %add3A_264 : i32
          %get3A = arith.constant 0 : i32
          %get3A_266 = arith.constant 0 : i32
          %get3A_267 = tpu.memref_slice %arg8[%scan3A_184, %get3A, %get3A_266] : memref<4x50x64xf32, #tpu.memory_space<vmem>> -> memref<1x50x64xf32, #tpu.memory_space<vmem>>
          %get3A_268 = tpu.memref_squeeze %get3A_267 : memref<1x50x64xf32, #tpu.memory_space<vmem>> -> memref<50x64xf32, #tpu.memory_space<vmem>>
          %get3A_269 = arith.index_cast %add3A_265 : i32 to index
          %get3A_270 = arith.constant 0 : index
          %get3A_271 = tpu.vector_load %get3A_268[%get3A_269, %get3A_270] {strides = array<i32>} : memref<50x64xf32, #tpu.memory_space<vmem>>, vector<16xf32>,
          %add3A_272 = arith.addf %scan3A_258, %get3A_271 : vector<16xf32>
          %get3A_273 = arith.constant 0 : i32
          %get3A_274 = arith.constant 0 : i32
          %get3A_275 = tpu.memref_slice %arg8[%scan3A_184, %get3A_273, %get3A_274] : memref<4x50x64xf32, #tpu.memory_space<vmem>> -> memref<1x50x64xf32, #tpu.memory_space<vmem>>
          %get3A_276 = tpu.memref_squeeze %get3A_275 : memref<1x50x64xf32, #tpu.memory_space<vmem>> -> memref<50x64xf32, #tpu.memory_space<vmem>>
          %get3A_277 = arith.index_cast %add3A_265 : i32 to index
          %get3A_278 = arith.constant 16 : index
          %get3A_279 = tpu.vector_load %get3A_276[%get3A_277, %get3A_278] {strides = array<i32>} : memref<50x64xf32, #tpu.memory_space<vmem>>, vector<16xf32>,
          %add3A_280 = arith.addf %scan3A_259, %get3A_279 : vector<16xf32>
          %get3A_281 = arith.constant 0 : i32
          %get3A_282 = arith.constant 0 : i32
          %get3A_283 = tpu.memref_slice %arg8[%scan3A_184, %get3A_281, %get3A_282] : memref<4x50x64xf32, #tpu.memory_space<vmem>> -> memref<1x50x64xf32, #tpu.memory_space<vmem>>
          %get3A_284 = tpu.memref_squeeze %get3A_283 : memref<1x50x64xf32, #tpu.memory_space<vmem>> -> memref<50x64xf32, #tpu.memory_space<vmem>>
          %get3A_285 = arith.index_cast %add3A_265 : i32 to index
          %get3A_286 = arith.constant 32 : index
          %get3A_287 = tpu.vector_load %get3A_284[%get3A_285, %get3A_286] {strides = array<i32>} : memref<50x64xf32, #tpu.memory_space<vmem>>, vector<16xf32>,
          %add3A_288 = arith.addf %scan3A_260, %get3A_287 : vector<16xf32>
          %get3A_289 = arith.constant 0 : i32
          %get3A_290 = arith.constant 0 : i32
          %get3A_291 = tpu.memref_slice %arg8[%scan3A_184, %get3A_289, %get3A_290] : memref<4x50x64xf32, #tpu.memory_space<vmem>> -> memref<1x50x64xf32, #tpu.memory_space<vmem>>
          %get3A_292 = tpu.memref_squeeze %get3A_291 : memref<1x50x64xf32, #tpu.memory_space<vmem>> -> memref<50x64xf32, #tpu.memory_space<vmem>>
          %get3A_293 = arith.index_cast %add3A_265 : i32 to index
          %get3A_294 = arith.constant 48 : index
          %get3A_295 = tpu.vector_load %get3A_292[%get3A_293, %get3A_294] {strides = array<i32>} : memref<50x64xf32, #tpu.memory_space<vmem>>, vector<16xf32>,
          %add3A_296 = arith.addf %scan3A_261, %get3A_295 : vector<16xf32>
          %mul3A_297 = arith.constant 10 : i32
          %mul3A_298 = arith.muli %scan3A_257, %mul3A_297 : i32
          %add3A_299 = arith.constant 1 : i32
          %add3A_300 = arith.addi %mul3A_298, %add3A_299 : i32
          %get3A_301 = arith.constant 0 : i32
          %get3A_302 = arith.constant 0 : i32
          %get3A_303 = tpu.memref_slice %arg8[%scan3A_184, %get3A_301, %get3A_302] : memref<4x50x64xf32, #tpu.memory_space<vmem>> -> memref<1x50x64xf32, #tpu.memory_space<vmem>>
          %get3A_304 = tpu.memref_squeeze %get3A_303 : memref<1x50x64xf32, #tpu.memory_space<vmem>> -> memref<50x64xf32, #tpu.memory_space<vmem>>
          %get3A_305 = arith.index_cast %add3A_300 : i32 to index
          %get3A_306 = arith.constant 0 : index
          %get3A_307 = tpu.vector_load %get3A_304[%get3A_305, %get3A_306] {strides = array<i32>} : memref<50x64xf32, #tpu.memory_space<vmem>>, vector<16xf32>,
          %add3A_308 = arith.addf %add3A_272, %get3A_307 : vector<16xf32>
          %get3A_309 = arith.constant 0 : i32
          %get3A_310 = arith.constant 0 : i32
          %get3A_311 = tpu.memref_slice %arg8[%scan3A_184, %get3A_309, %get3A_310] : memref<4x50x64xf32, #tpu.memory_space<vmem>> -> memref<1x50x64xf32, #tpu.memory_space<vmem>>
          %get3A_312 = tpu.memref_squeeze %get3A_311 : memref<1x50x64xf32, #tpu.memory_space<vmem>> -> memref<50x64xf32, #tpu.memory_space<vmem>>
          %get3A_313 = arith.index_cast %add3A_300 : i32 to index
          %get3A_314 = arith.constant 16 : index
          %get3A_315 = tpu.vector_load %get3A_312[%get3A_313, %get3A_314] {strides = array<i32>} : memref<50x64xf32, #tpu.memory_space<vmem>>, vector<16xf32>,
          %add3A_316 = arith.addf %add3A_280, %get3A_315 : vector<16xf32>
          %get3A_317 = arith.constant 0 : i32
          %get3A_318 = arith.constant 0 : i32
          %get3A_319 = tpu.memref_slice %arg8[%scan3A_184, %get3A_317, %get3A_318] : memref<4x50x64xf32, #tpu.memory_space<vmem>> -> memref<1x50x64xf32, #tpu.memory_space<vmem>>
          %get3A_320 = tpu.memref_squeeze %get3A_319 : memref<1x50x64xf32, #tpu.memory_space<vmem>> -> memref<50x64xf32, #tpu.memory_space<vmem>>
          %get3A_321 = arith.index_cast %add3A_300 : i32 to index
          %get3A_322 = arith.constant 32 : index
          %get3A_323 = tpu.vector_load %get3A_320[%get3A_321, %get3A_322] {strides = array<i32>} : memref<50x64xf32, #tpu.memory_space<vmem>>, vector<16xf32>,
          %add3A_324 = arith.addf %add3A_288, %get3A_323 : vector<16xf32>
          %get3A_325 = arith.constant 0 : i32
          %get3A_326 = arith.constant 0 : i32
          %get3A_327 = tpu.memref_slice %arg8[%scan3A_184, %get3A_325, %get3A_326] : memref<4x50x64xf32, #tpu.memory_space<vmem>> -> memref<1x50x64xf32, #tpu.memory_space<vmem>>
          %get3A_328 = tpu.memref_squeeze %get3A_327 : memref<1x50x64xf32, #tpu.memory_space<vmem>> -> memref<50x64xf32, #tpu.memory_space<vmem>>
          %get3A_329 = arith.index_cast %add3A_300 : i32 to index
          %get3A_330 = arith.constant 48 : index
          %get3A_331 = tpu.vector_load %get3A_328[%get3A_329, %get3A_330] {strides = array<i32>} : memref<50x64xf32, #tpu.memory_space<vmem>>, vector<16xf32>,
          %add3A_332 = arith.addf %add3A_296, %get3A_331 : vector<16xf32>
          %mul3A_333 = arith.constant 10 : i32
          %mul3A_334 = arith.muli %scan3A_257, %mul3A_333 : i32
          %add3A_335 = arith.constant 2 : i32
          %add3A_336 = arith.addi %mul3A_334, %add3A_335 : i32
          %get3A_337 = arith.constant 0 : i32
          %get3A_338 = arith.constant 0 : i32
          %get3A_339 = tpu.memref_slice %arg8[%scan3A_184, %get3A_337, %get3A_338] : memref<4x50x64xf32, #tpu.memory_space<vmem>> -> memref<1x50x64xf32, #tpu.memory_space<vmem>>
          %get3A_340 = tpu.memref_squeeze %get3A_339 : memref<1x50x64xf32, #tpu.memory_space<vmem>> -> memref<50x64xf32, #tpu.memory_space<vmem>>
          %get3A_341 = arith.index_cast %add3A_336 : i32 to index
          %get3A_342 = arith.constant 0 : index
          %get3A_343 = tpu.vector_load %get3A_340[%get3A_341, %get3A_342] {strides = array<i32>} : memref<50x64xf32, #tpu.memory_space<vmem>>, vector<16xf32>,
          %add3A_344 = arith.addf %add3A_308, %get3A_343 : vector<16xf32>
          %get3A_345 = arith.constant 0 : i32
          %get3A_346 = arith.constant 0 : i32
          %get3A_347 = tpu.memref_slice %arg8[%scan3A_184, %get3A_345, %get3A_346] : memref<4x50x64xf32, #tpu.memory_space<vmem>> -> memref<1x50x64xf32, #tpu.memory_space<vmem>>
          %get3A_348 = tpu.memref_squeeze %get3A_347 : memref<1x50x64xf32, #tpu.memory_space<vmem>> -> memref<50x64xf32, #tpu.memory_space<vmem>>
          %get3A_349 = arith.index_cast %add3A_336 : i32 to index
          %get3A_350 = arith.constant 16 : index
          %get3A_351 = tpu.vector_load %get3A_348[%get3A_349, %get3A_350] {strides = array<i32>} : memref<50x64xf32, #tpu.memory_space<vmem>>, vector<16xf32>,
          %add3A_352 = arith.addf %add3A_316, %get3A_351 : vector<16xf32>
          %get3A_353 = arith.constant 0 : i32
          %get3A_354 = arith.constant 0 : i32
          %get3A_355 = tpu.memref_slice %arg8[%scan3A_184, %get3A_353, %get3A_354] : memref<4x50x64xf32, #tpu.memory_space<vmem>> -> memref<1x50x64xf32, #tpu.memory_space<vmem>>
          %get3A_356 = tpu.memref_squeeze %get3A_355 : memref<1x50x64xf32, #tpu.memory_space<vmem>> -> memref<50x64xf32, #tpu.memory_space<vmem>>
          %get3A_357 = arith.index_cast %add3A_336 : i32 to index
          %get3A_358 = arith.constant 32 : index
          %get3A_359 = tpu.vector_load %get3A_356[%get3A_357, %get3A_358] {strides = array<i32>} : memref<50x64xf32, #tpu.memory_space<vmem>>, vector<16xf32>,
          %add3A_360 = arith.addf %add3A_324, %get3A_359 : vector<16xf32>
          %get3A_361 = arith.constant 0 : i32
          %get3A_362 = arith.constant 0 : i32
          %get3A_363 = tpu.memref_slice %arg8[%scan3A_184, %get3A_361, %get3A_362] : memref<4x50x64xf32, #tpu.memory_space<vmem>> -> memref<1x50x64xf32, #tpu.memory_space<vmem>>
          %get3A_364 = tpu.memref_squeeze %get3A_363 : memref<1x50x64xf32, #tpu.memory_space<vmem>> -> memref<50x64xf32, #tpu.memory_space<vmem>>
          %get3A_365 = arith.index_cast %add3A_336 : i32 to index
          %get3A_366 = arith.constant 48 : index
          %get3A_367 = tpu.vector_load %get3A_364[%get3A_365, %get3A_366] {strides = array<i32>} : memref<50x64xf32, #tpu.memory_space<vmem>>, vector<16xf32>,
          %add3A_368 = arith.addf %add3A_332, %get3A_367 : vector<16xf32>
          %mul3A_369 = arith.constant 10 : i32
          %mul3A_370 = arith.muli %scan3A_257, %mul3A_369 : i32
          %add3A_371 = arith.constant 3 : i32
          %add3A_372 = arith.addi %mul3A_370, %add3A_371 : i32
          %get3A_373 = arith.constant 0 : i32
          %get3A_374 = arith.constant 0 : i32
          %get3A_375 = tpu.memref_slice %arg8[%scan3A_184, %get3A_373, %get3A_374] : memref<4x50x64xf32, #tpu.memory_space<vmem>> -> memref<1x50x64xf32, #tpu.memory_space<vmem>>
          %get3A_376 = tpu.memref_squeeze %get3A_375 : memref<1x50x64xf32, #tpu.memory_space<vmem>> -> memref<50x64xf32, #tpu.memory_space<vmem>>
          %get3A_377 = arith.index_cast %add3A_372 : i32 to index
          %get3A_378 = arith.constant 0 : index
          %get3A_379 = tpu.vector_load %get3A_376[%get3A_377, %get3A_378] {strides = array<i32>} : memref<50x64xf32, #tpu.memory_space<vmem>>, vector<16xf32>,
          %add3A_380 = arith.addf %add3A_344, %get3A_379 : vector<16xf32>
          %get3A_381 = arith.constant 0 : i32
          %get3A_382 = arith.constant 0 : i32
          %get3A_383 = tpu.memref_slice %arg8[%scan3A_184, %get3A_381, %get3A_382] : memref<4x50x64xf32, #tpu.memory_space<vmem>> -> memref<1x50x64xf32, #tpu.memory_space<vmem>>
          %get3A_384 = tpu.memref_squeeze %get3A_383 : memref<1x50x64xf32, #tpu.memory_space<vmem>> -> memref<50x64xf32, #tpu.memory_space<vmem>>
          %get3A_385 = arith.index_cast %add3A_372 : i32 to index
          %get3A_386 = arith.constant 16 : index
          %get3A_387 = tpu.vector_load %get3A_384[%get3A_385, %get3A_386] {strides = array<i32>} : memref<50x64xf32, #tpu.memory_space<vmem>>, vector<16xf32>,
          %add3A_388 = arith.addf %add3A_352, %get3A_387 : vector<16xf32>
          %get3A_389 = arith.constant 0 : i32
          %get3A_390 = arith.constant 0 : i32
          %get3A_391 = tpu.memref_slice %arg8[%scan3A_184, %get3A_389, %get3A_390] : memref<4x50x64xf32, #tpu.memory_space<vmem>> -> memref<1x50x64xf32, #tpu.memory_space<vmem>>
          %get3A_392 = tpu.memref_squeeze %get3A_391 : memref<1x50x64xf32, #tpu.memory_space<vmem>> -> memref<50x64xf32, #tpu.memory_space<vmem>>
          %get3A_393 = arith.index_cast %add3A_372 : i32 to index
          %get3A_394 = arith.constant 32 : index
          %get3A_395 = tpu.vector_load %get3A_392[%get3A_393, %get3A_394] {strides = array<i32>} : memref<50x64xf32, #tpu.memory_space<vmem>>, vector<16xf32>,
          %add3A_396 = arith.addf %add3A_360, %get3A_395 : vector<16xf32>
          %get3A_397 = arith.constant 0 : i32
          %get3A_398 = arith.constant 0 : i32
          %get3A_399 = tpu.memref_slice %arg8[%scan3A_184, %get3A_397, %get3A_398] : memref<4x50x64xf32, #tpu.memory_space<vmem>> -> memref<1x50x64xf32, #tpu.memory_space<vmem>>
          %get3A_400 = tpu.memref_squeeze %get3A_399 : memref<1x50x64xf32, #tpu.memory_space<vmem>> -> memref<50x64xf32, #tpu.memory_space<vmem>>
          %get3A_401 = arith.index_cast %add3A_372 : i32 to index
          %get3A_402 = arith.constant 48 : index
          %get3A_403 = tpu.vector_load %get3A_400[%get3A_401, %get3A_402] {strides = array<i32>} : memref<50x64xf32, #tpu.memory_space<vmem>>, vector<16xf32>,
          %add3A_404 = arith.addf %add3A_368, %get3A_403 : vector<16xf32>
          %mul3A_405 = arith.constant 10 : i32
          %mul3A_406 = arith.muli %scan3A_257, %mul3A_405 : i32
          %add3A_407 = arith.constant 4 : i32
          %add3A_408 = arith.addi %mul3A_406, %add3A_407 : i32
          %get3A_409 = arith.constant 0 : i32
          %get3A_410 = arith.constant 0 : i32
          %get3A_411 = tpu.memref_slice %arg8[%scan3A_184, %get3A_409, %get3A_410] : memref<4x50x64xf32, #tpu.memory_space<vmem>> -> memref<1x50x64xf32, #tpu.memory_space<vmem>>
          %get3A_412 = tpu.memref_squeeze %get3A_411 : memref<1x50x64xf32, #tpu.memory_space<vmem>> -> memref<50x64xf32, #tpu.memory_space<vmem>>
          %get3A_413 = arith.index_cast %add3A_408 : i32 to index
          %get3A_414 = arith.constant 0 : index
          %get3A_415 = tpu.vector_load %get3A_412[%get3A_413, %get3A_414] {strides = array<i32>} : memref<50x64xf32, #tpu.memory_space<vmem>>, vector<16xf32>,
          %add3A_416 = arith.addf %add3A_380, %get3A_415 : vector<16xf32>
          %get3A_417 = arith.constant 0 : i32
          %get3A_418 = arith.constant 0 : i32
          %get3A_419 = tpu.memref_slice %arg8[%scan3A_184, %get3A_417, %get3A_418] : memref<4x50x64xf32, #tpu.memory_space<vmem>> -> memref<1x50x64xf32, #tpu.memory_space<vmem>>
          %get3A_420 = tpu.memref_squeeze %get3A_419 : memref<1x50x64xf32, #tpu.memory_space<vmem>> -> memref<50x64xf32, #tpu.memory_space<vmem>>
          %get3A_421 = arith.index_cast %add3A_408 : i32 to index
          %get3A_422 = arith.constant 16 : index
          %get3A_423 = tpu.vector_load %get3A_420[%get3A_421, %get3A_422] {strides = array<i32>} : memref<50x64xf32, #tpu.memory_space<vmem>>, vector<16xf32>,
          %add3A_424 = arith.addf %add3A_388, %get3A_423 : vector<16xf32>
          %get3A_425 = arith.constant 0 : i32
          %get3A_426 = arith.constant 0 : i32
          %get3A_427 = tpu.memref_slice %arg8[%scan3A_184, %get3A_425, %get3A_426] : memref<4x50x64xf32, #tpu.memory_space<vmem>> -> memref<1x50x64xf32, #tpu.memory_space<vmem>>
          %get3A_428 = tpu.memref_squeeze %get3A_427 : memref<1x50x64xf32, #tpu.memory_space<vmem>> -> memref<50x64xf32, #tpu.memory_space<vmem>>
          %get3A_429 = arith.index_cast %add3A_408 : i32 to index
          %get3A_430 = arith.constant 32 : index
          %get3A_431 = tpu.vector_load %get3A_428[%get3A_429, %get3A_430] {strides = array<i32>} : memref<50x64xf32, #tpu.memory_space<vmem>>, vector<16xf32>,
          %add3A_432 = arith.addf %add3A_396, %get3A_431 : vector<16xf32>
          %get3A_433 = arith.constant 0 : i32
          %get3A_434 = arith.constant 0 : i32
          %get3A_435 = tpu.memref_slice %arg8[%scan3A_184, %get3A_433, %get3A_434] : memref<4x50x64xf32, #tpu.memory_space<vmem>> -> memref<1x50x64xf32, #tpu.memory_space<vmem>>
          %get3A_436 = tpu.memref_squeeze %get3A_435 : memref<1x50x64xf32, #tpu.memory_space<vmem>> -> memref<50x64xf32, #tpu.memory_space<vmem>>
          %get3A_437 = arith.index_cast %add3A_408 : i32 to index
          %get3A_438 = arith.constant 48 : index
          %get3A_439 = tpu.vector_load %get3A_436[%get3A_437, %get3A_438] {strides = array<i32>} : memref<50x64xf32, #tpu.memory_space<vmem>>, vector<16xf32>,
          %add3A_440 = arith.addf %add3A_404, %get3A_439 : vector<16xf32>
          %mul3A_441 = arith.constant 10 : i32
          %mul3A_442 = arith.muli %scan3A_257, %mul3A_441 : i32
          %add3A_443 = arith.constant 5 : i32
          %add3A_444 = arith.addi %mul3A_442, %add3A_443 : i32
          %get3A_445 = arith.constant 0 : i32
          %get3A_446 = arith.constant 0 : i32
          %get3A_447 = tpu.memref_slice %arg8[%scan3A_184, %get3A_445, %get3A_446] : memref<4x50x64xf32, #tpu.memory_space<vmem>> -> memref<1x50x64xf32, #tpu.memory_space<vmem>>
          %get3A_448 = tpu.memref_squeeze %get3A_447 : memref<1x50x64xf32, #tpu.memory_space<vmem>> -> memref<50x64xf32, #tpu.memory_space<vmem>>
          %get3A_449 = arith.index_cast %add3A_444 : i32 to index
          %get3A_450 = arith.constant 0 : index
          %get3A_451 = tpu.vector_load %get3A_448[%get3A_449, %get3A_450] {strides = array<i32>} : memref<50x64xf32, #tpu.memory_space<vmem>>, vector<16xf32>,
          %add3A_452 = arith.addf %add3A_416, %get3A_451 : vector<16xf32>
          %get3A_453 = arith.constant 0 : i32
          %get3A_454 = arith.constant 0 : i32
          %get3A_455 = tpu.memref_slice %arg8[%scan3A_184, %get3A_453, %get3A_454] : memref<4x50x64xf32, #tpu.memory_space<vmem>> -> memref<1x50x64xf32, #tpu.memory_space<vmem>>
          %get3A_456 = tpu.memref_squeeze %get3A_455 : memref<1x50x64xf32, #tpu.memory_space<vmem>> -> memref<50x64xf32, #tpu.memory_space<vmem>>
          %get3A_457 = arith.index_cast %add3A_444 : i32 to index
          %get3A_458 = arith.constant 16 : index
          %get3A_459 = tpu.vector_load %get3A_456[%get3A_457, %get3A_458] {strides = array<i32>} : memref<50x64xf32, #tpu.memory_space<vmem>>, vector<16xf32>,
          %add3A_460 = arith.addf %add3A_424, %get3A_459 : vector<16xf32>
          %get3A_461 = arith.constant 0 : i32
          %get3A_462 = arith.constant 0 : i32
          %get3A_463 = tpu.memref_slice %arg8[%scan3A_184, %get3A_461, %get3A_462] : memref<4x50x64xf32, #tpu.memory_space<vmem>> -> memref<1x50x64xf32, #tpu.memory_space<vmem>>
          %get3A_464 = tpu.memref_squeeze %get3A_463 : memref<1x50x64xf32, #tpu.memory_space<vmem>> -> memref<50x64xf32, #tpu.memory_space<vmem>>
          %get3A_465 = arith.index_cast %add3A_444 : i32 to index
          %get3A_466 = arith.constant 32 : index
          %get3A_467 = tpu.vector_load %get3A_464[%get3A_465, %get3A_466] {strides = array<i32>} : memref<50x64xf32, #tpu.memory_space<vmem>>, vector<16xf32>,
          %add3A_468 = arith.addf %add3A_432, %get3A_467 : vector<16xf32>
          %get3A_469 = arith.constant 0 : i32
          %get3A_470 = arith.constant 0 : i32
          %get3A_471 = tpu.memref_slice %arg8[%scan3A_184, %get3A_469, %get3A_470] : memref<4x50x64xf32, #tpu.memory_space<vmem>> -> memref<1x50x64xf32, #tpu.memory_space<vmem>>
          %get3A_472 = tpu.memref_squeeze %get3A_471 : memref<1x50x64xf32, #tpu.memory_space<vmem>> -> memref<50x64xf32, #tpu.memory_space<vmem>>
          %get3A_473 = arith.index_cast %add3A_444 : i32 to index
          %get3A_474 = arith.constant 48 : index
          %get3A_475 = tpu.vector_load %get3A_472[%get3A_473, %get3A_474] {strides = array<i32>} : memref<50x64xf32, #tpu.memory_space<vmem>>, vector<16xf32>,
          %add3A_476 = arith.addf %add3A_440, %get3A_475 : vector<16xf32>
          %mul3A_477 = arith.constant 10 : i32
          %mul3A_478 = arith.muli %scan3A_257, %mul3A_477 : i32
          %add3A_479 = arith.constant 6 : i32
          %add3A_480 = arith.addi %mul3A_478, %add3A_479 : i32
          %get3A_481 = arith.constant 0 : i32
          %get3A_482 = arith.constant 0 : i32
          %get3A_483 = tpu.memref_slice %arg8[%scan3A_184, %get3A_481, %get3A_482] : memref<4x50x64xf32, #tpu.memory_space<vmem>> -> memref<1x50x64xf32, #tpu.memory_space<vmem>>
          %get3A_484 = tpu.memref_squeeze %get3A_483 : memref<1x50x64xf32, #tpu.memory_space<vmem>> -> memref<50x64xf32, #tpu.memory_space<vmem>>
          %get3A_485 = arith.index_cast %add3A_480 : i32 to index
          %get3A_486 = arith.constant 0 : index
          %get3A_487 = tpu.vector_load %get3A_484[%get3A_485, %get3A_486] {strides = array<i32>} : memref<50x64xf32, #tpu.memory_space<vmem>>, vector<16xf32>,
          %add3A_488 = arith.addf %add3A_452, %get3A_487 : vector<16xf32>
          %get3A_489 = arith.constant 0 : i32
          %get3A_490 = arith.constant 0 : i32
          %get3A_491 = tpu.memref_slice %arg8[%scan3A_184, %get3A_489, %get3A_490] : memref<4x50x64xf32, #tpu.memory_space<vmem>> -> memref<1x50x64xf32, #tpu.memory_space<vmem>>
          %get3A_492 = tpu.memref_squeeze %get3A_491 : memref<1x50x64xf32, #tpu.memory_space<vmem>> -> memref<50x64xf32, #tpu.memory_space<vmem>>
          %get3A_493 = arith.index_cast %add3A_480 : i32 to index
          %get3A_494 = arith.constant 16 : index
          %get3A_495 = tpu.vector_load %get3A_492[%get3A_493, %get3A_494] {strides = array<i32>} : memref<50x64xf32, #tpu.memory_space<vmem>>, vector<16xf32>,
          %add3A_496 = arith.addf %add3A_460, %get3A_495 : vector<16xf32>
          %get3A_497 = arith.constant 0 : i32
          %get3A_498 = arith.constant 0 : i32
          %get3A_499 = tpu.memref_slice %arg8[%scan3A_184, %get3A_497, %get3A_498] : memref<4x50x64xf32, #tpu.memory_space<vmem>> -> memref<1x50x64xf32, #tpu.memory_space<vmem>>
          %get3A_500 = tpu.memref_squeeze %get3A_499 : memref<1x50x64xf32, #tpu.memory_space<vmem>> -> memref<50x64xf32, #tpu.memory_space<vmem>>
          %get3A_501 = arith.index_cast %add3A_480 : i32 to index
          %get3A_502 = arith.constant 32 : index
          %get3A_503 = tpu.vector_load %get3A_500[%get3A_501, %get3A_502] {strides = array<i32>} : memref<50x64xf32, #tpu.memory_space<vmem>>, vector<16xf32>,
          %add3A_504 = arith.addf %add3A_468, %get3A_503 : vector<16xf32>
          %get3A_505 = arith.constant 0 : i32
          %get3A_506 = arith.constant 0 : i32
          %get3A_507 = tpu.memref_slice %arg8[%scan3A_184, %get3A_505, %get3A_506] : memref<4x50x64xf32, #tpu.memory_space<vmem>> -> memref<1x50x64xf32, #tpu.memory_space<vmem>>
          %get3A_508 = tpu.memref_squeeze %get3A_507 : memref<1x50x64xf32, #tpu.memory_space<vmem>> -> memref<50x64xf32, #tpu.memory_space<vmem>>
          %get3A_509 = arith.index_cast %add3A_480 : i32 to index
          %get3A_510 = arith.constant 48 : index
          %get3A_511 = tpu.vector_load %get3A_508[%get3A_509, %get3A_510] {strides = array<i32>} : memref<50x64xf32, #tpu.memory_space<vmem>>, vector<16xf32>,
          %add3A_512 = arith.addf %add3A_476, %get3A_511 : vector<16xf32>
          %mul3A_513 = arith.constant 10 : i32
          %mul3A_514 = arith.muli %scan3A_257, %mul3A_513 : i32
          %add3A_515 = arith.constant 7 : i32
          %add3A_516 = arith.addi %mul3A_514, %add3A_515 : i32
          %get3A_517 = arith.constant 0 : i32
          %get3A_518 = arith.constant 0 : i32
          %get3A_519 = tpu.memref_slice %arg8[%scan3A_184, %get3A_517, %get3A_518] : memref<4x50x64xf32, #tpu.memory_space<vmem>> -> memref<1x50x64xf32, #tpu.memory_space<vmem>>
          %get3A_520 = tpu.memref_squeeze %get3A_519 : memref<1x50x64xf32, #tpu.memory_space<vmem>> -> memref<50x64xf32, #tpu.memory_space<vmem>>
          %get3A_521 = arith.index_cast %add3A_516 : i32 to index
          %get3A_522 = arith.constant 0 : index
          %get3A_523 = tpu.vector_load %get3A_520[%get3A_521, %get3A_522] {strides = array<i32>} : memref<50x64xf32, #tpu.memory_space<vmem>>, vector<16xf32>,
          %add3A_524 = arith.addf %add3A_488, %get3A_523 : vector<16xf32>
          %get3A_525 = arith.constant 0 : i32
          %get3A_526 = arith.constant 0 : i32
          %get3A_527 = tpu.memref_slice %arg8[%scan3A_184, %get3A_525, %get3A_526] : memref<4x50x64xf32, #tpu.memory_space<vmem>> -> memref<1x50x64xf32, #tpu.memory_space<vmem>>
          %get3A_528 = tpu.memref_squeeze %get3A_527 : memref<1x50x64xf32, #tpu.memory_space<vmem>> -> memref<50x64xf32, #tpu.memory_space<vmem>>
          %get3A_529 = arith.index_cast %add3A_516 : i32 to index
          %get3A_530 = arith.constant 16 : index
          %get3A_531 = tpu.vector_load %get3A_528[%get3A_529, %get3A_530] {strides = array<i32>} : memref<50x64xf32, #tpu.memory_space<vmem>>, vector<16xf32>,
          %add3A_532 = arith.addf %add3A_496, %get3A_531 : vector<16xf32>
          %get3A_533 = arith.constant 0 : i32
          %get3A_534 = arith.constant 0 : i32
          %get3A_535 = tpu.memref_slice %arg8[%scan3A_184, %get3A_533, %get3A_534] : memref<4x50x64xf32, #tpu.memory_space<vmem>> -> memref<1x50x64xf32, #tpu.memory_space<vmem>>
          %get3A_536 = tpu.memref_squeeze %get3A_535 : memref<1x50x64xf32, #tpu.memory_space<vmem>> -> memref<50x64xf32, #tpu.memory_space<vmem>>
          %get3A_537 = arith.index_cast %add3A_516 : i32 to index
          %get3A_538 = arith.constant 32 : index
          %get3A_539 = tpu.vector_load %get3A_536[%get3A_537, %get3A_538] {strides = array<i32>} : memref<50x64xf32, #tpu.memory_space<vmem>>, vector<16xf32>,
          %add3A_540 = arith.addf %add3A_504, %get3A_539 : vector<16xf32>
          %get3A_541 = arith.constant 0 : i32
          %get3A_542 = arith.constant 0 : i32
          %get3A_543 = tpu.memref_slice %arg8[%scan3A_184, %get3A_541, %get3A_542] : memref<4x50x64xf32, #tpu.memory_space<vmem>> -> memref<1x50x64xf32, #tpu.memory_space<vmem>>
          %get3A_544 = tpu.memref_squeeze %get3A_543 : memref<1x50x64xf32, #tpu.memory_space<vmem>> -> memref<50x64xf32, #tpu.memory_space<vmem>>
          %get3A_545 = arith.index_cast %add3A_516 : i32 to index
          %get3A_546 = arith.constant 48 : index
          %get3A_547 = tpu.vector_load %get3A_544[%get3A_545, %get3A_546] {strides = array<i32>} : memref<50x64xf32, #tpu.memory_space<vmem>>, vector<16xf32>,
          %add3A_548 = arith.addf %add3A_512, %get3A_547 : vector<16xf32>
          %mul3A_549 = arith.constant 10 : i32
          %mul3A_550 = arith.muli %scan3A_257, %mul3A_549 : i32
          %add3A_551 = arith.constant 8 : i32
          %add3A_552 = arith.addi %mul3A_550, %add3A_551 : i32
          %get3A_553 = arith.constant 0 : i32
          %get3A_554 = arith.constant 0 : i32
          %get3A_555 = tpu.memref_slice %arg8[%scan3A_184, %get3A_553, %get3A_554] : memref<4x50x64xf32, #tpu.memory_space<vmem>> -> memref<1x50x64xf32, #tpu.memory_space<vmem>>
          %get3A_556 = tpu.memref_squeeze %get3A_555 : memref<1x50x64xf32, #tpu.memory_space<vmem>> -> memref<50x64xf32, #tpu.memory_space<vmem>>
          %get3A_557 = arith.index_cast %add3A_552 : i32 to index
          %get3A_558 = arith.constant 0 : index
          %get3A_559 = tpu.vector_load %get3A_556[%get3A_557, %get3A_558] {strides = array<i32>} : memref<50x64xf32, #tpu.memory_space<vmem>>, vector<16xf32>,
          %add3A_560 = arith.addf %add3A_524, %get3A_559 : vector<16xf32>
          %get3A_561 = arith.constant 0 : i32
          %get3A_562 = arith.constant 0 : i32
          %get3A_563 = tpu.memref_slice %arg8[%scan3A_184, %get3A_561, %get3A_562] : memref<4x50x64xf32, #tpu.memory_space<vmem>> -> memref<1x50x64xf32, #tpu.memory_space<vmem>>
          %get3A_564 = tpu.memref_squeeze %get3A_563 : memref<1x50x64xf32, #tpu.memory_space<vmem>> -> memref<50x64xf32, #tpu.memory_space<vmem>>
          %get3A_565 = arith.index_cast %add3A_552 : i32 to index
          %get3A_566 = arith.constant 16 : index
          %get3A_567 = tpu.vector_load %get3A_564[%get3A_565, %get3A_566] {strides = array<i32>} : memref<50x64xf32, #tpu.memory_space<vmem>>, vector<16xf32>,
          %add3A_568 = arith.addf %add3A_532, %get3A_567 : vector<16xf32>
          %get3A_569 = arith.constant 0 : i32
          %get3A_570 = arith.constant 0 : i32
          %get3A_571 = tpu.memref_slice %arg8[%scan3A_184, %get3A_569, %get3A_570] : memref<4x50x64xf32, #tpu.memory_space<vmem>> -> memref<1x50x64xf32, #tpu.memory_space<vmem>>
          %get3A_572 = tpu.memref_squeeze %get3A_571 : memref<1x50x64xf32, #tpu.memory_space<vmem>> -> memref<50x64xf32, #tpu.memory_space<vmem>>
          %get3A_573 = arith.index_cast %add3A_552 : i32 to index
          %get3A_574 = arith.constant 32 : index
          %get3A_575 = tpu.vector_load %get3A_572[%get3A_573, %get3A_574] {strides = array<i32>} : memref<50x64xf32, #tpu.memory_space<vmem>>, vector<16xf32>,
          %add3A_576 = arith.addf %add3A_540, %get3A_575 : vector<16xf32>
          %get3A_577 = arith.constant 0 : i32
          %get3A_578 = arith.constant 0 : i32
          %get3A_579 = tpu.memref_slice %arg8[%scan3A_184, %get3A_577, %get3A_578] : memref<4x50x64xf32, #tpu.memory_space<vmem>> -> memref<1x50x64xf32, #tpu.memory_space<vmem>>
          %get3A_580 = tpu.memref_squeeze %get3A_579 : memref<1x50x64xf32, #tpu.memory_space<vmem>> -> memref<50x64xf32, #tpu.memory_space<vmem>>
          %get3A_581 = arith.index_cast %add3A_552 : i32 to index
          %get3A_582 = arith.constant 48 : index
          %get3A_583 = tpu.vector_load %get3A_580[%get3A_581, %get3A_582] {strides = array<i32>} : memref<50x64xf32, #tpu.memory_space<vmem>>, vector<16xf32>,
          %add3A_584 = arith.addf %add3A_548, %get3A_583 : vector<16xf32>
          %mul3A_585 = arith.constant 10 : i32
          %mul3A_586 = arith.muli %scan3A_257, %mul3A_585 : i32
          %add3A_587 = arith.constant 9 : i32
          %add3A_588 = arith.addi %mul3A_586, %add3A_587 : i32
          %get3A_589 = arith.constant 0 : i32
          %get3A_590 = arith.constant 0 : i32
          %get3A_591 = tpu.memref_slice %arg8[%scan3A_184, %get3A_589, %get3A_590] : memref<4x50x64xf32, #tpu.memory_space<vmem>> -> memref<1x50x64xf32, #tpu.memory_space<vmem>>
          %get3A_592 = tpu.memref_squeeze %get3A_591 : memref<1x50x64xf32, #tpu.memory_space<vmem>> -> memref<50x64xf32, #tpu.memory_space<vmem>>
          %get3A_593 = arith.index_cast %add3A_588 : i32 to index
          %get3A_594 = arith.constant 0 : index
          %get3A_595 = tpu.vector_load %get3A_592[%get3A_593, %get3A_594] {strides = array<i32>} : memref<50x64xf32, #tpu.memory_space<vmem>>, vector<16xf32>,
          %add3A_596 = arith.addf %add3A_560, %get3A_595 : vector<16xf32>
          %get3A_597 = arith.constant 0 : i32
          %get3A_598 = arith.constant 0 : i32
          %get3A_599 = tpu.memref_slice %arg8[%scan3A_184, %get3A_597, %get3A_598] : memref<4x50x64xf32, #tpu.memory_space<vmem>> -> memref<1x50x64xf32, #tpu.memory_space<vmem>>
          %get3A_600 = tpu.memref_squeeze %get3A_599 : memref<1x50x64xf32, #tpu.memory_space<vmem>> -> memref<50x64xf32, #tpu.memory_space<vmem>>
          %get3A_601 = arith.index_cast %add3A_588 : i32 to index
          %get3A_602 = arith.constant 16 : index
          %get3A_603 = tpu.vector_load %get3A_600[%get3A_601, %get3A_602] {strides = array<i32>} : memref<50x64xf32, #tpu.memory_space<vmem>>, vector<16xf32>,
          %add3A_604 = arith.addf %add3A_568, %get3A_603 : vector<16xf32>
          %get3A_605 = arith.constant 0 : i32
          %get3A_606 = arith.constant 0 : i32
          %get3A_607 = tpu.memref_slice %arg8[%scan3A_184, %get3A_605, %get3A_606] : memref<4x50x64xf32, #tpu.memory_space<vmem>> -> memref<1x50x64xf32, #tpu.memory_space<vmem>>
          %get3A_608 = tpu.memref_squeeze %get3A_607 : memref<1x50x64xf32, #tpu.memory_space<vmem>> -> memref<50x64xf32, #tpu.memory_space<vmem>>
          %get3A_609 = arith.index_cast %add3A_588 : i32 to index
          %get3A_610 = arith.constant 32 : index
          %get3A_611 = tpu.vector_load %get3A_608[%get3A_609, %get3A_610] {strides = array<i32>} : memref<50x64xf32, #tpu.memory_space<vmem>>, vector<16xf32>,
          %add3A_612 = arith.addf %add3A_576, %get3A_611 : vector<16xf32>
          %get3A_613 = arith.constant 0 : i32
          %get3A_614 = arith.constant 0 : i32
          %get3A_615 = tpu.memref_slice %arg8[%scan3A_184, %get3A_613, %get3A_614] : memref<4x50x64xf32, #tpu.memory_space<vmem>> -> memref<1x50x64xf32, #tpu.memory_space<vmem>>
          %get3A_616 = tpu.memref_squeeze %get3A_615 : memref<1x50x64xf32, #tpu.memory_space<vmem>> -> memref<50x64xf32, #tpu.memory_space<vmem>>
          %get3A_617 = arith.index_cast %add3A_588 : i32 to index
          %get3A_618 = arith.constant 48 : index
          %get3A_619 = tpu.vector_load %get3A_616[%get3A_617, %get3A_618] {strides = array<i32>} : memref<50x64xf32, #tpu.memory_space<vmem>>, vector<16xf32>,
          %add3A_620 = arith.addf %add3A_584, %get3A_619 : vector<16xf32>
          scf.yield %add3A_596, %add3A_604, %add3A_612, %add3A_620 : vector<16xf32>, vector<16xf32>, vector<16xf32>, vector<16xf32>
        }
        %scan3A_190 = arith.constant 5 : i32
        %swap3A_191 = arith.index_cast %add3A_181 : i32 to index
        %swap3A_192 = arith.constant 64 : index
        %swap3A_193 = tpu.vector_load %arg9[%swap3A_191, %swap3A_192] {strides = array<i32>} : memref<512x128xf32, #tpu.memory_space<vmem>>, vector<16xf32>,
        tpu.vector_store %arg9[%swap3A_191, %swap3A_192], %scan3A_189#0 {strides = array<i32>} : memref<512x128xf32, #tpu.memory_space<vmem>>, vector<16xf32>,
        %swap3A_194 = arith.index_cast %add3A_181 : i32 to index
        %swap3A_195 = arith.constant 80 : index
        %swap3A_196 = tpu.vector_load %arg9[%swap3A_194, %swap3A_195] {strides = array<i32>} : memref<512x128xf32, #tpu.memory_space<vmem>>, vector<16xf32>,
        tpu.vector_store %arg9[%swap3A_194, %swap3A_195], %scan3A_189#1 {strides = array<i32>} : memref<512x128xf32, #tpu.memory_space<vmem>>, vector<16xf32>,
        %swap3A_197 = arith.index_cast %add3A_181 : i32 to index
        %swap3A_198 = arith.constant 96 : index
        %swap3A_199 = tpu.vector_load %arg9[%swap3A_197, %swap3A_198] {strides = array<i32>} : memref<512x128xf32, #tpu.memory_space<vmem>>, vector<16xf32>,
        tpu.vector_store %arg9[%swap3A_197, %swap3A_198], %scan3A_189#2 {strides = array<i32>} : memref<512x128xf32, #tpu.memory_space<vmem>>, vector<16xf32>,
        %swap3A_200 = arith.index_cast %add3A_181 : i32 to index
        %swap3A_201 = arith.constant 112 : index
        %swap3A_202 = tpu.vector_load %arg9[%swap3A_200, %swap3A_201] {strides = array<i32>} : memref<512x128xf32, #tpu.memory_space<vmem>>, vector<16xf32>,
        tpu.vector_store %arg9[%swap3A_200, %swap3A_201], %scan3A_189#3 {strides = array<i32>} : memref<512x128xf32, #tpu.memory_space<vmem>>, vector<16xf32>,
        %add3A_203 = arith.constant 4 : i32
        %add3A_204 = arith.addi %add3A_167, %add3A_203 : i32
        %lt3A_205 = arith.constant 256 : i32
        %lt3A_206 = arith.cmpi slt, %add3A_204, %lt3A_205 : i32
        %convert_element_type3A_207 = arith.extui %lt3A_206 : i1 to i32
        %cond3A_208 = arith.constant 0 : i32
        %cond3A_209 = arith.cmpi ne, %convert_element_type3A_207, %cond3A_208 : i32
        scf.if %cond3A_209 {
          %add3A_257 = arith.constant 4 : i32
          %add3A_258 = arith.addi %add3A_167, %add3A_257 : i32
          %dma_start3A_259 = arith.constant 2 : i32
          %dma_start3A_260 = arith.constant 0 : i32
          %dma_start3A_261 = arith.constant 0 : i32
          %dma_start3A_262 = tpu.memref_slice %arg8[%dma_start3A_259, %dma_start3A_260, %dma_start3A_261] : memref<4x50x64xf32, #tpu.memory_space<vmem>> -> memref<1x50x64xf32, #tpu.memory_space<vmem>>
          %dma_start3A_263 = tpu.memref_squeeze %dma_start3A_262 : memref<1x50x64xf32, #tpu.memory_space<vmem>> -> memref<50x64xf32, #tpu.memory_space<vmem>>
          %dma_start3A_264 = arith.constant 0 : i32
          %dma_start3A_265 = tpu.memref_slice %arg7[%add3A_258, %dma_start3A_264] : memref<256x50xi32, #tpu.memory_space<vmem>> -> memref<1x50xi32, #tpu.memory_space<vmem>>
          %dma_start3A_266 = tpu.memref_squeeze %dma_start3A_265 : memref<1x50xi32, #tpu.memory_space<vmem>> -> memref<50xi32, #tpu.memory_space<vmem>>
          %dma_start3A_267 = arith.constant 0 : i32
          %dma_start3A_268 = arith.constant 0 : i32
          %dma_start3A_269 = tpu.memref_slice %arg5[%dma_start3A_267, %dma_start3A_268] : memref<1000000x64xf32, #tpu.memory_space<hbm>> -> memref<1000000x64xf32, #tpu.memory_space<hbm>>
          tpu.enqueue_indirect_dma source(%dma_start3A_269 : memref<1000000x64xf32, #tpu.memory_space<hbm>>) target(%dma_start3A_263 : memref<50x64xf32, #tpu.memory_space<vmem>>) offsets(%dma_start3A_266 : memref<50xi32, #tpu.memory_space<vmem>>) semaphore(%arg12 : memref<!tpu.dma_semaphore, #tpu.memory_space<semaphore_mem>>)
        } else {
        }
        %mul3A_210 = arith.constant 4 : i32
        %mul3A_211 = arith.muli %mul3A_210, %scan3A_76 : i32
        %add3A_212 = arith.constant 3 : i32
        %add3A_213 = arith.addi %mul3A_211, %add3A_212 : i32
        %dma_wait3A_214 = arith.constant 3 : i32
        %dma_wait3A_215 = arith.constant 0 : i32
        %dma_wait3A_216 = arith.constant 0 : i32
        %dma_wait3A_217 = tpu.memref_slice %arg8[%dma_wait3A_214, %dma_wait3A_215, %dma_wait3A_216] : memref<4x50x64xf32, #tpu.memory_space<vmem>> -> memref<1x50x64xf32, #tpu.memory_space<vmem>>
        %dma_wait3A_218 = tpu.memref_squeeze %dma_wait3A_217 : memref<1x50x64xf32, #tpu.memory_space<vmem>> -> memref<50x64xf32, #tpu.memory_space<vmem>>
        %dma_wait3A_219 = arith.constant 0 : i32
        %dma_wait3A_220 = tpu.memref_slice %arg7[%add3A_213, %dma_wait3A_219] : memref<256x50xi32, #tpu.memory_space<vmem>> -> memref<1x50xi32, #tpu.memory_space<vmem>>
        %dma_wait3A_221 = tpu.memref_squeeze %dma_wait3A_220 : memref<1x50xi32, #tpu.memory_space<vmem>> -> memref<50xi32, #tpu.memory_space<vmem>>
        %dma_wait3A_222 = arith.constant 0 : i32
        %dma_wait3A_223 = arith.constant 0 : i32
        %dma_wait3A_224 = tpu.memref_slice %arg5[%dma_wait3A_222, %dma_wait3A_223] : memref<1000000x64xf32, #tpu.memory_space<hbm>> -> memref<1000000x64xf32, #tpu.memory_space<hbm>>
        tpu.wait_indirect_dma semaphore(%arg13 : memref<!tpu.dma_semaphore, #tpu.memory_space<semaphore_mem>>) src(%dma_wait3A_224 : memref<1000000x64xf32, #tpu.memory_space<hbm>>) dst(%dma_wait3A_218 : memref<50x64xf32, #tpu.memory_space<vmem>>)
        %mul3A_225 = arith.constant 256 : i32
        %mul3A_226 = arith.muli %scan3A_16, %mul3A_225 : i32
        %add3A_227 = arith.addi %mul3A_226, %add3A_213 : i32
        %broadcast_in_dim3A_228 = arith.constant 0.000000e+00 : f32
        %broadcast_in_dim3A_229 = vector.broadcast %broadcast_in_dim3A_228 : f32 to vector<16xf32>
        %scan3A_230 = arith.constant 3 : i32
        %scan3A_231 = arith.constant 0 : i32
        %scan3A_232 = arith.constant 5 : i32
        %scan3A_233 = arith.addi %scan3A_231, %scan3A_232 : i32
        %scan3A_234 = arith.constant 1 : i32
        %scan3A_235:4 = scf.for %scan3A_257 = %scan3A_231 to %scan3A_233 step %scan3A_234 iter_args(%scan3A_258 = %broadcast_in_dim3A_229, %scan3A_259 = %broadcast_in_dim3A_229, %scan3A_260 = %broadcast_in_dim3A_229, %scan3A_261 = %broadcast_in_dim3A_229) -> (vector<16xf32>, vector<16xf32>, vector<16xf32>, vector<16xf32>)  : i32 {
          %mul3A_262 = arith.constant 10 : i32
          %mul3A_263 = arith.muli %scan3A_257, %mul3A_262 : i32
          %add3A_264 = arith.constant 0 : i32
          %add3A_265 = arith.addi %mul3A_263, %add3A_264 : i32
          %get3A = arith.constant 0 : i32
          %get3A_266 = arith.constant 0 : i32
          %get3A_267 = tpu.memref_slice %arg8[%scan3A_230, %get3A, %get3A_266] : memref<4x50x64xf32, #tpu.memory_space<vmem>> -> memref<1x50x64xf32, #tpu.memory_space<vmem>>
          %get3A_268 = tpu.memref_squeeze %get3A_267 : memref<1x50x64xf32, #tpu.memory_space<vmem>> -> memref<50x64xf32, #tpu.memory_space<vmem>>
          %get3A_269 = arith.index_cast %add3A_265 : i32 to index
          %get3A_270 = arith.constant 0 : index
          %get3A_271 = tpu.vector_load %get3A_268[%get3A_269, %get3A_270] {strides = array<i32>} : memref<50x64xf32, #tpu.memory_space<vmem>>, vector<16xf32>,
          %add3A_272 = arith.addf %scan3A_258, %get3A_271 : vector<16xf32>
          %get3A_273 = arith.constant 0 : i32
          %get3A_274 = arith.constant 0 : i32
          %get3A_275 = tpu.memref_slice %arg8[%scan3A_230, %get3A_273, %get3A_274] : memref<4x50x64xf32, #tpu.memory_space<vmem>> -> memref<1x50x64xf32, #tpu.memory_space<vmem>>
          %get3A_276 = tpu.memref_squeeze %get3A_275 : memref<1x50x64xf32, #tpu.memory_space<vmem>> -> memref<50x64xf32, #tpu.memory_space<vmem>>
          %get3A_277 = arith.index_cast %add3A_265 : i32 to index
          %get3A_278 = arith.constant 16 : index
          %get3A_279 = tpu.vector_load %get3A_276[%get3A_277, %get3A_278] {strides = array<i32>} : memref<50x64xf32, #tpu.memory_space<vmem>>, vector<16xf32>,
          %add3A_280 = arith.addf %scan3A_259, %get3A_279 : vector<16xf32>
          %get3A_281 = arith.constant 0 : i32
          %get3A_282 = arith.constant 0 : i32
          %get3A_283 = tpu.memref_slice %arg8[%scan3A_230, %get3A_281, %get3A_282] : memref<4x50x64xf32, #tpu.memory_space<vmem>> -> memref<1x50x64xf32, #tpu.memory_space<vmem>>
          %get3A_284 = tpu.memref_squeeze %get3A_283 : memref<1x50x64xf32, #tpu.memory_space<vmem>> -> memref<50x64xf32, #tpu.memory_space<vmem>>
          %get3A_285 = arith.index_cast %add3A_265 : i32 to index
          %get3A_286 = arith.constant 32 : index
          %get3A_287 = tpu.vector_load %get3A_284[%get3A_285, %get3A_286] {strides = array<i32>} : memref<50x64xf32, #tpu.memory_space<vmem>>, vector<16xf32>,
          %add3A_288 = arith.addf %scan3A_260, %get3A_287 : vector<16xf32>
          %get3A_289 = arith.constant 0 : i32
          %get3A_290 = arith.constant 0 : i32
          %get3A_291 = tpu.memref_slice %arg8[%scan3A_230, %get3A_289, %get3A_290] : memref<4x50x64xf32, #tpu.memory_space<vmem>> -> memref<1x50x64xf32, #tpu.memory_space<vmem>>
          %get3A_292 = tpu.memref_squeeze %get3A_291 : memref<1x50x64xf32, #tpu.memory_space<vmem>> -> memref<50x64xf32, #tpu.memory_space<vmem>>
          %get3A_293 = arith.index_cast %add3A_265 : i32 to index
          %get3A_294 = arith.constant 48 : index
          %get3A_295 = tpu.vector_load %get3A_292[%get3A_293, %get3A_294] {strides = array<i32>} : memref<50x64xf32, #tpu.memory_space<vmem>>, vector<16xf32>,
          %add3A_296 = arith.addf %scan3A_261, %get3A_295 : vector<16xf32>
          %mul3A_297 = arith.constant 10 : i32
          %mul3A_298 = arith.muli %scan3A_257, %mul3A_297 : i32
          %add3A_299 = arith.constant 1 : i32
          %add3A_300 = arith.addi %mul3A_298, %add3A_299 : i32
          %get3A_301 = arith.constant 0 : i32
          %get3A_302 = arith.constant 0 : i32
          %get3A_303 = tpu.memref_slice %arg8[%scan3A_230, %get3A_301, %get3A_302] : memref<4x50x64xf32, #tpu.memory_space<vmem>> -> memref<1x50x64xf32, #tpu.memory_space<vmem>>
          %get3A_304 = tpu.memref_squeeze %get3A_303 : memref<1x50x64xf32, #tpu.memory_space<vmem>> -> memref<50x64xf32, #tpu.memory_space<vmem>>
          %get3A_305 = arith.index_cast %add3A_300 : i32 to index
          %get3A_306 = arith.constant 0 : index
          %get3A_307 = tpu.vector_load %get3A_304[%get3A_305, %get3A_306] {strides = array<i32>} : memref<50x64xf32, #tpu.memory_space<vmem>>, vector<16xf32>,
          %add3A_308 = arith.addf %add3A_272, %get3A_307 : vector<16xf32>
          %get3A_309 = arith.constant 0 : i32
          %get3A_310 = arith.constant 0 : i32
          %get3A_311 = tpu.memref_slice %arg8[%scan3A_230, %get3A_309, %get3A_310] : memref<4x50x64xf32, #tpu.memory_space<vmem>> -> memref<1x50x64xf32, #tpu.memory_space<vmem>>
          %get3A_312 = tpu.memref_squeeze %get3A_311 : memref<1x50x64xf32, #tpu.memory_space<vmem>> -> memref<50x64xf32, #tpu.memory_space<vmem>>
          %get3A_313 = arith.index_cast %add3A_300 : i32 to index
          %get3A_314 = arith.constant 16 : index
          %get3A_315 = tpu.vector_load %get3A_312[%get3A_313, %get3A_314] {strides = array<i32>} : memref<50x64xf32, #tpu.memory_space<vmem>>, vector<16xf32>,
          %add3A_316 = arith.addf %add3A_280, %get3A_315 : vector<16xf32>
          %get3A_317 = arith.constant 0 : i32
          %get3A_318 = arith.constant 0 : i32
          %get3A_319 = tpu.memref_slice %arg8[%scan3A_230, %get3A_317, %get3A_318] : memref<4x50x64xf32, #tpu.memory_space<vmem>> -> memref<1x50x64xf32, #tpu.memory_space<vmem>>
          %get3A_320 = tpu.memref_squeeze %get3A_319 : memref<1x50x64xf32, #tpu.memory_space<vmem>> -> memref<50x64xf32, #tpu.memory_space<vmem>>
          %get3A_321 = arith.index_cast %add3A_300 : i32 to index
          %get3A_322 = arith.constant 32 : index
          %get3A_323 = tpu.vector_load %get3A_320[%get3A_321, %get3A_322] {strides = array<i32>} : memref<50x64xf32, #tpu.memory_space<vmem>>, vector<16xf32>,
          %add3A_324 = arith.addf %add3A_288, %get3A_323 : vector<16xf32>
          %get3A_325 = arith.constant 0 : i32
          %get3A_326 = arith.constant 0 : i32
          %get3A_327 = tpu.memref_slice %arg8[%scan3A_230, %get3A_325, %get3A_326] : memref<4x50x64xf32, #tpu.memory_space<vmem>> -> memref<1x50x64xf32, #tpu.memory_space<vmem>>
          %get3A_328 = tpu.memref_squeeze %get3A_327 : memref<1x50x64xf32, #tpu.memory_space<vmem>> -> memref<50x64xf32, #tpu.memory_space<vmem>>
          %get3A_329 = arith.index_cast %add3A_300 : i32 to index
          %get3A_330 = arith.constant 48 : index
          %get3A_331 = tpu.vector_load %get3A_328[%get3A_329, %get3A_330] {strides = array<i32>} : memref<50x64xf32, #tpu.memory_space<vmem>>, vector<16xf32>,
          %add3A_332 = arith.addf %add3A_296, %get3A_331 : vector<16xf32>
          %mul3A_333 = arith.constant 10 : i32
          %mul3A_334 = arith.muli %scan3A_257, %mul3A_333 : i32
          %add3A_335 = arith.constant 2 : i32
          %add3A_336 = arith.addi %mul3A_334, %add3A_335 : i32
          %get3A_337 = arith.constant 0 : i32
          %get3A_338 = arith.constant 0 : i32
          %get3A_339 = tpu.memref_slice %arg8[%scan3A_230, %get3A_337, %get3A_338] : memref<4x50x64xf32, #tpu.memory_space<vmem>> -> memref<1x50x64xf32, #tpu.memory_space<vmem>>
          %get3A_340 = tpu.memref_squeeze %get3A_339 : memref<1x50x64xf32, #tpu.memory_space<vmem>> -> memref<50x64xf32, #tpu.memory_space<vmem>>
          %get3A_341 = arith.index_cast %add3A_336 : i32 to index
          %get3A_342 = arith.constant 0 : index
          %get3A_343 = tpu.vector_load %get3A_340[%get3A_341, %get3A_342] {strides = array<i32>} : memref<50x64xf32, #tpu.memory_space<vmem>>, vector<16xf32>,
          %add3A_344 = arith.addf %add3A_308, %get3A_343 : vector<16xf32>
          %get3A_345 = arith.constant 0 : i32
          %get3A_346 = arith.constant 0 : i32
          %get3A_347 = tpu.memref_slice %arg8[%scan3A_230, %get3A_345, %get3A_346] : memref<4x50x64xf32, #tpu.memory_space<vmem>> -> memref<1x50x64xf32, #tpu.memory_space<vmem>>
          %get3A_348 = tpu.memref_squeeze %get3A_347 : memref<1x50x64xf32, #tpu.memory_space<vmem>> -> memref<50x64xf32, #tpu.memory_space<vmem>>
          %get3A_349 = arith.index_cast %add3A_336 : i32 to index
          %get3A_350 = arith.constant 16 : index
          %get3A_351 = tpu.vector_load %get3A_348[%get3A_349, %get3A_350] {strides = array<i32>} : memref<50x64xf32, #tpu.memory_space<vmem>>, vector<16xf32>,
          %add3A_352 = arith.addf %add3A_316, %get3A_351 : vector<16xf32>
          %get3A_353 = arith.constant 0 : i32
          %get3A_354 = arith.constant 0 : i32
          %get3A_355 = tpu.memref_slice %arg8[%scan3A_230, %get3A_353, %get3A_354] : memref<4x50x64xf32, #tpu.memory_space<vmem>> -> memref<1x50x64xf32, #tpu.memory_space<vmem>>
          %get3A_356 = tpu.memref_squeeze %get3A_355 : memref<1x50x64xf32, #tpu.memory_space<vmem>> -> memref<50x64xf32, #tpu.memory_space<vmem>>
          %get3A_357 = arith.index_cast %add3A_336 : i32 to index
          %get3A_358 = arith.constant 32 : index
          %get3A_359 = tpu.vector_load %get3A_356[%get3A_357, %get3A_358] {strides = array<i32>} : memref<50x64xf32, #tpu.memory_space<vmem>>, vector<16xf32>,
          %add3A_360 = arith.addf %add3A_324, %get3A_359 : vector<16xf32>
          %get3A_361 = arith.constant 0 : i32
          %get3A_362 = arith.constant 0 : i32
          %get3A_363 = tpu.memref_slice %arg8[%scan3A_230, %get3A_361, %get3A_362] : memref<4x50x64xf32, #tpu.memory_space<vmem>> -> memref<1x50x64xf32, #tpu.memory_space<vmem>>
          %get3A_364 = tpu.memref_squeeze %get3A_363 : memref<1x50x64xf32, #tpu.memory_space<vmem>> -> memref<50x64xf32, #tpu.memory_space<vmem>>
          %get3A_365 = arith.index_cast %add3A_336 : i32 to index
          %get3A_366 = arith.constant 48 : index
          %get3A_367 = tpu.vector_load %get3A_364[%get3A_365, %get3A_366] {strides = array<i32>} : memref<50x64xf32, #tpu.memory_space<vmem>>, vector<16xf32>,
          %add3A_368 = arith.addf %add3A_332, %get3A_367 : vector<16xf32>
          %mul3A_369 = arith.constant 10 : i32
          %mul3A_370 = arith.muli %scan3A_257, %mul3A_369 : i32
          %add3A_371 = arith.constant 3 : i32
          %add3A_372 = arith.addi %mul3A_370, %add3A_371 : i32
          %get3A_373 = arith.constant 0 : i32
          %get3A_374 = arith.constant 0 : i32
          %get3A_375 = tpu.memref_slice %arg8[%scan3A_230, %get3A_373, %get3A_374] : memref<4x50x64xf32, #tpu.memory_space<vmem>> -> memref<1x50x64xf32, #tpu.memory_space<vmem>>
          %get3A_376 = tpu.memref_squeeze %get3A_375 : memref<1x50x64xf32, #tpu.memory_space<vmem>> -> memref<50x64xf32, #tpu.memory_space<vmem>>
          %get3A_377 = arith.index_cast %add3A_372 : i32 to index
          %get3A_378 = arith.constant 0 : index
          %get3A_379 = tpu.vector_load %get3A_376[%get3A_377, %get3A_378] {strides = array<i32>} : memref<50x64xf32, #tpu.memory_space<vmem>>, vector<16xf32>,
          %add3A_380 = arith.addf %add3A_344, %get3A_379 : vector<16xf32>
          %get3A_381 = arith.constant 0 : i32
          %get3A_382 = arith.constant 0 : i32
          %get3A_383 = tpu.memref_slice %arg8[%scan3A_230, %get3A_381, %get3A_382] : memref<4x50x64xf32, #tpu.memory_space<vmem>> -> memref<1x50x64xf32, #tpu.memory_space<vmem>>
          %get3A_384 = tpu.memref_squeeze %get3A_383 : memref<1x50x64xf32, #tpu.memory_space<vmem>> -> memref<50x64xf32, #tpu.memory_space<vmem>>
          %get3A_385 = arith.index_cast %add3A_372 : i32 to index
          %get3A_386 = arith.constant 16 : index
          %get3A_387 = tpu.vector_load %get3A_384[%get3A_385, %get3A_386] {strides = array<i32>} : memref<50x64xf32, #tpu.memory_space<vmem>>, vector<16xf32>,
          %add3A_388 = arith.addf %add3A_352, %get3A_387 : vector<16xf32>
          %get3A_389 = arith.constant 0 : i32
          %get3A_390 = arith.constant 0 : i32
          %get3A_391 = tpu.memref_slice %arg8[%scan3A_230, %get3A_389, %get3A_390] : memref<4x50x64xf32, #tpu.memory_space<vmem>> -> memref<1x50x64xf32, #tpu.memory_space<vmem>>
          %get3A_392 = tpu.memref_squeeze %get3A_391 : memref<1x50x64xf32, #tpu.memory_space<vmem>> -> memref<50x64xf32, #tpu.memory_space<vmem>>
          %get3A_393 = arith.index_cast %add3A_372 : i32 to index
          %get3A_394 = arith.constant 32 : index
          %get3A_395 = tpu.vector_load %get3A_392[%get3A_393, %get3A_394] {strides = array<i32>} : memref<50x64xf32, #tpu.memory_space<vmem>>, vector<16xf32>,
          %add3A_396 = arith.addf %add3A_360, %get3A_395 : vector<16xf32>
          %get3A_397 = arith.constant 0 : i32
          %get3A_398 = arith.constant 0 : i32
          %get3A_399 = tpu.memref_slice %arg8[%scan3A_230, %get3A_397, %get3A_398] : memref<4x50x64xf32, #tpu.memory_space<vmem>> -> memref<1x50x64xf32, #tpu.memory_space<vmem>>
          %get3A_400 = tpu.memref_squeeze %get3A_399 : memref<1x50x64xf32, #tpu.memory_space<vmem>> -> memref<50x64xf32, #tpu.memory_space<vmem>>
          %get3A_401 = arith.index_cast %add3A_372 : i32 to index
          %get3A_402 = arith.constant 48 : index
          %get3A_403 = tpu.vector_load %get3A_400[%get3A_401, %get3A_402] {strides = array<i32>} : memref<50x64xf32, #tpu.memory_space<vmem>>, vector<16xf32>,
          %add3A_404 = arith.addf %add3A_368, %get3A_403 : vector<16xf32>
          %mul3A_405 = arith.constant 10 : i32
          %mul3A_406 = arith.muli %scan3A_257, %mul3A_405 : i32
          %add3A_407 = arith.constant 4 : i32
          %add3A_408 = arith.addi %mul3A_406, %add3A_407 : i32
          %get3A_409 = arith.constant 0 : i32
          %get3A_410 = arith.constant 0 : i32
          %get3A_411 = tpu.memref_slice %arg8[%scan3A_230, %get3A_409, %get3A_410] : memref<4x50x64xf32, #tpu.memory_space<vmem>> -> memref<1x50x64xf32, #tpu.memory_space<vmem>>
          %get3A_412 = tpu.memref_squeeze %get3A_411 : memref<1x50x64xf32, #tpu.memory_space<vmem>> -> memref<50x64xf32, #tpu.memory_space<vmem>>
          %get3A_413 = arith.index_cast %add3A_408 : i32 to index
          %get3A_414 = arith.constant 0 : index
          %get3A_415 = tpu.vector_load %get3A_412[%get3A_413, %get3A_414] {strides = array<i32>} : memref<50x64xf32, #tpu.memory_space<vmem>>, vector<16xf32>,
          %add3A_416 = arith.addf %add3A_380, %get3A_415 : vector<16xf32>
          %get3A_417 = arith.constant 0 : i32
          %get3A_418 = arith.constant 0 : i32
          %get3A_419 = tpu.memref_slice %arg8[%scan3A_230, %get3A_417, %get3A_418] : memref<4x50x64xf32, #tpu.memory_space<vmem>> -> memref<1x50x64xf32, #tpu.memory_space<vmem>>
          %get3A_420 = tpu.memref_squeeze %get3A_419 : memref<1x50x64xf32, #tpu.memory_space<vmem>> -> memref<50x64xf32, #tpu.memory_space<vmem>>
          %get3A_421 = arith.index_cast %add3A_408 : i32 to index
          %get3A_422 = arith.constant 16 : index
          %get3A_423 = tpu.vector_load %get3A_420[%get3A_421, %get3A_422] {strides = array<i32>} : memref<50x64xf32, #tpu.memory_space<vmem>>, vector<16xf32>,
          %add3A_424 = arith.addf %add3A_388, %get3A_423 : vector<16xf32>
          %get3A_425 = arith.constant 0 : i32
          %get3A_426 = arith.constant 0 : i32
          %get3A_427 = tpu.memref_slice %arg8[%scan3A_230, %get3A_425, %get3A_426] : memref<4x50x64xf32, #tpu.memory_space<vmem>> -> memref<1x50x64xf32, #tpu.memory_space<vmem>>
          %get3A_428 = tpu.memref_squeeze %get3A_427 : memref<1x50x64xf32, #tpu.memory_space<vmem>> -> memref<50x64xf32, #tpu.memory_space<vmem>>
          %get3A_429 = arith.index_cast %add3A_408 : i32 to index
          %get3A_430 = arith.constant 32 : index
          %get3A_431 = tpu.vector_load %get3A_428[%get3A_429, %get3A_430] {strides = array<i32>} : memref<50x64xf32, #tpu.memory_space<vmem>>, vector<16xf32>,
          %add3A_432 = arith.addf %add3A_396, %get3A_431 : vector<16xf32>
          %get3A_433 = arith.constant 0 : i32
          %get3A_434 = arith.constant 0 : i32
          %get3A_435 = tpu.memref_slice %arg8[%scan3A_230, %get3A_433, %get3A_434] : memref<4x50x64xf32, #tpu.memory_space<vmem>> -> memref<1x50x64xf32, #tpu.memory_space<vmem>>
          %get3A_436 = tpu.memref_squeeze %get3A_435 : memref<1x50x64xf32, #tpu.memory_space<vmem>> -> memref<50x64xf32, #tpu.memory_space<vmem>>
          %get3A_437 = arith.index_cast %add3A_408 : i32 to index
          %get3A_438 = arith.constant 48 : index
          %get3A_439 = tpu.vector_load %get3A_436[%get3A_437, %get3A_438] {strides = array<i32>} : memref<50x64xf32, #tpu.memory_space<vmem>>, vector<16xf32>,
          %add3A_440 = arith.addf %add3A_404, %get3A_439 : vector<16xf32>
          %mul3A_441 = arith.constant 10 : i32
          %mul3A_442 = arith.muli %scan3A_257, %mul3A_441 : i32
          %add3A_443 = arith.constant 5 : i32
          %add3A_444 = arith.addi %mul3A_442, %add3A_443 : i32
          %get3A_445 = arith.constant 0 : i32
          %get3A_446 = arith.constant 0 : i32
          %get3A_447 = tpu.memref_slice %arg8[%scan3A_230, %get3A_445, %get3A_446] : memref<4x50x64xf32, #tpu.memory_space<vmem>> -> memref<1x50x64xf32, #tpu.memory_space<vmem>>
          %get3A_448 = tpu.memref_squeeze %get3A_447 : memref<1x50x64xf32, #tpu.memory_space<vmem>> -> memref<50x64xf32, #tpu.memory_space<vmem>>
          %get3A_449 = arith.index_cast %add3A_444 : i32 to index
          %get3A_450 = arith.constant 0 : index
          %get3A_451 = tpu.vector_load %get3A_448[%get3A_449, %get3A_450] {strides = array<i32>} : memref<50x64xf32, #tpu.memory_space<vmem>>, vector<16xf32>,
          %add3A_452 = arith.addf %add3A_416, %get3A_451 : vector<16xf32>
          %get3A_453 = arith.constant 0 : i32
          %get3A_454 = arith.constant 0 : i32
          %get3A_455 = tpu.memref_slice %arg8[%scan3A_230, %get3A_453, %get3A_454] : memref<4x50x64xf32, #tpu.memory_space<vmem>> -> memref<1x50x64xf32, #tpu.memory_space<vmem>>
          %get3A_456 = tpu.memref_squeeze %get3A_455 : memref<1x50x64xf32, #tpu.memory_space<vmem>> -> memref<50x64xf32, #tpu.memory_space<vmem>>
          %get3A_457 = arith.index_cast %add3A_444 : i32 to index
          %get3A_458 = arith.constant 16 : index
          %get3A_459 = tpu.vector_load %get3A_456[%get3A_457, %get3A_458] {strides = array<i32>} : memref<50x64xf32, #tpu.memory_space<vmem>>, vector<16xf32>,
          %add3A_460 = arith.addf %add3A_424, %get3A_459 : vector<16xf32>
          %get3A_461 = arith.constant 0 : i32
          %get3A_462 = arith.constant 0 : i32
          %get3A_463 = tpu.memref_slice %arg8[%scan3A_230, %get3A_461, %get3A_462] : memref<4x50x64xf32, #tpu.memory_space<vmem>> -> memref<1x50x64xf32, #tpu.memory_space<vmem>>
          %get3A_464 = tpu.memref_squeeze %get3A_463 : memref<1x50x64xf32, #tpu.memory_space<vmem>> -> memref<50x64xf32, #tpu.memory_space<vmem>>
          %get3A_465 = arith.index_cast %add3A_444 : i32 to index
          %get3A_466 = arith.constant 32 : index
          %get3A_467 = tpu.vector_load %get3A_464[%get3A_465, %get3A_466] {strides = array<i32>} : memref<50x64xf32, #tpu.memory_space<vmem>>, vector<16xf32>,
          %add3A_468 = arith.addf %add3A_432, %get3A_467 : vector<16xf32>
          %get3A_469 = arith.constant 0 : i32
          %get3A_470 = arith.constant 0 : i32
          %get3A_471 = tpu.memref_slice %arg8[%scan3A_230, %get3A_469, %get3A_470] : memref<4x50x64xf32, #tpu.memory_space<vmem>> -> memref<1x50x64xf32, #tpu.memory_space<vmem>>
          %get3A_472 = tpu.memref_squeeze %get3A_471 : memref<1x50x64xf32, #tpu.memory_space<vmem>> -> memref<50x64xf32, #tpu.memory_space<vmem>>
          %get3A_473 = arith.index_cast %add3A_444 : i32 to index
          %get3A_474 = arith.constant 48 : index
          %get3A_475 = tpu.vector_load %get3A_472[%get3A_473, %get3A_474] {strides = array<i32>} : memref<50x64xf32, #tpu.memory_space<vmem>>, vector<16xf32>,
          %add3A_476 = arith.addf %add3A_440, %get3A_475 : vector<16xf32>
          %mul3A_477 = arith.constant 10 : i32
          %mul3A_478 = arith.muli %scan3A_257, %mul3A_477 : i32
          %add3A_479 = arith.constant 6 : i32
          %add3A_480 = arith.addi %mul3A_478, %add3A_479 : i32
          %get3A_481 = arith.constant 0 : i32
          %get3A_482 = arith.constant 0 : i32
          %get3A_483 = tpu.memref_slice %arg8[%scan3A_230, %get3A_481, %get3A_482] : memref<4x50x64xf32, #tpu.memory_space<vmem>> -> memref<1x50x64xf32, #tpu.memory_space<vmem>>
          %get3A_484 = tpu.memref_squeeze %get3A_483 : memref<1x50x64xf32, #tpu.memory_space<vmem>> -> memref<50x64xf32, #tpu.memory_space<vmem>>
          %get3A_485 = arith.index_cast %add3A_480 : i32 to index
          %get3A_486 = arith.constant 0 : index
          %get3A_487 = tpu.vector_load %get3A_484[%get3A_485, %get3A_486] {strides = array<i32>} : memref<50x64xf32, #tpu.memory_space<vmem>>, vector<16xf32>,
          %add3A_488 = arith.addf %add3A_452, %get3A_487 : vector<16xf32>
          %get3A_489 = arith.constant 0 : i32
          %get3A_490 = arith.constant 0 : i32
          %get3A_491 = tpu.memref_slice %arg8[%scan3A_230, %get3A_489, %get3A_490] : memref<4x50x64xf32, #tpu.memory_space<vmem>> -> memref<1x50x64xf32, #tpu.memory_space<vmem>>
          %get3A_492 = tpu.memref_squeeze %get3A_491 : memref<1x50x64xf32, #tpu.memory_space<vmem>> -> memref<50x64xf32, #tpu.memory_space<vmem>>
          %get3A_493 = arith.index_cast %add3A_480 : i32 to index
          %get3A_494 = arith.constant 16 : index
          %get3A_495 = tpu.vector_load %get3A_492[%get3A_493, %get3A_494] {strides = array<i32>} : memref<50x64xf32, #tpu.memory_space<vmem>>, vector<16xf32>,
          %add3A_496 = arith.addf %add3A_460, %get3A_495 : vector<16xf32>
          %get3A_497 = arith.constant 0 : i32
          %get3A_498 = arith.constant 0 : i32
          %get3A_499 = tpu.memref_slice %arg8[%scan3A_230, %get3A_497, %get3A_498] : memref<4x50x64xf32, #tpu.memory_space<vmem>> -> memref<1x50x64xf32, #tpu.memory_space<vmem>>
          %get3A_500 = tpu.memref_squeeze %get3A_499 : memref<1x50x64xf32, #tpu.memory_space<vmem>> -> memref<50x64xf32, #tpu.memory_space<vmem>>
          %get3A_501 = arith.index_cast %add3A_480 : i32 to index
          %get3A_502 = arith.constant 32 : index
          %get3A_503 = tpu.vector_load %get3A_500[%get3A_501, %get3A_502] {strides = array<i32>} : memref<50x64xf32, #tpu.memory_space<vmem>>, vector<16xf32>,
          %add3A_504 = arith.addf %add3A_468, %get3A_503 : vector<16xf32>
          %get3A_505 = arith.constant 0 : i32
          %get3A_506 = arith.constant 0 : i32
          %get3A_507 = tpu.memref_slice %arg8[%scan3A_230, %get3A_505, %get3A_506] : memref<4x50x64xf32, #tpu.memory_space<vmem>> -> memref<1x50x64xf32, #tpu.memory_space<vmem>>
          %get3A_508 = tpu.memref_squeeze %get3A_507 : memref<1x50x64xf32, #tpu.memory_space<vmem>> -> memref<50x64xf32, #tpu.memory_space<vmem>>
          %get3A_509 = arith.index_cast %add3A_480 : i32 to index
          %get3A_510 = arith.constant 48 : index
          %get3A_511 = tpu.vector_load %get3A_508[%get3A_509, %get3A_510] {strides = array<i32>} : memref<50x64xf32, #tpu.memory_space<vmem>>, vector<16xf32>,
          %add3A_512 = arith.addf %add3A_476, %get3A_511 : vector<16xf32>
          %mul3A_513 = arith.constant 10 : i32
          %mul3A_514 = arith.muli %scan3A_257, %mul3A_513 : i32
          %add3A_515 = arith.constant 7 : i32
          %add3A_516 = arith.addi %mul3A_514, %add3A_515 : i32
          %get3A_517 = arith.constant 0 : i32
          %get3A_518 = arith.constant 0 : i32
          %get3A_519 = tpu.memref_slice %arg8[%scan3A_230, %get3A_517, %get3A_518] : memref<4x50x64xf32, #tpu.memory_space<vmem>> -> memref<1x50x64xf32, #tpu.memory_space<vmem>>
          %get3A_520 = tpu.memref_squeeze %get3A_519 : memref<1x50x64xf32, #tpu.memory_space<vmem>> -> memref<50x64xf32, #tpu.memory_space<vmem>>
          %get3A_521 = arith.index_cast %add3A_516 : i32 to index
          %get3A_522 = arith.constant 0 : index
          %get3A_523 = tpu.vector_load %get3A_520[%get3A_521, %get3A_522] {strides = array<i32>} : memref<50x64xf32, #tpu.memory_space<vmem>>, vector<16xf32>,
          %add3A_524 = arith.addf %add3A_488, %get3A_523 : vector<16xf32>
          %get3A_525 = arith.constant 0 : i32
          %get3A_526 = arith.constant 0 : i32
          %get3A_527 = tpu.memref_slice %arg8[%scan3A_230, %get3A_525, %get3A_526] : memref<4x50x64xf32, #tpu.memory_space<vmem>> -> memref<1x50x64xf32, #tpu.memory_space<vmem>>
          %get3A_528 = tpu.memref_squeeze %get3A_527 : memref<1x50x64xf32, #tpu.memory_space<vmem>> -> memref<50x64xf32, #tpu.memory_space<vmem>>
          %get3A_529 = arith.index_cast %add3A_516 : i32 to index
          %get3A_530 = arith.constant 16 : index
          %get3A_531 = tpu.vector_load %get3A_528[%get3A_529, %get3A_530] {strides = array<i32>} : memref<50x64xf32, #tpu.memory_space<vmem>>, vector<16xf32>,
          %add3A_532 = arith.addf %add3A_496, %get3A_531 : vector<16xf32>
          %get3A_533 = arith.constant 0 : i32
          %get3A_534 = arith.constant 0 : i32
          %get3A_535 = tpu.memref_slice %arg8[%scan3A_230, %get3A_533, %get3A_534] : memref<4x50x64xf32, #tpu.memory_space<vmem>> -> memref<1x50x64xf32, #tpu.memory_space<vmem>>
          %get3A_536 = tpu.memref_squeeze %get3A_535 : memref<1x50x64xf32, #tpu.memory_space<vmem>> -> memref<50x64xf32, #tpu.memory_space<vmem>>
          %get3A_537 = arith.index_cast %add3A_516 : i32 to index
          %get3A_538 = arith.constant 32 : index
          %get3A_539 = tpu.vector_load %get3A_536[%get3A_537, %get3A_538] {strides = array<i32>} : memref<50x64xf32, #tpu.memory_space<vmem>>, vector<16xf32>,
          %add3A_540 = arith.addf %add3A_504, %get3A_539 : vector<16xf32>
          %get3A_541 = arith.constant 0 : i32
          %get3A_542 = arith.constant 0 : i32
          %get3A_543 = tpu.memref_slice %arg8[%scan3A_230, %get3A_541, %get3A_542] : memref<4x50x64xf32, #tpu.memory_space<vmem>> -> memref<1x50x64xf32, #tpu.memory_space<vmem>>
          %get3A_544 = tpu.memref_squeeze %get3A_543 : memref<1x50x64xf32, #tpu.memory_space<vmem>> -> memref<50x64xf32, #tpu.memory_space<vmem>>
          %get3A_545 = arith.index_cast %add3A_516 : i32 to index
          %get3A_546 = arith.constant 48 : index
          %get3A_547 = tpu.vector_load %get3A_544[%get3A_545, %get3A_546] {strides = array<i32>} : memref<50x64xf32, #tpu.memory_space<vmem>>, vector<16xf32>,
          %add3A_548 = arith.addf %add3A_512, %get3A_547 : vector<16xf32>
          %mul3A_549 = arith.constant 10 : i32
          %mul3A_550 = arith.muli %scan3A_257, %mul3A_549 : i32
          %add3A_551 = arith.constant 8 : i32
          %add3A_552 = arith.addi %mul3A_550, %add3A_551 : i32
          %get3A_553 = arith.constant 0 : i32
          %get3A_554 = arith.constant 0 : i32
          %get3A_555 = tpu.memref_slice %arg8[%scan3A_230, %get3A_553, %get3A_554] : memref<4x50x64xf32, #tpu.memory_space<vmem>> -> memref<1x50x64xf32, #tpu.memory_space<vmem>>
          %get3A_556 = tpu.memref_squeeze %get3A_555 : memref<1x50x64xf32, #tpu.memory_space<vmem>> -> memref<50x64xf32, #tpu.memory_space<vmem>>
          %get3A_557 = arith.index_cast %add3A_552 : i32 to index
          %get3A_558 = arith.constant 0 : index
          %get3A_559 = tpu.vector_load %get3A_556[%get3A_557, %get3A_558] {strides = array<i32>} : memref<50x64xf32, #tpu.memory_space<vmem>>, vector<16xf32>,
          %add3A_560 = arith.addf %add3A_524, %get3A_559 : vector<16xf32>
          %get3A_561 = arith.constant 0 : i32
          %get3A_562 = arith.constant 0 : i32
          %get3A_563 = tpu.memref_slice %arg8[%scan3A_230, %get3A_561, %get3A_562] : memref<4x50x64xf32, #tpu.memory_space<vmem>> -> memref<1x50x64xf32, #tpu.memory_space<vmem>>
          %get3A_564 = tpu.memref_squeeze %get3A_563 : memref<1x50x64xf32, #tpu.memory_space<vmem>> -> memref<50x64xf32, #tpu.memory_space<vmem>>
          %get3A_565 = arith.index_cast %add3A_552 : i32 to index
          %get3A_566 = arith.constant 16 : index
          %get3A_567 = tpu.vector_load %get3A_564[%get3A_565, %get3A_566] {strides = array<i32>} : memref<50x64xf32, #tpu.memory_space<vmem>>, vector<16xf32>,
          %add3A_568 = arith.addf %add3A_532, %get3A_567 : vector<16xf32>
          %get3A_569 = arith.constant 0 : i32
          %get3A_570 = arith.constant 0 : i32
          %get3A_571 = tpu.memref_slice %arg8[%scan3A_230, %get3A_569, %get3A_570] : memref<4x50x64xf32, #tpu.memory_space<vmem>> -> memref<1x50x64xf32, #tpu.memory_space<vmem>>
          %get3A_572 = tpu.memref_squeeze %get3A_571 : memref<1x50x64xf32, #tpu.memory_space<vmem>> -> memref<50x64xf32, #tpu.memory_space<vmem>>
          %get3A_573 = arith.index_cast %add3A_552 : i32 to index
          %get3A_574 = arith.constant 32 : index
          %get3A_575 = tpu.vector_load %get3A_572[%get3A_573, %get3A_574] {strides = array<i32>} : memref<50x64xf32, #tpu.memory_space<vmem>>, vector<16xf32>,
          %add3A_576 = arith.addf %add3A_540, %get3A_575 : vector<16xf32>
          %get3A_577 = arith.constant 0 : i32
          %get3A_578 = arith.constant 0 : i32
          %get3A_579 = tpu.memref_slice %arg8[%scan3A_230, %get3A_577, %get3A_578] : memref<4x50x64xf32, #tpu.memory_space<vmem>> -> memref<1x50x64xf32, #tpu.memory_space<vmem>>
          %get3A_580 = tpu.memref_squeeze %get3A_579 : memref<1x50x64xf32, #tpu.memory_space<vmem>> -> memref<50x64xf32, #tpu.memory_space<vmem>>
          %get3A_581 = arith.index_cast %add3A_552 : i32 to index
          %get3A_582 = arith.constant 48 : index
          %get3A_583 = tpu.vector_load %get3A_580[%get3A_581, %get3A_582] {strides = array<i32>} : memref<50x64xf32, #tpu.memory_space<vmem>>, vector<16xf32>,
          %add3A_584 = arith.addf %add3A_548, %get3A_583 : vector<16xf32>
          %mul3A_585 = arith.constant 10 : i32
          %mul3A_586 = arith.muli %scan3A_257, %mul3A_585 : i32
          %add3A_587 = arith.constant 9 : i32
          %add3A_588 = arith.addi %mul3A_586, %add3A_587 : i32
          %get3A_589 = arith.constant 0 : i32
          %get3A_590 = arith.constant 0 : i32
          %get3A_591 = tpu.memref_slice %arg8[%scan3A_230, %get3A_589, %get3A_590] : memref<4x50x64xf32, #tpu.memory_space<vmem>> -> memref<1x50x64xf32, #tpu.memory_space<vmem>>
          %get3A_592 = tpu.memref_squeeze %get3A_591 : memref<1x50x64xf32, #tpu.memory_space<vmem>> -> memref<50x64xf32, #tpu.memory_space<vmem>>
          %get3A_593 = arith.index_cast %add3A_588 : i32 to index
          %get3A_594 = arith.constant 0 : index
          %get3A_595 = tpu.vector_load %get3A_592[%get3A_593, %get3A_594] {strides = array<i32>} : memref<50x64xf32, #tpu.memory_space<vmem>>, vector<16xf32>,
          %add3A_596 = arith.addf %add3A_560, %get3A_595 : vector<16xf32>
          %get3A_597 = arith.constant 0 : i32
          %get3A_598 = arith.constant 0 : i32
          %get3A_599 = tpu.memref_slice %arg8[%scan3A_230, %get3A_597, %get3A_598] : memref<4x50x64xf32, #tpu.memory_space<vmem>> -> memref<1x50x64xf32, #tpu.memory_space<vmem>>
          %get3A_600 = tpu.memref_squeeze %get3A_599 : memref<1x50x64xf32, #tpu.memory_space<vmem>> -> memref<50x64xf32, #tpu.memory_space<vmem>>
          %get3A_601 = arith.index_cast %add3A_588 : i32 to index
          %get3A_602 = arith.constant 16 : index
          %get3A_603 = tpu.vector_load %get3A_600[%get3A_601, %get3A_602] {strides = array<i32>} : memref<50x64xf32, #tpu.memory_space<vmem>>, vector<16xf32>,
          %add3A_604 = arith.addf %add3A_568, %get3A_603 : vector<16xf32>
          %get3A_605 = arith.constant 0 : i32
          %get3A_606 = arith.constant 0 : i32
          %get3A_607 = tpu.memref_slice %arg8[%scan3A_230, %get3A_605, %get3A_606] : memref<4x50x64xf32, #tpu.memory_space<vmem>> -> memref<1x50x64xf32, #tpu.memory_space<vmem>>
          %get3A_608 = tpu.memref_squeeze %get3A_607 : memref<1x50x64xf32, #tpu.memory_space<vmem>> -> memref<50x64xf32, #tpu.memory_space<vmem>>
          %get3A_609 = arith.index_cast %add3A_588 : i32 to index
          %get3A_610 = arith.constant 32 : index
          %get3A_611 = tpu.vector_load %get3A_608[%get3A_609, %get3A_610] {strides = array<i32>} : memref<50x64xf32, #tpu.memory_space<vmem>>, vector<16xf32>,
          %add3A_612 = arith.addf %add3A_576, %get3A_611 : vector<16xf32>
          %get3A_613 = arith.constant 0 : i32
          %get3A_614 = arith.constant 0 : i32
          %get3A_615 = tpu.memref_slice %arg8[%scan3A_230, %get3A_613, %get3A_614] : memref<4x50x64xf32, #tpu.memory_space<vmem>> -> memref<1x50x64xf32, #tpu.memory_space<vmem>>
          %get3A_616 = tpu.memref_squeeze %get3A_615 : memref<1x50x64xf32, #tpu.memory_space<vmem>> -> memref<50x64xf32, #tpu.memory_space<vmem>>
          %get3A_617 = arith.index_cast %add3A_588 : i32 to index
          %get3A_618 = arith.constant 48 : index
          %get3A_619 = tpu.vector_load %get3A_616[%get3A_617, %get3A_618] {strides = array<i32>} : memref<50x64xf32, #tpu.memory_space<vmem>>, vector<16xf32>,
          %add3A_620 = arith.addf %add3A_584, %get3A_619 : vector<16xf32>
          scf.yield %add3A_596, %add3A_604, %add3A_612, %add3A_620 : vector<16xf32>, vector<16xf32>, vector<16xf32>, vector<16xf32>
        }
        %scan3A_236 = arith.constant 5 : i32
        %swap3A_237 = arith.index_cast %add3A_227 : i32 to index
        %swap3A_238 = arith.constant 64 : index
        %swap3A_239 = tpu.vector_load %arg9[%swap3A_237, %swap3A_238] {strides = array<i32>} : memref<512x128xf32, #tpu.memory_space<vmem>>, vector<16xf32>,
        tpu.vector_store %arg9[%swap3A_237, %swap3A_238], %scan3A_235#0 {strides = array<i32>} : memref<512x128xf32, #tpu.memory_space<vmem>>, vector<16xf32>,
        %swap3A_240 = arith.index_cast %add3A_227 : i32 to index
        %swap3A_241 = arith.constant 80 : index
        %swap3A_242 = tpu.vector_load %arg9[%swap3A_240, %swap3A_241] {strides = array<i32>} : memref<512x128xf32, #tpu.memory_space<vmem>>, vector<16xf32>,
        tpu.vector_store %arg9[%swap3A_240, %swap3A_241], %scan3A_235#1 {strides = array<i32>} : memref<512x128xf32, #tpu.memory_space<vmem>>, vector<16xf32>,
        %swap3A_243 = arith.index_cast %add3A_227 : i32 to index
        %swap3A_244 = arith.constant 96 : index
        %swap3A_245 = tpu.vector_load %arg9[%swap3A_243, %swap3A_244] {strides = array<i32>} : memref<512x128xf32, #tpu.memory_space<vmem>>, vector<16xf32>,
        tpu.vector_store %arg9[%swap3A_243, %swap3A_244], %scan3A_235#2 {strides = array<i32>} : memref<512x128xf32, #tpu.memory_space<vmem>>, vector<16xf32>,
        %swap3A_246 = arith.index_cast %add3A_227 : i32 to index
        %swap3A_247 = arith.constant 112 : index
        %swap3A_248 = tpu.vector_load %arg9[%swap3A_246, %swap3A_247] {strides = array<i32>} : memref<512x128xf32, #tpu.memory_space<vmem>>, vector<16xf32>,
        tpu.vector_store %arg9[%swap3A_246, %swap3A_247], %scan3A_235#3 {strides = array<i32>} : memref<512x128xf32, #tpu.memory_space<vmem>>, vector<16xf32>,
        %add3A_249 = arith.constant 4 : i32
        %add3A_250 = arith.addi %add3A_213, %add3A_249 : i32
        %lt3A_251 = arith.constant 256 : i32
        %lt3A_252 = arith.cmpi slt, %add3A_250, %lt3A_251 : i32
        %convert_element_type3A_253 = arith.extui %lt3A_252 : i1 to i32
        %cond3A_254 = arith.constant 0 : i32
        %cond3A_255 = arith.cmpi ne, %convert_element_type3A_253, %cond3A_254 : i32
        scf.if %cond3A_255 {
          %add3A_257 = arith.constant 4 : i32
          %add3A_258 = arith.addi %add3A_213, %add3A_257 : i32
          %dma_start3A_259 = arith.constant 3 : i32
          %dma_start3A_260 = arith.constant 0 : i32
          %dma_start3A_261 = arith.constant 0 : i32
          %dma_start3A_262 = tpu.memref_slice %arg8[%dma_start3A_259, %dma_start3A_260, %dma_start3A_261] : memref<4x50x64xf32, #tpu.memory_space<vmem>> -> memref<1x50x64xf32, #tpu.memory_space<vmem>>
          %dma_start3A_263 = tpu.memref_squeeze %dma_start3A_262 : memref<1x50x64xf32, #tpu.memory_space<vmem>> -> memref<50x64xf32, #tpu.memory_space<vmem>>
          %dma_start3A_264 = arith.constant 0 : i32
          %dma_start3A_265 = tpu.memref_slice %arg7[%add3A_258, %dma_start3A_264] : memref<256x50xi32, #tpu.memory_space<vmem>> -> memref<1x50xi32, #tpu.memory_space<vmem>>
          %dma_start3A_266 = tpu.memref_squeeze %dma_start3A_265 : memref<1x50xi32, #tpu.memory_space<vmem>> -> memref<50xi32, #tpu.memory_space<vmem>>
          %dma_start3A_267 = arith.constant 0 : i32
          %dma_start3A_268 = arith.constant 0 : i32
          %dma_start3A_269 = tpu.memref_slice %arg5[%dma_start3A_267, %dma_start3A_268] : memref<1000000x64xf32, #tpu.memory_space<hbm>> -> memref<1000000x64xf32, #tpu.memory_space<hbm>>
          tpu.enqueue_indirect_dma source(%dma_start3A_269 : memref<1000000x64xf32, #tpu.memory_space<hbm>>) target(%dma_start3A_263 : memref<50x64xf32, #tpu.memory_space<vmem>>) offsets(%dma_start3A_266 : memref<50xi32, #tpu.memory_space<vmem>>) semaphore(%arg13 : memref<!tpu.dma_semaphore, #tpu.memory_space<semaphore_mem>>)
        } else {
        }
        %scan3A_256 = arith.constant 0 : i32
        scf.yield %scan3A_256 : i32
      }
      %scan3A_74 = arith.constant 64 : i32
      %scan3A_75 = arith.constant 0 : i32
      scf.yield %scan3A_75 : i32
    }
    %scan3A_15 = arith.constant 2 : i32
    "tpu.region"() ({
      %run_scoped3A = tpu.sem_alloc : memref<!tpu.dma_semaphore, #tpu.memory_space<semaphore_mem>>
      %dma_start3A = arith.constant 0 : i32
      %dma_start3A_16 = tpu.memref_slice %arg6[%mul3A_2, %dma_start3A] : memref<16384x128xf32, #tpu.memory_space<hbm>> -> memref<512x128xf32, #tpu.memory_space<hbm>>
      %dma_start3A_17 = arith.constant 0 : i32
      %dma_start3A_18 = tpu.memref_slice %arg6[%mul3A_2, %dma_start3A_17] : memref<16384x128xf32, #tpu.memory_space<hbm>> -> memref<512x128xf32, #tpu.memory_space<hbm>>
      tpu.enqueue_dma source(%arg9 : memref<512x128xf32, #tpu.memory_space<vmem>>) target(%dma_start3A_18 : memref<512x128xf32, #tpu.memory_space<hbm>>) target_semaphore(%run_scoped3A : memref<!tpu.dma_semaphore, #tpu.memory_space<semaphore_mem>>)
      %dma_wait3A = arith.constant 0 : i32
      %dma_wait3A_19 = tpu.memref_slice %arg6[%mul3A_2, %dma_wait3A] : memref<16384x128xf32, #tpu.memory_space<hbm>> -> memref<512x128xf32, #tpu.memory_space<hbm>>
      %dma_wait3A_20 = arith.constant 0 : i32
      %dma_wait3A_21 = tpu.memref_slice %arg6[%mul3A_2, %dma_wait3A_20] : memref<16384x128xf32, #tpu.memory_space<hbm>> -> memref<512x128xf32, #tpu.memory_space<hbm>>
      tpu.wait_dma2 semaphore(%run_scoped3A : memref<!tpu.dma_semaphore, #tpu.memory_space<semaphore_mem>>) src(%arg9 : memref<512x128xf32, #tpu.memory_space<vmem>>) dst(%dma_wait3A_21 : memref<512x128xf32, #tpu.memory_space<hbm>>)
      tpu.yield
    }) : () -> ()
    return
  }
}

module attributes {stable_mosaic.version = 14 : i64} {
  func.func @_linear_body(%arg0: i32, %arg1: memref<2048x128xf32, #tpu.memory_space<vmem>>, %arg2: memref<128x3xf32, #tpu.memory_space<vmem>>, %arg3: memref<1x3xf32, #tpu.memory_space<vmem>>, %arg4: memref<2048x3xf32, #tpu.memory_space<vmem>>) attributes {dimension_semantics = [#tpu.dimension_semantics<arbitrary>], iteration_bounds = array<i64: 8>, scalar_prefetch = 0 : i64, scratch_operands = 0 : i64, tpu.core_type = #tpu.core_type<tc>, window_params = [{transform_indices = @transform_0, window_bounds = array<i64: 2048, 128>}, {pipeline_mode = #tpu.pipeline_mode<synchronous>, transform_indices = @transform_1, window_bounds = array<i64: 128, 3>}, {pipeline_mode = #tpu.pipeline_mode<synchronous>, transform_indices = @transform_2, window_bounds = array<i64: 1, 3>}, {transform_indices = @transform_3, window_bounds = array<i64: 2048, 3>}]} {
    %get3A = arith.constant 0 : index
    %get3A_0 = arith.constant 0 : index
    %get3A_1 = vector.load %arg1[%get3A, %get3A_0] : memref<2048x128xf32, #tpu.memory_space<vmem>>, vector<2048x128xf32>
    %get3A_2 = arith.constant 0 : index
    %get3A_3 = arith.constant 0 : index
    %get3A_4 = vector.load %arg2[%get3A_2, %get3A_3] : memref<128x3xf32, #tpu.memory_space<vmem>>, vector<128x3xf32>
    %dot_general3A = arith.constant dense<0.000000e+00> : vector<2048x3xf32>
    %dot_general3A_5 = tpu.matmul %get3A_1, %get3A_4, %dot_general3A {dimension_numbers = #tpu.dot_dimension_numbers<[1], [0], [0], [1], [0, 0, 1, 1], [], []>, transpose_lhs_hint = false} : vector<2048x128xf32>, vector<128x3xf32>, vector<2048x3xf32> -> vector<2048x3xf32>
    %get3A_6 = arith.constant 0 : index
    %get3A_7 = arith.constant 0 : index
    %get3A_8 = vector.load %arg3[%get3A_6, %get3A_7] : memref<1x3xf32, #tpu.memory_space<vmem>>, vector<1x3xf32>
    %add3A = vector.broadcast %get3A_8 : vector<1x3xf32> to vector<2048x3xf32>
    %add3A_9 = arith.addf %dot_general3A_5, %add3A : vector<2048x3xf32>
    %swap3A = arith.constant 0 : index
    %swap3A_10 = arith.constant 0 : index
    %swap3A_11 = vector.load %arg4[%swap3A, %swap3A_10] : memref<2048x3xf32, #tpu.memory_space<vmem>>, vector<2048x3xf32>
    tpu.vector_store %arg4[%swap3A, %swap3A_10], %add3A_9 {strides = array<i32>} : memref<2048x3xf32, #tpu.memory_space<vmem>>, vector<2048x3xf32>,
    return
  }
  func.func @transform_0(%arg0: i32) -> (i32, i32) {
    %c0_i32 = arith.constant 0 : i32
    %c0_i32_0 = arith.constant 0 : i32
    return %arg0, %c0_i32 : i32, i32
  }
  func.func @transform_1(%arg0: i32) -> (i32, i32) {
    %c0_i32 = arith.constant 0 : i32
    %c0_i32_0 = arith.constant 0 : i32
    %c0_i32_1 = arith.constant 0 : i32
    return %c0_i32, %c0_i32_0 : i32, i32
  }
  func.func @transform_2(%arg0: i32) -> (i32, i32) {
    %c0_i32 = arith.constant 0 : i32
    %c0_i32_0 = arith.constant 0 : i32
    %c0_i32_1 = arith.constant 0 : i32
    return %c0_i32, %c0_i32_0 : i32, i32
  }
  func.func @transform_3(%arg0: i32) -> (i32, i32) {
    %c0_i32 = arith.constant 0 : i32
    %c0_i32_0 = arith.constant 0 : i32
    return %arg0, %c0_i32 : i32, i32
  }
}

</mosaic_0001>

<sc_bundles>
// kernel: kernel.4.cloned.1.call-start
scs
__scs_entry_jumppad:
0x0: {  	(pc) =	sbr.rel $0x88, $3  }
0x1: {  	(tag) =	ssettag $0x0;
	lr =	simm.s32 $0x1  }
0x2: {  	[smem:$0x3F9B] =	sst lr;
	_ =	strace $0xD0000000  }
0x3: {  	_ = 	snop  }
0x4: {  	_ = 	snop  }
0x5: {  	_ = 	snop  }
0x6: {  	_ = 	snop  }
0x7: {  	_ = 	snop  }
__scs_overlays_trampoline_lowered:
0x8: {  	[smem:$0x3FAA] =	sst s0  }
0x9: {  	[smem:$0x3FAB] =	sst s1  }
0xa: {  	[smem:$0x3FAC] =	sst s2  }
0xb: {  	[smem:$0x3FAD] =	sst s3  }
0xc: {  	[smem:$0x3FAE] =	sst s4  }
0xd: {  	[smem:$0x3FAF] =	sst s5  }
0xe: {  	[smem:$0x3FB0] =	sst s6  }
0xf: {  	[smem:$0x3FB1] =	sst s7  }
0x10: {  	[smem:$0x3FB2] =	sst s8  }
0x11: {  	[smem:$0x3FB3] =	sst s9;
	s0 =	simm.s32 @!p0 $0x0  }
0x12: {  	s1 =	sld [smem:$0x3F99];
	s0 =	simm.s32 @p0 $0x1  }
0x13: {  	[smem:$0x3FB4] =	sst s0;
	s0 =	simm.s32 @!p1 $0x0  }
0x14: {  	s2 =	sld [smem:$0x3F98];
	s0 =	simm.s32 @p1 $0x1  }
0x15: {  	[smem:$0x3FB5] =	sst s0;
	s0 =	simm.s32 @!p2 $0x0  }
0x16: {  	s3 =	sld [smem:$0x3FDB];
	s0 =	simm.s32 @p2 $0x1  }
0x17: {  	s4 =	simm.s32 $0x1BF5;
	[smem:$0x3FB7] =	sst s0  }
0x18: {  	s0 =	sld [smem:$0x3F9A];
	_ =	swait.ge [sflag:s4], $0x0  }
0x19: {  	s7 =	sld [smem:$0x3F9B]  }
0x1a: {  	s8 =	sadd.s32 $0xFFFFE003, lr  }
0x1b: {  	s9 =	sadd.s32 $0xFFFFFEF7, lr;
	s5 =	simm.s32 $0xFFFFFFFF;
	p2 =	slt.u32 s8, $0xFFFFF086  }
0x1c: {  	p1 =	slt.u32 s9, $0xF7A;
	s5 =	simm.s32 @!p2 $0x0  }
0x1d: {  	s5 =	simm.s32 @p1 $0x1;
	p0 =	seq.s32 s7, s2  }
0x1e: {  	s7 =	smul.u32 @!p0 $0xF7A, s2;
	p2 =	seq.s32 @!p0 s5, $0x0  }
0x1f: {  	s9 =	smul.u32 $0xF7A, s1;
	s8 =	simm.s32 @!p0 $0x1BF5;
	p2 =	por !p2, p0  }
0x20: {  	[sflag:s8] =	ssyncset.s32 @!p0 $0xFFFFF086;
	s6 =	sadd.s32 @!p0 s3, s7;
	s7 =	simm.s32 @!p0 $0x108  }
0x21: {  	s3 =	sadd.s32 s3, s9;
	s6 =	sadd.s32 @!p0 $0x88, s6;
	s7 =	simm.s32 @p2 $0x1082  }
0x22: {  	[simem:s7], [sflag:s8] =	dma.local @!p0 [hbm:s6], $0xF7A  }
0x23: {  	s9 =	sor.u32 $0xD0000000, s2;
	s6 =	simm.s32 $0x108;
	_ =	swait.ge @!p0 [sflag:s8], $0x0  }
0x24: {  	s3 =	sadd.s32 $0x88, s3;
	s6 =	simm.s32 @!p1 $0x1082;
	[sflag:s4] =	ssyncset.s32 $0xFFFFF086  }
0x25: {  	[simem:s6], [sflag:s4] =	dma.local [hbm:s3], $0xF7A  }
0x26: {  	[smem:$0x3F9B] =	sst s1;
	(tag) =	ssettag s2;
	_ =	strace s9  }
0x27: {  	s1 =	sld [smem:$0x3FAB]  }
0x28: {  	s2 =	sld [smem:$0x3FAC]  }
0x29: {  	s4 =	sld [smem:$0x3FAE]  }
0x2a: {  	p0 =	seq.s32 s5, $0x0;
	s5 =	sld [smem:$0x3FAF]  }
0x2b: {  	s6 =	sld [smem:$0x3FB0]  }
0x2c: {  	s7 =	sld [smem:$0x3FB1]  }
0x2d: {  	s3 =	simm.s32 $0x108;
	s8 =	sld [smem:$0x3FB2]  }
0x2e: {  	s3 =	simm.s32 @!p0 $0x1082;
	s9 =	sld [smem:$0x3FB3]  }
0x2f: {  	lr =	sadd.s32 s0, s3;
	s0 =	sld [smem:$0x3FAA]  }
0x30: {  	s3 =	sld [smem:$0x3FAD]  }
0x31: {  	[smem:$0x3FB6] =	sst s10  }
0x32: {  	s10 =	sld [smem:$0x3FB4];
	_ =	sdelay $0x3  }
0x33: {  	p0 =	seq.s32 s10, $0x1;
	s10 =	sld [smem:$0x3FB6];
	_ =	sdelay $0x3  }
0x34: {  	[smem:$0x3FB6] =	sst s10  }
0x35: {  	s10 =	sld [smem:$0x3FB5];
	_ =	sdelay $0x3  }
0x36: {  	p1 =	seq.s32 s10, $0x1;
	s10 =	sld [smem:$0x3FB6];
	_ =	sdelay $0x3  }
0x37: {  	[smem:$0x3FB6] =	sst s10  }
0x38: {  	s10 =	sld [smem:$0x3FB7]  }
0x39: {  	_ = 	snop;
	(pc) =	sbr.ind lr, $3  }
0x3a: {  	_ = 	snop  }
0x3b: {  	_ = 	snop  }
0x3c: {  	p2 =	seq.s32 s10, $0x1;
	s10 =	sld [smem:$0x3FB6]  }
0x3d: {  	_ =	shalt  }
0x3e: {  	_ =	shalt  }
0x3f: {  	_ =	shalt  }
0x40: {  	_ =	shalt  }
0x41: {  	_ =	shalt  }
0x42: {  	_ =	shalt  }
0x43: {  	_ =	shalt  }
0x44: {  	_ =	shalt  }
0x45: {  	_ =	shalt  }
0x46: {  	_ =	shalt  }
0x47: {  	_ =	shalt  }
0x48: {  	_ =	shalt  }
0x49: {  	_ =	shalt  }
0x4a: {  	_ =	shalt  }
0x4b: {  	_ =	shalt  }
0x4c: {  	_ =	shalt  }
0x4d: {  	_ =	shalt  }
0x4e: {  	_ =	shalt  }
0x4f: {  	_ =	shalt  }
0x50: {  	_ =	shalt  }
0x51: {  	_ =	shalt  }
0x52: {  	_ =	shalt  }
0x53: {  	_ =	shalt  }
0x54: {  	_ =	shalt  }
0x55: {  	_ =	shalt  }
0x56: {  	_ =	shalt  }
0x57: {  	_ =	shalt  }
0x58: {  	_ =	shalt  }
0x59: {  	_ =	shalt  }
0x5a: {  	_ =	shalt  }
0x5b: {  	_ =	shalt  }
0x5c: {  	_ =	shalt  }
0x5d: {  	_ =	shalt  }
0x5e: {  	_ =	shalt  }
0x5f: {  	_ =	shalt  }
0x60: {  	_ =	shalt  }
0x61: {  	_ =	shalt  }
0x62: {  	_ =	shalt  }
0x63: {  	_ =	shalt  }
0x64: {  	_ =	shalt  }
0x65: {  	_ =	shalt  }
0x66: {  	_ =	shalt  }
0x67: {  	_ =	shalt  }
0x68: {  	_ =	shalt  }
0x69: {  	_ =	shalt  }
0x6a: {  	_ =	shalt  }
0x6b: {  	_ =	shalt  }
0x6c: {  	_ =	shalt  }
0x6d: {  	_ =	shalt  }
0x6e: {  	_ =	shalt  }
0x6f: {  	_ =	shalt  }
0x70: {  	_ =	shalt  }
0x71: {  	_ =	shalt  }
0x72: {  	_ =	shalt  }
0x73: {  	_ =	shalt  }
0x74: {  	_ =	shalt  }
0x75: {  	_ =	shalt  }
0x76: {  	_ =	shalt  }
0x77: {  	_ =	shalt  }
0x78: {  	_ =	shalt  }
0x79: {  	_ =	shalt  }
0x7a: {  	_ =	shalt  }
0x7b: {  	_ =	shalt  }
0x7c: {  	_ =	shalt  }
0x7d: {  	_ =	shalt  }
0x7e: {  	_ =	shalt  }
0x7f: {  	_ =	shalt  }
0x80: {  	_ =	shalt  }
0x81: {  	_ =	shalt  }
0x82: {  	_ =	shalt  }
0x83: {  	_ =	shalt  }
0x84: {  	_ =	shalt  }
0x85: {  	_ =	shalt  }
0x86: {  	_ =	shalt  }
0x87: {  	_ =	shalt  }
.Lfunc_end0:
.L_simem_size_0:
called_computation_lowered:
.L_overlay_start_0:
0x88: {  	s2 =	sld [smem:$0x3FD9]  }
0x89: {  	s3 =	sld [smem:$0x3FFE];
	_ =	sdelay $0x1  }
0x8a: {  	s1 =	srdreg.scid  }
0x8b: {  	s0 =	sand.u32 $0x1, s1  }
0x8c: {  	s16 =	sshll.u32 s0, $0xA;
	s2 =	sadd.s32 s3, s2  }
0x8d: {  	s2 =	sadd.s32 s2, s16  }
0x8e: {  	[smem:$0x3FC2] =	sst s2  }
0x8f: {  	_ = 	snop  }
0x90: {  	(tm) =	ssettm $0x1  }
0x91: {  	s17 =	sld [smem:$0x3FFB];
	_ =	sdelay $0x3  }
0x92: {  	_ =	strace s17  }
0x93: {  	s2 =	sld [smem:$0x3FFC];
	_ =	sdelay $0x3  }
0x94: {  	_ =	strace s2  }
0x95: {  	s2 =	sld [smem:$0x3FFD];
	_ =	sdelay $0x3  }
0x96: {  	_ =	strace s2  }
0x97: {  	_ =	strace $0x8FFFFFFF  }
0x98: {  	s18 =	sld [smem:$0x3FDB];
	_ =	sdelay $0x1  }
0x99: {  	s19 =	simm.s32 $_scs_section_size  }
0x9a: {  	s4 =	simm.s32 $_size__tile_overlayer_lowered;
	s5 =	simm.s32 $_tile_overlayer_lowered  }
0x9b: {  	s22 =	simm.s32 $0x1BFF;
	s21 =	sshll.u32 s5, $0x1;
	s2 =	sadd.s32 s19, s18  }
0x9c: {  	s6 =	simm.s32 $0x0;
	s20 =	sshll.u32 s4, $0x1;
	s4 =	sadd.s32 s21, s2  }
0x9d: {  	[timem:s6], [sflag:s22] =	dma.local [hbm:s4], s20  }
0x9e: {  	_ =	swait.ge [sflag:s22], s20  }
0x9f: {  	s3 =	ssub.s32 $0x0, s20;
	[sflag:s22] =	ssyncset.done $0x0  }
0xa0: {  	[sflag:s22] =	ssyncadd.s32 s3;
	_ =	sdelay $0x1  }
0xa1: {  	s23 =	simm.s32 $0x1B8B  }
0xa2: {  	_ =	swait.ge [sflag:s23], $0x1  }
0xa3: {  	[sflag:s23] =	ssyncset.done $0x0  }
0xa4: {  	s25 =	simm.s32 $0x1B8E;
	s24 =	sld [smem:$0x3FFE];
	[sflag:s23] =	ssyncadd.s32 $0xFFFFFFFF  }
0xa5: {  	s26 =	simm.s32 $execute0_lowered;
	[smem:$0x3FD2] =	sst s25  }
0xa6: {  	s4 =	sshll.u32 s26, $0x1;
	_ =	strace $0x80000046;
	[dreg:$0x1] =	wrdreg $0xFFFFFFFF  }
0xa7: {  	s28 =	simm.s32 $_size_execute0_lowered;
	s2 =	sadd.s32 s2, s4;
	[dreg:$0x0] =	wrdreg $0x0  }
0xa8: {  	s4 =	sshll.u32 s28, $0x1;
	[dreg:$0x2] =	wrdreg s2  }
0xa9: {  	[dreg:$0x3] =	wrdreg s4  }
0xaa: {  	[dreg:$0x4] =	wrdreg $0xC0  }
0xab: {  	_ =	task [dreg:s6], $0x5FFFF  }
0xac: {  	[dreg:$0x1] =	wrdreg $0xFFFFFFFF  }
0xad: {  	[dreg:$0x0] =	wrdreg $0x60  }
0xae: {  	[dreg:$0x2] =	wrdreg s24  }
0xaf: {  	[dreg:$0x3] =	wrdreg $0x9  }
0xb0: {  	_ =	task.clear_ibuf [dreg:s6], $0x4FFFF;
	_ =	strace $0x90000046  }
0xb1: {  	s29 =	simm.s32 $0x9;
	_ =	strace $0x80000048  }
0xb2: {  	_ =	swait.ge [sflag:s29], $0x1  }
0xb3: {  	[sflag:s29] =	ssyncadd.s32 $0xFFFFFFFF  }
0xb4: {  	_ =	strace $0x90000048  }
0xb5: {  	_ =	sfence  }
0xb6: {  	s30 =	sld [smem:$0x0];
	_ =	sdelay $0x2  }
0xb7: {  	s31 =	sshll.u32 s1, $0xD;
	s1 =	sshrl.u32 s1, $0x2  }
0xb8: {  	s3 =	sand.u32 $0x4000, s31;
	s1 =	sadd.s32 s1, s30  }
0xb9: {  	s0 =	sor.u32 s3, s0;
	s1 =	sshll.u32 s1, $0x11  }
0xba: {  	s0 =	sor.u32 s1, s0  }
0xbb: {  	s0 =	sadd.s32 $0x8F2B, s0  }
0xbc: {  	[sflag:s0] =	ssyncadd.remote.s32 $0x1  }
0xbd: {  	_ =	sfence.sel $0xFFFF  }
0xbe: {  	[dreg:$0x0] =	wrdreg $0xFFFFFFFF;
	(pc) =	sbr.abs _section_cstart, $3  }
0xbf: {  	[dreg:$0x1] =	wrdreg $0xFFFFFFFF  }
0xc0: {  	_ =	task.clear_ibuf [dreg:s6], $0x2FFFF;
	_ =	strace $0x9FFFFFFF  }
0xc1: {  	(tm) =	ssettm $0x7FFFFFFF  }
tec
execute0_lowered:
.L_overlay_start_1:
0x0: {  	(tag) =	ssettag $0x1  }
0x1: {  	s0 =	rddreg [dreg:$0x0]  }
0x2: {  	s2 =	simm.s32 $0x0;
	s3 =	srdreg.scid;
	s1 =	stileid.u32  }
0x3: {  	s10 =	simm.s32 $0x5;
	s11 =	simm.s32 $0x32;
	s12 =	simm.s32 $0x3800  }
0x4: {  	s13 =	simm.s32 $0x38;
	s14 =	simm.s32 $0x4480;
	s15 =	simm.s32 $0x70  }
0x5: {  	s16 =	simm.s32 $0x5100;
	s17 =	simm.s32 $0xA8;
	s18 =	simm.s32 $0x5D80  }
0x6: {  	s19 =	simm.s32 $0x1;
	s20 =	simm.s32 $0x2;
	s21 =	simm.s32 $0x3  }
0x7: {  	s22 =	simm.s32 $0x4;
	s23 =	simm.s32 $0x6A00;
	s24 =	simm.s32 $0x0  }
0x8: {  	[smem:$0x7FF] =	sst s2;
	s5 =	sand.u32 $0x1, s3;
	s4 =	sshll.u32 s1, $0xA  }
.Ltmp0:
0x9: {  	s3 =	sadd.s32 $0x1CE00, s0;
	s6 =	sshll.u32 s5, $0x9;
	(pc) =	sbr.rel .LBB2_1-.Ltmp0, $4  }
0xa: {  	_ =	strace $0x80000047;
	s7 =	ssub.s32 $0x2, s5;
	s4 =	sor.u32 s6, s4  }
0xb: {  	s5 =	sadd.s32 $0xE00, s0;
	s9 =	sshrl.u32 s7, $0x1;
	s8 =	sshll.u32 s4, $0x4  }
0xc: {  	s6 =	sadd.s32 $0x16E4400, s0;
	s9 =	ssub.s32 s7, s9;
	s8 =	sadd.s32 s8, s0  }
0xd: {  	s7 =	sadd.s32 $0xF43200, s0;
	s9 =	smax.u32 s9, $0x1;
	s8 =	sadd.s32 $0x38E00, s8  }
.LBB2_27:
0xe: {  	s24 =	sadd.s32 $0x1, s24  }
0xf: {  	p0 =	sne.s32 s24, s9  }
.Ltmp1:
0x10: {  	_ = 	snop;
	(pc) =	sbr.rel @!p0 .LBB2_28-.Ltmp1, $4  }
0x11: {  	[hbm4b:s8+s2] =	stream.linear.scatter [tilespmem:s23], [sflag:$0x5], $0x10000, $0x38;
	[tilespmem:$0x16A00] =	vst v63  }
0x12: {  	_ =	swait.ge [sflag:s10], $0x10000  }
0x13: {  	[sflag:s10] =	ssyncset.done $0x0  }
0x14: {  	[sflag:s10] =	ssyncadd.s32 $0xFFFF0000  }
.LBB2_1:
.Ltmp2:
0x15: {  	(pc) =	sbr.rel .LBB2_2-.Ltmp2, $2  }
0x16: {  	_ =	sdelay $0x2  }
0x17: {  	p2 =	por $0x1, $0x1;
	s26 =	simm.s32 $0x0  }
.LBB2_13:
.Ltmp3:
0x18: {  	(pc) =	sbr.rel @!p0 .LBB2_14-.Ltmp3, $3  }
0x19: {  	_ =	sdelay $0x1  }
0x1a: {  	s25 =	simm.s32 $0x0  }
0x1b: {  	p1 =	por $0x1, $0x1;
	s26 =	simm.s32 $0x100;
	p2 =	por $0x0, $0x0  }
.LBB2_2:
0x1c: {  	s0 =	sor.u32 s4, s26  }
0x1d: {  	s0 =	smul.u32 $0x7, s0;
	_ =	sdelay $0x1  }
0x1e: {  	s25 =	simm.s32 $0x0;
	s0 =	sadd.s32 s3, s0  }
0x1f: {  	[tilespmem:s25], [sflag:$0x5] =	stream.linear.gather [hbm4b:s0+s25], $0x3800, $0x38;
	[tilespmem:$0x16A00] =	vst v63  }
0x20: {  	_ =	swait.ge [sflag:s10], $0x3800  }
0x21: {  	[sflag:s10] =	ssyncset.done $0x0  }
0x22: {  	[sflag:s10] =	ssyncadd.s32 $0xFFFFC800  }
0x23: {  	[tilespmem:s12], [sflag:$0x1] =	stream.indirect.gather [hbm4b:s6+s11], $0x40, s25, s11, $0xb8;
	[tilespmem:$0x16A00] =	vst v63  }
0x24: {  	_ = 	snop  }
0x25: {  	[tilespmem:s14], [sflag:$0x2] =	stream.indirect.gather [hbm4b:s6+s11], $0x40, s13, s11, $0xb8;
	[tilespmem:$0x16A00] =	vst v63  }
0x26: {  	_ = 	snop  }
0x27: {  	[tilespmem:s16], [sflag:$0x3] =	stream.indirect.gather [hbm4b:s6+s11], $0x40, s15, s11, $0xb8;
	[tilespmem:$0x16A00] =	vst v63  }
0x28: {  	p0 =	por p2, p2  }
0x29: {  	[tilespmem:s18], [sflag:$0x4] =	stream.indirect.gather [hbm4b:s6+s11], $0x40, s17, s11, $0xb8;
	[tilespmem:$0x16A00] =	vst v63  }
.LBB2_3:
0x2a: {  	_ =	swait.ge [sflag:s19], $0xC80  }
0x2b: {  	[sflag:s19] =	ssyncset.done $0x0  }
0x2c: {  	s28 =	simm.s32 $0x0;
	[sflag:s19] =	ssyncadd.s32 $0xFFFFF380  }
0x2d: {  	v0 =	vld [tilespmem:s28+$0x3A40]  }
0x2e: {  	v1 =	vld [tilespmem:s28+$0x3A50]  }
0x2f: {  	v2 =	vld [tilespmem:s28+$0x3A00]  }
0x30: {  	v3 =	vld [tilespmem:s28+$0x3A10]  }
0x31: {  	v4 =	vld [tilespmem:s28+$0x39C0]  }
0x32: {  	v5 =	vld [tilespmem:s28+$0x39D0]  }
0x33: {  	v6 =	vld [tilespmem:s28+$0x3980]  }
0x34: {  	v7 =	vld [tilespmem:s28+$0x3990]  }
0x35: {  	v9 =	vld [tilespmem:s28+$0x3940]  }
0x36: {  	v8 =	vld [tilespmem:s28+$0x3950]  }
0x37: {  	v11 =	vld [tilespmem:s28+$0x3900]  }
0x38: {  	v10 =	vld [tilespmem:s28+$0x3910]  }
0x39: {  	v13 =	vld [tilespmem:s28+$0x38C0]  }
0x3a: {  	v12 =	vld [tilespmem:s28+$0x38D0]  }
0x3b: {  	v15 =	vld [tilespmem:s28+$0x3880]  }
0x3c: {  	v14 =	vld [tilespmem:s28+$0x3890]  }
0x3d: {  	v21 =	vld [tilespmem:s28+$0x3840]  }
0x3e: {  	v20 =	vld [tilespmem:s28+$0x3850]  }
0x3f: {  	v23 =	vld [tilespmem:s28+$0x3800]  }
0x40: {  	v16 =	vimm.f32 $0.0e+00;
	v24 =	vld [tilespmem:s28+$0x3810]  }
0x41: {  	s29 =	simm.s32 $0xA00;
	v19 =	vimm.f32 $0.0e+00;
	v18 =	vimm.f32 $0.0e+00;
	v17 =	vimm.f32 $0.0e+00;
	v22 =	vld [tilespmem:s28+$0x3820]  }
.LBB2_4:
0x42: {  	p1 =	sne.s32 s29, $0x2800;
	v25 =	vld [tilespmem:s28+$0x3830]  }
0x43: {  	v26 =	vld [tilespmem:s28+$0x3860]  }
0x44: {  	v27 =	vld [tilespmem:s28+$0x3870]  }
0x45: {  	v28 =	vld [tilespmem:s28+$0x38A0]  }
0x46: {  	v16 =	vadd.f32 v23, v16;
	v19 =	vadd.f32 v24, v19;
	v23 =	vld [tilespmem:s28+$0x38B0]  }
0x47: {  	v18 =	vadd.f32 v22, v18;
	v17 =	vadd.f32 v25, v17;
	v22 =	vld [tilespmem:s28+$0x38E0]  }
0x48: {  	v16 =	vadd.f32 v21, v16;
	v19 =	vadd.f32 v20, v19;
	v20 =	vld [tilespmem:s28+$0x38F0]  }
0x49: {  	v18 =	vadd.f32 v26, v18;
	v17 =	vadd.f32 v27, v17;
	v21 =	vld [tilespmem:s28+$0x3920]  }
0x4a: {  	v15 =	vadd.f32 v15, v16;
	v14 =	vadd.f32 v14, v19;
	v16 =	vld [tilespmem:s28+$0x3930]  }
0x4b: {  	v18 =	vadd.f32 v28, v18;
	v17 =	vadd.f32 v23, v17;
	v19 =	vld [tilespmem:s28+$0x3960]  }
0x4c: {  	v13 =	vadd.f32 v13, v15;
	v12 =	vadd.f32 v12, v14;
	v14 =	vld [tilespmem:s28+$0x3970]  }
0x4d: {  	v15 =	vadd.f32 v22, v18;
	v17 =	vadd.f32 v20, v17;
	v18 =	vld [tilespmem:s28+$0x39A0]  }
0x4e: {  	v11 =	vadd.f32 v11, v13;
	v10 =	vadd.f32 v10, v12;
	v12 =	vld [tilespmem:s28+$0x39B0]  }
0x4f: {  	v13 =	vadd.f32 v21, v15;
	v15 =	vadd.f32 v16, v17;
	v16 =	vld [tilespmem:s28+$0x39E0]  }
0x50: {  	v9 =	vadd.f32 v9, v11;
	v8 =	vadd.f32 v8, v10;
	v10 =	vld [tilespmem:s28+$0x39F0]  }
0x51: {  	v11 =	vadd.f32 v19, v13;
	v13 =	vadd.f32 v14, v15;
	v14 =	vld [tilespmem:s28+$0x3A20]  }
0x52: {  	v6 =	vadd.f32 v6, v9;
	v7 =	vadd.f32 v7, v8;
	v8 =	vld [tilespmem:s28+$0x3A30]  }
0x53: {  	v9 =	vadd.f32 v18, v11;
	v11 =	vadd.f32 v12, v13;
	v12 =	vld [tilespmem:s28+$0x3A60]  }
0x54: {  	v4 =	vadd.f32 v4, v6;
	v5 =	vadd.f32 v5, v7;
	v6 =	vld [tilespmem:s28+$0x3A70];
	s28 =	sshra.s32 s29, $0x2  }
0x55: {  	v9 =	vadd.f32 v16, v9;
	v7 =	vld [tilespmem:s28+$0x3A40];
	v10 =	vadd.f32 v10, v11  }
0x56: {  	v4 =	vadd.f32 v2, v4;
	v5 =	vadd.f32 v3, v5;
	v11 =	vld [tilespmem:s28+$0x3A50]  }
0x57: {  	v9 =	vadd.f32 v14, v9;
	v2 =	vld [tilespmem:s28+$0x3A00];
	v8 =	vadd.f32 v8, v10  }
0x58: {  	v16 =	vadd.f32 v0, v4;
	v19 =	vadd.f32 v1, v5;
	v3 =	vld [tilespmem:s28+$0x3A10]  }
0x59: {  	v18 =	vadd.f32 v12, v9;
	v4 =	vld [tilespmem:s28+$0x39C0];
	v17 =	vadd.f32 v6, v8  }
0x5a: {  	v5 =	vld [tilespmem:s28+$0x39D0];
	v0 =	vmov v7  }
0x5b: {  	v6 =	vld [tilespmem:s28+$0x3980];
	v1 =	vmov v11  }
0x5c: {  	v7 =	vld [tilespmem:s28+$0x3990]  }
0x5d: {  	v9 =	vld [tilespmem:s28+$0x3940]  }
0x5e: {  	v8 =	vld [tilespmem:s28+$0x3950]  }
0x5f: {  	v11 =	vld [tilespmem:s28+$0x3900]  }
0x60: {  	v10 =	vld [tilespmem:s28+$0x3910]  }
0x61: {  	v13 =	vld [tilespmem:s28+$0x38C0]  }
0x62: {  	v12 =	vld [tilespmem:s28+$0x38D0]  }
0x63: {  	v15 =	vld [tilespmem:s28+$0x3880]  }
0x64: {  	v14 =	vld [tilespmem:s28+$0x3890]  }
.Ltmp4:
0x65: {  	v21 =	vld [tilespmem:s28+$0x3840];
	(pc) =	sbr.rel @p1 .LBB2_4-.Ltmp4, $4  }
0x66: {  	v20 =	vld [tilespmem:s28+$0x3850]  }
0x67: {  	v23 =	vld [tilespmem:s28+$0x3800]  }
0x68: {  	v24 =	vld [tilespmem:s28+$0x3810]  }
0x69: {  	s29 =	sadd.s32 $0xA00, s29;
	v22 =	vld [tilespmem:s28+$0x3820]  }
0x6a: {  	v25 =	vld [tilespmem:s28+$0x3830]  }
0x6b: {  	v26 =	vld [tilespmem:s28+$0x3860]  }
0x6c: {  	v27 =	vld [tilespmem:s28+$0x3870];
	v16 =	vadd.f32 v23, v16  }
0x6d: {  	v23 =	vld [tilespmem:s28+$0x38A0];
	v19 =	vadd.f32 v24, v19  }
0x6e: {  	v24 =	vld [tilespmem:s28+$0x38B0];
	v18 =	vadd.f32 v22, v18;
	v16 =	vadd.f32 v21, v16  }
0x6f: {  	v21 =	vld [tilespmem:s28+$0x38E0];
	v17 =	vadd.f32 v25, v17;
	v19 =	vadd.f32 v20, v19  }
0x70: {  	v20 =	vld [tilespmem:s28+$0x38F0];
	v18 =	vadd.f32 v26, v18;
	v15 =	vadd.f32 v15, v16  }
0x71: {  	v16 =	vadd.f32 v27, v17;
	v17 =	vld [tilespmem:s28+$0x3920];
	v14 =	vadd.f32 v14, v19  }
0x72: {  	v19 =	vld [tilespmem:s28+$0x3930];
	v18 =	vadd.f32 v23, v18;
	v13 =	vadd.f32 v13, v15  }
0x73: {  	v15 =	vadd.f32 v24, v16;
	v16 =	vld [tilespmem:s28+$0x3960];
	v12 =	vadd.f32 v12, v14  }
0x74: {  	v14 =	vld [tilespmem:s28+$0x3970];
	v18 =	vadd.f32 v21, v18;
	v11 =	vadd.f32 v11, v13  }
0x75: {  	v13 =	vadd.f32 v20, v15;
	v15 =	vld [tilespmem:s28+$0x39A0];
	v10 =	vadd.f32 v10, v12  }
0x76: {  	v12 =	vld [tilespmem:s28+$0x39B0];
	v17 =	vadd.f32 v17, v18;
	v9 =	vadd.f32 v9, v11  }
0x77: {  	v11 =	vadd.f32 v19, v13;
	v13 =	vld [tilespmem:s28+$0x39E0];
	v8 =	vadd.f32 v8, v10  }
0x78: {  	v10 =	vld [tilespmem:s28+$0x39F0];
	v16 =	vadd.f32 v16, v17;
	v6 =	vadd.f32 v6, v9  }
0x79: {  	v9 =	vadd.f32 v14, v11;
	v11 =	vld [tilespmem:s28+$0x3A20];
	v7 =	vadd.f32 v7, v8  }
0x7a: {  	v8 =	vld [tilespmem:s28+$0x3A30];
	v14 =	vadd.f32 v15, v16;
	v4 =	vadd.f32 v4, v6  }
0x7b: {  	v6 =	vadd.f32 v12, v9;
	v9 =	vld [tilespmem:s28+$0x3A60];
	v5 =	vadd.f32 v5, v7  }
0x7c: {  	s29 =	sshll.u32 s25, $0x2;
	v7 =	vld [tilespmem:s28+$0x3A70];
	v12 =	vadd.f32 v13, v14;
	v2 =	vadd.f32 v2, v4  }
0x7d: {  	s0 =	sadd.s32 s26, s29;
	v4 =	vadd.f32 v10, v6;
	v3 =	vadd.f32 v3, v5  }
0x7e: {  	s0 =	sshll.u32 s0, $0x7;
	v5 =	vadd.f32 v11, v12;
	v0 =	vadd.f32 v0, v2  }
0x7f: {  	p1 =	seq.s32 s25, $0x3F;
	s0 =	sand.u32 $0x3FFFFF80, s0;
	v2 =	vadd.f32 v8, v4;
	v1 =	vadd.f32 v1, v3  }
0x80: {  	s28 =	smul.u32 @!p1 $0x380, s25;
	v3 =	vadd.f32 v9, v5;
	[tilespmem:s0+$0x6A00] =	vst v0  }
0x81: {  	v0 =	vadd.f32 v7, v2;
	[tilespmem:s0+$0x6A10] =	vst v1  }
0x82: {  	s28 =	sshra.s32 @!p1 s28, $0x2;
	[tilespmem:s0+$0x6A20] =	vst v3  }
0x83: {  	s30 =	simm.s32 @!p1 $0x32;
	s31 =	simm.s32 @!p1 $0x3800;
	[tilespmem:s0+$0x6A30] =	vst v0;
	s0 =	sadd.s32 @!p1 $0xE0, s28  }
0x84: {  	[tilespmem:s31], [sflag:$0x1] =	stream.indirect.gather @!p1 [hbm4b:s6+s30], $0x40, s0, s30, $0xb8;
	[tilespmem:$0x16A00] =	vst v63  }
0x85: {  	_ =	swait.ge [sflag:s20], $0xC80  }
0x86: {  	[sflag:s20] =	ssyncset.done $0x0  }
0x87: {  	s30 =	simm.s32 $0x0;
	[sflag:s20] =	ssyncadd.s32 $0xFFFFF380  }
0x88: {  	v0 =	vld [tilespmem:s30+$0x46C0]  }
0x89: {  	v1 =	vld [tilespmem:s30+$0x46D0]  }
0x8a: {  	v2 =	vld [tilespmem:s30+$0x4680]  }
0x8b: {  	v3 =	vld [tilespmem:s30+$0x4690]  }
0x8c: {  	v4 =	vld [tilespmem:s30+$0x4640]  }
0x8d: {  	v5 =	vld [tilespmem:s30+$0x4650]  }
0x8e: {  	v6 =	vld [tilespmem:s30+$0x4600]  }
0x8f: {  	v7 =	vld [tilespmem:s30+$0x4610]  }
0x90: {  	v9 =	vld [tilespmem:s30+$0x45C0]  }
0x91: {  	v8 =	vld [tilespmem:s30+$0x45D0]  }
0x92: {  	v11 =	vld [tilespmem:s30+$0x4580]  }
0x93: {  	v10 =	vld [tilespmem:s30+$0x4590]  }
0x94: {  	v13 =	vld [tilespmem:s30+$0x4540]  }
0x95: {  	v12 =	vld [tilespmem:s30+$0x4550]  }
0x96: {  	v15 =	vld [tilespmem:s30+$0x4500]  }
0x97: {  	v14 =	vld [tilespmem:s30+$0x4510]  }
0x98: {  	v21 =	vld [tilespmem:s30+$0x44C0]  }
0x99: {  	v20 =	vld [tilespmem:s30+$0x44D0]  }
0x9a: {  	v23 =	vld [tilespmem:s30+$0x4480]  }
0x9b: {  	v18 =	vimm.f32 $0.0e+00;
	v24 =	vld [tilespmem:s30+$0x4490]  }
0x9c: {  	v19 =	vimm.f32 $0.0e+00;
	v17 =	vimm.f32 $0.0e+00;
	v16 =	vimm.f32 $0.0e+00;
	s31 =	simm.s32 $0xA00;
	v22 =	vld [tilespmem:s30+$0x44A0]  }
.LBB2_6:
0x9d: {  	p2 =	sne.s32 s31, $0x2800;
	v25 =	vld [tilespmem:s30+$0x44B0]  }
0x9e: {  	v26 =	vld [tilespmem:s30+$0x44E0]  }
0x9f: {  	v27 =	vld [tilespmem:s30+$0x44F0]  }
0xa0: {  	v28 =	vld [tilespmem:s30+$0x4520]  }
0xa1: {  	v16 =	vadd.f32 v23, v16;
	v19 =	vadd.f32 v24, v19;
	v23 =	vld [tilespmem:s30+$0x4530]  }
0xa2: {  	v18 =	vadd.f32 v22, v18;
	v17 =	vadd.f32 v25, v17;
	v22 =	vld [tilespmem:s30+$0x4560]  }
0xa3: {  	v16 =	vadd.f32 v21, v16;
	v19 =	vadd.f32 v20, v19;
	v20 =	vld [tilespmem:s30+$0x4570]  }
0xa4: {  	v18 =	vadd.f32 v26, v18;
	v17 =	vadd.f32 v27, v17;
	v21 =	vld [tilespmem:s30+$0x45A0]  }
0xa5: {  	v15 =	vadd.f32 v15, v16;
	v14 =	vadd.f32 v14, v19;
	v16 =	vld [tilespmem:s30+$0x45B0]  }
0xa6: {  	v18 =	vadd.f32 v28, v18;
	v17 =	vadd.f32 v23, v17;
	v19 =	vld [tilespmem:s30+$0x45E0]  }
0xa7: {  	v13 =	vadd.f32 v13, v15;
	v12 =	vadd.f32 v12, v14;
	v14 =	vld [tilespmem:s30+$0x45F0]  }
0xa8: {  	v15 =	vadd.f32 v22, v18;
	v17 =	vadd.f32 v20, v17;
	v18 =	vld [tilespmem:s30+$0x4620]  }
0xa9: {  	v11 =	vadd.f32 v11, v13;
	v10 =	vadd.f32 v10, v12;
	v12 =	vld [tilespmem:s30+$0x4630]  }
0xaa: {  	v13 =	vadd.f32 v21, v15;
	v15 =	vadd.f32 v16, v17;
	v16 =	vld [tilespmem:s30+$0x4660]  }
0xab: {  	v9 =	vadd.f32 v9, v11;
	v8 =	vadd.f32 v8, v10;
	v10 =	vld [tilespmem:s30+$0x4670]  }
0xac: {  	v11 =	vadd.f32 v19, v13;
	v13 =	vadd.f32 v14, v15;
	v14 =	vld [tilespmem:s30+$0x46A0]  }
0xad: {  	v6 =	vadd.f32 v6, v9;
	v7 =	vadd.f32 v7, v8;
	v8 =	vld [tilespmem:s30+$0x46B0]  }
0xae: {  	v9 =	vadd.f32 v18, v11;
	v11 =	vadd.f32 v12, v13;
	v12 =	vld [tilespmem:s30+$0x46E0]  }
0xaf: {  	v4 =	vadd.f32 v4, v6;
	v5 =	vadd.f32 v5, v7;
	v6 =	vld [tilespmem:s30+$0x46F0];
	s30 =	sshra.s32 s31, $0x2  }
0xb0: {  	v9 =	vadd.f32 v16, v9;
	v7 =	vld [tilespmem:s30+$0x46C0];
	v10 =	vadd.f32 v10, v11  }
0xb1: {  	v4 =	vadd.f32 v2, v4;
	v5 =	vadd.f32 v3, v5;
	v11 =	vld [tilespmem:s30+$0x46D0]  }
0xb2: {  	v9 =	vadd.f32 v14, v9;
	v2 =	vld [tilespmem:s30+$0x4680];
	v8 =	vadd.f32 v8, v10  }
0xb3: {  	v16 =	vadd.f32 v0, v4;
	v19 =	vadd.f32 v1, v5;
	v3 =	vld [tilespmem:s30+$0x4690]  }
0xb4: {  	v18 =	vadd.f32 v12, v9;
	v4 =	vld [tilespmem:s30+$0x4640];
	v17 =	vadd.f32 v6, v8  }
0xb5: {  	v5 =	vld [tilespmem:s30+$0x4650];
	v0 =	vmov v7  }
0xb6: {  	v6 =	vld [tilespmem:s30+$0x4600];
	v1 =	vmov v11  }
0xb7: {  	v7 =	vld [tilespmem:s30+$0x4610]  }
0xb8: {  	v9 =	vld [tilespmem:s30+$0x45C0]  }
0xb9: {  	v8 =	vld [tilespmem:s30+$0x45D0]  }
0xba: {  	v11 =	vld [tilespmem:s30+$0x4580]  }
0xbb: {  	v10 =	vld [tilespmem:s30+$0x4590]  }
0xbc: {  	v13 =	vld [tilespmem:s30+$0x4540]  }
0xbd: {  	v12 =	vld [tilespmem:s30+$0x4550]  }
0xbe: {  	v15 =	vld [tilespmem:s30+$0x4500]  }
0xbf: {  	v14 =	vld [tilespmem:s30+$0x4510]  }
.Ltmp5:
0xc0: {  	v21 =	vld [tilespmem:s30+$0x44C0];
	(pc) =	sbr.rel @p2 .LBB2_6-.Ltmp5, $4  }
0xc1: {  	v20 =	vld [tilespmem:s30+$0x44D0]  }
0xc2: {  	v23 =	vld [tilespmem:s30+$0x4480]  }
0xc3: {  	v24 =	vld [tilespmem:s30+$0x4490]  }
0xc4: {  	s31 =	sadd.s32 $0xA00, s31;
	v22 =	vld [tilespmem:s30+$0x44A0]  }
0xc5: {  	v25 =	vld [tilespmem:s30+$0x44B0]  }
0xc6: {  	v26 =	vld [tilespmem:s30+$0x44E0]  }
0xc7: {  	v27 =	vld [tilespmem:s30+$0x44F0];
	v16 =	vadd.f32 v23, v16  }
0xc8: {  	v23 =	vld [tilespmem:s30+$0x4520];
	v19 =	vadd.f32 v24, v19  }
0xc9: {  	v24 =	vld [tilespmem:s30+$0x4530];
	v18 =	vadd.f32 v22, v18;
	v16 =	vadd.f32 v21, v16  }
0xca: {  	v21 =	vld [tilespmem:s30+$0x4560];
	v17 =	vadd.f32 v25, v17;
	v19 =	vadd.f32 v20, v19  }
0xcb: {  	v20 =	vld [tilespmem:s30+$0x4570];
	v18 =	vadd.f32 v26, v18;
	v15 =	vadd.f32 v15, v16  }
0xcc: {  	v16 =	vadd.f32 v27, v17;
	v17 =	vld [tilespmem:s30+$0x45A0];
	v14 =	vadd.f32 v14, v19  }
0xcd: {  	v19 =	vld [tilespmem:s30+$0x45B0];
	v18 =	vadd.f32 v23, v18;
	v13 =	vadd.f32 v13, v15  }
0xce: {  	v15 =	vadd.f32 v24, v16;
	v16 =	vld [tilespmem:s30+$0x45E0];
	v12 =	vadd.f32 v12, v14  }
0xcf: {  	v14 =	vld [tilespmem:s30+$0x45F0];
	v18 =	vadd.f32 v21, v18;
	v11 =	vadd.f32 v11, v13  }
0xd0: {  	v13 =	vadd.f32 v20, v15;
	v15 =	vld [tilespmem:s30+$0x4620];
	v10 =	vadd.f32 v10, v12  }
0xd1: {  	v12 =	vld [tilespmem:s30+$0x4630];
	v17 =	vadd.f32 v17, v18;
	v9 =	vadd.f32 v9, v11  }
0xd2: {  	v11 =	vadd.f32 v19, v13;
	v13 =	vld [tilespmem:s30+$0x4660];
	v8 =	vadd.f32 v8, v10  }
0xd3: {  	v10 =	vld [tilespmem:s30+$0x4670];
	v16 =	vadd.f32 v16, v17;
	v6 =	vadd.f32 v6, v9  }
0xd4: {  	v9 =	vadd.f32 v14, v11;
	v11 =	vld [tilespmem:s30+$0x46A0];
	v7 =	vadd.f32 v7, v8  }
0xd5: {  	v8 =	vld [tilespmem:s30+$0x46B0];
	v14 =	vadd.f32 v15, v16;
	v4 =	vadd.f32 v4, v6  }
0xd6: {  	v6 =	vadd.f32 v12, v9;
	v9 =	vld [tilespmem:s30+$0x46E0];
	v5 =	vadd.f32 v5, v7  }
0xd7: {  	s0 =	sadd.s32 s29, s26;
	v7 =	vld [tilespmem:s30+$0x46F0];
	v12 =	vadd.f32 v13, v14;
	v2 =	vadd.f32 v2, v4  }
0xd8: {  	s29 =	sshll.u32 s0, $0x7;
	v4 =	vadd.f32 v10, v6;
	v3 =	vadd.f32 v3, v5  }
0xd9: {  	s0 =	sadd.s32 $0x80, s29;
	v5 =	vadd.f32 v11, v12;
	v0 =	vadd.f32 v0, v2  }
0xda: {  	s0 =	sand.u32 $0x3FFFFF80, s0;
	v2 =	vadd.f32 v8, v4;
	v1 =	vadd.f32 v1, v3  }
0xdb: {  	v3 =	vadd.f32 v9, v5;
	[tilespmem:s0+$0x6A00] =	vst v0  }
0xdc: {  	v0 =	vadd.f32 v7, v2;
	[tilespmem:s0+$0x6A10] =	vst v1  }
0xdd: {  	[tilespmem:s0+$0x6A20] =	vst v3  }
0xde: {  	s31 =	simm.s32 @!p1 $0x4480;
	s30 =	simm.s32 @!p1 $0x32;
	[tilespmem:s0+$0x6A30] =	vst v0;
	s0 =	sadd.s32 @!p1 $0x118, s28  }
0xdf: {  	[tilespmem:s31], [sflag:$0x2] =	stream.indirect.gather @!p1 [hbm4b:s6+s30], $0x40, s0, s30, $0xb8;
	[tilespmem:$0x16A00] =	vst v63  }
0xe0: {  	_ =	swait.ge [sflag:s21], $0xC80  }
0xe1: {  	[sflag:s21] =	ssyncset.done $0x0  }
0xe2: {  	s30 =	simm.s32 $0x0;
	[sflag:s21] =	ssyncadd.s32 $0xFFFFF380  }
0xe3: {  	v0 =	vld [tilespmem:s30+$0x5340]  }
0xe4: {  	v1 =	vld [tilespmem:s30+$0x5350]  }
0xe5: {  	v2 =	vld [tilespmem:s30+$0x5300]  }
0xe6: {  	v3 =	vld [tilespmem:s30+$0x5310]  }
0xe7: {  	v4 =	vld [tilespmem:s30+$0x52C0]  }
0xe8: {  	v5 =	vld [tilespmem:s30+$0x52D0]  }
0xe9: {  	v6 =	vld [tilespmem:s30+$0x5280]  }
0xea: {  	v7 =	vld [tilespmem:s30+$0x5290]  }
0xeb: {  	v9 =	vld [tilespmem:s30+$0x5240]  }
0xec: {  	v8 =	vld [tilespmem:s30+$0x5250]  }
0xed: {  	v11 =	vld [tilespmem:s30+$0x5200]  }
0xee: {  	v10 =	vld [tilespmem:s30+$0x5210]  }
0xef: {  	v13 =	vld [tilespmem:s30+$0x51C0]  }
0xf0: {  	v12 =	vld [tilespmem:s30+$0x51D0]  }
0xf1: {  	v15 =	vld [tilespmem:s30+$0x5180]  }
0xf2: {  	v14 =	vld [tilespmem:s30+$0x5190]  }
0xf3: {  	v21 =	vld [tilespmem:s30+$0x5140]  }
0xf4: {  	v20 =	vld [tilespmem:s30+$0x5150]  }
0xf5: {  	v23 =	vld [tilespmem:s30+$0x5100]  }
0xf6: {  	v18 =	vimm.f32 $0.0e+00;
	v24 =	vld [tilespmem:s30+$0x5110]  }
0xf7: {  	v19 =	vimm.f32 $0.0e+00;
	v17 =	vimm.f32 $0.0e+00;
	v16 =	vimm.f32 $0.0e+00;
	s31 =	simm.s32 $0xA00;
	v22 =	vld [tilespmem:s30+$0x5120]  }
.LBB2_8:
0xf8: {  	p2 =	sne.s32 s31, $0x2800;
	v25 =	vld [tilespmem:s30+$0x5130]  }
0xf9: {  	v26 =	vld [tilespmem:s30+$0x5160]  }
0xfa: {  	v27 =	vld [tilespmem:s30+$0x5170]  }
0xfb: {  	v28 =	vld [tilespmem:s30+$0x51A0]  }
0xfc: {  	v16 =	vadd.f32 v23, v16;
	v19 =	vadd.f32 v24, v19;
	v23 =	vld [tilespmem:s30+$0x51B0]  }
0xfd: {  	v18 =	vadd.f32 v22, v18;
	v17 =	vadd.f32 v25, v17;
	v22 =	vld [tilespmem:s30+$0x51E0]  }
0xfe: {  	v16 =	vadd.f32 v21, v16;
	v19 =	vadd.f32 v20, v19;
	v20 =	vld [tilespmem:s30+$0x51F0]  }
0xff: {  	v18 =	vadd.f32 v26, v18;
	v17 =	vadd.f32 v27, v17;
	v21 =	vld [tilespmem:s30+$0x5220]  }
0x100: {  	v15 =	vadd.f32 v15, v16;
	v14 =	vadd.f32 v14, v19;
	v16 =	vld [tilespmem:s30+$0x5230]  }
0x101: {  	v18 =	vadd.f32 v28, v18;
	v17 =	vadd.f32 v23, v17;
	v19 =	vld [tilespmem:s30+$0x5260]  }
0x102: {  	v13 =	vadd.f32 v13, v15;
	v12 =	vadd.f32 v12, v14;
	v14 =	vld [tilespmem:s30+$0x5270]  }
0x103: {  	v15 =	vadd.f32 v22, v18;
	v17 =	vadd.f32 v20, v17;
	v18 =	vld [tilespmem:s30+$0x52A0]  }
0x104: {  	v11 =	vadd.f32 v11, v13;
	v10 =	vadd.f32 v10, v12;
	v12 =	vld [tilespmem:s30+$0x52B0]  }
0x105: {  	v13 =	vadd.f32 v21, v15;
	v15 =	vadd.f32 v16, v17;
	v16 =	vld [tilespmem:s30+$0x52E0]  }
0x106: {  	v9 =	vadd.f32 v9, v11;
	v8 =	vadd.f32 v8, v10;
	v10 =	vld [tilespmem:s30+$0x52F0]  }
0x107: {  	v11 =	vadd.f32 v19, v13;
	v13 =	vadd.f32 v14, v15;
	v14 =	vld [tilespmem:s30+$0x5320]  }
0x108: {  	v6 =	vadd.f32 v6, v9;
	v7 =	vadd.f32 v7, v8;
	v8 =	vld [tilespmem:s30+$0x5330]  }
0x109: {  	v9 =	vadd.f32 v18, v11;
	v11 =	vadd.f32 v12, v13;
	v12 =	vld [tilespmem:s30+$0x5360]  }
0x10a: {  	v4 =	vadd.f32 v4, v6;
	v5 =	vadd.f32 v5, v7;
	v6 =	vld [tilespmem:s30+$0x5370];
	s30 =	sshra.s32 s31, $0x2  }
0x10b: {  	v9 =	vadd.f32 v16, v9;
	v7 =	vld [tilespmem:s30+$0x5340];
	v10 =	vadd.f32 v10, v11  }
0x10c: {  	v4 =	vadd.f32 v2, v4;
	v5 =	vadd.f32 v3, v5;
	v11 =	vld [tilespmem:s30+$0x5350]  }
0x10d: {  	v9 =	vadd.f32 v14, v9;
	v2 =	vld [tilespmem:s30+$0x5300];
	v8 =	vadd.f32 v8, v10  }
0x10e: {  	v16 =	vadd.f32 v0, v4;
	v19 =	vadd.f32 v1, v5;
	v3 =	vld [tilespmem:s30+$0x5310]  }
0x10f: {  	v18 =	vadd.f32 v12, v9;
	v4 =	vld [tilespmem:s30+$0x52C0];
	v17 =	vadd.f32 v6, v8  }
0x110: {  	v5 =	vld [tilespmem:s30+$0x52D0];
	v0 =	vmov v7  }
0x111: {  	v6 =	vld [tilespmem:s30+$0x5280];
	v1 =	vmov v11  }
0x112: {  	v7 =	vld [tilespmem:s30+$0x5290]  }
0x113: {  	v9 =	vld [tilespmem:s30+$0x5240]  }
0x114: {  	v8 =	vld [tilespmem:s30+$0x5250]  }
0x115: {  	v11 =	vld [tilespmem:s30+$0x5200]  }
0x116: {  	v10 =	vld [tilespmem:s30+$0x5210]  }
0x117: {  	v13 =	vld [tilespmem:s30+$0x51C0]  }
0x118: {  	v12 =	vld [tilespmem:s30+$0x51D0]  }
0x119: {  	v15 =	vld [tilespmem:s30+$0x5180]  }
0x11a: {  	v14 =	vld [tilespmem:s30+$0x5190]  }
.Ltmp6:
0x11b: {  	v21 =	vld [tilespmem:s30+$0x5140];
	(pc) =	sbr.rel @p2 .LBB2_8-.Ltmp6, $4  }
0x11c: {  	v20 =	vld [tilespmem:s30+$0x5150]  }
0x11d: {  	v23 =	vld [tilespmem:s30+$0x5100]  }
0x11e: {  	v24 =	vld [tilespmem:s30+$0x5110]  }
0x11f: {  	s31 =	sadd.s32 $0xA00, s31;
	v22 =	vld [tilespmem:s30+$0x5120]  }
0x120: {  	v25 =	vld [tilespmem:s30+$0x5130]  }
0x121: {  	v26 =	vld [tilespmem:s30+$0x5160]  }
0x122: {  	v27 =	vld [tilespmem:s30+$0x5170];
	v16 =	vadd.f32 v23, v16  }
0x123: {  	v23 =	vld [tilespmem:s30+$0x51A0];
	v19 =	vadd.f32 v24, v19  }
0x124: {  	v24 =	vld [tilespmem:s30+$0x51B0];
	v18 =	vadd.f32 v22, v18;
	v16 =	vadd.f32 v21, v16  }
0x125: {  	v21 =	vld [tilespmem:s30+$0x51E0];
	v17 =	vadd.f32 v25, v17;
	v19 =	vadd.f32 v20, v19  }
0x126: {  	v20 =	vld [tilespmem:s30+$0x51F0];
	v18 =	vadd.f32 v26, v18;
	v15 =	vadd.f32 v15, v16  }
0x127: {  	v16 =	vadd.f32 v27, v17;
	v17 =	vld [tilespmem:s30+$0x5220];
	v14 =	vadd.f32 v14, v19  }
0x128: {  	v19 =	vld [tilespmem:s30+$0x5230];
	v18 =	vadd.f32 v23, v18;
	v13 =	vadd.f32 v13, v15  }
0x129: {  	v15 =	vadd.f32 v24, v16;
	v16 =	vld [tilespmem:s30+$0x5260];
	v12 =	vadd.f32 v12, v14  }
0x12a: {  	v14 =	vld [tilespmem:s30+$0x5270];
	v18 =	vadd.f32 v21, v18;
	v11 =	vadd.f32 v11, v13  }
0x12b: {  	v13 =	vadd.f32 v20, v15;
	v15 =	vld [tilespmem:s30+$0x52A0];
	v10 =	vadd.f32 v10, v12  }
0x12c: {  	v12 =	vld [tilespmem:s30+$0x52B0];
	v17 =	vadd.f32 v17, v18;
	v9 =	vadd.f32 v9, v11  }
0x12d: {  	v11 =	vadd.f32 v19, v13;
	v13 =	vld [tilespmem:s30+$0x52E0];
	v8 =	vadd.f32 v8, v10  }
0x12e: {  	v10 =	vld [tilespmem:s30+$0x52F0];
	v16 =	vadd.f32 v16, v17;
	v6 =	vadd.f32 v6, v9  }
0x12f: {  	v9 =	vadd.f32 v14, v11;
	v11 =	vld [tilespmem:s30+$0x5320];
	v7 =	vadd.f32 v7, v8  }
0x130: {  	v8 =	vld [tilespmem:s30+$0x5330];
	v14 =	vadd.f32 v15, v16;
	v4 =	vadd.f32 v4, v6  }
0x131: {  	v6 =	vadd.f32 v12, v9;
	v9 =	vld [tilespmem:s30+$0x5360];
	v5 =	vadd.f32 v5, v7  }
0x132: {  	v7 =	vld [tilespmem:s30+$0x5370];
	v12 =	vadd.f32 v13, v14;
	v2 =	vadd.f32 v2, v4  }
0x133: {  	v4 =	vadd.f32 v10, v6;
	v3 =	vadd.f32 v3, v5  }
0x134: {  	s0 =	sadd.s32 $0x100, s29;
	v5 =	vadd.f32 v11, v12;
	v0 =	vadd.f32 v0, v2  }
0x135: {  	s0 =	sand.u32 $0x3FFFFF80, s0;
	v2 =	vadd.f32 v8, v4;
	v1 =	vadd.f32 v1, v3  }
0x136: {  	v3 =	vadd.f32 v9, v5;
	[tilespmem:s0+$0x6A00] =	vst v0  }
0x137: {  	v0 =	vadd.f32 v7, v2;
	[tilespmem:s0+$0x6A10] =	vst v1  }
0x138: {  	[tilespmem:s0+$0x6A20] =	vst v3  }
0x139: {  	s30 =	simm.s32 @!p1 $0x5100;
	[tilespmem:s0+$0x6A30] =	vst v0;
	s0 =	sadd.s32 @!p1 $0x150, s28;
	s28 =	simm.s32 @!p1 $0x32  }
0x13a: {  	[tilespmem:s30], [sflag:$0x3] =	stream.indirect.gather @!p1 [hbm4b:s6+s28], $0x40, s0, s28, $0xb8;
	[tilespmem:$0x16A00] =	vst v63  }
0x13b: {  	_ =	swait.ge [sflag:s22], $0xC80  }
0x13c: {  	[sflag:s22] =	ssyncset.done $0x0  }
0x13d: {  	s28 =	simm.s32 $0x0;
	[sflag:s22] =	ssyncadd.s32 $0xFFFFF380  }
0x13e: {  	v0 =	vld [tilespmem:s28+$0x5FC0]  }
0x13f: {  	v1 =	vld [tilespmem:s28+$0x5FD0]  }
0x140: {  	v2 =	vld [tilespmem:s28+$0x5F80]  }
0x141: {  	v3 =	vld [tilespmem:s28+$0x5F90]  }
0x142: {  	v4 =	vld [tilespmem:s28+$0x5F40]  }
0x143: {  	v5 =	vld [tilespmem:s28+$0x5F50]  }
0x144: {  	v6 =	vld [tilespmem:s28+$0x5F00]  }
0x145: {  	v7 =	vld [tilespmem:s28+$0x5F10]  }
0x146: {  	v9 =	vld [tilespmem:s28+$0x5EC0]  }
0x147: {  	v8 =	vld [tilespmem:s28+$0x5ED0]  }
0x148: {  	v11 =	vld [tilespmem:s28+$0x5E80]  }
0x149: {  	v10 =	vld [tilespmem:s28+$0x5E90]  }
0x14a: {  	v13 =	vld [tilespmem:s28+$0x5E40]  }
0x14b: {  	v12 =	vld [tilespmem:s28+$0x5E50]  }
0x14c: {  	v15 =	vld [tilespmem:s28+$0x5E00]  }
0x14d: {  	v14 =	vld [tilespmem:s28+$0x5E10]  }
0x14e: {  	v21 =	vld [tilespmem:s28+$0x5DC0]  }
0x14f: {  	v20 =	vld [tilespmem:s28+$0x5DD0]  }
0x150: {  	v23 =	vld [tilespmem:s28+$0x5D80]  }
0x151: {  	v18 =	vimm.f32 $0.0e+00;
	v24 =	vld [tilespmem:s28+$0x5D90]  }
0x152: {  	v19 =	vimm.f32 $0.0e+00;
	v17 =	vimm.f32 $0.0e+00;
	v16 =	vimm.f32 $0.0e+00;
	s30 =	simm.s32 $0xA00;
	v22 =	vld [tilespmem:s28+$0x5DA0]  }
.LBB2_10:
0x153: {  	p2 =	sne.s32 s30, $0x2800;
	v25 =	vld [tilespmem:s28+$0x5DB0]  }
0x154: {  	v26 =	vld [tilespmem:s28+$0x5DE0]  }
0x155: {  	v27 =	vld [tilespmem:s28+$0x5DF0]  }
0x156: {  	v28 =	vld [tilespmem:s28+$0x5E20]  }
0x157: {  	v16 =	vadd.f32 v23, v16;
	v19 =	vadd.f32 v24, v19;
	v23 =	vld [tilespmem:s28+$0x5E30]  }
0x158: {  	v18 =	vadd.f32 v22, v18;
	v17 =	vadd.f32 v25, v17;
	v22 =	vld [tilespmem:s28+$0x5E60]  }
0x159: {  	v16 =	vadd.f32 v21, v16;
	v19 =	vadd.f32 v20, v19;
	v20 =	vld [tilespmem:s28+$0x5E70]  }
0x15a: {  	v18 =	vadd.f32 v26, v18;
	v17 =	vadd.f32 v27, v17;
	v21 =	vld [tilespmem:s28+$0x5EA0]  }
0x15b: {  	v15 =	vadd.f32 v15, v16;
	v14 =	vadd.f32 v14, v19;
	v16 =	vld [tilespmem:s28+$0x5EB0]  }
0x15c: {  	v18 =	vadd.f32 v28, v18;
	v17 =	vadd.f32 v23, v17;
	v19 =	vld [tilespmem:s28+$0x5EE0]  }
0x15d: {  	v13 =	vadd.f32 v13, v15;
	v12 =	vadd.f32 v12, v14;
	v14 =	vld [tilespmem:s28+$0x5EF0]  }
0x15e: {  	v15 =	vadd.f32 v22, v18;
	v17 =	vadd.f32 v20, v17;
	v18 =	vld [tilespmem:s28+$0x5F20]  }
0x15f: {  	v11 =	vadd.f32 v11, v13;
	v10 =	vadd.f32 v10, v12;
	v12 =	vld [tilespmem:s28+$0x5F30]  }
0x160: {  	v13 =	vadd.f32 v21, v15;
	v15 =	vadd.f32 v16, v17;
	v16 =	vld [tilespmem:s28+$0x5F60]  }
0x161: {  	v9 =	vadd.f32 v9, v11;
	v8 =	vadd.f32 v8, v10;
	v10 =	vld [tilespmem:s28+$0x5F70]  }
0x162: {  	v11 =	vadd.f32 v19, v13;
	v13 =	vadd.f32 v14, v15;
	v14 =	vld [tilespmem:s28+$0x5FA0]  }
0x163: {  	v6 =	vadd.f32 v6, v9;
	v7 =	vadd.f32 v7, v8;
	v8 =	vld [tilespmem:s28+$0x5FB0]  }
0x164: {  	v9 =	vadd.f32 v18, v11;
	v11 =	vadd.f32 v12, v13;
	v12 =	vld [tilespmem:s28+$0x5FE0]  }
0x165: {  	v4 =	vadd.f32 v4, v6;
	v5 =	vadd.f32 v5, v7;
	v6 =	vld [tilespmem:s28+$0x5FF0];
	s28 =	sshra.s32 s30, $0x2  }
0x166: {  	v9 =	vadd.f32 v16, v9;
	v7 =	vld [tilespmem:s28+$0x5FC0];
	v10 =	vadd.f32 v10, v11  }
0x167: {  	v4 =	vadd.f32 v2, v4;
	v5 =	vadd.f32 v3, v5;
	v11 =	vld [tilespmem:s28+$0x5FD0]  }
0x168: {  	v9 =	vadd.f32 v14, v9;
	v2 =	vld [tilespmem:s28+$0x5F80];
	v8 =	vadd.f32 v8, v10  }
0x169: {  	v16 =	vadd.f32 v0, v4;
	v19 =	vadd.f32 v1, v5;
	v3 =	vld [tilespmem:s28+$0x5F90]  }
0x16a: {  	v18 =	vadd.f32 v12, v9;
	v4 =	vld [tilespmem:s28+$0x5F40];
	v17 =	vadd.f32 v6, v8  }
0x16b: {  	v5 =	vld [tilespmem:s28+$0x5F50];
	v0 =	vmov v7  }
0x16c: {  	v6 =	vld [tilespmem:s28+$0x5F00];
	v1 =	vmov v11  }
0x16d: {  	v7 =	vld [tilespmem:s28+$0x5F10]  }
0x16e: {  	v9 =	vld [tilespmem:s28+$0x5EC0]  }
0x16f: {  	v8 =	vld [tilespmem:s28+$0x5ED0]  }
0x170: {  	v11 =	vld [tilespmem:s28+$0x5E80]  }
0x171: {  	v10 =	vld [tilespmem:s28+$0x5E90]  }
0x172: {  	v13 =	vld [tilespmem:s28+$0x5E40]  }
0x173: {  	v12 =	vld [tilespmem:s28+$0x5E50]  }
0x174: {  	v15 =	vld [tilespmem:s28+$0x5E00]  }
0x175: {  	v14 =	vld [tilespmem:s28+$0x5E10]  }
.Ltmp7:
0x176: {  	v21 =	vld [tilespmem:s28+$0x5DC0];
	(pc) =	sbr.rel @p2 .LBB2_10-.Ltmp7, $4  }
0x177: {  	v20 =	vld [tilespmem:s28+$0x5DD0]  }
0x178: {  	v23 =	vld [tilespmem:s28+$0x5D80]  }
0x179: {  	v24 =	vld [tilespmem:s28+$0x5D90]  }
0x17a: {  	s30 =	sadd.s32 $0xA00, s30;
	v22 =	vld [tilespmem:s28+$0x5DA0]  }
0x17b: {  	v25 =	vld [tilespmem:s28+$0x5DB0]  }
0x17c: {  	v26 =	vld [tilespmem:s28+$0x5DE0]  }
0x17d: {  	v27 =	vld [tilespmem:s28+$0x5DF0];
	v16 =	vadd.f32 v23, v16  }
0x17e: {  	v35 =	vld [tilespmem:s28+$0x5E20];
	v19 =	vadd.f32 v24, v19  }
0x17f: {  	v36 =	vld [tilespmem:s28+$0x5E30];
	v18 =	vadd.f32 v22, v18;
	v16 =	vadd.f32 v21, v16  }
0x180: {  	v37 =	vld [tilespmem:s28+$0x5E60];
	v17 =	vadd.f32 v25, v17;
	v19 =	vadd.f32 v20, v19  }
0x181: {  	v38 =	vld [tilespmem:s28+$0x5E70];
	v18 =	vadd.f32 v26, v18;
	v15 =	vadd.f32 v15, v16  }
0x182: {  	v40 =	vld [tilespmem:s28+$0x5EA0];
	v39 =	vadd.f32 v27, v17;
	v14 =	vadd.f32 v14, v19  }
0x183: {  	v41 =	vld [tilespmem:s28+$0x5EB0];
	v18 =	vadd.f32 v35, v18;
	v13 =	vadd.f32 v13, v15  }
0x184: {  	v43 =	vld [tilespmem:s28+$0x5EE0];
	v42 =	vadd.f32 v36, v39;
	v12 =	vadd.f32 v12, v14  }
0x185: {  	v44 =	vld [tilespmem:s28+$0x5EF0];
	v18 =	vadd.f32 v37, v18;
	v11 =	vadd.f32 v11, v13  }
0x186: {  	v46 =	vld [tilespmem:s28+$0x5F20];
	v45 =	vadd.f32 v38, v42;
	v10 =	vadd.f32 v10, v12  }
0x187: {  	v47 =	vld [tilespmem:s28+$0x5F30];
	v17 =	vadd.f32 v40, v18;
	v9 =	vadd.f32 v9, v11  }
0x188: {  	v49 =	vld [tilespmem:s28+$0x5F60];
	v48 =	vadd.f32 v41, v45;
	v8 =	vadd.f32 v8, v10  }
0x189: {  	v50 =	vld [tilespmem:s28+$0x5F70];
	v16 =	vadd.f32 v43, v17;
	v6 =	vadd.f32 v6, v9  }
0x18a: {  	v52 =	vld [tilespmem:s28+$0x5FA0];
	v51 =	vadd.f32 v44, v48;
	v7 =	vadd.f32 v7, v8  }
0x18b: {  	v53 =	vld [tilespmem:s28+$0x5FB0];
	v54 =	vadd.f32 v46, v16;
	v4 =	vadd.f32 v4, v6  }
0x18c: {  	v56 =	vld [tilespmem:s28+$0x5FE0];
	v55 =	vadd.f32 v47, v51;
	v5 =	vadd.f32 v5, v7  }
0x18d: {  	v57 =	vld [tilespmem:s28+$0x5FF0];
	v58 =	vadd.f32 v49, v54;
	v2 =	vadd.f32 v2, v4  }
0x18e: {  	v59 =	vadd.f32 v50, v55;
	v3 =	vadd.f32 v3, v5  }
0x18f: {  	s0 =	sadd.s32 $0x180, s29;
	v60 =	vadd.f32 v52, v58;
	v0 =	vadd.f32 v0, v2  }
.Ltmp8:
0x190: {  	s0 =	sand.u32 $0x3FFFFF80, s0;
	v61 =	vadd.f32 v53, v59;
	v1 =	vadd.f32 v1, v3;
	(pc) =	sbr.rel @p1 .LBB2_13-.Ltmp8, $4  }
0x191: {  	v62 =	vadd.f32 v56, v60;
	[tilespmem:s0+$0x6A00] =	vst v0  }
0x192: {  	v63 =	vadd.f32 v57, v61;
	[tilespmem:s0+$0x6A10] =	vst v1  }
0x193: {  	[tilespmem:s0+$0x6A20] =	vst v62  }
0x194: {  	[tilespmem:s0+$0x6A30] =	vst v63  }
0x195: {  	s0 =	smul.u32 $0x380, s25  }
.Ltmp9:
0x196: {  	_ = 	snop;
	(pc) =	sbr.rel .LBB2_3-.Ltmp9, $4  }
0x197: {  	_ = 	snop  }
0x198: {  	s0 =	sshra.s32 s0, $0x2  }
0x199: {  	s25 =	sadd.s32 $0x1, s25;
	s0 =	sadd.s32 $0x188, s0  }
0x19a: {  	[tilespmem:s18], [sflag:$0x4] =	stream.indirect.gather [hbm4b:s6+s11], $0x40, s0, s11, $0xb8;
	[tilespmem:$0x16A00] =	vst v63  }
.LBB2_14:
.Ltmp10:
0x19b: {  	(pc) =	sbr.rel .LBB2_15-.Ltmp10, $2  }
0x19c: {  	_ =	sdelay $0x2  }
0x19d: {  	s26 =	simm.s32 $0x0  }
.LBB2_26:
.Ltmp11:
0x19e: {  	(pc) =	sbr.rel @!p0 .LBB2_27-.Ltmp11, $2  }
0x19f: {  	_ =	sdelay $0x2  }
0x1a0: {  	s26 =	simm.s32 $0x100;
	p1 =	por $0x0, $0x0  }
.LBB2_15:
0x1a1: {  	s0 =	sor.u32 s4, s26  }
0x1a2: {  	s0 =	smul.u32 $0x7, s0;
	_ =	sdelay $0x1  }
0x1a3: {  	s0 =	sadd.s32 s5, s0  }
0x1a4: {  	[tilespmem:s25], [sflag:$0x5] =	stream.linear.gather [hbm4b:s0+s25], $0x3800, $0x38;
	[tilespmem:$0x16A00] =	vst v63  }
0x1a5: {  	_ =	swait.ge [sflag:s10], $0x3800  }
0x1a6: {  	[sflag:s10] =	ssyncset.done $0x0  }
0x1a7: {  	[sflag:s10] =	ssyncadd.s32 $0xFFFFC800  }
0x1a8: {  	[tilespmem:s12], [sflag:$0x1] =	stream.indirect.gather [hbm4b:s7+s11], $0x40, s25, s11, $0xb8;
	[tilespmem:$0x16A00] =	vst v63  }
0x1a9: {  	_ = 	snop  }
0x1aa: {  	[tilespmem:s14], [sflag:$0x2] =	stream.indirect.gather [hbm4b:s7+s11], $0x40, s13, s11, $0xb8;
	[tilespmem:$0x16A00] =	vst v63  }
0x1ab: {  	_ = 	snop  }
0x1ac: {  	[tilespmem:s16], [sflag:$0x3] =	stream.indirect.gather [hbm4b:s7+s11], $0x40, s15, s11, $0xb8;
	[tilespmem:$0x16A00] =	vst v63  }
0x1ad: {  	p0 =	por p1, p1;
	s28 =	simm.s32 $0x0  }
0x1ae: {  	[tilespmem:s18], [sflag:$0x4] =	stream.indirect.gather [hbm4b:s7+s11], $0x40, s17, s11, $0xb8;
	[tilespmem:$0x16A00] =	vst v63  }
.LBB2_16:
0x1af: {  	_ =	swait.ge [sflag:s19], $0xC80  }
0x1b0: {  	[sflag:s19] =	ssyncset.done $0x0  }
0x1b1: {  	s29 =	simm.s32 $0x0;
	[sflag:s19] =	ssyncadd.s32 $0xFFFFF380  }
0x1b2: {  	v0 =	vld [tilespmem:s29+$0x3A40]  }
0x1b3: {  	v1 =	vld [tilespmem:s29+$0x3A50]  }
0x1b4: {  	v2 =	vld [tilespmem:s29+$0x3A00]  }
0x1b5: {  	v3 =	vld [tilespmem:s29+$0x3A10]  }
0x1b6: {  	v4 =	vld [tilespmem:s29+$0x39C0]  }
0x1b7: {  	v5 =	vld [tilespmem:s29+$0x39D0]  }
0x1b8: {  	v6 =	vld [tilespmem:s29+$0x3980]  }
0x1b9: {  	v7 =	vld [tilespmem:s29+$0x3990]  }
0x1ba: {  	v9 =	vld [tilespmem:s29+$0x3940]  }
0x1bb: {  	v8 =	vld [tilespmem:s29+$0x3950]  }
0x1bc: {  	v11 =	vld [tilespmem:s29+$0x3900]  }
0x1bd: {  	v10 =	vld [tilespmem:s29+$0x3910]  }
0x1be: {  	v13 =	vld [tilespmem:s29+$0x38C0]  }
0x1bf: {  	v12 =	vld [tilespmem:s29+$0x38D0]  }
0x1c0: {  	v15 =	vld [tilespmem:s29+$0x3880]  }
0x1c1: {  	v14 =	vld [tilespmem:s29+$0x3890]  }
0x1c2: {  	v21 =	vld [tilespmem:s29+$0x3840]  }
0x1c3: {  	v20 =	vld [tilespmem:s29+$0x3850]  }
0x1c4: {  	v23 =	vld [tilespmem:s29+$0x3800]  }
0x1c5: {  	v16 =	vimm.f32 $0.0e+00;
	v24 =	vld [tilespmem:s29+$0x3810]  }
0x1c6: {  	s30 =	simm.s32 $0xA00;
	v19 =	vimm.f32 $0.0e+00;
	v18 =	vimm.f32 $0.0e+00;
	v17 =	vimm.f32 $0.0e+00;
	v22 =	vld [tilespmem:s29+$0x3820]  }
.LBB2_17:
0x1c7: {  	p1 =	sne.s32 s30, $0x2800;
	v25 =	vld [tilespmem:s29+$0x3830]  }
0x1c8: {  	v26 =	vld [tilespmem:s29+$0x3860]  }
0x1c9: {  	v27 =	vld [tilespmem:s29+$0x3870]  }
0x1ca: {  	v28 =	vld [tilespmem:s29+$0x38A0]  }
0x1cb: {  	v16 =	vadd.f32 v23, v16;
	v19 =	vadd.f32 v24, v19;
	v23 =	vld [tilespmem:s29+$0x38B0]  }
0x1cc: {  	v18 =	vadd.f32 v22, v18;
	v17 =	vadd.f32 v25, v17;
	v22 =	vld [tilespmem:s29+$0x38E0]  }
0x1cd: {  	v16 =	vadd.f32 v21, v16;
	v19 =	vadd.f32 v20, v19;
	v20 =	vld [tilespmem:s29+$0x38F0]  }
0x1ce: {  	v18 =	vadd.f32 v26, v18;
	v17 =	vadd.f32 v27, v17;
	v21 =	vld [tilespmem:s29+$0x3920]  }
0x1cf: {  	v15 =	vadd.f32 v15, v16;
	v14 =	vadd.f32 v14, v19;
	v16 =	vld [tilespmem:s29+$0x3930]  }
0x1d0: {  	v18 =	vadd.f32 v28, v18;
	v17 =	vadd.f32 v23, v17;
	v19 =	vld [tilespmem:s29+$0x3960]  }
0x1d1: {  	v13 =	vadd.f32 v13, v15;
	v12 =	vadd.f32 v12, v14;
	v14 =	vld [tilespmem:s29+$0x3970]  }
0x1d2: {  	v15 =	vadd.f32 v22, v18;
	v17 =	vadd.f32 v20, v17;
	v18 =	vld [tilespmem:s29+$0x39A0]  }
0x1d3: {  	v11 =	vadd.f32 v11, v13;
	v10 =	vadd.f32 v10, v12;
	v12 =	vld [tilespmem:s29+$0x39B0]  }
0x1d4: {  	v13 =	vadd.f32 v21, v15;
	v15 =	vadd.f32 v16, v17;
	v16 =	vld [tilespmem:s29+$0x39E0]  }
0x1d5: {  	v9 =	vadd.f32 v9, v11;
	v8 =	vadd.f32 v8, v10;
	v10 =	vld [tilespmem:s29+$0x39F0]  }
0x1d6: {  	v11 =	vadd.f32 v19, v13;
	v13 =	vadd.f32 v14, v15;
	v14 =	vld [tilespmem:s29+$0x3A20]  }
0x1d7: {  	v6 =	vadd.f32 v6, v9;
	v7 =	vadd.f32 v7, v8;
	v8 =	vld [tilespmem:s29+$0x3A30]  }
0x1d8: {  	v9 =	vadd.f32 v18, v11;
	v11 =	vadd.f32 v12, v13;
	v12 =	vld [tilespmem:s29+$0x3A60]  }
0x1d9: {  	v4 =	vadd.f32 v4, v6;
	v5 =	vadd.f32 v5, v7;
	v6 =	vld [tilespmem:s29+$0x3A70];
	s29 =	sshra.s32 s30, $0x2  }
0x1da: {  	v9 =	vadd.f32 v16, v9;
	v7 =	vld [tilespmem:s29+$0x3A40];
	v10 =	vadd.f32 v10, v11  }
0x1db: {  	v4 =	vadd.f32 v2, v4;
	v5 =	vadd.f32 v3, v5;
	v11 =	vld [tilespmem:s29+$0x3A50]  }
0x1dc: {  	v9 =	vadd.f32 v14, v9;
	v2 =	vld [tilespmem:s29+$0x3A00];
	v8 =	vadd.f32 v8, v10  }
0x1dd: {  	v16 =	vadd.f32 v0, v4;
	v19 =	vadd.f32 v1, v5;
	v3 =	vld [tilespmem:s29+$0x3A10]  }
0x1de: {  	v18 =	vadd.f32 v12, v9;
	v4 =	vld [tilespmem:s29+$0x39C0];
	v17 =	vadd.f32 v6, v8  }
0x1df: {  	v5 =	vld [tilespmem:s29+$0x39D0];
	v0 =	vmov v7  }
0x1e0: {  	v6 =	vld [tilespmem:s29+$0x3980];
	v1 =	vmov v11  }
0x1e1: {  	v7 =	vld [tilespmem:s29+$0x3990]  }
0x1e2: {  	v9 =	vld [tilespmem:s29+$0x3940]  }
0x1e3: {  	v8 =	vld [tilespmem:s29+$0x3950]  }
0x1e4: {  	v11 =	vld [tilespmem:s29+$0x3900]  }
0x1e5: {  	v10 =	vld [tilespmem:s29+$0x3910]  }
0x1e6: {  	v13 =	vld [tilespmem:s29+$0x38C0]  }
0x1e7: {  	v12 =	vld [tilespmem:s29+$0x38D0]  }
0x1e8: {  	v15 =	vld [tilespmem:s29+$0x3880]  }
0x1e9: {  	v14 =	vld [tilespmem:s29+$0x3890]  }
.Ltmp12:
0x1ea: {  	v21 =	vld [tilespmem:s29+$0x3840];
	(pc) =	sbr.rel @p1 .LBB2_17-.Ltmp12, $4  }
0x1eb: {  	v20 =	vld [tilespmem:s29+$0x3850]  }
0x1ec: {  	v23 =	vld [tilespmem:s29+$0x3800]  }
0x1ed: {  	v24 =	vld [tilespmem:s29+$0x3810]  }
0x1ee: {  	s30 =	sadd.s32 $0xA00, s30;
	v22 =	vld [tilespmem:s29+$0x3820]  }
0x1ef: {  	v25 =	vld [tilespmem:s29+$0x3830]  }
0x1f0: {  	v26 =	vld [tilespmem:s29+$0x3860]  }
0x1f1: {  	v27 =	vld [tilespmem:s29+$0x3870];
	v16 =	vadd.f32 v23, v16  }
0x1f2: {  	v23 =	vld [tilespmem:s29+$0x38A0];
	v19 =	vadd.f32 v24, v19  }
0x1f3: {  	v24 =	vld [tilespmem:s29+$0x38B0];
	v18 =	vadd.f32 v22, v18;
	v16 =	vadd.f32 v21, v16  }
0x1f4: {  	v21 =	vld [tilespmem:s29+$0x38E0];
	v17 =	vadd.f32 v25, v17;
	v19 =	vadd.f32 v20, v19  }
0x1f5: {  	v20 =	vld [tilespmem:s29+$0x38F0];
	v18 =	vadd.f32 v26, v18;
	v15 =	vadd.f32 v15, v16  }
0x1f6: {  	v16 =	vadd.f32 v27, v17;
	v17 =	vld [tilespmem:s29+$0x3920];
	v14 =	vadd.f32 v14, v19  }
0x1f7: {  	v19 =	vld [tilespmem:s29+$0x3930];
	v18 =	vadd.f32 v23, v18;
	v13 =	vadd.f32 v13, v15  }
0x1f8: {  	v15 =	vadd.f32 v24, v16;
	v16 =	vld [tilespmem:s29+$0x3960];
	v12 =	vadd.f32 v12, v14  }
0x1f9: {  	v14 =	vld [tilespmem:s29+$0x3970];
	v18 =	vadd.f32 v21, v18;
	v11 =	vadd.f32 v11, v13  }
0x1fa: {  	v13 =	vadd.f32 v20, v15;
	v15 =	vld [tilespmem:s29+$0x39A0];
	v10 =	vadd.f32 v10, v12  }
0x1fb: {  	v12 =	vld [tilespmem:s29+$0x39B0];
	v17 =	vadd.f32 v17, v18;
	v9 =	vadd.f32 v9, v11  }
0x1fc: {  	v11 =	vadd.f32 v19, v13;
	v13 =	vld [tilespmem:s29+$0x39E0];
	v8 =	vadd.f32 v8, v10  }
0x1fd: {  	v10 =	vld [tilespmem:s29+$0x39F0];
	v16 =	vadd.f32 v16, v17;
	v6 =	vadd.f32 v6, v9  }
0x1fe: {  	v9 =	vadd.f32 v14, v11;
	v11 =	vld [tilespmem:s29+$0x3A20];
	v7 =	vadd.f32 v7, v8  }
0x1ff: {  	v8 =	vld [tilespmem:s29+$0x3A30];
	v14 =	vadd.f32 v15, v16;
	v4 =	vadd.f32 v4, v6  }
0x200: {  	v6 =	vadd.f32 v12, v9;
	v9 =	vld [tilespmem:s29+$0x3A60];
	v5 =	vadd.f32 v5, v7  }
0x201: {  	s30 =	sshll.u32 s28, $0x2;
	v7 =	vld [tilespmem:s29+$0x3A70];
	v12 =	vadd.f32 v13, v14;
	v2 =	vadd.f32 v2, v4  }
0x202: {  	s0 =	sadd.s32 s26, s30;
	v4 =	vadd.f32 v10, v6;
	v3 =	vadd.f32 v3, v5  }
0x203: {  	s0 =	sshll.u32 s0, $0x7;
	v5 =	vadd.f32 v11, v12;
	v0 =	vadd.f32 v0, v2  }
0x204: {  	p1 =	seq.s32 s28, $0x3F;
	s0 =	sand.u32 $0x3FFFFF80, s0;
	v2 =	vadd.f32 v8, v4;
	v1 =	vadd.f32 v1, v3  }
0x205: {  	s29 =	smul.u32 @!p1 $0x380, s28;
	v3 =	vadd.f32 v9, v5;
	[tilespmem:s0+$0x6A40] =	vst v0  }
0x206: {  	v0 =	vadd.f32 v7, v2;
	[tilespmem:s0+$0x6A50] =	vst v1  }
0x207: {  	s29 =	sshra.s32 @!p1 s29, $0x2;
	[tilespmem:s0+$0x6A60] =	vst v3  }
0x208: {  	s31 =	simm.s32 @!p1 $0x32;
	s1 =	simm.s32 @!p1 $0x3800;
	[tilespmem:s0+$0x6A70] =	vst v0;
	s0 =	sadd.s32 @!p1 $0xE0, s29  }
0x209: {  	[tilespmem:s1], [sflag:$0x1] =	stream.indirect.gather @!p1 [hbm4b:s7+s31], $0x40, s0, s31, $0xb8;
	[tilespmem:$0x16A00] =	vst v63  }
0x20a: {  	_ =	swait.ge [sflag:s20], $0xC80  }
0x20b: {  	[sflag:s20] =	ssyncset.done $0x0  }
0x20c: {  	s31 =	simm.s32 $0x0;
	[sflag:s20] =	ssyncadd.s32 $0xFFFFF380  }
0x20d: {  	v0 =	vld [tilespmem:s31+$0x46C0]  }
0x20e: {  	v1 =	vld [tilespmem:s31+$0x46D0]  }
0x20f: {  	v2 =	vld [tilespmem:s31+$0x4680]  }
0x210: {  	v3 =	vld [tilespmem:s31+$0x4690]  }
0x211: {  	v4 =	vld [tilespmem:s31+$0x4640]  }
0x212: {  	v5 =	vld [tilespmem:s31+$0x4650]  }
0x213: {  	v6 =	vld [tilespmem:s31+$0x4600]  }
0x214: {  	v7 =	vld [tilespmem:s31+$0x4610]  }
0x215: {  	v9 =	vld [tilespmem:s31+$0x45C0]  }
0x216: {  	v8 =	vld [tilespmem:s31+$0x45D0]  }
0x217: {  	v11 =	vld [tilespmem:s31+$0x4580]  }
0x218: {  	v10 =	vld [tilespmem:s31+$0x4590]  }
0x219: {  	v13 =	vld [tilespmem:s31+$0x4540]  }
0x21a: {  	v12 =	vld [tilespmem:s31+$0x4550]  }
0x21b: {  	v15 =	vld [tilespmem:s31+$0x4500]  }
0x21c: {  	v14 =	vld [tilespmem:s31+$0x4510]  }
0x21d: {  	v21 =	vld [tilespmem:s31+$0x44C0]  }
0x21e: {  	v20 =	vld [tilespmem:s31+$0x44D0]  }
0x21f: {  	v23 =	vld [tilespmem:s31+$0x4480]  }
0x220: {  	v18 =	vimm.f32 $0.0e+00;
	v24 =	vld [tilespmem:s31+$0x4490]  }
0x221: {  	v19 =	vimm.f32 $0.0e+00;
	v17 =	vimm.f32 $0.0e+00;
	v16 =	vimm.f32 $0.0e+00;
	s0 =	simm.s32 $0xA00;
	v22 =	vld [tilespmem:s31+$0x44A0]  }
.LBB2_19:
0x222: {  	p2 =	sne.s32 s0, $0x2800;
	v25 =	vld [tilespmem:s31+$0x44B0]  }
0x223: {  	v26 =	vld [tilespmem:s31+$0x44E0]  }
0x224: {  	v27 =	vld [tilespmem:s31+$0x44F0]  }
0x225: {  	v28 =	vld [tilespmem:s31+$0x4520]  }
0x226: {  	v16 =	vadd.f32 v23, v16;
	v19 =	vadd.f32 v24, v19;
	v23 =	vld [tilespmem:s31+$0x4530]  }
0x227: {  	v18 =	vadd.f32 v22, v18;
	v17 =	vadd.f32 v25, v17;
	v22 =	vld [tilespmem:s31+$0x4560]  }
0x228: {  	v16 =	vadd.f32 v21, v16;
	v19 =	vadd.f32 v20, v19;
	v20 =	vld [tilespmem:s31+$0x4570]  }
0x229: {  	v18 =	vadd.f32 v26, v18;
	v17 =	vadd.f32 v27, v17;
	v21 =	vld [tilespmem:s31+$0x45A0]  }
0x22a: {  	v15 =	vadd.f32 v15, v16;
	v14 =	vadd.f32 v14, v19;
	v16 =	vld [tilespmem:s31+$0x45B0]  }
0x22b: {  	v18 =	vadd.f32 v28, v18;
	v17 =	vadd.f32 v23, v17;
	v19 =	vld [tilespmem:s31+$0x45E0]  }
0x22c: {  	v13 =	vadd.f32 v13, v15;
	v12 =	vadd.f32 v12, v14;
	v14 =	vld [tilespmem:s31+$0x45F0]  }
0x22d: {  	v15 =	vadd.f32 v22, v18;
	v17 =	vadd.f32 v20, v17;
	v18 =	vld [tilespmem:s31+$0x4620]  }
0x22e: {  	v11 =	vadd.f32 v11, v13;
	v10 =	vadd.f32 v10, v12;
	v12 =	vld [tilespmem:s31+$0x4630]  }
0x22f: {  	v13 =	vadd.f32 v21, v15;
	v15 =	vadd.f32 v16, v17;
	v16 =	vld [tilespmem:s31+$0x4660]  }
0x230: {  	v9 =	vadd.f32 v9, v11;
	v8 =	vadd.f32 v8, v10;
	v10 =	vld [tilespmem:s31+$0x4670]  }
0x231: {  	v11 =	vadd.f32 v19, v13;
	v13 =	vadd.f32 v14, v15;
	v14 =	vld [tilespmem:s31+$0x46A0]  }
0x232: {  	v6 =	vadd.f32 v6, v9;
	v7 =	vadd.f32 v7, v8;
	v8 =	vld [tilespmem:s31+$0x46B0]  }
0x233: {  	v9 =	vadd.f32 v18, v11;
	v11 =	vadd.f32 v12, v13;
	v12 =	vld [tilespmem:s31+$0x46E0]  }
0x234: {  	v4 =	vadd.f32 v4, v6;
	v5 =	vadd.f32 v5, v7;
	v6 =	vld [tilespmem:s31+$0x46F0];
	s31 =	sshra.s32 s0, $0x2  }
0x235: {  	v9 =	vadd.f32 v16, v9;
	v7 =	vld [tilespmem:s31+$0x46C0];
	v10 =	vadd.f32 v10, v11  }
0x236: {  	v4 =	vadd.f32 v2, v4;
	v5 =	vadd.f32 v3, v5;
	v11 =	vld [tilespmem:s31+$0x46D0]  }
0x237: {  	v9 =	vadd.f32 v14, v9;
	v2 =	vld [tilespmem:s31+$0x4680];
	v8 =	vadd.f32 v8, v10  }
0x238: {  	v16 =	vadd.f32 v0, v4;
	v19 =	vadd.f32 v1, v5;
	v3 =	vld [tilespmem:s31+$0x4690]  }
0x239: {  	v18 =	vadd.f32 v12, v9;
	v4 =	vld [tilespmem:s31+$0x4640];
	v17 =	vadd.f32 v6, v8  }
0x23a: {  	v5 =	vld [tilespmem:s31+$0x4650];
	v0 =	vmov v7  }
0x23b: {  	v6 =	vld [tilespmem:s31+$0x4600];
	v1 =	vmov v11  }
0x23c: {  	v7 =	vld [tilespmem:s31+$0x4610]  }
0x23d: {  	v9 =	vld [tilespmem:s31+$0x45C0]  }
0x23e: {  	v8 =	vld [tilespmem:s31+$0x45D0]  }
0x23f: {  	v11 =	vld [tilespmem:s31+$0x4580]  }
0x240: {  	v10 =	vld [tilespmem:s31+$0x4590]  }
0x241: {  	v13 =	vld [tilespmem:s31+$0x4540]  }
0x242: {  	v12 =	vld [tilespmem:s31+$0x4550]  }
0x243: {  	v15 =	vld [tilespmem:s31+$0x4500]  }
0x244: {  	v14 =	vld [tilespmem:s31+$0x4510]  }
.Ltmp13:
0x245: {  	v21 =	vld [tilespmem:s31+$0x44C0];
	(pc) =	sbr.rel @p2 .LBB2_19-.Ltmp13, $4  }
0x246: {  	v20 =	vld [tilespmem:s31+$0x44D0]  }
0x247: {  	v23 =	vld [tilespmem:s31+$0x4480]  }
0x248: {  	v24 =	vld [tilespmem:s31+$0x4490]  }
0x249: {  	s0 =	sadd.s32 $0xA00, s0;
	v22 =	vld [tilespmem:s31+$0x44A0]  }
0x24a: {  	v25 =	vld [tilespmem:s31+$0x44B0]  }
0x24b: {  	v26 =	vld [tilespmem:s31+$0x44E0]  }
0x24c: {  	v27 =	vld [tilespmem:s31+$0x44F0];
	v16 =	vadd.f32 v23, v16  }
0x24d: {  	v23 =	vld [tilespmem:s31+$0x4520];
	v19 =	vadd.f32 v24, v19  }
0x24e: {  	v24 =	vld [tilespmem:s31+$0x4530];
	v18 =	vadd.f32 v22, v18;
	v16 =	vadd.f32 v21, v16  }
0x24f: {  	v21 =	vld [tilespmem:s31+$0x4560];
	v17 =	vadd.f32 v25, v17;
	v19 =	vadd.f32 v20, v19  }
0x250: {  	v20 =	vld [tilespmem:s31+$0x4570];
	v18 =	vadd.f32 v26, v18;
	v15 =	vadd.f32 v15, v16  }
0x251: {  	v16 =	vadd.f32 v27, v17;
	v17 =	vld [tilespmem:s31+$0x45A0];
	v14 =	vadd.f32 v14, v19  }
0x252: {  	v19 =	vld [tilespmem:s31+$0x45B0];
	v18 =	vadd.f32 v23, v18;
	v13 =	vadd.f32 v13, v15  }
0x253: {  	v15 =	vadd.f32 v24, v16;
	v16 =	vld [tilespmem:s31+$0x45E0];
	v12 =	vadd.f32 v12, v14  }
0x254: {  	v14 =	vld [tilespmem:s31+$0x45F0];
	v18 =	vadd.f32 v21, v18;
	v11 =	vadd.f32 v11, v13  }
0x255: {  	v13 =	vadd.f32 v20, v15;
	v15 =	vld [tilespmem:s31+$0x4620];
	v10 =	vadd.f32 v10, v12  }
0x256: {  	v12 =	vld [tilespmem:s31+$0x4630];
	v17 =	vadd.f32 v17, v18;
	v9 =	vadd.f32 v9, v11  }
0x257: {  	v11 =	vadd.f32 v19, v13;
	v13 =	vld [tilespmem:s31+$0x4660];
	v8 =	vadd.f32 v8, v10  }
0x258: {  	v10 =	vld [tilespmem:s31+$0x4670];
	v16 =	vadd.f32 v16, v17;
	v6 =	vadd.f32 v6, v9  }
0x259: {  	v9 =	vadd.f32 v14, v11;
	v11 =	vld [tilespmem:s31+$0x46A0];
	v7 =	vadd.f32 v7, v8  }
0x25a: {  	v8 =	vld [tilespmem:s31+$0x46B0];
	v14 =	vadd.f32 v15, v16;
	v4 =	vadd.f32 v4, v6  }
0x25b: {  	v6 =	vadd.f32 v12, v9;
	v9 =	vld [tilespmem:s31+$0x46E0];
	v5 =	vadd.f32 v5, v7  }
0x25c: {  	s0 =	sadd.s32 s30, s26;
	v7 =	vld [tilespmem:s31+$0x46F0];
	v12 =	vadd.f32 v13, v14;
	v2 =	vadd.f32 v2, v4  }
0x25d: {  	s30 =	sshll.u32 s0, $0x7;
	v4 =	vadd.f32 v10, v6;
	v3 =	vadd.f32 v3, v5  }
0x25e: {  	s0 =	sadd.s32 $0x80, s30;
	v5 =	vadd.f32 v11, v12;
	v0 =	vadd.f32 v0, v2  }
0x25f: {  	s0 =	sand.u32 $0x3FFFFF80, s0;
	v2 =	vadd.f32 v8, v4;
	v1 =	vadd.f32 v1, v3  }
0x260: {  	v3 =	vadd.f32 v9, v5;
	[tilespmem:s0+$0x6A40] =	vst v0  }
0x261: {  	v0 =	vadd.f32 v7, v2;
	[tilespmem:s0+$0x6A50] =	vst v1  }
0x262: {  	[tilespmem:s0+$0x6A60] =	vst v3  }
0x263: {  	s1 =	simm.s32 @!p1 $0x32;
	s31 =	simm.s32 @!p1 $0x4480;
	[tilespmem:s0+$0x6A70] =	vst v0;
	s0 =	sadd.s32 @!p1 $0x118, s29  }
0x264: {  	[tilespmem:s31], [sflag:$0x2] =	stream.indirect.gather @!p1 [hbm4b:s7+s1], $0x40, s0, s1, $0xb8;
	[tilespmem:$0x16A00] =	vst v63  }
0x265: {  	_ =	swait.ge [sflag:s21], $0xC80  }
0x266: {  	[sflag:s21] =	ssyncset.done $0x0  }
0x267: {  	s31 =	simm.s32 $0x0;
	[sflag:s21] =	ssyncadd.s32 $0xFFFFF380  }
0x268: {  	v0 =	vld [tilespmem:s31+$0x5340]  }
0x269: {  	v1 =	vld [tilespmem:s31+$0x5350]  }
0x26a: {  	v2 =	vld [tilespmem:s31+$0x5300]  }
0x26b: {  	v3 =	vld [tilespmem:s31+$0x5310]  }
0x26c: {  	v4 =	vld [tilespmem:s31+$0x52C0]  }
0x26d: {  	v5 =	vld [tilespmem:s31+$0x52D0]  }
0x26e: {  	v6 =	vld [tilespmem:s31+$0x5280]  }
0x26f: {  	v7 =	vld [tilespmem:s31+$0x5290]  }
0x270: {  	v9 =	vld [tilespmem:s31+$0x5240]  }
0x271: {  	v8 =	vld [tilespmem:s31+$0x5250]  }
0x272: {  	v11 =	vld [tilespmem:s31+$0x5200]  }
0x273: {  	v10 =	vld [tilespmem:s31+$0x5210]  }
0x274: {  	v13 =	vld [tilespmem:s31+$0x51C0]  }
0x275: {  	v12 =	vld [tilespmem:s31+$0x51D0]  }
0x276: {  	v15 =	vld [tilespmem:s31+$0x5180]  }
0x277: {  	v14 =	vld [tilespmem:s31+$0x5190]  }
0x278: {  	v21 =	vld [tilespmem:s31+$0x5140]  }
0x279: {  	v20 =	vld [tilespmem:s31+$0x5150]  }
0x27a: {  	v23 =	vld [tilespmem:s31+$0x5100]  }
0x27b: {  	v18 =	vimm.f32 $0.0e+00;
	v24 =	vld [tilespmem:s31+$0x5110]  }
0x27c: {  	v19 =	vimm.f32 $0.0e+00;
	v17 =	vimm.f32 $0.0e+00;
	v16 =	vimm.f32 $0.0e+00;
	s0 =	simm.s32 $0xA00;
	v22 =	vld [tilespmem:s31+$0x5120]  }
.LBB2_21:
0x27d: {  	p2 =	sne.s32 s0, $0x2800;
	v25 =	vld [tilespmem:s31+$0x5130]  }
0x27e: {  	v26 =	vld [tilespmem:s31+$0x5160]  }
0x27f: {  	v27 =	vld [tilespmem:s31+$0x5170]  }
0x280: {  	v28 =	vld [tilespmem:s31+$0x51A0]  }
0x281: {  	v16 =	vadd.f32 v23, v16;
	v19 =	vadd.f32 v24, v19;
	v23 =	vld [tilespmem:s31+$0x51B0]  }
0x282: {  	v18 =	vadd.f32 v22, v18;
	v17 =	vadd.f32 v25, v17;
	v22 =	vld [tilespmem:s31+$0x51E0]  }
0x283: {  	v16 =	vadd.f32 v21, v16;
	v19 =	vadd.f32 v20, v19;
	v20 =	vld [tilespmem:s31+$0x51F0]  }
0x284: {  	v18 =	vadd.f32 v26, v18;
	v17 =	vadd.f32 v27, v17;
	v21 =	vld [tilespmem:s31+$0x5220]  }
0x285: {  	v15 =	vadd.f32 v15, v16;
	v14 =	vadd.f32 v14, v19;
	v16 =	vld [tilespmem:s31+$0x5230]  }
0x286: {  	v18 =	vadd.f32 v28, v18;
	v17 =	vadd.f32 v23, v17;
	v19 =	vld [tilespmem:s31+$0x5260]  }
0x287: {  	v13 =	vadd.f32 v13, v15;
	v12 =	vadd.f32 v12, v14;
	v14 =	vld [tilespmem:s31+$0x5270]  }
0x288: {  	v15 =	vadd.f32 v22, v18;
	v17 =	vadd.f32 v20, v17;
	v18 =	vld [tilespmem:s31+$0x52A0]  }
0x289: {  	v11 =	vadd.f32 v11, v13;
	v10 =	vadd.f32 v10, v12;
	v12 =	vld [tilespmem:s31+$0x52B0]  }
0x28a: {  	v13 =	vadd.f32 v21, v15;
	v15 =	vadd.f32 v16, v17;
	v16 =	vld [tilespmem:s31+$0x52E0]  }
0x28b: {  	v9 =	vadd.f32 v9, v11;
	v8 =	vadd.f32 v8, v10;
	v10 =	vld [tilespmem:s31+$0x52F0]  }
0x28c: {  	v11 =	vadd.f32 v19, v13;
	v13 =	vadd.f32 v14, v15;
	v14 =	vld [tilespmem:s31+$0x5320]  }
0x28d: {  	v6 =	vadd.f32 v6, v9;
	v7 =	vadd.f32 v7, v8;
	v8 =	vld [tilespmem:s31+$0x5330]  }
0x28e: {  	v9 =	vadd.f32 v18, v11;
	v11 =	vadd.f32 v12, v13;
	v12 =	vld [tilespmem:s31+$0x5360]  }
0x28f: {  	v4 =	vadd.f32 v4, v6;
	v5 =	vadd.f32 v5, v7;
	v6 =	vld [tilespmem:s31+$0x5370];
	s31 =	sshra.s32 s0, $0x2  }
0x290: {  	v9 =	vadd.f32 v16, v9;
	v7 =	vld [tilespmem:s31+$0x5340];
	v10 =	vadd.f32 v10, v11  }
0x291: {  	v4 =	vadd.f32 v2, v4;
	v5 =	vadd.f32 v3, v5;
	v11 =	vld [tilespmem:s31+$0x5350]  }
0x292: {  	v9 =	vadd.f32 v14, v9;
	v2 =	vld [tilespmem:s31+$0x5300];
	v8 =	vadd.f32 v8, v10  }
0x293: {  	v16 =	vadd.f32 v0, v4;
	v19 =	vadd.f32 v1, v5;
	v3 =	vld [tilespmem:s31+$0x5310]  }
0x294: {  	v18 =	vadd.f32 v12, v9;
	v4 =	vld [tilespmem:s31+$0x52C0];
	v17 =	vadd.f32 v6, v8  }
0x295: {  	v5 =	vld [tilespmem:s31+$0x52D0];
	v0 =	vmov v7  }
0x296: {  	v6 =	vld [tilespmem:s31+$0x5280];
	v1 =	vmov v11  }
0x297: {  	v7 =	vld [tilespmem:s31+$0x5290]  }
0x298: {  	v9 =	vld [tilespmem:s31+$0x5240]  }
0x299: {  	v8 =	vld [tilespmem:s31+$0x5250]  }
0x29a: {  	v11 =	vld [tilespmem:s31+$0x5200]  }
0x29b: {  	v10 =	vld [tilespmem:s31+$0x5210]  }
0x29c: {  	v13 =	vld [tilespmem:s31+$0x51C0]  }
0x29d: {  	v12 =	vld [tilespmem:s31+$0x51D0]  }
0x29e: {  	v15 =	vld [tilespmem:s31+$0x5180]  }
0x29f: {  	v14 =	vld [tilespmem:s31+$0x5190]  }
.Ltmp14:
0x2a0: {  	v21 =	vld [tilespmem:s31+$0x5140];
	(pc) =	sbr.rel @p2 .LBB2_21-.Ltmp14, $4  }
0x2a1: {  	v20 =	vld [tilespmem:s31+$0x5150]  }
0x2a2: {  	v23 =	vld [tilespmem:s31+$0x5100]  }
0x2a3: {  	v24 =	vld [tilespmem:s31+$0x5110]  }
0x2a4: {  	s0 =	sadd.s32 $0xA00, s0;
	v22 =	vld [tilespmem:s31+$0x5120]  }
0x2a5: {  	v25 =	vld [tilespmem:s31+$0x5130]  }
0x2a6: {  	v26 =	vld [tilespmem:s31+$0x5160]  }
0x2a7: {  	v27 =	vld [tilespmem:s31+$0x5170];
	v16 =	vadd.f32 v23, v16  }
0x2a8: {  	v23 =	vld [tilespmem:s31+$0x51A0];
	v19 =	vadd.f32 v24, v19  }
0x2a9: {  	v24 =	vld [tilespmem:s31+$0x51B0];
	v18 =	vadd.f32 v22, v18;
	v16 =	vadd.f32 v21, v16  }
0x2aa: {  	v21 =	vld [tilespmem:s31+$0x51E0];
	v17 =	vadd.f32 v25, v17;
	v19 =	vadd.f32 v20, v19  }
0x2ab: {  	v20 =	vld [tilespmem:s31+$0x51F0];
	v18 =	vadd.f32 v26, v18;
	v15 =	vadd.f32 v15, v16  }
0x2ac: {  	v16 =	vadd.f32 v27, v17;
	v17 =	vld [tilespmem:s31+$0x5220];
	v14 =	vadd.f32 v14, v19  }
0x2ad: {  	v19 =	vld [tilespmem:s31+$0x5230];
	v18 =	vadd.f32 v23, v18;
	v13 =	vadd.f32 v13, v15  }
0x2ae: {  	v15 =	vadd.f32 v24, v16;
	v16 =	vld [tilespmem:s31+$0x5260];
	v12 =	vadd.f32 v12, v14  }
0x2af: {  	v14 =	vld [tilespmem:s31+$0x5270];
	v18 =	vadd.f32 v21, v18;
	v11 =	vadd.f32 v11, v13  }
0x2b0: {  	v13 =	vadd.f32 v20, v15;
	v15 =	vld [tilespmem:s31+$0x52A0];
	v10 =	vadd.f32 v10, v12  }
0x2b1: {  	v12 =	vld [tilespmem:s31+$0x52B0];
	v17 =	vadd.f32 v17, v18;
	v9 =	vadd.f32 v9, v11  }
0x2b2: {  	v11 =	vadd.f32 v19, v13;
	v13 =	vld [tilespmem:s31+$0x52E0];
	v8 =	vadd.f32 v8, v10  }
0x2b3: {  	v10 =	vld [tilespmem:s31+$0x52F0];
	v16 =	vadd.f32 v16, v17;
	v6 =	vadd.f32 v6, v9  }
0x2b4: {  	v9 =	vadd.f32 v14, v11;
	v11 =	vld [tilespmem:s31+$0x5320];
	v7 =	vadd.f32 v7, v8  }
0x2b5: {  	v8 =	vld [tilespmem:s31+$0x5330];
	v14 =	vadd.f32 v15, v16;
	v4 =	vadd.f32 v4, v6  }
0x2b6: {  	v6 =	vadd.f32 v12, v9;
	v9 =	vld [tilespmem:s31+$0x5360];
	v5 =	vadd.f32 v5, v7  }
0x2b7: {  	v7 =	vld [tilespmem:s31+$0x5370];
	v12 =	vadd.f32 v13, v14;
	v2 =	vadd.f32 v2, v4  }
0x2b8: {  	v4 =	vadd.f32 v10, v6;
	v3 =	vadd.f32 v3, v5  }
0x2b9: {  	s0 =	sadd.s32 $0x100, s30;
	v5 =	vadd.f32 v11, v12;
	v0 =	vadd.f32 v0, v2  }
0x2ba: {  	s0 =	sand.u32 $0x3FFFFF80, s0;
	v2 =	vadd.f32 v8, v4;
	v1 =	vadd.f32 v1, v3  }
0x2bb: {  	v3 =	vadd.f32 v9, v5;
	[tilespmem:s0+$0x6A40] =	vst v0  }
0x2bc: {  	v0 =	vadd.f32 v7, v2;
	[tilespmem:s0+$0x6A50] =	vst v1  }
0x2bd: {  	[tilespmem:s0+$0x6A60] =	vst v3  }
0x2be: {  	s1 =	simm.s32 @!p1 $0x32;
	[tilespmem:s0+$0x6A70] =	vst v0;
	s0 =	sadd.s32 @!p1 $0x150, s29;
	s29 =	simm.s32 @!p1 $0x5100  }
0x2bf: {  	[tilespmem:s29], [sflag:$0x3] =	stream.indirect.gather @!p1 [hbm4b:s7+s1], $0x40, s0, s1, $0xb8;
	[tilespmem:$0x16A00] =	vst v63  }
0x2c0: {  	_ =	swait.ge [sflag:s22], $0xC80  }
0x2c1: {  	[sflag:s22] =	ssyncset.done $0x0  }
0x2c2: {  	s29 =	simm.s32 $0x0;
	[sflag:s22] =	ssyncadd.s32 $0xFFFFF380  }
0x2c3: {  	v0 =	vld [tilespmem:s29+$0x5FC0]  }
0x2c4: {  	v1 =	vld [tilespmem:s29+$0x5FD0]  }
0x2c5: {  	v2 =	vld [tilespmem:s29+$0x5F80]  }
0x2c6: {  	v3 =	vld [tilespmem:s29+$0x5F90]  }
0x2c7: {  	v4 =	vld [tilespmem:s29+$0x5F40]  }
0x2c8: {  	v5 =	vld [tilespmem:s29+$0x5F50]  }
0x2c9: {  	v6 =	vld [tilespmem:s29+$0x5F00]  }
0x2ca: {  	v7 =	vld [tilespmem:s29+$0x5F10]  }
0x2cb: {  	v9 =	vld [tilespmem:s29+$0x5EC0]  }
0x2cc: {  	v8 =	vld [tilespmem:s29+$0x5ED0]  }
0x2cd: {  	v11 =	vld [tilespmem:s29+$0x5E80]  }
0x2ce: {  	v10 =	vld [tilespmem:s29+$0x5E90]  }
0x2cf: {  	v13 =	vld [tilespmem:s29+$0x5E40]  }
0x2d0: {  	v12 =	vld [tilespmem:s29+$0x5E50]  }
0x2d1: {  	v15 =	vld [tilespmem:s29+$0x5E00]  }
0x2d2: {  	v14 =	vld [tilespmem:s29+$0x5E10]  }
0x2d3: {  	v21 =	vld [tilespmem:s29+$0x5DC0]  }
0x2d4: {  	v20 =	vld [tilespmem:s29+$0x5DD0]  }
0x2d5: {  	v23 =	vld [tilespmem:s29+$0x5D80]  }
0x2d6: {  	v18 =	vimm.f32 $0.0e+00;
	v24 =	vld [tilespmem:s29+$0x5D90]  }
0x2d7: {  	v19 =	vimm.f32 $0.0e+00;
	v17 =	vimm.f32 $0.0e+00;
	v16 =	vimm.f32 $0.0e+00;
	s0 =	simm.s32 $0xA00;
	v22 =	vld [tilespmem:s29+$0x5DA0]  }
.LBB2_23:
0x2d8: {  	p2 =	sne.s32 s0, $0x2800;
	v25 =	vld [tilespmem:s29+$0x5DB0]  }
0x2d9: {  	v26 =	vld [tilespmem:s29+$0x5DE0]  }
0x2da: {  	v27 =	vld [tilespmem:s29+$0x5DF0]  }
0x2db: {  	v28 =	vld [tilespmem:s29+$0x5E20]  }
0x2dc: {  	v16 =	vadd.f32 v23, v16;
	v19 =	vadd.f32 v24, v19;
	v23 =	vld [tilespmem:s29+$0x5E30]  }
0x2dd: {  	v18 =	vadd.f32 v22, v18;
	v17 =	vadd.f32 v25, v17;
	v22 =	vld [tilespmem:s29+$0x5E60]  }
0x2de: {  	v16 =	vadd.f32 v21, v16;
	v19 =	vadd.f32 v20, v19;
	v20 =	vld [tilespmem:s29+$0x5E70]  }
0x2df: {  	v18 =	vadd.f32 v26, v18;
	v17 =	vadd.f32 v27, v17;
	v21 =	vld [tilespmem:s29+$0x5EA0]  }
0x2e0: {  	v15 =	vadd.f32 v15, v16;
	v14 =	vadd.f32 v14, v19;
	v16 =	vld [tilespmem:s29+$0x5EB0]  }
0x2e1: {  	v18 =	vadd.f32 v28, v18;
	v17 =	vadd.f32 v23, v17;
	v19 =	vld [tilespmem:s29+$0x5EE0]  }
0x2e2: {  	v13 =	vadd.f32 v13, v15;
	v12 =	vadd.f32 v12, v14;
	v14 =	vld [tilespmem:s29+$0x5EF0]  }
0x2e3: {  	v15 =	vadd.f32 v22, v18;
	v17 =	vadd.f32 v20, v17;
	v18 =	vld [tilespmem:s29+$0x5F20]  }
0x2e4: {  	v11 =	vadd.f32 v11, v13;
	v10 =	vadd.f32 v10, v12;
	v12 =	vld [tilespmem:s29+$0x5F30]  }
0x2e5: {  	v13 =	vadd.f32 v21, v15;
	v15 =	vadd.f32 v16, v17;
	v16 =	vld [tilespmem:s29+$0x5F60]  }
0x2e6: {  	v9 =	vadd.f32 v9, v11;
	v8 =	vadd.f32 v8, v10;
	v10 =	vld [tilespmem:s29+$0x5F70]  }
0x2e7: {  	v11 =	vadd.f32 v19, v13;
	v13 =	vadd.f32 v14, v15;
	v14 =	vld [tilespmem:s29+$0x5FA0]  }
0x2e8: {  	v6 =	vadd.f32 v6, v9;
	v7 =	vadd.f32 v7, v8;
	v8 =	vld [tilespmem:s29+$0x5FB0]  }
0x2e9: {  	v9 =	vadd.f32 v18, v11;
	v11 =	vadd.f32 v12, v13;
	v12 =	vld [tilespmem:s29+$0x5FE0]  }
0x2ea: {  	v4 =	vadd.f32 v4, v6;
	v5 =	vadd.f32 v5, v7;
	v6 =	vld [tilespmem:s29+$0x5FF0];
	s29 =	sshra.s32 s0, $0x2  }
0x2eb: {  	v9 =	vadd.f32 v16, v9;
	v7 =	vld [tilespmem:s29+$0x5FC0];
	v10 =	vadd.f32 v10, v11  }
0x2ec: {  	v4 =	vadd.f32 v2, v4;
	v5 =	vadd.f32 v3, v5;
	v11 =	vld [tilespmem:s29+$0x5FD0]  }
0x2ed: {  	v9 =	vadd.f32 v14, v9;
	v2 =	vld [tilespmem:s29+$0x5F80];
	v8 =	vadd.f32 v8, v10  }
0x2ee: {  	v16 =	vadd.f32 v0, v4;
	v19 =	vadd.f32 v1, v5;
	v3 =	vld [tilespmem:s29+$0x5F90]  }
0x2ef: {  	v18 =	vadd.f32 v12, v9;
	v4 =	vld [tilespmem:s29+$0x5F40];
	v17 =	vadd.f32 v6, v8  }
0x2f0: {  	v5 =	vld [tilespmem:s29+$0x5F50];
	v0 =	vmov v7  }
0x2f1: {  	v6 =	vld [tilespmem:s29+$0x5F00];
	v1 =	vmov v11  }
0x2f2: {  	v7 =	vld [tilespmem:s29+$0x5F10]  }
0x2f3: {  	v9 =	vld [tilespmem:s29+$0x5EC0]  }
0x2f4: {  	v8 =	vld [tilespmem:s29+$0x5ED0]  }
0x2f5: {  	v11 =	vld [tilespmem:s29+$0x5E80]  }
0x2f6: {  	v10 =	vld [tilespmem:s29+$0x5E90]  }
0x2f7: {  	v13 =	vld [tilespmem:s29+$0x5E40]  }
0x2f8: {  	v12 =	vld [tilespmem:s29+$0x5E50]  }
0x2f9: {  	v15 =	vld [tilespmem:s29+$0x5E00]  }
0x2fa: {  	v14 =	vld [tilespmem:s29+$0x5E10]  }
.Ltmp15:
0x2fb: {  	v21 =	vld [tilespmem:s29+$0x5DC0];
	(pc) =	sbr.rel @p2 .LBB2_23-.Ltmp15, $4  }
0x2fc: {  	v20 =	vld [tilespmem:s29+$0x5DD0]  }
0x2fd: {  	v23 =	vld [tilespmem:s29+$0x5D80]  }
0x2fe: {  	v24 =	vld [tilespmem:s29+$0x5D90]  }
0x2ff: {  	s0 =	sadd.s32 $0xA00, s0;
	v22 =	vld [tilespmem:s29+$0x5DA0]  }
0x300: {  	v25 =	vld [tilespmem:s29+$0x5DB0]  }
0x301: {  	v26 =	vld [tilespmem:s29+$0x5DE0]  }
0x302: {  	v27 =	vld [tilespmem:s29+$0x5DF0];
	v16 =	vadd.f32 v23, v16  }
0x303: {  	v35 =	vld [tilespmem:s29+$0x5E20];
	v19 =	vadd.f32 v24, v19  }
0x304: {  	v36 =	vld [tilespmem:s29+$0x5E30];
	v18 =	vadd.f32 v22, v18;
	v16 =	vadd.f32 v21, v16  }
0x305: {  	v37 =	vld [tilespmem:s29+$0x5E60];
	v17 =	vadd.f32 v25, v17;
	v19 =	vadd.f32 v20, v19  }
0x306: {  	v38 =	vld [tilespmem:s29+$0x5E70];
	v18 =	vadd.f32 v26, v18;
	v15 =	vadd.f32 v15, v16  }
0x307: {  	v40 =	vld [tilespmem:s29+$0x5EA0];
	v39 =	vadd.f32 v27, v17;
	v14 =	vadd.f32 v14, v19  }
0x308: {  	v41 =	vld [tilespmem:s29+$0x5EB0];
	v18 =	vadd.f32 v35, v18;
	v13 =	vadd.f32 v13, v15  }
0x309: {  	v43 =	vld [tilespmem:s29+$0x5EE0];
	v42 =	vadd.f32 v36, v39;
	v12 =	vadd.f32 v12, v14  }
0x30a: {  	v44 =	vld [tilespmem:s29+$0x5EF0];
	v18 =	vadd.f32 v37, v18;
	v11 =	vadd.f32 v11, v13  }
0x30b: {  	v46 =	vld [tilespmem:s29+$0x5F20];
	v45 =	vadd.f32 v38, v42;
	v10 =	vadd.f32 v10, v12  }
0x30c: {  	v47 =	vld [tilespmem:s29+$0x5F30];
	v17 =	vadd.f32 v40, v18;
	v9 =	vadd.f32 v9, v11  }
0x30d: {  	v49 =	vld [tilespmem:s29+$0x5F60];
	v48 =	vadd.f32 v41, v45;
	v8 =	vadd.f32 v8, v10  }
0x30e: {  	v50 =	vld [tilespmem:s29+$0x5F70];
	v16 =	vadd.f32 v43, v17;
	v6 =	vadd.f32 v6, v9  }
0x30f: {  	v52 =	vld [tilespmem:s29+$0x5FA0];
	v51 =	vadd.f32 v44, v48;
	v7 =	vadd.f32 v7, v8  }
0x310: {  	v53 =	vld [tilespmem:s29+$0x5FB0];
	v54 =	vadd.f32 v46, v16;
	v4 =	vadd.f32 v4, v6  }
0x311: {  	v56 =	vld [tilespmem:s29+$0x5FE0];
	v55 =	vadd.f32 v47, v51;
	v5 =	vadd.f32 v5, v7  }
0x312: {  	v57 =	vld [tilespmem:s29+$0x5FF0];
	v58 =	vadd.f32 v49, v54;
	v2 =	vadd.f32 v2, v4  }
0x313: {  	v59 =	vadd.f32 v50, v55;
	v3 =	vadd.f32 v3, v5  }
0x314: {  	s0 =	sadd.s32 $0x180, s30;
	v60 =	vadd.f32 v52, v58;
	v0 =	vadd.f32 v0, v2  }
.Ltmp16:
0x315: {  	s0 =	sand.u32 $0x3FFFFF80, s0;
	v61 =	vadd.f32 v53, v59;
	v1 =	vadd.f32 v1, v3;
	(pc) =	sbr.rel @p1 .LBB2_26-.Ltmp16, $4  }
0x316: {  	v62 =	vadd.f32 v56, v60;
	[tilespmem:s0+$0x6A40] =	vst v0  }
0x317: {  	v63 =	vadd.f32 v57, v61;
	[tilespmem:s0+$0x6A50] =	vst v1  }
0x318: {  	[tilespmem:s0+$0x6A60] =	vst v62  }
0x319: {  	[tilespmem:s0+$0x6A70] =	vst v63  }
0x31a: {  	s0 =	smul.u32 $0x380, s28  }
.Ltmp17:
0x31b: {  	_ = 	snop;
	(pc) =	sbr.rel .LBB2_16-.Ltmp17, $4  }
0x31c: {  	_ = 	snop  }
0x31d: {  	s0 =	sshra.s32 s0, $0x2  }
0x31e: {  	s28 =	sadd.s32 $0x1, s28;
	s0 =	sadd.s32 $0x188, s0  }
0x31f: {  	[tilespmem:s18], [sflag:$0x4] =	stream.indirect.gather [hbm4b:s7+s11], $0x40, s0, s11, $0xb8;
	[tilespmem:$0x16A00] =	vst v63  }
.LBB2_28:
0x320: {  	_ =	sfence.sel $0x180000  }
0x321: {  	[bflag:$0x0] =	sbarrier.arrive $0xFFFF  }
0x322: {  	_ =	strace $0x90000047  }
0x323: {  	s0 =	stileid.u32;
	[bflag:$0x2] =	sbarrier.arrive $0xFFFF  }
0x324: {  	p0 =	sne.s32 s0, $0x0;
	s0 =	rddreg [dreg:$0x1]  }
0x325: {  	s0 =	sadd.s32 @!p0 $0x100000, s0  }
0x326: {  	[sflag:s0] =	ssyncadd.tile.s32 @!p0 $0x1;
	_ =	shalt  }
.Lfunc_end2:
_tile_overlayer_lowered:
.L_overlay_start_2:
0x327: {  	(tag) =	ssettag $0x2  }
0x328: {  	s0 =	rddreg [dreg:$0x0];
	s2 =	stileid.u32  }
0x329: {  	s1 =	rddreg [dreg:$0x1];
	p0 =	sne.s32 s2, $0x0  }
0x32a: {  	s3 =	rddreg [dreg:$0x2];
	[bflag:$0x3] =	sbarrier.arrive $0xFFFF;
	s2 =	simm.s32 @!p0 $0x1C05  }
0x32b: {  	[timem:s3], [sflag:s2] =	dma.local @!p0 [hbm:s0], s1  }
0x32c: {  	s0 =	simm.s32 @!p0 $0x5  }
0x32d: {  	_ =	swait.ge @!p0 [sflag:s0], s1  }
0x32e: {  	s1 =	ssub.s32 @!p0 $0x0, s1;
	[sflag:s0] =	ssyncset.done @!p0 $0x0  }
0x32f: {  	[sflag:s0] =	ssyncadd.s32 @!p0 s1  }
0x330: {  	[bflag:$0x3] =	sbarrier.arrive $0xFFFF  }
0x331: {  	_ =	shalt  }

</sc_bundles>
